<compile_context>
chip_gen: v7x
topology: tpu7x:2x2x1
jax: 0.10.2.dev20260603
libtpu: 0.0.44.dev20260713+nightly
codegen_flags: <defaults>
</compile_context>

<pallas_src>
import functools

import jax
import jax.numpy as jnp
from jax import lax
from jax.experimental import pallas as pl
from jax.experimental.pallas import tpu as pltpu
from jax.experimental.pallas import tpu_sc as plsc

N = 10000
E = 320000
D = 128
EPS = 1e-5

N_PAD = 10240
DSLICE = N_PAD // 16
ASLICE = N_PAD // 16

SUB = 125
NSUB1 = 8
CPW1 = 10

CH = 125
CPW3 = 80
PHASES = 2
PHCH = CPW3 // PHASES
BLKCH = 10
NBLK = PHCH // BLKCH
ALAST = N - 15 * ASLICE

_mesh = plsc.VectorSubcoreMesh(core_axis_name="c", subcore_axis_name="s")


@functools.partial(
    pl.kernel,
    out_type=(jax.ShapeDtypeStruct((N_PAD,), jnp.float32),
              jax.ShapeDtypeStruct((N_PAD,), jnp.float32)),
    mesh=_mesh,
    scratch_types=[
        pltpu.VMEM_SHARED((N_PAD,), jnp.float32),
        pltpu.VMEM((CPW1, NSUB1, SUB), jnp.int32),
        pltpu.VMEM((NSUB1, SUB), jnp.float32),
        pltpu.SemaphoreType.DMA,
    ],
)
def _deg(dst_hbm, ones_u_hbm, ones_n_hbm, zeros_n_hbm, d0_hbm, d1_hbm,
         deg_sh, idx_v, ones_v, ssem):
    c = lax.axis_index("c")
    s = lax.axis_index("s")

    @pl.when(c == 0)
    def _():
        pltpu.sync_copy(ones_n_hbm.at[pl.ds(s * DSLICE, DSLICE)],
                        deg_sh.at[pl.ds(s * DSLICE, DSLICE)])

    @pl.when(c == 1)
    def _():
        pltpu.sync_copy(zeros_n_hbm.at[pl.ds(s * DSLICE, DSLICE)],
                        deg_sh.at[pl.ds(s * DSLICE, DSLICE)])

    pltpu.sync_copy(ones_u_hbm, ones_v)
    pltpu.sync_copy(dst_hbm.at[c, s], idx_v)
    plsc.subcore_barrier()

    def body(k, carry):
        descs = []
        for kk in range(2):
            for r in range(NSUB1):
                descs.append(pltpu.async_copy(
                    ones_v.at[0], deg_sh.at[idx_v.at[2 * k + kk, r]],
                    ssem, add=True))
        for d in descs:
            d.wait()
        return carry

    lax.fori_loop(0, CPW1 // 2, body, 0)
    plsc.subcore_barrier()

    @pl.when(c == 0)
    def _():
        pltpu.sync_copy(deg_sh.at[pl.ds(s * DSLICE, DSLICE)],
                        d0_hbm.at[pl.ds(s * DSLICE, DSLICE)])

    @pl.when(c == 1)
    def _():
        pltpu.sync_copy(deg_sh.at[pl.ds(s * DSLICE, DSLICE)],
                        d1_hbm.at[pl.ds(s * DSLICE, DSLICE)])


def _g_body(x_ref, w_ref, d0_ref, d1_ref, g_ref, dinv_ref):
    dv = lax.rsqrt(d0_ref[...] + d1_ref[...])
    dinv_ref[...] = dv
    g_ref[...] = dv * jnp.dot(x_ref[...], w_ref[...],
                              preferred_element_type=jnp.float32)


def _g_kernel(x, W, d0s, d1s):
    nb = 5
    br = N // nb
    return pl.pallas_call(
        _g_body,
        grid=(nb,),
        in_specs=[
            pl.BlockSpec((br, D), lambda i: (i, 0)),
            pl.BlockSpec((D, D), lambda i: (0, 0)),
            pl.BlockSpec((br, 1), lambda i: (i, 0)),
            pl.BlockSpec((br, 1), lambda i: (i, 0)),
        ],
        out_specs=[
            pl.BlockSpec((br, D), lambda i: (i, 0)),
            pl.BlockSpec((br, 1), lambda i: (i, 0)),
        ],
        out_shape=[
            jax.ShapeDtypeStruct((N, D), jnp.float32),
            jax.ShapeDtypeStruct((N, 1), jnp.float32),
        ],
    )(x, W, d0s, d1s)


@functools.partial(
    pl.kernel,
    out_type=(jax.ShapeDtypeStruct((N, D), jnp.float32),
              jax.ShapeDtypeStruct((N, D), jnp.float32)),
    mesh=_mesh,
    scratch_types=[
        pltpu.VMEM_SHARED((N, D), jnp.float32),
        pltpu.VMEM((PHCH, CH), jnp.int32),
        pltpu.VMEM((PHCH, CH), jnp.int32),
        pltpu.VMEM((2, CH, D), jnp.float32),
        pltpu.SemaphoreType.DMA,
        pltpu.SemaphoreType.DMA,
        pltpu.SemaphoreType.DMA,
        pltpu.SemaphoreType.DMA,
    ],
)
def _agg(g_hbm, src_hbm, dst_hbm, zeros_hbm, p0_hbm, p1_hbm,
         acc_sh, src_v, dst_v, rows_v, gsem0, gsem1, ssem0, ssem1):
    c = lax.axis_index("c")
    s = lax.axis_index("s")
    w = c * 16 + s
    gsem = (gsem0, gsem1)
    ssem = (ssem0, ssem1)

    @pl.when(s < 15)
    def _():
        pltpu.sync_copy(zeros_hbm.at[pl.ds(s * ASLICE, ASLICE)],
                        acc_sh.at[pl.ds(s * ASLICE, ASLICE)])

    @pl.when(s == 15)
    def _():
        pltpu.sync_copy(zeros_hbm.at[pl.ds(15 * ASLICE, ALAST)],
                        acc_sh.at[pl.ds(15 * ASLICE, ALAST)])

    plsc.subcore_barrier()

    def body(m, carry):
        base = m * BLKCH
        gd = [None, None]
        sd = [None, None]
        gd[0] = pltpu.async_copy(g_hbm.at[src_v.at[base]], rows_v.at[0],
                                 gsem[0])
        for t in range(BLKCH):
            b = t % 2
            if t < BLKCH - 1:
                o = 1 - b
                if sd[o] is not None:
                    sd[o].wait()
                gd[o] = pltpu.async_copy(g_hbm.at[src_v.at[base + t + 1]],
                                         rows_v.at[o], gsem[o])
            gd[b].wait()
            sd[b] = pltpu.async_copy(rows_v.at[b],
                                     acc_sh.at[dst_v.at[base + t]],
                                     ssem[b], add=True)
        sd[0].wait()
        sd[1].wait()
        return carry

    for ph in range(PHASES):
        pltpu.sync_copy(src_hbm.at[w, ph], src_v)
        pltpu.sync_copy(dst_hbm.at[w, ph], dst_v)
        lax.fori_loop(0, NBLK, body, 0)

    plsc.subcore_barrier()

    def writeout(dst):
        @pl.when(s < 15)
        def _():
            pltpu.sync_copy(acc_sh.at[pl.ds(s * ASLICE, ASLICE)],
                            dst.at[pl.ds(s * ASLICE, ASLICE)])

        @pl.when(s == 15)
        def _():
            pltpu.sync_copy(acc_sh.at[pl.ds(15 * ASLICE, ALAST)],
                            dst.at[pl.ds(15 * ASLICE, ALAST)])

    @pl.when(c == 0)
    def _():
        writeout(p0_hbm)

    @pl.when(c == 1)
    def _():
        writeout(p1_hbm)


def _final_body(p0_ref, p1_ref, g_ref, dinv_ref, b_ref, gamma_ref, beta_ref,
                a_ref, h_ref, w0_ref, w1_ref, wh1_ref, bzrh_ref,
                out_ref, ssum, ssq):
    k = pl.program_id(0)
    j = pl.program_id(1)

    hc = dinv_ref[...] * (p0_ref[...] + p1_ref[...] + g_ref[...]) + b_ref[...]

    @pl.when(jnp.logical_and(k == 0, j == 0))
    def _():
        ssum[...] = jnp.zeros_like(ssum)
        ssq[...] = jnp.zeros_like(ssq)

    @pl.when(k == 0)
    def _():
        ssum[...] += jnp.sum(hc, axis=0, keepdims=True)
        ssq[...] += jnp.sum(hc * hc, axis=0, keepdims=True)

    @pl.when(k == 1)
    def _():
        mean = ssum[...] * (1.0 / N)
        var = ssq[...] * (1.0 / N) - mean * mean
        hb = (gamma_ref[...] * (hc - mean) * lax.rsqrt(var + EPS)
              + beta_ref[...])
        hp = jnp.where(hb >= 0.0, hb, a_ref[...] * hb)
        Hb = h_ref[...]
        t0 = (jnp.dot(hp, w0_ref[...], preferred_element_type=jnp.float32)
              + bzrh_ref[...])
        t1 = jnp.dot(Hb, w1_ref[...], preferred_element_type=jnp.float32)
        z = jax.nn.sigmoid(t0[:, 0:D] + t1[:, 0:D])
        r = jax.nn.sigmoid(t0[:, D:2 * D] + t1[:, D:2 * D])
        ht = jnp.tanh(
            t0[:, 2 * D:3 * D]
            + jnp.dot(r * Hb, wh1_ref[...],
                      preferred_element_type=jnp.float32))
        out_ref[...] = z * Hb + (1.0 - z) * ht


def _final_kernel(p0, p1, g, dinv2d, b, gamma, beta, a, H,
                  Wz, Wr, Wh, bz, brr, bh):
    nb = 5
    br = N // nb
    row_spec = pl.BlockSpec((br, D), lambda k, j: (j, 0))
    vec_spec = pl.BlockSpec((1, D), lambda k, j: (0, 0))
    lazy_row_spec = pl.BlockSpec((br, D), lambda k, j: (j * k, 0))
    w0 = jnp.concatenate([Wz[0:D], Wr[0:D], Wh[0:D]], axis=1)
    w1 = jnp.concatenate([Wz[D:], Wr[D:]], axis=1)
    bzrh = jnp.concatenate([bz, brr, bh]).reshape(1, 3 * D)
    return pl.pallas_call(
        _final_body,
        grid=(2, nb),
        in_specs=[
            row_spec, row_spec, row_spec,
            pl.BlockSpec((br, 1), lambda k, j: (j, 0)),
            vec_spec, vec_spec, vec_spec,
            pl.BlockSpec((1, 1), lambda k, j: (0, 0)),
            lazy_row_spec,
            pl.BlockSpec((D, 3 * D), lambda k, j: (0, 0)),
            pl.BlockSpec((D, 2 * D), lambda k, j: (0, 0)),
            pl.BlockSpec((D, D), lambda k, j: (0, 0)),
            pl.BlockSpec((1, 3 * D), lambda k, j: (0, 0)),
        ],
        out_specs=row_spec,
        out_shape=jax.ShapeDtypeStruct((N, D), jnp.float32),
        scratch_shapes=[
            pltpu.VMEM((1, D), jnp.float32),
            pltpu.VMEM((1, D), jnp.float32),
        ],
    )(p0, p1, g, dinv2d, b.reshape(1, D), gamma.reshape(1, D),
      beta.reshape(1, D), a.reshape(1, 1), H, w0, w1, Wh[D:], bzrh)


@jax.jit
def kernel(x, edge_index, H, W, b, gamma, beta, a, Wz, bz, Wr, br, Wh, bh):
    dst1 = edge_index[1].reshape(2, 16, CPW1, NSUB1, SUB)
    src3 = edge_index[0].reshape(32, PHASES, PHCH, CH)
    dst3 = edge_index[1].reshape(32, PHASES, PHCH, CH)
    ones_u = jnp.ones((NSUB1, SUB), jnp.float32)
    ones_n = jnp.ones((N_PAD,), jnp.float32)
    zeros_n = jnp.zeros((N_PAD,), jnp.float32)
    d0, d1 = _deg(dst1, ones_u, ones_n, zeros_n)

    g, dinv2d = _g_kernel(x, W, d0[:N].reshape(N, 1), d1[:N].reshape(N, 1))

    zeros = jnp.zeros((N, D), jnp.float32)
    p0, p1 = _agg(g, src3, dst3, zeros)

    return _final_kernel(p0, p1, g, dinv2d, b, gamma, beta, a, H,
                         Wz, Wr, Wh, bz, br, bh)

# --- scband reference (transcript-rebuilt; emitter-appended) ---
"""Pipeline reference for scband-roland-layer-64218351010254 (READ-ONLY COPY).

The authoritative reference and input builder live on the scoring server;
editing this copy changes nothing except your own understanding.
"""

import jax, jax.numpy as jnp
import numpy as np

N = 10000
E = 320000
D_IN = 128
D_OUT = 128
EPS = 1e-5


def setup_inputs(seed: int = 0) -> dict:
    key = jax.random.key(seed)
    ks = jax.random.split(key, 16)
    x = jax.random.normal(ks[0], (N, D_IN), dtype=jnp.float32)
    edge_index = jax.random.randint(ks[1], (2, E), 0, N, dtype=jnp.int32)
    H = jax.random.normal(ks[2], (N, D_OUT), dtype=jnp.float32)
    # GCNConv params (lin has no bias; separate bias added after aggregation)
    W = jax.random.normal(ks[3], (D_IN, D_OUT), dtype=jnp.float32) * (1.0 / np.sqrt(D_IN))
    b = jnp.zeros((D_OUT,), dtype=jnp.float32)
    # BatchNorm1d params
    gamma = jnp.ones((D_OUT,), dtype=jnp.float32)
    beta = jnp.zeros((D_OUT,), dtype=jnp.float32)
    # PReLU param (single shared parameter, init 0.25)
    a = jnp.full((1,), 0.25, dtype=jnp.float32)
    # GRUUpdater params: three Linear(dim_in+dim_out -> dim_out)
    s = 1.0 / np.sqrt(D_IN + D_OUT)
    Wz = jax.random.uniform(ks[4], (D_IN + D_OUT, D_OUT), minval=-s, maxval=s, dtype=jnp.float32)
    bz = jax.random.uniform(ks[5], (D_OUT,), minval=-s, maxval=s, dtype=jnp.float32)
    Wr = jax.random.uniform(ks[6], (D_IN + D_OUT, D_OUT), minval=-s, maxval=s, dtype=jnp.float32)
    br = jax.random.uniform(ks[7], (D_OUT,), minval=-s, maxval=s, dtype=jnp.float32)
    Wh = jax.random.uniform(ks[8], (D_IN + D_OUT, D_OUT), minval=-s, maxval=s, dtype=jnp.float32)
    bh = jax.random.uniform(ks[9], (D_OUT,), minval=-s, maxval=s, dtype=jnp.float32)
    return {"x": x, "edge_index": edge_index, "H": H, "W": W, "b": b,
            "gamma": gamma, "beta": beta, "a": a,
            "Wz": Wz, "bz": bz, "Wr": Wr, "br": br, "Wh": Wh, "bh": bh}


def _gcn_conv(x, edge_index, W, b):
    # PyG GCNConv: add self loops, symmetric normalization, linear, scatter-add, bias
    n = x.shape[0]
    loop = jnp.arange(n, dtype=edge_index.dtype)
    src = jnp.concatenate([edge_index[0], loop])
    dst = jnp.concatenate([edge_index[1], loop])
    deg = jnp.zeros((n,), dtype=x.dtype).at[dst].add(1.0)
    deg_inv_sqrt = jnp.where(deg > 0, 1.0 / jnp.sqrt(deg), 0.0)
    norm = deg_inv_sqrt[src] * deg_inv_sqrt[dst]
    h = x @ W
    msg = h[src] * norm[:, None]
    out = jnp.zeros((n, W.shape[1]), dtype=x.dtype).at[dst].add(msg)
    return out + b


def _forward(x, H, W, b, gamma, beta, a, Wz, bz, Wr, br, Wh, bh, edge_index):
    h = _gcn_conv(x, edge_index, W, b)
    # BatchNorm1d (training-mode batch statistics)
    mean = jnp.mean(h, axis=0)
    var = jnp.var(h, axis=0)
    h = gamma * (h - mean) / jnp.sqrt(var + EPS) + beta
    # PReLU
    h = jnp.where(h >= 0, h, a * h)
    # GRUUpdater
    XH = jnp.concatenate([h, H], axis=1)
    Z = jax.nn.sigmoid(XH @ Wz + bz)
    R = jax.nn.sigmoid(XH @ Wr + br)
    XRH = jnp.concatenate([h, R * H], axis=1)
    H_tilde = jnp.tanh(XRH @ Wh + bh)
    H_out = Z * H + (1.0 - Z) * H_tilde
    return H_out


def reference(x, edge_index, H, W, b, gamma, beta, a, Wz, bz, Wr, br, Wh, bh):
    return _forward(x, H, W, b, gamma, beta, a, Wz, bz, Wr, br, Wh, bh, edge_index)

if __name__ == "__main__":
    import jax
    _d = setup_inputs()
    print(jax.jit(kernel)(*tuple(_d.values())))

</pallas_src>

<mosaic_0001>
#map = affine_map<(d0, d1) -> (0, 0, 0, 0, 0)>
#map1 = affine_map<(d0, d1) -> (0, 0)>
#map2 = affine_map<(d0, d1) -> (0)>
module attributes {stable_mosaic.version = 14 : i64} {
  func.func @_deg(%arg0: i32, %arg1: i32, %arg2: memref<2x16x10x8x125xi32, #tpu.memory_space<hbm>>, %arg3: memref<8x125xf32, #tpu.memory_space<hbm>>, %arg4: memref<10240xf32, #tpu.memory_space<hbm>>, %arg5: memref<10240xf32, #tpu.memory_space<hbm>>, %arg6: memref<10240xf32, #tpu.memory_space<hbm>>, %arg7: memref<10240xf32, #tpu.memory_space<hbm>>, %arg8: memref<10240xf32, #tpu.memory_space<vmem_shared>>, %arg9: memref<10x8x125xi32, #tpu.memory_space<vmem>>, %arg10: memref<8x125xf32, #tpu.memory_space<vmem>>, %arg11: memref<!tpu.dma_semaphore, #tpu.memory_space<semaphore_mem>>) attributes {dimension_semantics = [#tpu.dimension_semantics<core_parallel>, #tpu.dimension_semantics<subcore_parallel>], iteration_bounds = array<i64: 2, 16>, scalar_prefetch = 0 : i64, scratch_operands = 4 : i64, tpu.core_type = #tpu.core_type<sc_vector_subcore>, window_params = [{transform_indices = #map}, {transform_indices = #map1}, {transform_indices = #map2}, {transform_indices = #map2}, {transform_indices = #map2}, {transform_indices = #map2}]} {
    %eq3A = arith.constant 0 : i32
    %eq3A_0 = arith.cmpi eq, %arg0, %eq3A : i32
    %convert_element_type3A = arith.extui %eq3A_0 : i1 to i32
    %cond3A = arith.constant 0 : i32
    %cond3A_1 = arith.cmpi ne, %convert_element_type3A, %cond3A : i32
    scf.if %cond3A_1 {
      %mul3A = arith.constant 640 : i32
      %mul3A_23 = arith.muli %arg1, %mul3A : i32
      %mul3A_24 = arith.constant 640 : i32
      %mul3A_25 = arith.muli %arg1, %mul3A_24 : i32
      "tpu.region"() ({
        %run_scoped3A = tpu.sem_alloc : memref<!tpu.dma_semaphore, #tpu.memory_space<semaphore_mem>>
        %dma_start3A = tpu.memref_slice %arg8[%mul3A_25] : memref<10240xf32, #tpu.memory_space<vmem_shared>> -> memref<640xf32, #tpu.memory_space<vmem_shared>>
        %dma_start3A_26 = tpu.memref_slice %arg4[%mul3A_23] : memref<10240xf32, #tpu.memory_space<hbm>> -> memref<640xf32, #tpu.memory_space<hbm>>
        tpu.enqueue_dma source(%dma_start3A_26 : memref<640xf32, #tpu.memory_space<hbm>>) target(%dma_start3A : memref<640xf32, #tpu.memory_space<vmem_shared>>) target_semaphore(%run_scoped3A : memref<!tpu.dma_semaphore, #tpu.memory_space<semaphore_mem>>)
        %dma_wait3A = tpu.memref_slice %arg8[%mul3A_25] : memref<10240xf32, #tpu.memory_space<vmem_shared>> -> memref<640xf32, #tpu.memory_space<vmem_shared>>
        %dma_wait3A_27 = tpu.memref_slice %arg4[%mul3A_23] : memref<10240xf32, #tpu.memory_space<hbm>> -> memref<640xf32, #tpu.memory_space<hbm>>
        tpu.wait_dma2 semaphore(%run_scoped3A : memref<!tpu.dma_semaphore, #tpu.memory_space<semaphore_mem>>) src(%dma_wait3A_27 : memref<640xf32, #tpu.memory_space<hbm>>) dst(%dma_wait3A : memref<640xf32, #tpu.memory_space<vmem_shared>>)
        tpu.yield
      }) : () -> ()
    } else {
    }
    %eq3A_2 = arith.constant 1 : i32
    %eq3A_3 = arith.cmpi eq, %arg0, %eq3A_2 : i32
    %convert_element_type3A_4 = arith.extui %eq3A_3 : i1 to i32
    %cond3A_5 = arith.constant 0 : i32
    %cond3A_6 = arith.cmpi ne, %convert_element_type3A_4, %cond3A_5 : i32
    scf.if %cond3A_6 {
      %mul3A = arith.constant 640 : i32
      %mul3A_23 = arith.muli %arg1, %mul3A : i32
      %mul3A_24 = arith.constant 640 : i32
      %mul3A_25 = arith.muli %arg1, %mul3A_24 : i32
      "tpu.region"() ({
        %run_scoped3A = tpu.sem_alloc : memref<!tpu.dma_semaphore, #tpu.memory_space<semaphore_mem>>
        %dma_start3A = tpu.memref_slice %arg8[%mul3A_25] : memref<10240xf32, #tpu.memory_space<vmem_shared>> -> memref<640xf32, #tpu.memory_space<vmem_shared>>
        %dma_start3A_26 = tpu.memref_slice %arg5[%mul3A_23] : memref<10240xf32, #tpu.memory_space<hbm>> -> memref<640xf32, #tpu.memory_space<hbm>>
        tpu.enqueue_dma source(%dma_start3A_26 : memref<640xf32, #tpu.memory_space<hbm>>) target(%dma_start3A : memref<640xf32, #tpu.memory_space<vmem_shared>>) target_semaphore(%run_scoped3A : memref<!tpu.dma_semaphore, #tpu.memory_space<semaphore_mem>>)
        %dma_wait3A = tpu.memref_slice %arg8[%mul3A_25] : memref<10240xf32, #tpu.memory_space<vmem_shared>> -> memref<640xf32, #tpu.memory_space<vmem_shared>>
        %dma_wait3A_27 = tpu.memref_slice %arg5[%mul3A_23] : memref<10240xf32, #tpu.memory_space<hbm>> -> memref<640xf32, #tpu.memory_space<hbm>>
        tpu.wait_dma2 semaphore(%run_scoped3A : memref<!tpu.dma_semaphore, #tpu.memory_space<semaphore_mem>>) src(%dma_wait3A_27 : memref<640xf32, #tpu.memory_space<hbm>>) dst(%dma_wait3A : memref<640xf32, #tpu.memory_space<vmem_shared>>)
        tpu.yield
      }) : () -> ()
    } else {
    }
    "tpu.region"() ({
      %run_scoped3A = tpu.sem_alloc : memref<!tpu.dma_semaphore, #tpu.memory_space<semaphore_mem>>
      tpu.enqueue_dma source(%arg3 : memref<8x125xf32, #tpu.memory_space<hbm>>) target(%arg10 : memref<8x125xf32, #tpu.memory_space<vmem>>) target_semaphore(%run_scoped3A : memref<!tpu.dma_semaphore, #tpu.memory_space<semaphore_mem>>)
      tpu.wait_dma2 semaphore(%run_scoped3A : memref<!tpu.dma_semaphore, #tpu.memory_space<semaphore_mem>>) src(%arg3 : memref<8x125xf32, #tpu.memory_space<hbm>>) dst(%arg10 : memref<8x125xf32, #tpu.memory_space<vmem>>)
      tpu.yield
    }) : () -> ()
    "tpu.region"() ({
      %run_scoped3A = tpu.sem_alloc : memref<!tpu.dma_semaphore, #tpu.memory_space<semaphore_mem>>
      %dma_start3A = arith.constant 0 : i32
      %dma_start3A_23 = arith.constant 0 : i32
      %dma_start3A_24 = arith.constant 0 : i32
      %dma_start3A_25 = tpu.memref_slice %arg2[%arg0, %arg1, %dma_start3A, %dma_start3A_23, %dma_start3A_24] : memref<2x16x10x8x125xi32, #tpu.memory_space<hbm>> -> memref<1x1x10x8x125xi32, #tpu.memory_space<hbm>>
      %dma_start3A_26 = tpu.memref_squeeze %dma_start3A_25 : memref<1x1x10x8x125xi32, #tpu.memory_space<hbm>> -> memref<10x8x125xi32, #tpu.memory_space<hbm>>
      %dma_start3A_27 = arith.constant 0 : i32
      %dma_start3A_28 = arith.constant 0 : i32
      %dma_start3A_29 = arith.constant 0 : i32
      %dma_start3A_30 = tpu.memref_slice %arg2[%arg0, %arg1, %dma_start3A_27, %dma_start3A_28, %dma_start3A_29] : memref<2x16x10x8x125xi32, #tpu.memory_space<hbm>> -> memref<1x1x10x8x125xi32, #tpu.memory_space<hbm>>
      %dma_start3A_31 = tpu.memref_squeeze %dma_start3A_30 : memref<1x1x10x8x125xi32, #tpu.memory_space<hbm>> -> memref<10x8x125xi32, #tpu.memory_space<hbm>>
      tpu.enqueue_dma source(%dma_start3A_31 : memref<10x8x125xi32, #tpu.memory_space<hbm>>) target(%arg9 : memref<10x8x125xi32, #tpu.memory_space<vmem>>) target_semaphore(%run_scoped3A : memref<!tpu.dma_semaphore, #tpu.memory_space<semaphore_mem>>)
      %dma_wait3A = arith.constant 0 : i32
      %dma_wait3A_32 = arith.constant 0 : i32
      %dma_wait3A_33 = arith.constant 0 : i32
      %dma_wait3A_34 = tpu.memref_slice %arg2[%arg0, %arg1, %dma_wait3A, %dma_wait3A_32, %dma_wait3A_33] : memref<2x16x10x8x125xi32, #tpu.memory_space<hbm>> -> memref<1x1x10x8x125xi32, #tpu.memory_space<hbm>>
      %dma_wait3A_35 = tpu.memref_squeeze %dma_wait3A_34 : memref<1x1x10x8x125xi32, #tpu.memory_space<hbm>> -> memref<10x8x125xi32, #tpu.memory_space<hbm>>
      %dma_wait3A_36 = arith.constant 0 : i32
      %dma_wait3A_37 = arith.constant 0 : i32
      %dma_wait3A_38 = arith.constant 0 : i32
      %dma_wait3A_39 = tpu.memref_slice %arg2[%arg0, %arg1, %dma_wait3A_36, %dma_wait3A_37, %dma_wait3A_38] : memref<2x16x10x8x125xi32, #tpu.memory_space<hbm>> -> memref<1x1x10x8x125xi32, #tpu.memory_space<hbm>>
      %dma_wait3A_40 = tpu.memref_squeeze %dma_wait3A_39 : memref<1x1x10x8x125xi32, #tpu.memory_space<hbm>> -> memref<10x8x125xi32, #tpu.memory_space<hbm>>
      tpu.wait_dma2 semaphore(%run_scoped3A : memref<!tpu.dma_semaphore, #tpu.memory_space<semaphore_mem>>) src(%dma_wait3A_40 : memref<10x8x125xi32, #tpu.memory_space<hbm>>) dst(%arg9 : memref<10x8x125xi32, #tpu.memory_space<vmem>>)
      tpu.yield
    }) : () -> ()
    %barrier3A = arith.constant 0 : index
    tpu.barrier barrier_id(%barrier3A)
    %scan3A = arith.constant 0 : i32
    %scan3A_7 = arith.constant 0 : i32
    %scan3A_8 = arith.constant 5 : i32
    %scan3A_9 = arith.addi %scan3A_7, %scan3A_8 : i32
    %scan3A_10 = arith.constant 1 : i32
    scf.for %scan3A_23 = %scan3A_7 to %scan3A_9 step %scan3A_10  : i32 {
      %mul3A = arith.constant 2 : i32
      %mul3A_24 = arith.muli %mul3A, %scan3A_23 : i32
      %add3A = arith.constant 0 : i32
      %add3A_25 = arith.addi %mul3A_24, %add3A : i32
      %dma_start3A = arith.constant 0 : i32
      %dma_start3A_26 = arith.constant 0 : i32
      %dma_start3A_27 = arith.constant 0 : i32
      %dma_start3A_28 = tpu.memref_slice %arg10[%dma_start3A, %dma_start3A_27] : memref<8x125xf32, #tpu.memory_space<vmem>> -> memref<1x125xf32, #tpu.memory_space<vmem>>
      %dma_start3A_29 = tpu.memref_squeeze %dma_start3A_28 : memref<1x125xf32, #tpu.memory_space<vmem>> -> memref<125xf32, #tpu.memory_space<vmem>>
      %dma_start3A_30 = arith.constant 0 : i32
      %dma_start3A_31 = tpu.memref_slice %arg9[%add3A_25, %dma_start3A_26, %dma_start3A_30] : memref<10x8x125xi32, #tpu.memory_space<vmem>> -> memref<1x1x125xi32, #tpu.memory_space<vmem>>
      %dma_start3A_32 = tpu.memref_squeeze %dma_start3A_31 : memref<1x1x125xi32, #tpu.memory_space<vmem>> -> memref<125xi32, #tpu.memory_space<vmem>>
      %dma_start3A_33 = arith.constant 0 : i32
      %dma_start3A_34 = tpu.memref_slice %arg8[%dma_start3A_33] : memref<10240xf32, #tpu.memory_space<vmem_shared>> -> memref<10240xf32, #tpu.memory_space<vmem_shared>>
      tpu.enqueue_indirect_dma source(%dma_start3A_29 : memref<125xf32, #tpu.memory_space<vmem>>) target(%dma_start3A_34 : memref<10240xf32, #tpu.memory_space<vmem_shared>>) offsets(%dma_start3A_32 : memref<125xi32, #tpu.memory_space<vmem>>) semaphore(%arg11 : memref<!tpu.dma_semaphore, #tpu.memory_space<semaphore_mem>>) {add = true}
      %mul3A_35 = arith.constant 2 : i32
      %mul3A_36 = arith.muli %mul3A_35, %scan3A_23 : i32
      %add3A_37 = arith.constant 0 : i32
      %add3A_38 = arith.addi %mul3A_36, %add3A_37 : i32
      %dma_start3A_39 = arith.constant 0 : i32
      %dma_start3A_40 = arith.constant 1 : i32
      %dma_start3A_41 = arith.constant 0 : i32
      %dma_start3A_42 = tpu.memref_slice %arg10[%dma_start3A_39, %dma_start3A_41] : memref<8x125xf32, #tpu.memory_space<vmem>> -> memref<1x125xf32, #tpu.memory_space<vmem>>
      %dma_start3A_43 = tpu.memref_squeeze %dma_start3A_42 : memref<1x125xf32, #tpu.memory_space<vmem>> -> memref<125xf32, #tpu.memory_space<vmem>>
      %dma_start3A_44 = arith.constant 0 : i32
      %dma_start3A_45 = tpu.memref_slice %arg9[%add3A_38, %dma_start3A_40, %dma_start3A_44] : memref<10x8x125xi32, #tpu.memory_space<vmem>> -> memref<1x1x125xi32, #tpu.memory_space<vmem>>
      %dma_start3A_46 = tpu.memref_squeeze %dma_start3A_45 : memref<1x1x125xi32, #tpu.memory_space<vmem>> -> memref<125xi32, #tpu.memory_space<vmem>>
      %dma_start3A_47 = arith.constant 0 : i32
      %dma_start3A_48 = tpu.memref_slice %arg8[%dma_start3A_47] : memref<10240xf32, #tpu.memory_space<vmem_shared>> -> memref<10240xf32, #tpu.memory_space<vmem_shared>>
      tpu.enqueue_indirect_dma source(%dma_start3A_43 : memref<125xf32, #tpu.memory_space<vmem>>) target(%dma_start3A_48 : memref<10240xf32, #tpu.memory_space<vmem_shared>>) offsets(%dma_start3A_46 : memref<125xi32, #tpu.memory_space<vmem>>) semaphore(%arg11 : memref<!tpu.dma_semaphore, #tpu.memory_space<semaphore_mem>>) {add = true}
      %mul3A_49 = arith.constant 2 : i32
      %mul3A_50 = arith.muli %mul3A_49, %scan3A_23 : i32
      %add3A_51 = arith.constant 0 : i32
      %add3A_52 = arith.addi %mul3A_50, %add3A_51 : i32
      %dma_start3A_53 = arith.constant 0 : i32
      %dma_start3A_54 = arith.constant 2 : i32
      %dma_start3A_55 = arith.constant 0 : i32
      %dma_start3A_56 = tpu.memref_slice %arg10[%dma_start3A_53, %dma_start3A_55] : memref<8x125xf32, #tpu.memory_space<vmem>> -> memref<1x125xf32, #tpu.memory_space<vmem>>
      %dma_start3A_57 = tpu.memref_squeeze %dma_start3A_56 : memref<1x125xf32, #tpu.memory_space<vmem>> -> memref<125xf32, #tpu.memory_space<vmem>>
      %dma_start3A_58 = arith.constant 0 : i32
      %dma_start3A_59 = tpu.memref_slice %arg9[%add3A_52, %dma_start3A_54, %dma_start3A_58] : memref<10x8x125xi32, #tpu.memory_space<vmem>> -> memref<1x1x125xi32, #tpu.memory_space<vmem>>
      %dma_start3A_60 = tpu.memref_squeeze %dma_start3A_59 : memref<1x1x125xi32, #tpu.memory_space<vmem>> -> memref<125xi32, #tpu.memory_space<vmem>>
      %dma_start3A_61 = arith.constant 0 : i32
      %dma_start3A_62 = tpu.memref_slice %arg8[%dma_start3A_61] : memref<10240xf32, #tpu.memory_space<vmem_shared>> -> memref<10240xf32, #tpu.memory_space<vmem_shared>>
      tpu.enqueue_indirect_dma source(%dma_start3A_57 : memref<125xf32, #tpu.memory_space<vmem>>) target(%dma_start3A_62 : memref<10240xf32, #tpu.memory_space<vmem_shared>>) offsets(%dma_start3A_60 : memref<125xi32, #tpu.memory_space<vmem>>) semaphore(%arg11 : memref<!tpu.dma_semaphore, #tpu.memory_space<semaphore_mem>>) {add = true}
      %mul3A_63 = arith.constant 2 : i32
      %mul3A_64 = arith.muli %mul3A_63, %scan3A_23 : i32
      %add3A_65 = arith.constant 0 : i32
      %add3A_66 = arith.addi %mul3A_64, %add3A_65 : i32
      %dma_start3A_67 = arith.constant 0 : i32
      %dma_start3A_68 = arith.constant 3 : i32
      %dma_start3A_69 = arith.constant 0 : i32
      %dma_start3A_70 = tpu.memref_slice %arg10[%dma_start3A_67, %dma_start3A_69] : memref<8x125xf32, #tpu.memory_space<vmem>> -> memref<1x125xf32, #tpu.memory_space<vmem>>
      %dma_start3A_71 = tpu.memref_squeeze %dma_start3A_70 : memref<1x125xf32, #tpu.memory_space<vmem>> -> memref<125xf32, #tpu.memory_space<vmem>>
      %dma_start3A_72 = arith.constant 0 : i32
      %dma_start3A_73 = tpu.memref_slice %arg9[%add3A_66, %dma_start3A_68, %dma_start3A_72] : memref<10x8x125xi32, #tpu.memory_space<vmem>> -> memref<1x1x125xi32, #tpu.memory_space<vmem>>
      %dma_start3A_74 = tpu.memref_squeeze %dma_start3A_73 : memref<1x1x125xi32, #tpu.memory_space<vmem>> -> memref<125xi32, #tpu.memory_space<vmem>>
      %dma_start3A_75 = arith.constant 0 : i32
      %dma_start3A_76 = tpu.memref_slice %arg8[%dma_start3A_75] : memref<10240xf32, #tpu.memory_space<vmem_shared>> -> memref<10240xf32, #tpu.memory_space<vmem_shared>>
      tpu.enqueue_indirect_dma source(%dma_start3A_71 : memref<125xf32, #tpu.memory_space<vmem>>) target(%dma_start3A_76 : memref<10240xf32, #tpu.memory_space<vmem_shared>>) offsets(%dma_start3A_74 : memref<125xi32, #tpu.memory_space<vmem>>) semaphore(%arg11 : memref<!tpu.dma_semaphore, #tpu.memory_space<semaphore_mem>>) {add = true}
      %mul3A_77 = arith.constant 2 : i32
      %mul3A_78 = arith.muli %mul3A_77, %scan3A_23 : i32
      %add3A_79 = arith.constant 0 : i32
      %add3A_80 = arith.addi %mul3A_78, %add3A_79 : i32
      %dma_start3A_81 = arith.constant 0 : i32
      %dma_start3A_82 = arith.constant 4 : i32
      %dma_start3A_83 = arith.constant 0 : i32
      %dma_start3A_84 = tpu.memref_slice %arg10[%dma_start3A_81, %dma_start3A_83] : memref<8x125xf32, #tpu.memory_space<vmem>> -> memref<1x125xf32, #tpu.memory_space<vmem>>
      %dma_start3A_85 = tpu.memref_squeeze %dma_start3A_84 : memref<1x125xf32, #tpu.memory_space<vmem>> -> memref<125xf32, #tpu.memory_space<vmem>>
      %dma_start3A_86 = arith.constant 0 : i32
      %dma_start3A_87 = tpu.memref_slice %arg9[%add3A_80, %dma_start3A_82, %dma_start3A_86] : memref<10x8x125xi32, #tpu.memory_space<vmem>> -> memref<1x1x125xi32, #tpu.memory_space<vmem>>
      %dma_start3A_88 = tpu.memref_squeeze %dma_start3A_87 : memref<1x1x125xi32, #tpu.memory_space<vmem>> -> memref<125xi32, #tpu.memory_space<vmem>>
      %dma_start3A_89 = arith.constant 0 : i32
      %dma_start3A_90 = tpu.memref_slice %arg8[%dma_start3A_89] : memref<10240xf32, #tpu.memory_space<vmem_shared>> -> memref<10240xf32, #tpu.memory_space<vmem_shared>>
      tpu.enqueue_indirect_dma source(%dma_start3A_85 : memref<125xf32, #tpu.memory_space<vmem>>) target(%dma_start3A_90 : memref<10240xf32, #tpu.memory_space<vmem_shared>>) offsets(%dma_start3A_88 : memref<125xi32, #tpu.memory_space<vmem>>) semaphore(%arg11 : memref<!tpu.dma_semaphore, #tpu.memory_space<semaphore_mem>>) {add = true}
      %mul3A_91 = arith.constant 2 : i32
      %mul3A_92 = arith.muli %mul3A_91, %scan3A_23 : i32
      %add3A_93 = arith.constant 0 : i32
      %add3A_94 = arith.addi %mul3A_92, %add3A_93 : i32
      %dma_start3A_95 = arith.constant 0 : i32
      %dma_start3A_96 = arith.constant 5 : i32
      %dma_start3A_97 = arith.constant 0 : i32
      %dma_start3A_98 = tpu.memref_slice %arg10[%dma_start3A_95, %dma_start3A_97] : memref<8x125xf32, #tpu.memory_space<vmem>> -> memref<1x125xf32, #tpu.memory_space<vmem>>
      %dma_start3A_99 = tpu.memref_squeeze %dma_start3A_98 : memref<1x125xf32, #tpu.memory_space<vmem>> -> memref<125xf32, #tpu.memory_space<vmem>>
      %dma_start3A_100 = arith.constant 0 : i32
      %dma_start3A_101 = tpu.memref_slice %arg9[%add3A_94, %dma_start3A_96, %dma_start3A_100] : memref<10x8x125xi32, #tpu.memory_space<vmem>> -> memref<1x1x125xi32, #tpu.memory_space<vmem>>
      %dma_start3A_102 = tpu.memref_squeeze %dma_start3A_101 : memref<1x1x125xi32, #tpu.memory_space<vmem>> -> memref<125xi32, #tpu.memory_space<vmem>>
      %dma_start3A_103 = arith.constant 0 : i32
      %dma_start3A_104 = tpu.memref_slice %arg8[%dma_start3A_103] : memref<10240xf32, #tpu.memory_space<vmem_shared>> -> memref<10240xf32, #tpu.memory_space<vmem_shared>>
      tpu.enqueue_indirect_dma source(%dma_start3A_99 : memref<125xf32, #tpu.memory_space<vmem>>) target(%dma_start3A_104 : memref<10240xf32, #tpu.memory_space<vmem_shared>>) offsets(%dma_start3A_102 : memref<125xi32, #tpu.memory_space<vmem>>) semaphore(%arg11 : memref<!tpu.dma_semaphore, #tpu.memory_space<semaphore_mem>>) {add = true}
      %mul3A_105 = arith.constant 2 : i32
      %mul3A_106 = arith.muli %mul3A_105, %scan3A_23 : i32
      %add3A_107 = arith.constant 0 : i32
      %add3A_108 = arith.addi %mul3A_106, %add3A_107 : i32
      %dma_start3A_109 = arith.constant 0 : i32
      %dma_start3A_110 = arith.constant 6 : i32
      %dma_start3A_111 = arith.constant 0 : i32
      %dma_start3A_112 = tpu.memref_slice %arg10[%dma_start3A_109, %dma_start3A_111] : memref<8x125xf32, #tpu.memory_space<vmem>> -> memref<1x125xf32, #tpu.memory_space<vmem>>
      %dma_start3A_113 = tpu.memref_squeeze %dma_start3A_112 : memref<1x125xf32, #tpu.memory_space<vmem>> -> memref<125xf32, #tpu.memory_space<vmem>>
      %dma_start3A_114 = arith.constant 0 : i32
      %dma_start3A_115 = tpu.memref_slice %arg9[%add3A_108, %dma_start3A_110, %dma_start3A_114] : memref<10x8x125xi32, #tpu.memory_space<vmem>> -> memref<1x1x125xi32, #tpu.memory_space<vmem>>
      %dma_start3A_116 = tpu.memref_squeeze %dma_start3A_115 : memref<1x1x125xi32, #tpu.memory_space<vmem>> -> memref<125xi32, #tpu.memory_space<vmem>>
      %dma_start3A_117 = arith.constant 0 : i32
      %dma_start3A_118 = tpu.memref_slice %arg8[%dma_start3A_117] : memref<10240xf32, #tpu.memory_space<vmem_shared>> -> memref<10240xf32, #tpu.memory_space<vmem_shared>>
      tpu.enqueue_indirect_dma source(%dma_start3A_113 : memref<125xf32, #tpu.memory_space<vmem>>) target(%dma_start3A_118 : memref<10240xf32, #tpu.memory_space<vmem_shared>>) offsets(%dma_start3A_116 : memref<125xi32, #tpu.memory_space<vmem>>) semaphore(%arg11 : memref<!tpu.dma_semaphore, #tpu.memory_space<semaphore_mem>>) {add = true}
      %mul3A_119 = arith.constant 2 : i32
      %mul3A_120 = arith.muli %mul3A_119, %scan3A_23 : i32
      %add3A_121 = arith.constant 0 : i32
      %add3A_122 = arith.addi %mul3A_120, %add3A_121 : i32
      %dma_start3A_123 = arith.constant 0 : i32
      %dma_start3A_124 = arith.constant 7 : i32
      %dma_start3A_125 = arith.constant 0 : i32
      %dma_start3A_126 = tpu.memref_slice %arg10[%dma_start3A_123, %dma_start3A_125] : memref<8x125xf32, #tpu.memory_space<vmem>> -> memref<1x125xf32, #tpu.memory_space<vmem>>
      %dma_start3A_127 = tpu.memref_squeeze %dma_start3A_126 : memref<1x125xf32, #tpu.memory_space<vmem>> -> memref<125xf32, #tpu.memory_space<vmem>>
      %dma_start3A_128 = arith.constant 0 : i32
      %dma_start3A_129 = tpu.memref_slice %arg9[%add3A_122, %dma_start3A_124, %dma_start3A_128] : memref<10x8x125xi32, #tpu.memory_space<vmem>> -> memref<1x1x125xi32, #tpu.memory_space<vmem>>
      %dma_start3A_130 = tpu.memref_squeeze %dma_start3A_129 : memref<1x1x125xi32, #tpu.memory_space<vmem>> -> memref<125xi32, #tpu.memory_space<vmem>>
      %dma_start3A_131 = arith.constant 0 : i32
      %dma_start3A_132 = tpu.memref_slice %arg8[%dma_start3A_131] : memref<10240xf32, #tpu.memory_space<vmem_shared>> -> memref<10240xf32, #tpu.memory_space<vmem_shared>>
      tpu.enqueue_indirect_dma source(%dma_start3A_127 : memref<125xf32, #tpu.memory_space<vmem>>) target(%dma_start3A_132 : memref<10240xf32, #tpu.memory_space<vmem_shared>>) offsets(%dma_start3A_130 : memref<125xi32, #tpu.memory_space<vmem>>) semaphore(%arg11 : memref<!tpu.dma_semaphore, #tpu.memory_space<semaphore_mem>>) {add = true}
      %mul3A_133 = arith.constant 2 : i32
      %mul3A_134 = arith.muli %mul3A_133, %scan3A_23 : i32
      %add3A_135 = arith.constant 1 : i32
      %add3A_136 = arith.addi %mul3A_134, %add3A_135 : i32
      %dma_start3A_137 = arith.constant 0 : i32
      %dma_start3A_138 = arith.constant 0 : i32
      %dma_start3A_139 = arith.constant 0 : i32
      %dma_start3A_140 = tpu.memref_slice %arg10[%dma_start3A_137, %dma_start3A_139] : memref<8x125xf32, #tpu.memory_space<vmem>> -> memref<1x125xf32, #tpu.memory_space<vmem>>
      %dma_start3A_141 = tpu.memref_squeeze %dma_start3A_140 : memref<1x125xf32, #tpu.memory_space<vmem>> -> memref<125xf32, #tpu.memory_space<vmem>>
      %dma_start3A_142 = arith.constant 0 : i32
      %dma_start3A_143 = tpu.memref_slice %arg9[%add3A_136, %dma_start3A_138, %dma_start3A_142] : memref<10x8x125xi32, #tpu.memory_space<vmem>> -> memref<1x1x125xi32, #tpu.memory_space<vmem>>
      %dma_start3A_144 = tpu.memref_squeeze %dma_start3A_143 : memref<1x1x125xi32, #tpu.memory_space<vmem>> -> memref<125xi32, #tpu.memory_space<vmem>>
      %dma_start3A_145 = arith.constant 0 : i32
      %dma_start3A_146 = tpu.memref_slice %arg8[%dma_start3A_145] : memref<10240xf32, #tpu.memory_space<vmem_shared>> -> memref<10240xf32, #tpu.memory_space<vmem_shared>>
      tpu.enqueue_indirect_dma source(%dma_start3A_141 : memref<125xf32, #tpu.memory_space<vmem>>) target(%dma_start3A_146 : memref<10240xf32, #tpu.memory_space<vmem_shared>>) offsets(%dma_start3A_144 : memref<125xi32, #tpu.memory_space<vmem>>) semaphore(%arg11 : memref<!tpu.dma_semaphore, #tpu.memory_space<semaphore_mem>>) {add = true}
      %mul3A_147 = arith.constant 2 : i32
      %mul3A_148 = arith.muli %mul3A_147, %scan3A_23 : i32
      %add3A_149 = arith.constant 1 : i32
      %add3A_150 = arith.addi %mul3A_148, %add3A_149 : i32
      %dma_start3A_151 = arith.constant 0 : i32
      %dma_start3A_152 = arith.constant 1 : i32
      %dma_start3A_153 = arith.constant 0 : i32
      %dma_start3A_154 = tpu.memref_slice %arg10[%dma_start3A_151, %dma_start3A_153] : memref<8x125xf32, #tpu.memory_space<vmem>> -> memref<1x125xf32, #tpu.memory_space<vmem>>
      %dma_start3A_155 = tpu.memref_squeeze %dma_start3A_154 : memref<1x125xf32, #tpu.memory_space<vmem>> -> memref<125xf32, #tpu.memory_space<vmem>>
      %dma_start3A_156 = arith.constant 0 : i32
      %dma_start3A_157 = tpu.memref_slice %arg9[%add3A_150, %dma_start3A_152, %dma_start3A_156] : memref<10x8x125xi32, #tpu.memory_space<vmem>> -> memref<1x1x125xi32, #tpu.memory_space<vmem>>
      %dma_start3A_158 = tpu.memref_squeeze %dma_start3A_157 : memref<1x1x125xi32, #tpu.memory_space<vmem>> -> memref<125xi32, #tpu.memory_space<vmem>>
      %dma_start3A_159 = arith.constant 0 : i32
      %dma_start3A_160 = tpu.memref_slice %arg8[%dma_start3A_159] : memref<10240xf32, #tpu.memory_space<vmem_shared>> -> memref<10240xf32, #tpu.memory_space<vmem_shared>>
      tpu.enqueue_indirect_dma source(%dma_start3A_155 : memref<125xf32, #tpu.memory_space<vmem>>) target(%dma_start3A_160 : memref<10240xf32, #tpu.memory_space<vmem_shared>>) offsets(%dma_start3A_158 : memref<125xi32, #tpu.memory_space<vmem>>) semaphore(%arg11 : memref<!tpu.dma_semaphore, #tpu.memory_space<semaphore_mem>>) {add = true}
      %mul3A_161 = arith.constant 2 : i32
      %mul3A_162 = arith.muli %mul3A_161, %scan3A_23 : i32
      %add3A_163 = arith.constant 1 : i32
      %add3A_164 = arith.addi %mul3A_162, %add3A_163 : i32
      %dma_start3A_165 = arith.constant 0 : i32
      %dma_start3A_166 = arith.constant 2 : i32
      %dma_start3A_167 = arith.constant 0 : i32
      %dma_start3A_168 = tpu.memref_slice %arg10[%dma_start3A_165, %dma_start3A_167] : memref<8x125xf32, #tpu.memory_space<vmem>> -> memref<1x125xf32, #tpu.memory_space<vmem>>
      %dma_start3A_169 = tpu.memref_squeeze %dma_start3A_168 : memref<1x125xf32, #tpu.memory_space<vmem>> -> memref<125xf32, #tpu.memory_space<vmem>>
      %dma_start3A_170 = arith.constant 0 : i32
      %dma_start3A_171 = tpu.memref_slice %arg9[%add3A_164, %dma_start3A_166, %dma_start3A_170] : memref<10x8x125xi32, #tpu.memory_space<vmem>> -> memref<1x1x125xi32, #tpu.memory_space<vmem>>
      %dma_start3A_172 = tpu.memref_squeeze %dma_start3A_171 : memref<1x1x125xi32, #tpu.memory_space<vmem>> -> memref<125xi32, #tpu.memory_space<vmem>>
      %dma_start3A_173 = arith.constant 0 : i32
      %dma_start3A_174 = tpu.memref_slice %arg8[%dma_start3A_173] : memref<10240xf32, #tpu.memory_space<vmem_shared>> -> memref<10240xf32, #tpu.memory_space<vmem_shared>>
      tpu.enqueue_indirect_dma source(%dma_start3A_169 : memref<125xf32, #tpu.memory_space<vmem>>) target(%dma_start3A_174 : memref<10240xf32, #tpu.memory_space<vmem_shared>>) offsets(%dma_start3A_172 : memref<125xi32, #tpu.memory_space<vmem>>) semaphore(%arg11 : memref<!tpu.dma_semaphore, #tpu.memory_space<semaphore_mem>>) {add = true}
      %mul3A_175 = arith.constant 2 : i32
      %mul3A_176 = arith.muli %mul3A_175, %scan3A_23 : i32
      %add3A_177 = arith.constant 1 : i32
      %add3A_178 = arith.addi %mul3A_176, %add3A_177 : i32
      %dma_start3A_179 = arith.constant 0 : i32
      %dma_start3A_180 = arith.constant 3 : i32
      %dma_start3A_181 = arith.constant 0 : i32
      %dma_start3A_182 = tpu.memref_slice %arg10[%dma_start3A_179, %dma_start3A_181] : memref<8x125xf32, #tpu.memory_space<vmem>> -> memref<1x125xf32, #tpu.memory_space<vmem>>
      %dma_start3A_183 = tpu.memref_squeeze %dma_start3A_182 : memref<1x125xf32, #tpu.memory_space<vmem>> -> memref<125xf32, #tpu.memory_space<vmem>>
      %dma_start3A_184 = arith.constant 0 : i32
      %dma_start3A_185 = tpu.memref_slice %arg9[%add3A_178, %dma_start3A_180, %dma_start3A_184] : memref<10x8x125xi32, #tpu.memory_space<vmem>> -> memref<1x1x125xi32, #tpu.memory_space<vmem>>
      %dma_start3A_186 = tpu.memref_squeeze %dma_start3A_185 : memref<1x1x125xi32, #tpu.memory_space<vmem>> -> memref<125xi32, #tpu.memory_space<vmem>>
      %dma_start3A_187 = arith.constant 0 : i32
      %dma_start3A_188 = tpu.memref_slice %arg8[%dma_start3A_187] : memref<10240xf32, #tpu.memory_space<vmem_shared>> -> memref<10240xf32, #tpu.memory_space<vmem_shared>>
      tpu.enqueue_indirect_dma source(%dma_start3A_183 : memref<125xf32, #tpu.memory_space<vmem>>) target(%dma_start3A_188 : memref<10240xf32, #tpu.memory_space<vmem_shared>>) offsets(%dma_start3A_186 : memref<125xi32, #tpu.memory_space<vmem>>) semaphore(%arg11 : memref<!tpu.dma_semaphore, #tpu.memory_space<semaphore_mem>>) {add = true}
      %mul3A_189 = arith.constant 2 : i32
      %mul3A_190 = arith.muli %mul3A_189, %scan3A_23 : i32
      %add3A_191 = arith.constant 1 : i32
      %add3A_192 = arith.addi %mul3A_190, %add3A_191 : i32
      %dma_start3A_193 = arith.constant 0 : i32
      %dma_start3A_194 = arith.constant 4 : i32
      %dma_start3A_195 = arith.constant 0 : i32
      %dma_start3A_196 = tpu.memref_slice %arg10[%dma_start3A_193, %dma_start3A_195] : memref<8x125xf32, #tpu.memory_space<vmem>> -> memref<1x125xf32, #tpu.memory_space<vmem>>
      %dma_start3A_197 = tpu.memref_squeeze %dma_start3A_196 : memref<1x125xf32, #tpu.memory_space<vmem>> -> memref<125xf32, #tpu.memory_space<vmem>>
      %dma_start3A_198 = arith.constant 0 : i32
      %dma_start3A_199 = tpu.memref_slice %arg9[%add3A_192, %dma_start3A_194, %dma_start3A_198] : memref<10x8x125xi32, #tpu.memory_space<vmem>> -> memref<1x1x125xi32, #tpu.memory_space<vmem>>
      %dma_start3A_200 = tpu.memref_squeeze %dma_start3A_199 : memref<1x1x125xi32, #tpu.memory_space<vmem>> -> memref<125xi32, #tpu.memory_space<vmem>>
      %dma_start3A_201 = arith.constant 0 : i32
      %dma_start3A_202 = tpu.memref_slice %arg8[%dma_start3A_201] : memref<10240xf32, #tpu.memory_space<vmem_shared>> -> memref<10240xf32, #tpu.memory_space<vmem_shared>>
      tpu.enqueue_indirect_dma source(%dma_start3A_197 : memref<125xf32, #tpu.memory_space<vmem>>) target(%dma_start3A_202 : memref<10240xf32, #tpu.memory_space<vmem_shared>>) offsets(%dma_start3A_200 : memref<125xi32, #tpu.memory_space<vmem>>) semaphore(%arg11 : memref<!tpu.dma_semaphore, #tpu.memory_space<semaphore_mem>>) {add = true}
      %mul3A_203 = arith.constant 2 : i32
      %mul3A_204 = arith.muli %mul3A_203, %scan3A_23 : i32
      %add3A_205 = arith.constant 1 : i32
      %add3A_206 = arith.addi %mul3A_204, %add3A_205 : i32
      %dma_start3A_207 = arith.constant 0 : i32
      %dma_start3A_208 = arith.constant 5 : i32
      %dma_start3A_209 = arith.constant 0 : i32
      %dma_start3A_210 = tpu.memref_slice %arg10[%dma_start3A_207, %dma_start3A_209] : memref<8x125xf32, #tpu.memory_space<vmem>> -> memref<1x125xf32, #tpu.memory_space<vmem>>
      %dma_start3A_211 = tpu.memref_squeeze %dma_start3A_210 : memref<1x125xf32, #tpu.memory_space<vmem>> -> memref<125xf32, #tpu.memory_space<vmem>>
      %dma_start3A_212 = arith.constant 0 : i32
      %dma_start3A_213 = tpu.memref_slice %arg9[%add3A_206, %dma_start3A_208, %dma_start3A_212] : memref<10x8x125xi32, #tpu.memory_space<vmem>> -> memref<1x1x125xi32, #tpu.memory_space<vmem>>
      %dma_start3A_214 = tpu.memref_squeeze %dma_start3A_213 : memref<1x1x125xi32, #tpu.memory_space<vmem>> -> memref<125xi32, #tpu.memory_space<vmem>>
      %dma_start3A_215 = arith.constant 0 : i32
      %dma_start3A_216 = tpu.memref_slice %arg8[%dma_start3A_215] : memref<10240xf32, #tpu.memory_space<vmem_shared>> -> memref<10240xf32, #tpu.memory_space<vmem_shared>>
      tpu.enqueue_indirect_dma source(%dma_start3A_211 : memref<125xf32, #tpu.memory_space<vmem>>) target(%dma_start3A_216 : memref<10240xf32, #tpu.memory_space<vmem_shared>>) offsets(%dma_start3A_214 : memref<125xi32, #tpu.memory_space<vmem>>) semaphore(%arg11 : memref<!tpu.dma_semaphore, #tpu.memory_space<semaphore_mem>>) {add = true}
      %mul3A_217 = arith.constant 2 : i32
      %mul3A_218 = arith.muli %mul3A_217, %scan3A_23 : i32
      %add3A_219 = arith.constant 1 : i32
      %add3A_220 = arith.addi %mul3A_218, %add3A_219 : i32
      %dma_start3A_221 = arith.constant 0 : i32
      %dma_start3A_222 = arith.constant 6 : i32
      %dma_start3A_223 = arith.constant 0 : i32
      %dma_start3A_224 = tpu.memref_slice %arg10[%dma_start3A_221, %dma_start3A_223] : memref<8x125xf32, #tpu.memory_space<vmem>> -> memref<1x125xf32, #tpu.memory_space<vmem>>
      %dma_start3A_225 = tpu.memref_squeeze %dma_start3A_224 : memref<1x125xf32, #tpu.memory_space<vmem>> -> memref<125xf32, #tpu.memory_space<vmem>>
      %dma_start3A_226 = arith.constant 0 : i32
      %dma_start3A_227 = tpu.memref_slice %arg9[%add3A_220, %dma_start3A_222, %dma_start3A_226] : memref<10x8x125xi32, #tpu.memory_space<vmem>> -> memref<1x1x125xi32, #tpu.memory_space<vmem>>
      %dma_start3A_228 = tpu.memref_squeeze %dma_start3A_227 : memref<1x1x125xi32, #tpu.memory_space<vmem>> -> memref<125xi32, #tpu.memory_space<vmem>>
      %dma_start3A_229 = arith.constant 0 : i32
      %dma_start3A_230 = tpu.memref_slice %arg8[%dma_start3A_229] : memref<10240xf32, #tpu.memory_space<vmem_shared>> -> memref<10240xf32, #tpu.memory_space<vmem_shared>>
      tpu.enqueue_indirect_dma source(%dma_start3A_225 : memref<125xf32, #tpu.memory_space<vmem>>) target(%dma_start3A_230 : memref<10240xf32, #tpu.memory_space<vmem_shared>>) offsets(%dma_start3A_228 : memref<125xi32, #tpu.memory_space<vmem>>) semaphore(%arg11 : memref<!tpu.dma_semaphore, #tpu.memory_space<semaphore_mem>>) {add = true}
      %mul3A_231 = arith.constant 2 : i32
      %mul3A_232 = arith.muli %mul3A_231, %scan3A_23 : i32
      %add3A_233 = arith.constant 1 : i32
      %add3A_234 = arith.addi %mul3A_232, %add3A_233 : i32
      %dma_start3A_235 = arith.constant 0 : i32
      %dma_start3A_236 = arith.constant 7 : i32
      %dma_start3A_237 = arith.constant 0 : i32
      %dma_start3A_238 = tpu.memref_slice %arg10[%dma_start3A_235, %dma_start3A_237] : memref<8x125xf32, #tpu.memory_space<vmem>> -> memref<1x125xf32, #tpu.memory_space<vmem>>
      %dma_start3A_239 = tpu.memref_squeeze %dma_start3A_238 : memref<1x125xf32, #tpu.memory_space<vmem>> -> memref<125xf32, #tpu.memory_space<vmem>>
      %dma_start3A_240 = arith.constant 0 : i32
      %dma_start3A_241 = tpu.memref_slice %arg9[%add3A_234, %dma_start3A_236, %dma_start3A_240] : memref<10x8x125xi32, #tpu.memory_space<vmem>> -> memref<1x1x125xi32, #tpu.memory_space<vmem>>
      %dma_start3A_242 = tpu.memref_squeeze %dma_start3A_241 : memref<1x1x125xi32, #tpu.memory_space<vmem>> -> memref<125xi32, #tpu.memory_space<vmem>>
      %dma_start3A_243 = arith.constant 0 : i32
      %dma_start3A_244 = tpu.memref_slice %arg8[%dma_start3A_243] : memref<10240xf32, #tpu.memory_space<vmem_shared>> -> memref<10240xf32, #tpu.memory_space<vmem_shared>>
      tpu.enqueue_indirect_dma source(%dma_start3A_239 : memref<125xf32, #tpu.memory_space<vmem>>) target(%dma_start3A_244 : memref<10240xf32, #tpu.memory_space<vmem_shared>>) offsets(%dma_start3A_242 : memref<125xi32, #tpu.memory_space<vmem>>) semaphore(%arg11 : memref<!tpu.dma_semaphore, #tpu.memory_space<semaphore_mem>>) {add = true}
      %dma_wait3A = arith.constant 0 : i32
      %dma_wait3A_245 = arith.constant 0 : i32
      %dma_wait3A_246 = arith.constant 0 : i32
      %dma_wait3A_247 = tpu.memref_slice %arg10[%dma_wait3A, %dma_wait3A_246] : memref<8x125xf32, #tpu.memory_space<vmem>> -> memref<1x125xf32, #tpu.memory_space<vmem>>
      %dma_wait3A_248 = tpu.memref_squeeze %dma_wait3A_247 : memref<1x125xf32, #tpu.memory_space<vmem>> -> memref<125xf32, #tpu.memory_space<vmem>>
      %dma_wait3A_249 = arith.constant 0 : i32
      %dma_wait3A_250 = tpu.memref_slice %arg9[%add3A_25, %dma_wait3A_245, %dma_wait3A_249] : memref<10x8x125xi32, #tpu.memory_space<vmem>> -> memref<1x1x125xi32, #tpu.memory_space<vmem>>
      %dma_wait3A_251 = tpu.memref_squeeze %dma_wait3A_250 : memref<1x1x125xi32, #tpu.memory_space<vmem>> -> memref<125xi32, #tpu.memory_space<vmem>>
      %dma_wait3A_252 = arith.constant 0 : i32
      %dma_wait3A_253 = tpu.memref_slice %arg8[%dma_wait3A_252] : memref<10240xf32, #tpu.memory_space<vmem_shared>> -> memref<10240xf32, #tpu.memory_space<vmem_shared>>
      tpu.wait_indirect_dma semaphore(%arg11 : memref<!tpu.dma_semaphore, #tpu.memory_space<semaphore_mem>>) src(%dma_wait3A_248 : memref<125xf32, #tpu.memory_space<vmem>>) dst(%dma_wait3A_253 : memref<10240xf32, #tpu.memory_space<vmem_shared>>)
      %dma_wait3A_254 = arith.constant 0 : i32
      %dma_wait3A_255 = arith.constant 1 : i32
      %dma_wait3A_256 = arith.constant 0 : i32
      %dma_wait3A_257 = tpu.memref_slice %arg10[%dma_wait3A_254, %dma_wait3A_256] : memref<8x125xf32, #tpu.memory_space<vmem>> -> memref<1x125xf32, #tpu.memory_space<vmem>>
      %dma_wait3A_258 = tpu.memref_squeeze %dma_wait3A_257 : memref<1x125xf32, #tpu.memory_space<vmem>> -> memref<125xf32, #tpu.memory_space<vmem>>
      %dma_wait3A_259 = arith.constant 0 : i32
      %dma_wait3A_260 = tpu.memref_slice %arg9[%add3A_38, %dma_wait3A_255, %dma_wait3A_259] : memref<10x8x125xi32, #tpu.memory_space<vmem>> -> memref<1x1x125xi32, #tpu.memory_space<vmem>>
      %dma_wait3A_261 = tpu.memref_squeeze %dma_wait3A_260 : memref<1x1x125xi32, #tpu.memory_space<vmem>> -> memref<125xi32, #tpu.memory_space<vmem>>
      %dma_wait3A_262 = arith.constant 0 : i32
      %dma_wait3A_263 = tpu.memref_slice %arg8[%dma_wait3A_262] : memref<10240xf32, #tpu.memory_space<vmem_shared>> -> memref<10240xf32, #tpu.memory_space<vmem_shared>>
      tpu.wait_indirect_dma semaphore(%arg11 : memref<!tpu.dma_semaphore, #tpu.memory_space<semaphore_mem>>) src(%dma_wait3A_258 : memref<125xf32, #tpu.memory_space<vmem>>) dst(%dma_wait3A_263 : memref<10240xf32, #tpu.memory_space<vmem_shared>>)
      %dma_wait3A_264 = arith.constant 0 : i32
      %dma_wait3A_265 = arith.constant 2 : i32
      %dma_wait3A_266 = arith.constant 0 : i32
      %dma_wait3A_267 = tpu.memref_slice %arg10[%dma_wait3A_264, %dma_wait3A_266] : memref<8x125xf32, #tpu.memory_space<vmem>> -> memref<1x125xf32, #tpu.memory_space<vmem>>
      %dma_wait3A_268 = tpu.memref_squeeze %dma_wait3A_267 : memref<1x125xf32, #tpu.memory_space<vmem>> -> memref<125xf32, #tpu.memory_space<vmem>>
      %dma_wait3A_269 = arith.constant 0 : i32
      %dma_wait3A_270 = tpu.memref_slice %arg9[%add3A_52, %dma_wait3A_265, %dma_wait3A_269] : memref<10x8x125xi32, #tpu.memory_space<vmem>> -> memref<1x1x125xi32, #tpu.memory_space<vmem>>
      %dma_wait3A_271 = tpu.memref_squeeze %dma_wait3A_270 : memref<1x1x125xi32, #tpu.memory_space<vmem>> -> memref<125xi32, #tpu.memory_space<vmem>>
      %dma_wait3A_272 = arith.constant 0 : i32
      %dma_wait3A_273 = tpu.memref_slice %arg8[%dma_wait3A_272] : memref<10240xf32, #tpu.memory_space<vmem_shared>> -> memref<10240xf32, #tpu.memory_space<vmem_shared>>
      tpu.wait_indirect_dma semaphore(%arg11 : memref<!tpu.dma_semaphore, #tpu.memory_space<semaphore_mem>>) src(%dma_wait3A_268 : memref<125xf32, #tpu.memory_space<vmem>>) dst(%dma_wait3A_273 : memref<10240xf32, #tpu.memory_space<vmem_shared>>)
      %dma_wait3A_274 = arith.constant 0 : i32
      %dma_wait3A_275 = arith.constant 3 : i32
      %dma_wait3A_276 = arith.constant 0 : i32
      %dma_wait3A_277 = tpu.memref_slice %arg10[%dma_wait3A_274, %dma_wait3A_276] : memref<8x125xf32, #tpu.memory_space<vmem>> -> memref<1x125xf32, #tpu.memory_space<vmem>>
      %dma_wait3A_278 = tpu.memref_squeeze %dma_wait3A_277 : memref<1x125xf32, #tpu.memory_space<vmem>> -> memref<125xf32, #tpu.memory_space<vmem>>
      %dma_wait3A_279 = arith.constant 0 : i32
      %dma_wait3A_280 = tpu.memref_slice %arg9[%add3A_66, %dma_wait3A_275, %dma_wait3A_279] : memref<10x8x125xi32, #tpu.memory_space<vmem>> -> memref<1x1x125xi32, #tpu.memory_space<vmem>>
      %dma_wait3A_281 = tpu.memref_squeeze %dma_wait3A_280 : memref<1x1x125xi32, #tpu.memory_space<vmem>> -> memref<125xi32, #tpu.memory_space<vmem>>
      %dma_wait3A_282 = arith.constant 0 : i32
      %dma_wait3A_283 = tpu.memref_slice %arg8[%dma_wait3A_282] : memref<10240xf32, #tpu.memory_space<vmem_shared>> -> memref<10240xf32, #tpu.memory_space<vmem_shared>>
      tpu.wait_indirect_dma semaphore(%arg11 : memref<!tpu.dma_semaphore, #tpu.memory_space<semaphore_mem>>) src(%dma_wait3A_278 : memref<125xf32, #tpu.memory_space<vmem>>) dst(%dma_wait3A_283 : memref<10240xf32, #tpu.memory_space<vmem_shared>>)
      %dma_wait3A_284 = arith.constant 0 : i32
      %dma_wait3A_285 = arith.constant 4 : i32
      %dma_wait3A_286 = arith.constant 0 : i32
      %dma_wait3A_287 = tpu.memref_slice %arg10[%dma_wait3A_284, %dma_wait3A_286] : memref<8x125xf32, #tpu.memory_space<vmem>> -> memref<1x125xf32, #tpu.memory_space<vmem>>
      %dma_wait3A_288 = tpu.memref_squeeze %dma_wait3A_287 : memref<1x125xf32, #tpu.memory_space<vmem>> -> memref<125xf32, #tpu.memory_space<vmem>>
      %dma_wait3A_289 = arith.constant 0 : i32
      %dma_wait3A_290 = tpu.memref_slice %arg9[%add3A_80, %dma_wait3A_285, %dma_wait3A_289] : memref<10x8x125xi32, #tpu.memory_space<vmem>> -> memref<1x1x125xi32, #tpu.memory_space<vmem>>
      %dma_wait3A_291 = tpu.memref_squeeze %dma_wait3A_290 : memref<1x1x125xi32, #tpu.memory_space<vmem>> -> memref<125xi32, #tpu.memory_space<vmem>>
      %dma_wait3A_292 = arith.constant 0 : i32
      %dma_wait3A_293 = tpu.memref_slice %arg8[%dma_wait3A_292] : memref<10240xf32, #tpu.memory_space<vmem_shared>> -> memref<10240xf32, #tpu.memory_space<vmem_shared>>
      tpu.wait_indirect_dma semaphore(%arg11 : memref<!tpu.dma_semaphore, #tpu.memory_space<semaphore_mem>>) src(%dma_wait3A_288 : memref<125xf32, #tpu.memory_space<vmem>>) dst(%dma_wait3A_293 : memref<10240xf32, #tpu.memory_space<vmem_shared>>)
      %dma_wait3A_294 = arith.constant 0 : i32
      %dma_wait3A_295 = arith.constant 5 : i32
      %dma_wait3A_296 = arith.constant 0 : i32
      %dma_wait3A_297 = tpu.memref_slice %arg10[%dma_wait3A_294, %dma_wait3A_296] : memref<8x125xf32, #tpu.memory_space<vmem>> -> memref<1x125xf32, #tpu.memory_space<vmem>>
      %dma_wait3A_298 = tpu.memref_squeeze %dma_wait3A_297 : memref<1x125xf32, #tpu.memory_space<vmem>> -> memref<125xf32, #tpu.memory_space<vmem>>
      %dma_wait3A_299 = arith.constant 0 : i32
      %dma_wait3A_300 = tpu.memref_slice %arg9[%add3A_94, %dma_wait3A_295, %dma_wait3A_299] : memref<10x8x125xi32, #tpu.memory_space<vmem>> -> memref<1x1x125xi32, #tpu.memory_space<vmem>>
      %dma_wait3A_301 = tpu.memref_squeeze %dma_wait3A_300 : memref<1x1x125xi32, #tpu.memory_space<vmem>> -> memref<125xi32, #tpu.memory_space<vmem>>
      %dma_wait3A_302 = arith.constant 0 : i32
      %dma_wait3A_303 = tpu.memref_slice %arg8[%dma_wait3A_302] : memref<10240xf32, #tpu.memory_space<vmem_shared>> -> memref<10240xf32, #tpu.memory_space<vmem_shared>>
      tpu.wait_indirect_dma semaphore(%arg11 : memref<!tpu.dma_semaphore, #tpu.memory_space<semaphore_mem>>) src(%dma_wait3A_298 : memref<125xf32, #tpu.memory_space<vmem>>) dst(%dma_wait3A_303 : memref<10240xf32, #tpu.memory_space<vmem_shared>>)
      %dma_wait3A_304 = arith.constant 0 : i32
      %dma_wait3A_305 = arith.constant 6 : i32
      %dma_wait3A_306 = arith.constant 0 : i32
      %dma_wait3A_307 = tpu.memref_slice %arg10[%dma_wait3A_304, %dma_wait3A_306] : memref<8x125xf32, #tpu.memory_space<vmem>> -> memref<1x125xf32, #tpu.memory_space<vmem>>
      %dma_wait3A_308 = tpu.memref_squeeze %dma_wait3A_307 : memref<1x125xf32, #tpu.memory_space<vmem>> -> memref<125xf32, #tpu.memory_space<vmem>>
      %dma_wait3A_309 = arith.constant 0 : i32
      %dma_wait3A_310 = tpu.memref_slice %arg9[%add3A_108, %dma_wait3A_305, %dma_wait3A_309] : memref<10x8x125xi32, #tpu.memory_space<vmem>> -> memref<1x1x125xi32, #tpu.memory_space<vmem>>
      %dma_wait3A_311 = tpu.memref_squeeze %dma_wait3A_310 : memref<1x1x125xi32, #tpu.memory_space<vmem>> -> memref<125xi32, #tpu.memory_space<vmem>>
      %dma_wait3A_312 = arith.constant 0 : i32
      %dma_wait3A_313 = tpu.memref_slice %arg8[%dma_wait3A_312] : memref<10240xf32, #tpu.memory_space<vmem_shared>> -> memref<10240xf32, #tpu.memory_space<vmem_shared>>
      tpu.wait_indirect_dma semaphore(%arg11 : memref<!tpu.dma_semaphore, #tpu.memory_space<semaphore_mem>>) src(%dma_wait3A_308 : memref<125xf32, #tpu.memory_space<vmem>>) dst(%dma_wait3A_313 : memref<10240xf32, #tpu.memory_space<vmem_shared>>)
      %dma_wait3A_314 = arith.constant 0 : i32
      %dma_wait3A_315 = arith.constant 7 : i32
      %dma_wait3A_316 = arith.constant 0 : i32
      %dma_wait3A_317 = tpu.memref_slice %arg10[%dma_wait3A_314, %dma_wait3A_316] : memref<8x125xf32, #tpu.memory_space<vmem>> -> memref<1x125xf32, #tpu.memory_space<vmem>>
      %dma_wait3A_318 = tpu.memref_squeeze %dma_wait3A_317 : memref<1x125xf32, #tpu.memory_space<vmem>> -> memref<125xf32, #tpu.memory_space<vmem>>
      %dma_wait3A_319 = arith.constant 0 : i32
      %dma_wait3A_320 = tpu.memref_slice %arg9[%add3A_122, %dma_wait3A_315, %dma_wait3A_319] : memref<10x8x125xi32, #tpu.memory_space<vmem>> -> memref<1x1x125xi32, #tpu.memory_space<vmem>>
      %dma_wait3A_321 = tpu.memref_squeeze %dma_wait3A_320 : memref<1x1x125xi32, #tpu.memory_space<vmem>> -> memref<125xi32, #tpu.memory_space<vmem>>
      %dma_wait3A_322 = arith.constant 0 : i32
      %dma_wait3A_323 = tpu.memref_slice %arg8[%dma_wait3A_322] : memref<10240xf32, #tpu.memory_space<vmem_shared>> -> memref<10240xf32, #tpu.memory_space<vmem_shared>>
      tpu.wait_indirect_dma semaphore(%arg11 : memref<!tpu.dma_semaphore, #tpu.memory_space<semaphore_mem>>) src(%dma_wait3A_318 : memref<125xf32, #tpu.memory_space<vmem>>) dst(%dma_wait3A_323 : memref<10240xf32, #tpu.memory_space<vmem_shared>>)
      %dma_wait3A_324 = arith.constant 0 : i32
      %dma_wait3A_325 = arith.constant 0 : i32
      %dma_wait3A_326 = arith.constant 0 : i32
      %dma_wait3A_327 = tpu.memref_slice %arg10[%dma_wait3A_324, %dma_wait3A_326] : memref<8x125xf32, #tpu.memory_space<vmem>> -> memref<1x125xf32, #tpu.memory_space<vmem>>
      %dma_wait3A_328 = tpu.memref_squeeze %dma_wait3A_327 : memref<1x125xf32, #tpu.memory_space<vmem>> -> memref<125xf32, #tpu.memory_space<vmem>>
      %dma_wait3A_329 = arith.constant 0 : i32
      %dma_wait3A_330 = tpu.memref_slice %arg9[%add3A_136, %dma_wait3A_325, %dma_wait3A_329] : memref<10x8x125xi32, #tpu.memory_space<vmem>> -> memref<1x1x125xi32, #tpu.memory_space<vmem>>
      %dma_wait3A_331 = tpu.memref_squeeze %dma_wait3A_330 : memref<1x1x125xi32, #tpu.memory_space<vmem>> -> memref<125xi32, #tpu.memory_space<vmem>>
      %dma_wait3A_332 = arith.constant 0 : i32
      %dma_wait3A_333 = tpu.memref_slice %arg8[%dma_wait3A_332] : memref<10240xf32, #tpu.memory_space<vmem_shared>> -> memref<10240xf32, #tpu.memory_space<vmem_shared>>
      tpu.wait_indirect_dma semaphore(%arg11 : memref<!tpu.dma_semaphore, #tpu.memory_space<semaphore_mem>>) src(%dma_wait3A_328 : memref<125xf32, #tpu.memory_space<vmem>>) dst(%dma_wait3A_333 : memref<10240xf32, #tpu.memory_space<vmem_shared>>)
      %dma_wait3A_334 = arith.constant 0 : i32
      %dma_wait3A_335 = arith.constant 1 : i32
      %dma_wait3A_336 = arith.constant 0 : i32
      %dma_wait3A_337 = tpu.memref_slice %arg10[%dma_wait3A_334, %dma_wait3A_336] : memref<8x125xf32, #tpu.memory_space<vmem>> -> memref<1x125xf32, #tpu.memory_space<vmem>>
      %dma_wait3A_338 = tpu.memref_squeeze %dma_wait3A_337 : memref<1x125xf32, #tpu.memory_space<vmem>> -> memref<125xf32, #tpu.memory_space<vmem>>
      %dma_wait3A_339 = arith.constant 0 : i32
      %dma_wait3A_340 = tpu.memref_slice %arg9[%add3A_150, %dma_wait3A_335, %dma_wait3A_339] : memref<10x8x125xi32, #tpu.memory_space<vmem>> -> memref<1x1x125xi32, #tpu.memory_space<vmem>>
      %dma_wait3A_341 = tpu.memref_squeeze %dma_wait3A_340 : memref<1x1x125xi32, #tpu.memory_space<vmem>> -> memref<125xi32, #tpu.memory_space<vmem>>
      %dma_wait3A_342 = arith.constant 0 : i32
      %dma_wait3A_343 = tpu.memref_slice %arg8[%dma_wait3A_342] : memref<10240xf32, #tpu.memory_space<vmem_shared>> -> memref<10240xf32, #tpu.memory_space<vmem_shared>>
      tpu.wait_indirect_dma semaphore(%arg11 : memref<!tpu.dma_semaphore, #tpu.memory_space<semaphore_mem>>) src(%dma_wait3A_338 : memref<125xf32, #tpu.memory_space<vmem>>) dst(%dma_wait3A_343 : memref<10240xf32, #tpu.memory_space<vmem_shared>>)
      %dma_wait3A_344 = arith.constant 0 : i32
      %dma_wait3A_345 = arith.constant 2 : i32
      %dma_wait3A_346 = arith.constant 0 : i32
      %dma_wait3A_347 = tpu.memref_slice %arg10[%dma_wait3A_344, %dma_wait3A_346] : memref<8x125xf32, #tpu.memory_space<vmem>> -> memref<1x125xf32, #tpu.memory_space<vmem>>
      %dma_wait3A_348 = tpu.memref_squeeze %dma_wait3A_347 : memref<1x125xf32, #tpu.memory_space<vmem>> -> memref<125xf32, #tpu.memory_space<vmem>>
      %dma_wait3A_349 = arith.constant 0 : i32
      %dma_wait3A_350 = tpu.memref_slice %arg9[%add3A_164, %dma_wait3A_345, %dma_wait3A_349] : memref<10x8x125xi32, #tpu.memory_space<vmem>> -> memref<1x1x125xi32, #tpu.memory_space<vmem>>
      %dma_wait3A_351 = tpu.memref_squeeze %dma_wait3A_350 : memref<1x1x125xi32, #tpu.memory_space<vmem>> -> memref<125xi32, #tpu.memory_space<vmem>>
      %dma_wait3A_352 = arith.constant 0 : i32
      %dma_wait3A_353 = tpu.memref_slice %arg8[%dma_wait3A_352] : memref<10240xf32, #tpu.memory_space<vmem_shared>> -> memref<10240xf32, #tpu.memory_space<vmem_shared>>
      tpu.wait_indirect_dma semaphore(%arg11 : memref<!tpu.dma_semaphore, #tpu.memory_space<semaphore_mem>>) src(%dma_wait3A_348 : memref<125xf32, #tpu.memory_space<vmem>>) dst(%dma_wait3A_353 : memref<10240xf32, #tpu.memory_space<vmem_shared>>)
      %dma_wait3A_354 = arith.constant 0 : i32
      %dma_wait3A_355 = arith.constant 3 : i32
      %dma_wait3A_356 = arith.constant 0 : i32
      %dma_wait3A_357 = tpu.memref_slice %arg10[%dma_wait3A_354, %dma_wait3A_356] : memref<8x125xf32, #tpu.memory_space<vmem>> -> memref<1x125xf32, #tpu.memory_space<vmem>>
      %dma_wait3A_358 = tpu.memref_squeeze %dma_wait3A_357 : memref<1x125xf32, #tpu.memory_space<vmem>> -> memref<125xf32, #tpu.memory_space<vmem>>
      %dma_wait3A_359 = arith.constant 0 : i32
      %dma_wait3A_360 = tpu.memref_slice %arg9[%add3A_178, %dma_wait3A_355, %dma_wait3A_359] : memref<10x8x125xi32, #tpu.memory_space<vmem>> -> memref<1x1x125xi32, #tpu.memory_space<vmem>>
      %dma_wait3A_361 = tpu.memref_squeeze %dma_wait3A_360 : memref<1x1x125xi32, #tpu.memory_space<vmem>> -> memref<125xi32, #tpu.memory_space<vmem>>
      %dma_wait3A_362 = arith.constant 0 : i32
      %dma_wait3A_363 = tpu.memref_slice %arg8[%dma_wait3A_362] : memref<10240xf32, #tpu.memory_space<vmem_shared>> -> memref<10240xf32, #tpu.memory_space<vmem_shared>>
      tpu.wait_indirect_dma semaphore(%arg11 : memref<!tpu.dma_semaphore, #tpu.memory_space<semaphore_mem>>) src(%dma_wait3A_358 : memref<125xf32, #tpu.memory_space<vmem>>) dst(%dma_wait3A_363 : memref<10240xf32, #tpu.memory_space<vmem_shared>>)
      %dma_wait3A_364 = arith.constant 0 : i32
      %dma_wait3A_365 = arith.constant 4 : i32
      %dma_wait3A_366 = arith.constant 0 : i32
      %dma_wait3A_367 = tpu.memref_slice %arg10[%dma_wait3A_364, %dma_wait3A_366] : memref<8x125xf32, #tpu.memory_space<vmem>> -> memref<1x125xf32, #tpu.memory_space<vmem>>
      %dma_wait3A_368 = tpu.memref_squeeze %dma_wait3A_367 : memref<1x125xf32, #tpu.memory_space<vmem>> -> memref<125xf32, #tpu.memory_space<vmem>>
      %dma_wait3A_369 = arith.constant 0 : i32
      %dma_wait3A_370 = tpu.memref_slice %arg9[%add3A_192, %dma_wait3A_365, %dma_wait3A_369] : memref<10x8x125xi32, #tpu.memory_space<vmem>> -> memref<1x1x125xi32, #tpu.memory_space<vmem>>
      %dma_wait3A_371 = tpu.memref_squeeze %dma_wait3A_370 : memref<1x1x125xi32, #tpu.memory_space<vmem>> -> memref<125xi32, #tpu.memory_space<vmem>>
      %dma_wait3A_372 = arith.constant 0 : i32
      %dma_wait3A_373 = tpu.memref_slice %arg8[%dma_wait3A_372] : memref<10240xf32, #tpu.memory_space<vmem_shared>> -> memref<10240xf32, #tpu.memory_space<vmem_shared>>
      tpu.wait_indirect_dma semaphore(%arg11 : memref<!tpu.dma_semaphore, #tpu.memory_space<semaphore_mem>>) src(%dma_wait3A_368 : memref<125xf32, #tpu.memory_space<vmem>>) dst(%dma_wait3A_373 : memref<10240xf32, #tpu.memory_space<vmem_shared>>)
      %dma_wait3A_374 = arith.constant 0 : i32
      %dma_wait3A_375 = arith.constant 5 : i32
      %dma_wait3A_376 = arith.constant 0 : i32
      %dma_wait3A_377 = tpu.memref_slice %arg10[%dma_wait3A_374, %dma_wait3A_376] : memref<8x125xf32, #tpu.memory_space<vmem>> -> memref<1x125xf32, #tpu.memory_space<vmem>>
      %dma_wait3A_378 = tpu.memref_squeeze %dma_wait3A_377 : memref<1x125xf32, #tpu.memory_space<vmem>> -> memref<125xf32, #tpu.memory_space<vmem>>
      %dma_wait3A_379 = arith.constant 0 : i32
      %dma_wait3A_380 = tpu.memref_slice %arg9[%add3A_206, %dma_wait3A_375, %dma_wait3A_379] : memref<10x8x125xi32, #tpu.memory_space<vmem>> -> memref<1x1x125xi32, #tpu.memory_space<vmem>>
      %dma_wait3A_381 = tpu.memref_squeeze %dma_wait3A_380 : memref<1x1x125xi32, #tpu.memory_space<vmem>> -> memref<125xi32, #tpu.memory_space<vmem>>
      %dma_wait3A_382 = arith.constant 0 : i32
      %dma_wait3A_383 = tpu.memref_slice %arg8[%dma_wait3A_382] : memref<10240xf32, #tpu.memory_space<vmem_shared>> -> memref<10240xf32, #tpu.memory_space<vmem_shared>>
      tpu.wait_indirect_dma semaphore(%arg11 : memref<!tpu.dma_semaphore, #tpu.memory_space<semaphore_mem>>) src(%dma_wait3A_378 : memref<125xf32, #tpu.memory_space<vmem>>) dst(%dma_wait3A_383 : memref<10240xf32, #tpu.memory_space<vmem_shared>>)
      %dma_wait3A_384 = arith.constant 0 : i32
      %dma_wait3A_385 = arith.constant 6 : i32
      %dma_wait3A_386 = arith.constant 0 : i32
      %dma_wait3A_387 = tpu.memref_slice %arg10[%dma_wait3A_384, %dma_wait3A_386] : memref<8x125xf32, #tpu.memory_space<vmem>> -> memref<1x125xf32, #tpu.memory_space<vmem>>
      %dma_wait3A_388 = tpu.memref_squeeze %dma_wait3A_387 : memref<1x125xf32, #tpu.memory_space<vmem>> -> memref<125xf32, #tpu.memory_space<vmem>>
      %dma_wait3A_389 = arith.constant 0 : i32
      %dma_wait3A_390 = tpu.memref_slice %arg9[%add3A_220, %dma_wait3A_385, %dma_wait3A_389] : memref<10x8x125xi32, #tpu.memory_space<vmem>> -> memref<1x1x125xi32, #tpu.memory_space<vmem>>
      %dma_wait3A_391 = tpu.memref_squeeze %dma_wait3A_390 : memref<1x1x125xi32, #tpu.memory_space<vmem>> -> memref<125xi32, #tpu.memory_space<vmem>>
      %dma_wait3A_392 = arith.constant 0 : i32
      %dma_wait3A_393 = tpu.memref_slice %arg8[%dma_wait3A_392] : memref<10240xf32, #tpu.memory_space<vmem_shared>> -> memref<10240xf32, #tpu.memory_space<vmem_shared>>
      tpu.wait_indirect_dma semaphore(%arg11 : memref<!tpu.dma_semaphore, #tpu.memory_space<semaphore_mem>>) src(%dma_wait3A_388 : memref<125xf32, #tpu.memory_space<vmem>>) dst(%dma_wait3A_393 : memref<10240xf32, #tpu.memory_space<vmem_shared>>)
      %dma_wait3A_394 = arith.constant 0 : i32
      %dma_wait3A_395 = arith.constant 7 : i32
      %dma_wait3A_396 = arith.constant 0 : i32
      %dma_wait3A_397 = tpu.memref_slice %arg10[%dma_wait3A_394, %dma_wait3A_396] : memref<8x125xf32, #tpu.memory_space<vmem>> -> memref<1x125xf32, #tpu.memory_space<vmem>>
      %dma_wait3A_398 = tpu.memref_squeeze %dma_wait3A_397 : memref<1x125xf32, #tpu.memory_space<vmem>> -> memref<125xf32, #tpu.memory_space<vmem>>
      %dma_wait3A_399 = arith.constant 0 : i32
      %dma_wait3A_400 = tpu.memref_slice %arg9[%add3A_234, %dma_wait3A_395, %dma_wait3A_399] : memref<10x8x125xi32, #tpu.memory_space<vmem>> -> memref<1x1x125xi32, #tpu.memory_space<vmem>>
      %dma_wait3A_401 = tpu.memref_squeeze %dma_wait3A_400 : memref<1x1x125xi32, #tpu.memory_space<vmem>> -> memref<125xi32, #tpu.memory_space<vmem>>
      %dma_wait3A_402 = arith.constant 0 : i32
      %dma_wait3A_403 = tpu.memref_slice %arg8[%dma_wait3A_402] : memref<10240xf32, #tpu.memory_space<vmem_shared>> -> memref<10240xf32, #tpu.memory_space<vmem_shared>>
      tpu.wait_indirect_dma semaphore(%arg11 : memref<!tpu.dma_semaphore, #tpu.memory_space<semaphore_mem>>) src(%dma_wait3A_398 : memref<125xf32, #tpu.memory_space<vmem>>) dst(%dma_wait3A_403 : memref<10240xf32, #tpu.memory_space<vmem_shared>>)
    }
    %scan3A_11 = arith.constant 5 : i32
    %barrier3A_12 = arith.constant 0 : index
    tpu.barrier barrier_id(%barrier3A_12)
    %eq3A_13 = arith.constant 0 : i32
    %eq3A_14 = arith.cmpi eq, %arg0, %eq3A_13 : i32
    %convert_element_type3A_15 = arith.extui %eq3A_14 : i1 to i32
    %cond3A_16 = arith.constant 0 : i32
    %cond3A_17 = arith.cmpi ne, %convert_element_type3A_15, %cond3A_16 : i32
    scf.if %cond3A_17 {
      %mul3A = arith.constant 640 : i32
      %mul3A_23 = arith.muli %arg1, %mul3A : i32
      %mul3A_24 = arith.constant 640 : i32
      %mul3A_25 = arith.muli %arg1, %mul3A_24 : i32
      "tpu.region"() ({
        %run_scoped3A = tpu.sem_alloc : memref<!tpu.dma_semaphore, #tpu.memory_space<semaphore_mem>>
        %dma_start3A = tpu.memref_slice %arg6[%mul3A_25] : memref<10240xf32, #tpu.memory_space<hbm>> -> memref<640xf32, #tpu.memory_space<hbm>>
        %dma_start3A_26 = tpu.memref_slice %arg8[%mul3A_23] : memref<10240xf32, #tpu.memory_space<vmem_shared>> -> memref<640xf32, #tpu.memory_space<vmem_shared>>
        tpu.enqueue_dma source(%dma_start3A_26 : memref<640xf32, #tpu.memory_space<vmem_shared>>) target(%dma_start3A : memref<640xf32, #tpu.memory_space<hbm>>) target_semaphore(%run_scoped3A : memref<!tpu.dma_semaphore, #tpu.memory_space<semaphore_mem>>)
        %dma_wait3A = tpu.memref_slice %arg6[%mul3A_25] : memref<10240xf32, #tpu.memory_space<hbm>> -> memref<640xf32, #tpu.memory_space<hbm>>
        %dma_wait3A_27 = tpu.memref_slice %arg8[%mul3A_23] : memref<10240xf32, #tpu.memory_space<vmem_shared>> -> memref<640xf32, #tpu.memory_space<vmem_shared>>
        tpu.wait_dma2 semaphore(%run_scoped3A : memref<!tpu.dma_semaphore, #tpu.memory_space<semaphore_mem>>) src(%dma_wait3A_27 : memref<640xf32, #tpu.memory_space<vmem_shared>>) dst(%dma_wait3A : memref<640xf32, #tpu.memory_space<hbm>>)
        tpu.yield
      }) : () -> ()
    } else {
    }
    %eq3A_18 = arith.constant 1 : i32
    %eq3A_19 = arith.cmpi eq, %arg0, %eq3A_18 : i32
    %convert_element_type3A_20 = arith.extui %eq3A_19 : i1 to i32
    %cond3A_21 = arith.constant 0 : i32
    %cond3A_22 = arith.cmpi ne, %convert_element_type3A_20, %cond3A_21 : i32
    scf.if %cond3A_22 {
      %mul3A = arith.constant 640 : i32
      %mul3A_23 = arith.muli %arg1, %mul3A : i32
      %mul3A_24 = arith.constant 640 : i32
      %mul3A_25 = arith.muli %arg1, %mul3A_24 : i32
      "tpu.region"() ({
        %run_scoped3A = tpu.sem_alloc : memref<!tpu.dma_semaphore, #tpu.memory_space<semaphore_mem>>
        %dma_start3A = tpu.memref_slice %arg7[%mul3A_25] : memref<10240xf32, #tpu.memory_space<hbm>> -> memref<640xf32, #tpu.memory_space<hbm>>
        %dma_start3A_26 = tpu.memref_slice %arg8[%mul3A_23] : memref<10240xf32, #tpu.memory_space<vmem_shared>> -> memref<640xf32, #tpu.memory_space<vmem_shared>>
        tpu.enqueue_dma source(%dma_start3A_26 : memref<640xf32, #tpu.memory_space<vmem_shared>>) target(%dma_start3A : memref<640xf32, #tpu.memory_space<hbm>>) target_semaphore(%run_scoped3A : memref<!tpu.dma_semaphore, #tpu.memory_space<semaphore_mem>>)
        %dma_wait3A = tpu.memref_slice %arg7[%mul3A_25] : memref<10240xf32, #tpu.memory_space<hbm>> -> memref<640xf32, #tpu.memory_space<hbm>>
        %dma_wait3A_27 = tpu.memref_slice %arg8[%mul3A_23] : memref<10240xf32, #tpu.memory_space<vmem_shared>> -> memref<640xf32, #tpu.memory_space<vmem_shared>>
        tpu.wait_dma2 semaphore(%run_scoped3A : memref<!tpu.dma_semaphore, #tpu.memory_space<semaphore_mem>>) src(%dma_wait3A_27 : memref<640xf32, #tpu.memory_space<vmem_shared>>) dst(%dma_wait3A : memref<640xf32, #tpu.memory_space<hbm>>)
        tpu.yield
      }) : () -> ()
    } else {
    }
    return
  }
}

#map = affine_map<(d0, d1) -> (0, 0)>
#map1 = affine_map<(d0, d1) -> (0, 0, 0, 0)>
module attributes {stable_mosaic.version = 14 : i64} {
  func.func @_agg(%arg0: i32, %arg1: i32, %arg2: memref<10000x128xf32, #tpu.memory_space<hbm>>, %arg3: memref<32x2x40x125xi32, #tpu.memory_space<hbm>>, %arg4: memref<32x2x40x125xi32, #tpu.memory_space<hbm>>, %arg5: memref<10000x128xf32, #tpu.memory_space<hbm>>, %arg6: memref<10000x128xf32, #tpu.memory_space<hbm>>, %arg7: memref<10000x128xf32, #tpu.memory_space<hbm>>, %arg8: memref<10000x128xf32, #tpu.memory_space<vmem_shared>>, %arg9: memref<40x125xi32, #tpu.memory_space<vmem>>, %arg10: memref<40x125xi32, #tpu.memory_space<vmem>>, %arg11: memref<2x125x128xf32, #tpu.memory_space<vmem>>, %arg12: memref<!tpu.dma_semaphore, #tpu.memory_space<semaphore_mem>>, %arg13: memref<!tpu.dma_semaphore, #tpu.memory_space<semaphore_mem>>, %arg14: memref<!tpu.dma_semaphore, #tpu.memory_space<semaphore_mem>>, %arg15: memref<!tpu.dma_semaphore, #tpu.memory_space<semaphore_mem>>) attributes {dimension_semantics = [#tpu.dimension_semantics<core_parallel>, #tpu.dimension_semantics<subcore_parallel>], iteration_bounds = array<i64: 2, 16>, scalar_prefetch = 0 : i64, scratch_operands = 8 : i64, tpu.core_type = #tpu.core_type<sc_vector_subcore>, window_params = [{transform_indices = #map}, {transform_indices = #map1}, {transform_indices = #map1}, {transform_indices = #map}, {transform_indices = #map}, {transform_indices = #map}]} {
    %mul3A = arith.constant 16 : i32
    %mul3A_0 = arith.muli %arg0, %mul3A : i32
    %add3A = arith.addi %mul3A_0, %arg1 : i32
    %lt3A = arith.constant 15 : i32
    %lt3A_1 = arith.cmpi slt, %arg1, %lt3A : i32
    %convert_element_type3A = arith.extui %lt3A_1 : i1 to i32
    %cond3A = arith.constant 0 : i32
    %cond3A_2 = arith.cmpi ne, %convert_element_type3A, %cond3A : i32
    scf.if %cond3A_2 {
      %mul3A_32 = arith.constant 640 : i32
      %mul3A_33 = arith.muli %arg1, %mul3A_32 : i32
      %mul3A_34 = arith.constant 640 : i32
      %mul3A_35 = arith.muli %arg1, %mul3A_34 : i32
      "tpu.region"() ({
        %run_scoped3A_36 = tpu.sem_alloc : memref<!tpu.dma_semaphore, #tpu.memory_space<semaphore_mem>>
        %dma_start3A = arith.constant 0 : i32
        %dma_start3A_37 = tpu.memref_slice %arg8[%mul3A_35, %dma_start3A] : memref<10000x128xf32, #tpu.memory_space<vmem_shared>> -> memref<640x128xf32, #tpu.memory_space<vmem_shared>>
        %dma_start3A_38 = arith.constant 0 : i32
        %dma_start3A_39 = tpu.memref_slice %arg5[%mul3A_33, %dma_start3A_38] : memref<10000x128xf32, #tpu.memory_space<hbm>> -> memref<640x128xf32, #tpu.memory_space<hbm>>
        tpu.enqueue_dma source(%dma_start3A_39 : memref<640x128xf32, #tpu.memory_space<hbm>>) target(%dma_start3A_37 : memref<640x128xf32, #tpu.memory_space<vmem_shared>>) target_semaphore(%run_scoped3A_36 : memref<!tpu.dma_semaphore, #tpu.memory_space<semaphore_mem>>)
        %dma_wait3A = arith.constant 0 : i32
        %dma_wait3A_40 = tpu.memref_slice %arg8[%mul3A_35, %dma_wait3A] : memref<10000x128xf32, #tpu.memory_space<vmem_shared>> -> memref<640x128xf32, #tpu.memory_space<vmem_shared>>
        %dma_wait3A_41 = arith.constant 0 : i32
        %dma_wait3A_42 = tpu.memref_slice %arg5[%mul3A_33, %dma_wait3A_41] : memref<10000x128xf32, #tpu.memory_space<hbm>> -> memref<640x128xf32, #tpu.memory_space<hbm>>
        tpu.wait_dma2 semaphore(%run_scoped3A_36 : memref<!tpu.dma_semaphore, #tpu.memory_space<semaphore_mem>>) src(%dma_wait3A_42 : memref<640x128xf32, #tpu.memory_space<hbm>>) dst(%dma_wait3A_40 : memref<640x128xf32, #tpu.memory_space<vmem_shared>>)
        tpu.yield
      }) : () -> ()
    } else {
    }
    %eq3A = arith.constant 15 : i32
    %eq3A_3 = arith.cmpi eq, %arg1, %eq3A : i32
    %convert_element_type3A_4 = arith.extui %eq3A_3 : i1 to i32
    %cond3A_5 = arith.constant 0 : i32
    %cond3A_6 = arith.cmpi ne, %convert_element_type3A_4, %cond3A_5 : i32
    scf.if %cond3A_6 {
      "tpu.region"() ({
        %run_scoped3A_32 = tpu.sem_alloc : memref<!tpu.dma_semaphore, #tpu.memory_space<semaphore_mem>>
        %dma_start3A = arith.constant 9600 : i32
        %dma_start3A_33 = arith.constant 0 : i32
        %dma_start3A_34 = tpu.memref_slice %arg8[%dma_start3A, %dma_start3A_33] : memref<10000x128xf32, #tpu.memory_space<vmem_shared>> -> memref<400x128xf32, #tpu.memory_space<vmem_shared>>
        %dma_start3A_35 = arith.constant 9600 : i32
        %dma_start3A_36 = arith.constant 0 : i32
        %dma_start3A_37 = tpu.memref_slice %arg5[%dma_start3A_35, %dma_start3A_36] : memref<10000x128xf32, #tpu.memory_space<hbm>> -> memref<400x128xf32, #tpu.memory_space<hbm>>
        tpu.enqueue_dma source(%dma_start3A_37 : memref<400x128xf32, #tpu.memory_space<hbm>>) target(%dma_start3A_34 : memref<400x128xf32, #tpu.memory_space<vmem_shared>>) target_semaphore(%run_scoped3A_32 : memref<!tpu.dma_semaphore, #tpu.memory_space<semaphore_mem>>)
        %dma_wait3A = arith.constant 9600 : i32
        %dma_wait3A_38 = arith.constant 0 : i32
        %dma_wait3A_39 = tpu.memref_slice %arg8[%dma_wait3A, %dma_wait3A_38] : memref<10000x128xf32, #tpu.memory_space<vmem_shared>> -> memref<400x128xf32, #tpu.memory_space<vmem_shared>>
        %dma_wait3A_40 = arith.constant 9600 : i32
        %dma_wait3A_41 = arith.constant 0 : i32
        %dma_wait3A_42 = tpu.memref_slice %arg5[%dma_wait3A_40, %dma_wait3A_41] : memref<10000x128xf32, #tpu.memory_space<hbm>> -> memref<400x128xf32, #tpu.memory_space<hbm>>
        tpu.wait_dma2 semaphore(%run_scoped3A_32 : memref<!tpu.dma_semaphore, #tpu.memory_space<semaphore_mem>>) src(%dma_wait3A_42 : memref<400x128xf32, #tpu.memory_space<hbm>>) dst(%dma_wait3A_39 : memref<400x128xf32, #tpu.memory_space<vmem_shared>>)
        tpu.yield
      }) : () -> ()
    } else {
    }
    %barrier3A = arith.constant 0 : index
    tpu.barrier barrier_id(%barrier3A)
    %run_scoped3A = arith.constant 0 : i32
    "tpu.region"() ({
      %run_scoped3A_32 = tpu.sem_alloc : memref<!tpu.dma_semaphore, #tpu.memory_space<semaphore_mem>>
      %dma_start3A = arith.constant 0 : i32
      %dma_start3A_33 = arith.constant 0 : i32
      %dma_start3A_34 = tpu.memref_slice %arg3[%add3A, %run_scoped3A, %dma_start3A, %dma_start3A_33] : memref<32x2x40x125xi32, #tpu.memory_space<hbm>> -> memref<1x1x40x125xi32, #tpu.memory_space<hbm>>
      %dma_start3A_35 = tpu.memref_squeeze %dma_start3A_34 : memref<1x1x40x125xi32, #tpu.memory_space<hbm>> -> memref<40x125xi32, #tpu.memory_space<hbm>>
      %dma_start3A_36 = arith.constant 0 : i32
      %dma_start3A_37 = arith.constant 0 : i32
      %dma_start3A_38 = tpu.memref_slice %arg3[%add3A, %run_scoped3A, %dma_start3A_36, %dma_start3A_37] : memref<32x2x40x125xi32, #tpu.memory_space<hbm>> -> memref<1x1x40x125xi32, #tpu.memory_space<hbm>>
      %dma_start3A_39 = tpu.memref_squeeze %dma_start3A_38 : memref<1x1x40x125xi32, #tpu.memory_space<hbm>> -> memref<40x125xi32, #tpu.memory_space<hbm>>
      tpu.enqueue_dma source(%dma_start3A_39 : memref<40x125xi32, #tpu.memory_space<hbm>>) target(%arg9 : memref<40x125xi32, #tpu.memory_space<vmem>>) target_semaphore(%run_scoped3A_32 : memref<!tpu.dma_semaphore, #tpu.memory_space<semaphore_mem>>)
      %dma_wait3A = arith.constant 0 : i32
      %dma_wait3A_40 = arith.constant 0 : i32
      %dma_wait3A_41 = tpu.memref_slice %arg3[%add3A, %run_scoped3A, %dma_wait3A, %dma_wait3A_40] : memref<32x2x40x125xi32, #tpu.memory_space<hbm>> -> memref<1x1x40x125xi32, #tpu.memory_space<hbm>>
      %dma_wait3A_42 = tpu.memref_squeeze %dma_wait3A_41 : memref<1x1x40x125xi32, #tpu.memory_space<hbm>> -> memref<40x125xi32, #tpu.memory_space<hbm>>
      %dma_wait3A_43 = arith.constant 0 : i32
      %dma_wait3A_44 = arith.constant 0 : i32
      %dma_wait3A_45 = tpu.memref_slice %arg3[%add3A, %run_scoped3A, %dma_wait3A_43, %dma_wait3A_44] : memref<32x2x40x125xi32, #tpu.memory_space<hbm>> -> memref<1x1x40x125xi32, #tpu.memory_space<hbm>>
      %dma_wait3A_46 = tpu.memref_squeeze %dma_wait3A_45 : memref<1x1x40x125xi32, #tpu.memory_space<hbm>> -> memref<40x125xi32, #tpu.memory_space<hbm>>
      tpu.wait_dma2 semaphore(%run_scoped3A_32 : memref<!tpu.dma_semaphore, #tpu.memory_space<semaphore_mem>>) src(%dma_wait3A_46 : memref<40x125xi32, #tpu.memory_space<hbm>>) dst(%arg9 : memref<40x125xi32, #tpu.memory_space<vmem>>)
      tpu.yield
    }) : () -> ()
    %run_scoped3A_7 = arith.constant 0 : i32
    "tpu.region"() ({
      %run_scoped3A_32 = tpu.sem_alloc : memref<!tpu.dma_semaphore, #tpu.memory_space<semaphore_mem>>
      %dma_start3A = arith.constant 0 : i32
      %dma_start3A_33 = arith.constant 0 : i32
      %dma_start3A_34 = tpu.memref_slice %arg4[%add3A, %run_scoped3A_7, %dma_start3A, %dma_start3A_33] : memref<32x2x40x125xi32, #tpu.memory_space<hbm>> -> memref<1x1x40x125xi32, #tpu.memory_space<hbm>>
      %dma_start3A_35 = tpu.memref_squeeze %dma_start3A_34 : memref<1x1x40x125xi32, #tpu.memory_space<hbm>> -> memref<40x125xi32, #tpu.memory_space<hbm>>
      %dma_start3A_36 = arith.constant 0 : i32
      %dma_start3A_37 = arith.constant 0 : i32
      %dma_start3A_38 = tpu.memref_slice %arg4[%add3A, %run_scoped3A_7, %dma_start3A_36, %dma_start3A_37] : memref<32x2x40x125xi32, #tpu.memory_space<hbm>> -> memref<1x1x40x125xi32, #tpu.memory_space<hbm>>
      %dma_start3A_39 = tpu.memref_squeeze %dma_start3A_38 : memref<1x1x40x125xi32, #tpu.memory_space<hbm>> -> memref<40x125xi32, #tpu.memory_space<hbm>>
      tpu.enqueue_dma source(%dma_start3A_39 : memref<40x125xi32, #tpu.memory_space<hbm>>) target(%arg10 : memref<40x125xi32, #tpu.memory_space<vmem>>) target_semaphore(%run_scoped3A_32 : memref<!tpu.dma_semaphore, #tpu.memory_space<semaphore_mem>>)
      %dma_wait3A = arith.constant 0 : i32
      %dma_wait3A_40 = arith.constant 0 : i32
      %dma_wait3A_41 = tpu.memref_slice %arg4[%add3A, %run_scoped3A_7, %dma_wait3A, %dma_wait3A_40] : memref<32x2x40x125xi32, #tpu.memory_space<hbm>> -> memref<1x1x40x125xi32, #tpu.memory_space<hbm>>
      %dma_wait3A_42 = tpu.memref_squeeze %dma_wait3A_41 : memref<1x1x40x125xi32, #tpu.memory_space<hbm>> -> memref<40x125xi32, #tpu.memory_space<hbm>>
      %dma_wait3A_43 = arith.constant 0 : i32
      %dma_wait3A_44 = arith.constant 0 : i32
      %dma_wait3A_45 = tpu.memref_slice %arg4[%add3A, %run_scoped3A_7, %dma_wait3A_43, %dma_wait3A_44] : memref<32x2x40x125xi32, #tpu.memory_space<hbm>> -> memref<1x1x40x125xi32, #tpu.memory_space<hbm>>
      %dma_wait3A_46 = tpu.memref_squeeze %dma_wait3A_45 : memref<1x1x40x125xi32, #tpu.memory_space<hbm>> -> memref<40x125xi32, #tpu.memory_space<hbm>>
      tpu.wait_dma2 semaphore(%run_scoped3A_32 : memref<!tpu.dma_semaphore, #tpu.memory_space<semaphore_mem>>) src(%dma_wait3A_46 : memref<40x125xi32, #tpu.memory_space<hbm>>) dst(%arg10 : memref<40x125xi32, #tpu.memory_space<vmem>>)
      tpu.yield
    }) : () -> ()
    %scan3A = arith.constant 0 : i32
    %scan3A_8 = arith.constant 0 : i32
    %scan3A_9 = arith.constant 4 : i32
    %scan3A_10 = arith.addi %scan3A_8, %scan3A_9 : i32
    %scan3A_11 = arith.constant 1 : i32
    scf.for %scan3A_32 = %scan3A_8 to %scan3A_10 step %scan3A_11  : i32 {
      %mul3A_33 = arith.constant 10 : i32
      %mul3A_34 = arith.muli %scan3A_32, %mul3A_33 : i32
      %dma_start3A = arith.constant 0 : i32
      %dma_start3A_35 = arith.constant 0 : i32
      %dma_start3A_36 = arith.constant 0 : i32
      %dma_start3A_37 = tpu.memref_slice %arg11[%dma_start3A, %dma_start3A_35, %dma_start3A_36] : memref<2x125x128xf32, #tpu.memory_space<vmem>> -> memref<1x125x128xf32, #tpu.memory_space<vmem>>
      %dma_start3A_38 = tpu.memref_squeeze %dma_start3A_37 : memref<1x125x128xf32, #tpu.memory_space<vmem>> -> memref<125x128xf32, #tpu.memory_space<vmem>>
      %dma_start3A_39 = arith.constant 0 : i32
      %dma_start3A_40 = tpu.memref_slice %arg9[%mul3A_34, %dma_start3A_39] : memref<40x125xi32, #tpu.memory_space<vmem>> -> memref<1x125xi32, #tpu.memory_space<vmem>>
      %dma_start3A_41 = tpu.memref_squeeze %dma_start3A_40 : memref<1x125xi32, #tpu.memory_space<vmem>> -> memref<125xi32, #tpu.memory_space<vmem>>
      %dma_start3A_42 = arith.constant 0 : i32
      %dma_start3A_43 = arith.constant 0 : i32
      %dma_start3A_44 = tpu.memref_slice %arg2[%dma_start3A_42, %dma_start3A_43] : memref<10000x128xf32, #tpu.memory_space<hbm>> -> memref<10000x128xf32, #tpu.memory_space<hbm>>
      tpu.enqueue_indirect_dma source(%dma_start3A_44 : memref<10000x128xf32, #tpu.memory_space<hbm>>) target(%dma_start3A_38 : memref<125x128xf32, #tpu.memory_space<vmem>>) offsets(%dma_start3A_41 : memref<125xi32, #tpu.memory_space<vmem>>) semaphore(%arg12 : memref<!tpu.dma_semaphore, #tpu.memory_space<semaphore_mem>>)
      %add3A_45 = arith.constant 0 : i32
      %add3A_46 = arith.addi %mul3A_34, %add3A_45 : i32
      %add3A_47 = arith.constant 1 : i32
      %add3A_48 = arith.addi %add3A_46, %add3A_47 : i32
      %dma_start3A_49 = arith.constant 1 : i32
      %dma_start3A_50 = arith.constant 0 : i32
      %dma_start3A_51 = arith.constant 0 : i32
      %dma_start3A_52 = tpu.memref_slice %arg11[%dma_start3A_49, %dma_start3A_50, %dma_start3A_51] : memref<2x125x128xf32, #tpu.memory_space<vmem>> -> memref<1x125x128xf32, #tpu.memory_space<vmem>>
      %dma_start3A_53 = tpu.memref_squeeze %dma_start3A_52 : memref<1x125x128xf32, #tpu.memory_space<vmem>> -> memref<125x128xf32, #tpu.memory_space<vmem>>
      %dma_start3A_54 = arith.constant 0 : i32
      %dma_start3A_55 = tpu.memref_slice %arg9[%add3A_48, %dma_start3A_54] : memref<40x125xi32, #tpu.memory_space<vmem>> -> memref<1x125xi32, #tpu.memory_space<vmem>>
      %dma_start3A_56 = tpu.memref_squeeze %dma_start3A_55 : memref<1x125xi32, #tpu.memory_space<vmem>> -> memref<125xi32, #tpu.memory_space<vmem>>
      %dma_start3A_57 = arith.constant 0 : i32
      %dma_start3A_58 = arith.constant 0 : i32
      %dma_start3A_59 = tpu.memref_slice %arg2[%dma_start3A_57, %dma_start3A_58] : memref<10000x128xf32, #tpu.memory_space<hbm>> -> memref<10000x128xf32, #tpu.memory_space<hbm>>
      tpu.enqueue_indirect_dma source(%dma_start3A_59 : memref<10000x128xf32, #tpu.memory_space<hbm>>) target(%dma_start3A_53 : memref<125x128xf32, #tpu.memory_space<vmem>>) offsets(%dma_start3A_56 : memref<125xi32, #tpu.memory_space<vmem>>) semaphore(%arg13 : memref<!tpu.dma_semaphore, #tpu.memory_space<semaphore_mem>>)
      %dma_wait3A = arith.constant 0 : i32
      %dma_wait3A_60 = arith.constant 0 : i32
      %dma_wait3A_61 = arith.constant 0 : i32
      %dma_wait3A_62 = tpu.memref_slice %arg11[%dma_wait3A, %dma_wait3A_60, %dma_wait3A_61] : memref<2x125x128xf32, #tpu.memory_space<vmem>> -> memref<1x125x128xf32, #tpu.memory_space<vmem>>
      %dma_wait3A_63 = tpu.memref_squeeze %dma_wait3A_62 : memref<1x125x128xf32, #tpu.memory_space<vmem>> -> memref<125x128xf32, #tpu.memory_space<vmem>>
      %dma_wait3A_64 = arith.constant 0 : i32
      %dma_wait3A_65 = tpu.memref_slice %arg9[%mul3A_34, %dma_wait3A_64] : memref<40x125xi32, #tpu.memory_space<vmem>> -> memref<1x125xi32, #tpu.memory_space<vmem>>
      %dma_wait3A_66 = tpu.memref_squeeze %dma_wait3A_65 : memref<1x125xi32, #tpu.memory_space<vmem>> -> memref<125xi32, #tpu.memory_space<vmem>>
      %dma_wait3A_67 = arith.constant 0 : i32
      %dma_wait3A_68 = arith.constant 0 : i32
      %dma_wait3A_69 = tpu.memref_slice %arg2[%dma_wait3A_67, %dma_wait3A_68] : memref<10000x128xf32, #tpu.memory_space<hbm>> -> memref<10000x128xf32, #tpu.memory_space<hbm>>
      tpu.wait_indirect_dma semaphore(%arg12 : memref<!tpu.dma_semaphore, #tpu.memory_space<semaphore_mem>>) src(%dma_wait3A_69 : memref<10000x128xf32, #tpu.memory_space<hbm>>) dst(%dma_wait3A_63 : memref<125x128xf32, #tpu.memory_space<vmem>>)
      %add3A_70 = arith.constant 0 : i32
      %add3A_71 = arith.addi %mul3A_34, %add3A_70 : i32
      %dma_start3A_72 = arith.constant 0 : i32
      %dma_start3A_73 = arith.constant 0 : i32
      %dma_start3A_74 = arith.constant 0 : i32
      %dma_start3A_75 = tpu.memref_slice %arg11[%dma_start3A_72, %dma_start3A_73, %dma_start3A_74] : memref<2x125x128xf32, #tpu.memory_space<vmem>> -> memref<1x125x128xf32, #tpu.memory_space<vmem>>
      %dma_start3A_76 = tpu.memref_squeeze %dma_start3A_75 : memref<1x125x128xf32, #tpu.memory_space<vmem>> -> memref<125x128xf32, #tpu.memory_space<vmem>>
      %dma_start3A_77 = arith.constant 0 : i32
      %dma_start3A_78 = tpu.memref_slice %arg10[%add3A_71, %dma_start3A_77] : memref<40x125xi32, #tpu.memory_space<vmem>> -> memref<1x125xi32, #tpu.memory_space<vmem>>
      %dma_start3A_79 = tpu.memref_squeeze %dma_start3A_78 : memref<1x125xi32, #tpu.memory_space<vmem>> -> memref<125xi32, #tpu.memory_space<vmem>>
      %dma_start3A_80 = arith.constant 0 : i32
      %dma_start3A_81 = arith.constant 0 : i32
      %dma_start3A_82 = tpu.memref_slice %arg8[%dma_start3A_80, %dma_start3A_81] : memref<10000x128xf32, #tpu.memory_space<vmem_shared>> -> memref<10000x128xf32, #tpu.memory_space<vmem_shared>>
      tpu.enqueue_indirect_dma source(%dma_start3A_76 : memref<125x128xf32, #tpu.memory_space<vmem>>) target(%dma_start3A_82 : memref<10000x128xf32, #tpu.memory_space<vmem_shared>>) offsets(%dma_start3A_79 : memref<125xi32, #tpu.memory_space<vmem>>) semaphore(%arg14 : memref<!tpu.dma_semaphore, #tpu.memory_space<semaphore_mem>>) {add = true}
      %dma_wait3A_83 = arith.constant 0 : i32
      %dma_wait3A_84 = arith.constant 0 : i32
      %dma_wait3A_85 = arith.constant 0 : i32
      %dma_wait3A_86 = tpu.memref_slice %arg11[%dma_wait3A_83, %dma_wait3A_84, %dma_wait3A_85] : memref<2x125x128xf32, #tpu.memory_space<vmem>> -> memref<1x125x128xf32, #tpu.memory_space<vmem>>
      %dma_wait3A_87 = tpu.memref_squeeze %dma_wait3A_86 : memref<1x125x128xf32, #tpu.memory_space<vmem>> -> memref<125x128xf32, #tpu.memory_space<vmem>>
      %dma_wait3A_88 = arith.constant 0 : i32
      %dma_wait3A_89 = tpu.memref_slice %arg10[%add3A_71, %dma_wait3A_88] : memref<40x125xi32, #tpu.memory_space<vmem>> -> memref<1x125xi32, #tpu.memory_space<vmem>>
      %dma_wait3A_90 = tpu.memref_squeeze %dma_wait3A_89 : memref<1x125xi32, #tpu.memory_space<vmem>> -> memref<125xi32, #tpu.memory_space<vmem>>
      %dma_wait3A_91 = arith.constant 0 : i32
      %dma_wait3A_92 = arith.constant 0 : i32
      %dma_wait3A_93 = tpu.memref_slice %arg8[%dma_wait3A_91, %dma_wait3A_92] : memref<10000x128xf32, #tpu.memory_space<vmem_shared>> -> memref<10000x128xf32, #tpu.memory_space<vmem_shared>>
      tpu.wait_indirect_dma semaphore(%arg14 : memref<!tpu.dma_semaphore, #tpu.memory_space<semaphore_mem>>) src(%dma_wait3A_87 : memref<125x128xf32, #tpu.memory_space<vmem>>) dst(%dma_wait3A_93 : memref<10000x128xf32, #tpu.memory_space<vmem_shared>>)
      %add3A_94 = arith.constant 1 : i32
      %add3A_95 = arith.addi %mul3A_34, %add3A_94 : i32
      %add3A_96 = arith.constant 1 : i32
      %add3A_97 = arith.addi %add3A_95, %add3A_96 : i32
      %dma_start3A_98 = arith.constant 0 : i32
      %dma_start3A_99 = arith.constant 0 : i32
      %dma_start3A_100 = arith.constant 0 : i32
      %dma_start3A_101 = tpu.memref_slice %arg11[%dma_start3A_98, %dma_start3A_99, %dma_start3A_100] : memref<2x125x128xf32, #tpu.memory_space<vmem>> -> memref<1x125x128xf32, #tpu.memory_space<vmem>>
      %dma_start3A_102 = tpu.memref_squeeze %dma_start3A_101 : memref<1x125x128xf32, #tpu.memory_space<vmem>> -> memref<125x128xf32, #tpu.memory_space<vmem>>
      %dma_start3A_103 = arith.constant 0 : i32
      %dma_start3A_104 = tpu.memref_slice %arg9[%add3A_97, %dma_start3A_103] : memref<40x125xi32, #tpu.memory_space<vmem>> -> memref<1x125xi32, #tpu.memory_space<vmem>>
      %dma_start3A_105 = tpu.memref_squeeze %dma_start3A_104 : memref<1x125xi32, #tpu.memory_space<vmem>> -> memref<125xi32, #tpu.memory_space<vmem>>
      %dma_start3A_106 = arith.constant 0 : i32
      %dma_start3A_107 = arith.constant 0 : i32
      %dma_start3A_108 = tpu.memref_slice %arg2[%dma_start3A_106, %dma_start3A_107] : memref<10000x128xf32, #tpu.memory_space<hbm>> -> memref<10000x128xf32, #tpu.memory_space<hbm>>
      tpu.enqueue_indirect_dma source(%dma_start3A_108 : memref<10000x128xf32, #tpu.memory_space<hbm>>) target(%dma_start3A_102 : memref<125x128xf32, #tpu.memory_space<vmem>>) offsets(%dma_start3A_105 : memref<125xi32, #tpu.memory_space<vmem>>) semaphore(%arg12 : memref<!tpu.dma_semaphore, #tpu.memory_space<semaphore_mem>>)
      %dma_wait3A_109 = arith.constant 1 : i32
      %dma_wait3A_110 = arith.constant 0 : i32
      %dma_wait3A_111 = arith.constant 0 : i32
      %dma_wait3A_112 = tpu.memref_slice %arg11[%dma_wait3A_109, %dma_wait3A_110, %dma_wait3A_111] : memref<2x125x128xf32, #tpu.memory_space<vmem>> -> memref<1x125x128xf32, #tpu.memory_space<vmem>>
      %dma_wait3A_113 = tpu.memref_squeeze %dma_wait3A_112 : memref<1x125x128xf32, #tpu.memory_space<vmem>> -> memref<125x128xf32, #tpu.memory_space<vmem>>
      %dma_wait3A_114 = arith.constant 0 : i32
      %dma_wait3A_115 = tpu.memref_slice %arg9[%add3A_48, %dma_wait3A_114] : memref<40x125xi32, #tpu.memory_space<vmem>> -> memref<1x125xi32, #tpu.memory_space<vmem>>
      %dma_wait3A_116 = tpu.memref_squeeze %dma_wait3A_115 : memref<1x125xi32, #tpu.memory_space<vmem>> -> memref<125xi32, #tpu.memory_space<vmem>>
      %dma_wait3A_117 = arith.constant 0 : i32
      %dma_wait3A_118 = arith.constant 0 : i32
      %dma_wait3A_119 = tpu.memref_slice %arg2[%dma_wait3A_117, %dma_wait3A_118] : memref<10000x128xf32, #tpu.memory_space<hbm>> -> memref<10000x128xf32, #tpu.memory_space<hbm>>
      tpu.wait_indirect_dma semaphore(%arg13 : memref<!tpu.dma_semaphore, #tpu.memory_space<semaphore_mem>>) src(%dma_wait3A_119 : memref<10000x128xf32, #tpu.memory_space<hbm>>) dst(%dma_wait3A_113 : memref<125x128xf32, #tpu.memory_space<vmem>>)
      %add3A_120 = arith.constant 1 : i32
      %add3A_121 = arith.addi %mul3A_34, %add3A_120 : i32
      %dma_start3A_122 = arith.constant 1 : i32
      %dma_start3A_123 = arith.constant 0 : i32
      %dma_start3A_124 = arith.constant 0 : i32
      %dma_start3A_125 = tpu.memref_slice %arg11[%dma_start3A_122, %dma_start3A_123, %dma_start3A_124] : memref<2x125x128xf32, #tpu.memory_space<vmem>> -> memref<1x125x128xf32, #tpu.memory_space<vmem>>
      %dma_start3A_126 = tpu.memref_squeeze %dma_start3A_125 : memref<1x125x128xf32, #tpu.memory_space<vmem>> -> memref<125x128xf32, #tpu.memory_space<vmem>>
      %dma_start3A_127 = arith.constant 0 : i32
      %dma_start3A_128 = tpu.memref_slice %arg10[%add3A_121, %dma_start3A_127] : memref<40x125xi32, #tpu.memory_space<vmem>> -> memref<1x125xi32, #tpu.memory_space<vmem>>
      %dma_start3A_129 = tpu.memref_squeeze %dma_start3A_128 : memref<1x125xi32, #tpu.memory_space<vmem>> -> memref<125xi32, #tpu.memory_space<vmem>>
      %dma_start3A_130 = arith.constant 0 : i32
      %dma_start3A_131 = arith.constant 0 : i32
      %dma_start3A_132 = tpu.memref_slice %arg8[%dma_start3A_130, %dma_start3A_131] : memref<10000x128xf32, #tpu.memory_space<vmem_shared>> -> memref<10000x128xf32, #tpu.memory_space<vmem_shared>>
      tpu.enqueue_indirect_dma source(%dma_start3A_126 : memref<125x128xf32, #tpu.memory_space<vmem>>) target(%dma_start3A_132 : memref<10000x128xf32, #tpu.memory_space<vmem_shared>>) offsets(%dma_start3A_129 : memref<125xi32, #tpu.memory_space<vmem>>) semaphore(%arg15 : memref<!tpu.dma_semaphore, #tpu.memory_space<semaphore_mem>>) {add = true}
      %dma_wait3A_133 = arith.constant 1 : i32
      %dma_wait3A_134 = arith.constant 0 : i32
      %dma_wait3A_135 = arith.constant 0 : i32
      %dma_wait3A_136 = tpu.memref_slice %arg11[%dma_wait3A_133, %dma_wait3A_134, %dma_wait3A_135] : memref<2x125x128xf32, #tpu.memory_space<vmem>> -> memref<1x125x128xf32, #tpu.memory_space<vmem>>
      %dma_wait3A_137 = tpu.memref_squeeze %dma_wait3A_136 : memref<1x125x128xf32, #tpu.memory_space<vmem>> -> memref<125x128xf32, #tpu.memory_space<vmem>>
      %dma_wait3A_138 = arith.constant 0 : i32
      %dma_wait3A_139 = tpu.memref_slice %arg10[%add3A_121, %dma_wait3A_138] : memref<40x125xi32, #tpu.memory_space<vmem>> -> memref<1x125xi32, #tpu.memory_space<vmem>>
      %dma_wait3A_140 = tpu.memref_squeeze %dma_wait3A_139 : memref<1x125xi32, #tpu.memory_space<vmem>> -> memref<125xi32, #tpu.memory_space<vmem>>
      %dma_wait3A_141 = arith.constant 0 : i32
      %dma_wait3A_142 = arith.constant 0 : i32
      %dma_wait3A_143 = tpu.memref_slice %arg8[%dma_wait3A_141, %dma_wait3A_142] : memref<10000x128xf32, #tpu.memory_space<vmem_shared>> -> memref<10000x128xf32, #tpu.memory_space<vmem_shared>>
      tpu.wait_indirect_dma semaphore(%arg15 : memref<!tpu.dma_semaphore, #tpu.memory_space<semaphore_mem>>) src(%dma_wait3A_137 : memref<125x128xf32, #tpu.memory_space<vmem>>) dst(%dma_wait3A_143 : memref<10000x128xf32, #tpu.memory_space<vmem_shared>>)
      %add3A_144 = arith.constant 2 : i32
      %add3A_145 = arith.addi %mul3A_34, %add3A_144 : i32
      %add3A_146 = arith.constant 1 : i32
      %add3A_147 = arith.addi %add3A_145, %add3A_146 : i32
      %dma_start3A_148 = arith.constant 1 : i32
      %dma_start3A_149 = arith.constant 0 : i32
      %dma_start3A_150 = arith.constant 0 : i32
      %dma_start3A_151 = tpu.memref_slice %arg11[%dma_start3A_148, %dma_start3A_149, %dma_start3A_150] : memref<2x125x128xf32, #tpu.memory_space<vmem>> -> memref<1x125x128xf32, #tpu.memory_space<vmem>>
      %dma_start3A_152 = tpu.memref_squeeze %dma_start3A_151 : memref<1x125x128xf32, #tpu.memory_space<vmem>> -> memref<125x128xf32, #tpu.memory_space<vmem>>
      %dma_start3A_153 = arith.constant 0 : i32
      %dma_start3A_154 = tpu.memref_slice %arg9[%add3A_147, %dma_start3A_153] : memref<40x125xi32, #tpu.memory_space<vmem>> -> memref<1x125xi32, #tpu.memory_space<vmem>>
      %dma_start3A_155 = tpu.memref_squeeze %dma_start3A_154 : memref<1x125xi32, #tpu.memory_space<vmem>> -> memref<125xi32, #tpu.memory_space<vmem>>
      %dma_start3A_156 = arith.constant 0 : i32
      %dma_start3A_157 = arith.constant 0 : i32
      %dma_start3A_158 = tpu.memref_slice %arg2[%dma_start3A_156, %dma_start3A_157] : memref<10000x128xf32, #tpu.memory_space<hbm>> -> memref<10000x128xf32, #tpu.memory_space<hbm>>
      tpu.enqueue_indirect_dma source(%dma_start3A_158 : memref<10000x128xf32, #tpu.memory_space<hbm>>) target(%dma_start3A_152 : memref<125x128xf32, #tpu.memory_space<vmem>>) offsets(%dma_start3A_155 : memref<125xi32, #tpu.memory_space<vmem>>) semaphore(%arg13 : memref<!tpu.dma_semaphore, #tpu.memory_space<semaphore_mem>>)
      %dma_wait3A_159 = arith.constant 0 : i32
      %dma_wait3A_160 = arith.constant 0 : i32
      %dma_wait3A_161 = arith.constant 0 : i32
      %dma_wait3A_162 = tpu.memref_slice %arg11[%dma_wait3A_159, %dma_wait3A_160, %dma_wait3A_161] : memref<2x125x128xf32, #tpu.memory_space<vmem>> -> memref<1x125x128xf32, #tpu.memory_space<vmem>>
      %dma_wait3A_163 = tpu.memref_squeeze %dma_wait3A_162 : memref<1x125x128xf32, #tpu.memory_space<vmem>> -> memref<125x128xf32, #tpu.memory_space<vmem>>
      %dma_wait3A_164 = arith.constant 0 : i32
      %dma_wait3A_165 = tpu.memref_slice %arg9[%add3A_97, %dma_wait3A_164] : memref<40x125xi32, #tpu.memory_space<vmem>> -> memref<1x125xi32, #tpu.memory_space<vmem>>
      %dma_wait3A_166 = tpu.memref_squeeze %dma_wait3A_165 : memref<1x125xi32, #tpu.memory_space<vmem>> -> memref<125xi32, #tpu.memory_space<vmem>>
      %dma_wait3A_167 = arith.constant 0 : i32
      %dma_wait3A_168 = arith.constant 0 : i32
      %dma_wait3A_169 = tpu.memref_slice %arg2[%dma_wait3A_167, %dma_wait3A_168] : memref<10000x128xf32, #tpu.memory_space<hbm>> -> memref<10000x128xf32, #tpu.memory_space<hbm>>
      tpu.wait_indirect_dma semaphore(%arg12 : memref<!tpu.dma_semaphore, #tpu.memory_space<semaphore_mem>>) src(%dma_wait3A_169 : memref<10000x128xf32, #tpu.memory_space<hbm>>) dst(%dma_wait3A_163 : memref<125x128xf32, #tpu.memory_space<vmem>>)
      %add3A_170 = arith.constant 2 : i32
      %add3A_171 = arith.addi %mul3A_34, %add3A_170 : i32
      %dma_start3A_172 = arith.constant 0 : i32
      %dma_start3A_173 = arith.constant 0 : i32
      %dma_start3A_174 = arith.constant 0 : i32
      %dma_start3A_175 = tpu.memref_slice %arg11[%dma_start3A_172, %dma_start3A_173, %dma_start3A_174] : memref<2x125x128xf32, #tpu.memory_space<vmem>> -> memref<1x125x128xf32, #tpu.memory_space<vmem>>
      %dma_start3A_176 = tpu.memref_squeeze %dma_start3A_175 : memref<1x125x128xf32, #tpu.memory_space<vmem>> -> memref<125x128xf32, #tpu.memory_space<vmem>>
      %dma_start3A_177 = arith.constant 0 : i32
      %dma_start3A_178 = tpu.memref_slice %arg10[%add3A_171, %dma_start3A_177] : memref<40x125xi32, #tpu.memory_space<vmem>> -> memref<1x125xi32, #tpu.memory_space<vmem>>
      %dma_start3A_179 = tpu.memref_squeeze %dma_start3A_178 : memref<1x125xi32, #tpu.memory_space<vmem>> -> memref<125xi32, #tpu.memory_space<vmem>>
      %dma_start3A_180 = arith.constant 0 : i32
      %dma_start3A_181 = arith.constant 0 : i32
      %dma_start3A_182 = tpu.memref_slice %arg8[%dma_start3A_180, %dma_start3A_181] : memref<10000x128xf32, #tpu.memory_space<vmem_shared>> -> memref<10000x128xf32, #tpu.memory_space<vmem_shared>>
      tpu.enqueue_indirect_dma source(%dma_start3A_176 : memref<125x128xf32, #tpu.memory_space<vmem>>) target(%dma_start3A_182 : memref<10000x128xf32, #tpu.memory_space<vmem_shared>>) offsets(%dma_start3A_179 : memref<125xi32, #tpu.memory_space<vmem>>) semaphore(%arg14 : memref<!tpu.dma_semaphore, #tpu.memory_space<semaphore_mem>>) {add = true}
      %dma_wait3A_183 = arith.constant 0 : i32
      %dma_wait3A_184 = arith.constant 0 : i32
      %dma_wait3A_185 = arith.constant 0 : i32
      %dma_wait3A_186 = tpu.memref_slice %arg11[%dma_wait3A_183, %dma_wait3A_184, %dma_wait3A_185] : memref<2x125x128xf32, #tpu.memory_space<vmem>> -> memref<1x125x128xf32, #tpu.memory_space<vmem>>
      %dma_wait3A_187 = tpu.memref_squeeze %dma_wait3A_186 : memref<1x125x128xf32, #tpu.memory_space<vmem>> -> memref<125x128xf32, #tpu.memory_space<vmem>>
      %dma_wait3A_188 = arith.constant 0 : i32
      %dma_wait3A_189 = tpu.memref_slice %arg10[%add3A_171, %dma_wait3A_188] : memref<40x125xi32, #tpu.memory_space<vmem>> -> memref<1x125xi32, #tpu.memory_space<vmem>>
      %dma_wait3A_190 = tpu.memref_squeeze %dma_wait3A_189 : memref<1x125xi32, #tpu.memory_space<vmem>> -> memref<125xi32, #tpu.memory_space<vmem>>
      %dma_wait3A_191 = arith.constant 0 : i32
      %dma_wait3A_192 = arith.constant 0 : i32
      %dma_wait3A_193 = tpu.memref_slice %arg8[%dma_wait3A_191, %dma_wait3A_192] : memref<10000x128xf32, #tpu.memory_space<vmem_shared>> -> memref<10000x128xf32, #tpu.memory_space<vmem_shared>>
      tpu.wait_indirect_dma semaphore(%arg14 : memref<!tpu.dma_semaphore, #tpu.memory_space<semaphore_mem>>) src(%dma_wait3A_187 : memref<125x128xf32, #tpu.memory_space<vmem>>) dst(%dma_wait3A_193 : memref<10000x128xf32, #tpu.memory_space<vmem_shared>>)
      %add3A_194 = arith.constant 3 : i32
      %add3A_195 = arith.addi %mul3A_34, %add3A_194 : i32
      %add3A_196 = arith.constant 1 : i32
      %add3A_197 = arith.addi %add3A_195, %add3A_196 : i32
      %dma_start3A_198 = arith.constant 0 : i32
      %dma_start3A_199 = arith.constant 0 : i32
      %dma_start3A_200 = arith.constant 0 : i32
      %dma_start3A_201 = tpu.memref_slice %arg11[%dma_start3A_198, %dma_start3A_199, %dma_start3A_200] : memref<2x125x128xf32, #tpu.memory_space<vmem>> -> memref<1x125x128xf32, #tpu.memory_space<vmem>>
      %dma_start3A_202 = tpu.memref_squeeze %dma_start3A_201 : memref<1x125x128xf32, #tpu.memory_space<vmem>> -> memref<125x128xf32, #tpu.memory_space<vmem>>
      %dma_start3A_203 = arith.constant 0 : i32
      %dma_start3A_204 = tpu.memref_slice %arg9[%add3A_197, %dma_start3A_203] : memref<40x125xi32, #tpu.memory_space<vmem>> -> memref<1x125xi32, #tpu.memory_space<vmem>>
      %dma_start3A_205 = tpu.memref_squeeze %dma_start3A_204 : memref<1x125xi32, #tpu.memory_space<vmem>> -> memref<125xi32, #tpu.memory_space<vmem>>
      %dma_start3A_206 = arith.constant 0 : i32
      %dma_start3A_207 = arith.constant 0 : i32
      %dma_start3A_208 = tpu.memref_slice %arg2[%dma_start3A_206, %dma_start3A_207] : memref<10000x128xf32, #tpu.memory_space<hbm>> -> memref<10000x128xf32, #tpu.memory_space<hbm>>
      tpu.enqueue_indirect_dma source(%dma_start3A_208 : memref<10000x128xf32, #tpu.memory_space<hbm>>) target(%dma_start3A_202 : memref<125x128xf32, #tpu.memory_space<vmem>>) offsets(%dma_start3A_205 : memref<125xi32, #tpu.memory_space<vmem>>) semaphore(%arg12 : memref<!tpu.dma_semaphore, #tpu.memory_space<semaphore_mem>>)
      %dma_wait3A_209 = arith.constant 1 : i32
      %dma_wait3A_210 = arith.constant 0 : i32
      %dma_wait3A_211 = arith.constant 0 : i32
      %dma_wait3A_212 = tpu.memref_slice %arg11[%dma_wait3A_209, %dma_wait3A_210, %dma_wait3A_211] : memref<2x125x128xf32, #tpu.memory_space<vmem>> -> memref<1x125x128xf32, #tpu.memory_space<vmem>>
      %dma_wait3A_213 = tpu.memref_squeeze %dma_wait3A_212 : memref<1x125x128xf32, #tpu.memory_space<vmem>> -> memref<125x128xf32, #tpu.memory_space<vmem>>
      %dma_wait3A_214 = arith.constant 0 : i32
      %dma_wait3A_215 = tpu.memref_slice %arg9[%add3A_147, %dma_wait3A_214] : memref<40x125xi32, #tpu.memory_space<vmem>> -> memref<1x125xi32, #tpu.memory_space<vmem>>
      %dma_wait3A_216 = tpu.memref_squeeze %dma_wait3A_215 : memref<1x125xi32, #tpu.memory_space<vmem>> -> memref<125xi32, #tpu.memory_space<vmem>>
      %dma_wait3A_217 = arith.constant 0 : i32
      %dma_wait3A_218 = arith.constant 0 : i32
      %dma_wait3A_219 = tpu.memref_slice %arg2[%dma_wait3A_217, %dma_wait3A_218] : memref<10000x128xf32, #tpu.memory_space<hbm>> -> memref<10000x128xf32, #tpu.memory_space<hbm>>
      tpu.wait_indirect_dma semaphore(%arg13 : memref<!tpu.dma_semaphore, #tpu.memory_space<semaphore_mem>>) src(%dma_wait3A_219 : memref<10000x128xf32, #tpu.memory_space<hbm>>) dst(%dma_wait3A_213 : memref<125x128xf32, #tpu.memory_space<vmem>>)
      %add3A_220 = arith.constant 3 : i32
      %add3A_221 = arith.addi %mul3A_34, %add3A_220 : i32
      %dma_start3A_222 = arith.constant 1 : i32
      %dma_start3A_223 = arith.constant 0 : i32
      %dma_start3A_224 = arith.constant 0 : i32
      %dma_start3A_225 = tpu.memref_slice %arg11[%dma_start3A_222, %dma_start3A_223, %dma_start3A_224] : memref<2x125x128xf32, #tpu.memory_space<vmem>> -> memref<1x125x128xf32, #tpu.memory_space<vmem>>
      %dma_start3A_226 = tpu.memref_squeeze %dma_start3A_225 : memref<1x125x128xf32, #tpu.memory_space<vmem>> -> memref<125x128xf32, #tpu.memory_space<vmem>>
      %dma_start3A_227 = arith.constant 0 : i32
      %dma_start3A_228 = tpu.memref_slice %arg10[%add3A_221, %dma_start3A_227] : memref<40x125xi32, #tpu.memory_space<vmem>> -> memref<1x125xi32, #tpu.memory_space<vmem>>
      %dma_start3A_229 = tpu.memref_squeeze %dma_start3A_228 : memref<1x125xi32, #tpu.memory_space<vmem>> -> memref<125xi32, #tpu.memory_space<vmem>>
      %dma_start3A_230 = arith.constant 0 : i32
      %dma_start3A_231 = arith.constant 0 : i32
      %dma_start3A_232 = tpu.memref_slice %arg8[%dma_start3A_230, %dma_start3A_231] : memref<10000x128xf32, #tpu.memory_space<vmem_shared>> -> memref<10000x128xf32, #tpu.memory_space<vmem_shared>>
      tpu.enqueue_indirect_dma source(%dma_start3A_226 : memref<125x128xf32, #tpu.memory_space<vmem>>) target(%dma_start3A_232 : memref<10000x128xf32, #tpu.memory_space<vmem_shared>>) offsets(%dma_start3A_229 : memref<125xi32, #tpu.memory_space<vmem>>) semaphore(%arg15 : memref<!tpu.dma_semaphore, #tpu.memory_space<semaphore_mem>>) {add = true}
      %dma_wait3A_233 = arith.constant 1 : i32
      %dma_wait3A_234 = arith.constant 0 : i32
      %dma_wait3A_235 = arith.constant 0 : i32
      %dma_wait3A_236 = tpu.memref_slice %arg11[%dma_wait3A_233, %dma_wait3A_234, %dma_wait3A_235] : memref<2x125x128xf32, #tpu.memory_space<vmem>> -> memref<1x125x128xf32, #tpu.memory_space<vmem>>
      %dma_wait3A_237 = tpu.memref_squeeze %dma_wait3A_236 : memref<1x125x128xf32, #tpu.memory_space<vmem>> -> memref<125x128xf32, #tpu.memory_space<vmem>>
      %dma_wait3A_238 = arith.constant 0 : i32
      %dma_wait3A_239 = tpu.memref_slice %arg10[%add3A_221, %dma_wait3A_238] : memref<40x125xi32, #tpu.memory_space<vmem>> -> memref<1x125xi32, #tpu.memory_space<vmem>>
      %dma_wait3A_240 = tpu.memref_squeeze %dma_wait3A_239 : memref<1x125xi32, #tpu.memory_space<vmem>> -> memref<125xi32, #tpu.memory_space<vmem>>
      %dma_wait3A_241 = arith.constant 0 : i32
      %dma_wait3A_242 = arith.constant 0 : i32
      %dma_wait3A_243 = tpu.memref_slice %arg8[%dma_wait3A_241, %dma_wait3A_242] : memref<10000x128xf32, #tpu.memory_space<vmem_shared>> -> memref<10000x128xf32, #tpu.memory_space<vmem_shared>>
      tpu.wait_indirect_dma semaphore(%arg15 : memref<!tpu.dma_semaphore, #tpu.memory_space<semaphore_mem>>) src(%dma_wait3A_237 : memref<125x128xf32, #tpu.memory_space<vmem>>) dst(%dma_wait3A_243 : memref<10000x128xf32, #tpu.memory_space<vmem_shared>>)
      %add3A_244 = arith.constant 4 : i32
      %add3A_245 = arith.addi %mul3A_34, %add3A_244 : i32
      %add3A_246 = arith.constant 1 : i32
      %add3A_247 = arith.addi %add3A_245, %add3A_246 : i32
      %dma_start3A_248 = arith.constant 1 : i32
      %dma_start3A_249 = arith.constant 0 : i32
      %dma_start3A_250 = arith.constant 0 : i32
      %dma_start3A_251 = tpu.memref_slice %arg11[%dma_start3A_248, %dma_start3A_249, %dma_start3A_250] : memref<2x125x128xf32, #tpu.memory_space<vmem>> -> memref<1x125x128xf32, #tpu.memory_space<vmem>>
      %dma_start3A_252 = tpu.memref_squeeze %dma_start3A_251 : memref<1x125x128xf32, #tpu.memory_space<vmem>> -> memref<125x128xf32, #tpu.memory_space<vmem>>
      %dma_start3A_253 = arith.constant 0 : i32
      %dma_start3A_254 = tpu.memref_slice %arg9[%add3A_247, %dma_start3A_253] : memref<40x125xi32, #tpu.memory_space<vmem>> -> memref<1x125xi32, #tpu.memory_space<vmem>>
      %dma_start3A_255 = tpu.memref_squeeze %dma_start3A_254 : memref<1x125xi32, #tpu.memory_space<vmem>> -> memref<125xi32, #tpu.memory_space<vmem>>
      %dma_start3A_256 = arith.constant 0 : i32
      %dma_start3A_257 = arith.constant 0 : i32
      %dma_start3A_258 = tpu.memref_slice %arg2[%dma_start3A_256, %dma_start3A_257] : memref<10000x128xf32, #tpu.memory_space<hbm>> -> memref<10000x128xf32, #tpu.memory_space<hbm>>
      tpu.enqueue_indirect_dma source(%dma_start3A_258 : memref<10000x128xf32, #tpu.memory_space<hbm>>) target(%dma_start3A_252 : memref<125x128xf32, #tpu.memory_space<vmem>>) offsets(%dma_start3A_255 : memref<125xi32, #tpu.memory_space<vmem>>) semaphore(%arg13 : memref<!tpu.dma_semaphore, #tpu.memory_space<semaphore_mem>>)
      %dma_wait3A_259 = arith.constant 0 : i32
      %dma_wait3A_260 = arith.constant 0 : i32
      %dma_wait3A_261 = arith.constant 0 : i32
      %dma_wait3A_262 = tpu.memref_slice %arg11[%dma_wait3A_259, %dma_wait3A_260, %dma_wait3A_261] : memref<2x125x128xf32, #tpu.memory_space<vmem>> -> memref<1x125x128xf32, #tpu.memory_space<vmem>>
      %dma_wait3A_263 = tpu.memref_squeeze %dma_wait3A_262 : memref<1x125x128xf32, #tpu.memory_space<vmem>> -> memref<125x128xf32, #tpu.memory_space<vmem>>
      %dma_wait3A_264 = arith.constant 0 : i32
      %dma_wait3A_265 = tpu.memref_slice %arg9[%add3A_197, %dma_wait3A_264] : memref<40x125xi32, #tpu.memory_space<vmem>> -> memref<1x125xi32, #tpu.memory_space<vmem>>
      %dma_wait3A_266 = tpu.memref_squeeze %dma_wait3A_265 : memref<1x125xi32, #tpu.memory_space<vmem>> -> memref<125xi32, #tpu.memory_space<vmem>>
      %dma_wait3A_267 = arith.constant 0 : i32
      %dma_wait3A_268 = arith.constant 0 : i32
      %dma_wait3A_269 = tpu.memref_slice %arg2[%dma_wait3A_267, %dma_wait3A_268] : memref<10000x128xf32, #tpu.memory_space<hbm>> -> memref<10000x128xf32, #tpu.memory_space<hbm>>
      tpu.wait_indirect_dma semaphore(%arg12 : memref<!tpu.dma_semaphore, #tpu.memory_space<semaphore_mem>>) src(%dma_wait3A_269 : memref<10000x128xf32, #tpu.memory_space<hbm>>) dst(%dma_wait3A_263 : memref<125x128xf32, #tpu.memory_space<vmem>>)
      %add3A_270 = arith.constant 4 : i32
      %add3A_271 = arith.addi %mul3A_34, %add3A_270 : i32
      %dma_start3A_272 = arith.constant 0 : i32
      %dma_start3A_273 = arith.constant 0 : i32
      %dma_start3A_274 = arith.constant 0 : i32
      %dma_start3A_275 = tpu.memref_slice %arg11[%dma_start3A_272, %dma_start3A_273, %dma_start3A_274] : memref<2x125x128xf32, #tpu.memory_space<vmem>> -> memref<1x125x128xf32, #tpu.memory_space<vmem>>
      %dma_start3A_276 = tpu.memref_squeeze %dma_start3A_275 : memref<1x125x128xf32, #tpu.memory_space<vmem>> -> memref<125x128xf32, #tpu.memory_space<vmem>>
      %dma_start3A_277 = arith.constant 0 : i32
      %dma_start3A_278 = tpu.memref_slice %arg10[%add3A_271, %dma_start3A_277] : memref<40x125xi32, #tpu.memory_space<vmem>> -> memref<1x125xi32, #tpu.memory_space<vmem>>
      %dma_start3A_279 = tpu.memref_squeeze %dma_start3A_278 : memref<1x125xi32, #tpu.memory_space<vmem>> -> memref<125xi32, #tpu.memory_space<vmem>>
      %dma_start3A_280 = arith.constant 0 : i32
      %dma_start3A_281 = arith.constant 0 : i32
      %dma_start3A_282 = tpu.memref_slice %arg8[%dma_start3A_280, %dma_start3A_281] : memref<10000x128xf32, #tpu.memory_space<vmem_shared>> -> memref<10000x128xf32, #tpu.memory_space<vmem_shared>>
      tpu.enqueue_indirect_dma source(%dma_start3A_276 : memref<125x128xf32, #tpu.memory_space<vmem>>) target(%dma_start3A_282 : memref<10000x128xf32, #tpu.memory_space<vmem_shared>>) offsets(%dma_start3A_279 : memref<125xi32, #tpu.memory_space<vmem>>) semaphore(%arg14 : memref<!tpu.dma_semaphore, #tpu.memory_space<semaphore_mem>>) {add = true}
      %dma_wait3A_283 = arith.constant 0 : i32
      %dma_wait3A_284 = arith.constant 0 : i32
      %dma_wait3A_285 = arith.constant 0 : i32
      %dma_wait3A_286 = tpu.memref_slice %arg11[%dma_wait3A_283, %dma_wait3A_284, %dma_wait3A_285] : memref<2x125x128xf32, #tpu.memory_space<vmem>> -> memref<1x125x128xf32, #tpu.memory_space<vmem>>
      %dma_wait3A_287 = tpu.memref_squeeze %dma_wait3A_286 : memref<1x125x128xf32, #tpu.memory_space<vmem>> -> memref<125x128xf32, #tpu.memory_space<vmem>>
      %dma_wait3A_288 = arith.constant 0 : i32
      %dma_wait3A_289 = tpu.memref_slice %arg10[%add3A_271, %dma_wait3A_288] : memref<40x125xi32, #tpu.memory_space<vmem>> -> memref<1x125xi32, #tpu.memory_space<vmem>>
      %dma_wait3A_290 = tpu.memref_squeeze %dma_wait3A_289 : memref<1x125xi32, #tpu.memory_space<vmem>> -> memref<125xi32, #tpu.memory_space<vmem>>
      %dma_wait3A_291 = arith.constant 0 : i32
      %dma_wait3A_292 = arith.constant 0 : i32
      %dma_wait3A_293 = tpu.memref_slice %arg8[%dma_wait3A_291, %dma_wait3A_292] : memref<10000x128xf32, #tpu.memory_space<vmem_shared>> -> memref<10000x128xf32, #tpu.memory_space<vmem_shared>>
      tpu.wait_indirect_dma semaphore(%arg14 : memref<!tpu.dma_semaphore, #tpu.memory_space<semaphore_mem>>) src(%dma_wait3A_287 : memref<125x128xf32, #tpu.memory_space<vmem>>) dst(%dma_wait3A_293 : memref<10000x128xf32, #tpu.memory_space<vmem_shared>>)
      %add3A_294 = arith.constant 5 : i32
      %add3A_295 = arith.addi %mul3A_34, %add3A_294 : i32
      %add3A_296 = arith.constant 1 : i32
      %add3A_297 = arith.addi %add3A_295, %add3A_296 : i32
      %dma_start3A_298 = arith.constant 0 : i32
      %dma_start3A_299 = arith.constant 0 : i32
      %dma_start3A_300 = arith.constant 0 : i32
      %dma_start3A_301 = tpu.memref_slice %arg11[%dma_start3A_298, %dma_start3A_299, %dma_start3A_300] : memref<2x125x128xf32, #tpu.memory_space<vmem>> -> memref<1x125x128xf32, #tpu.memory_space<vmem>>
      %dma_start3A_302 = tpu.memref_squeeze %dma_start3A_301 : memref<1x125x128xf32, #tpu.memory_space<vmem>> -> memref<125x128xf32, #tpu.memory_space<vmem>>
      %dma_start3A_303 = arith.constant 0 : i32
      %dma_start3A_304 = tpu.memref_slice %arg9[%add3A_297, %dma_start3A_303] : memref<40x125xi32, #tpu.memory_space<vmem>> -> memref<1x125xi32, #tpu.memory_space<vmem>>
      %dma_start3A_305 = tpu.memref_squeeze %dma_start3A_304 : memref<1x125xi32, #tpu.memory_space<vmem>> -> memref<125xi32, #tpu.memory_space<vmem>>
      %dma_start3A_306 = arith.constant 0 : i32
      %dma_start3A_307 = arith.constant 0 : i32
      %dma_start3A_308 = tpu.memref_slice %arg2[%dma_start3A_306, %dma_start3A_307] : memref<10000x128xf32, #tpu.memory_space<hbm>> -> memref<10000x128xf32, #tpu.memory_space<hbm>>
      tpu.enqueue_indirect_dma source(%dma_start3A_308 : memref<10000x128xf32, #tpu.memory_space<hbm>>) target(%dma_start3A_302 : memref<125x128xf32, #tpu.memory_space<vmem>>) offsets(%dma_start3A_305 : memref<125xi32, #tpu.memory_space<vmem>>) semaphore(%arg12 : memref<!tpu.dma_semaphore, #tpu.memory_space<semaphore_mem>>)
      %dma_wait3A_309 = arith.constant 1 : i32
      %dma_wait3A_310 = arith.constant 0 : i32
      %dma_wait3A_311 = arith.constant 0 : i32
      %dma_wait3A_312 = tpu.memref_slice %arg11[%dma_wait3A_309, %dma_wait3A_310, %dma_wait3A_311] : memref<2x125x128xf32, #tpu.memory_space<vmem>> -> memref<1x125x128xf32, #tpu.memory_space<vmem>>
      %dma_wait3A_313 = tpu.memref_squeeze %dma_wait3A_312 : memref<1x125x128xf32, #tpu.memory_space<vmem>> -> memref<125x128xf32, #tpu.memory_space<vmem>>
      %dma_wait3A_314 = arith.constant 0 : i32
      %dma_wait3A_315 = tpu.memref_slice %arg9[%add3A_247, %dma_wait3A_314] : memref<40x125xi32, #tpu.memory_space<vmem>> -> memref<1x125xi32, #tpu.memory_space<vmem>>
      %dma_wait3A_316 = tpu.memref_squeeze %dma_wait3A_315 : memref<1x125xi32, #tpu.memory_space<vmem>> -> memref<125xi32, #tpu.memory_space<vmem>>
      %dma_wait3A_317 = arith.constant 0 : i32
      %dma_wait3A_318 = arith.constant 0 : i32
      %dma_wait3A_319 = tpu.memref_slice %arg2[%dma_wait3A_317, %dma_wait3A_318] : memref<10000x128xf32, #tpu.memory_space<hbm>> -> memref<10000x128xf32, #tpu.memory_space<hbm>>
      tpu.wait_indirect_dma semaphore(%arg13 : memref<!tpu.dma_semaphore, #tpu.memory_space<semaphore_mem>>) src(%dma_wait3A_319 : memref<10000x128xf32, #tpu.memory_space<hbm>>) dst(%dma_wait3A_313 : memref<125x128xf32, #tpu.memory_space<vmem>>)
      %add3A_320 = arith.constant 5 : i32
      %add3A_321 = arith.addi %mul3A_34, %add3A_320 : i32
      %dma_start3A_322 = arith.constant 1 : i32
      %dma_start3A_323 = arith.constant 0 : i32
      %dma_start3A_324 = arith.constant 0 : i32
      %dma_start3A_325 = tpu.memref_slice %arg11[%dma_start3A_322, %dma_start3A_323, %dma_start3A_324] : memref<2x125x128xf32, #tpu.memory_space<vmem>> -> memref<1x125x128xf32, #tpu.memory_space<vmem>>
      %dma_start3A_326 = tpu.memref_squeeze %dma_start3A_325 : memref<1x125x128xf32, #tpu.memory_space<vmem>> -> memref<125x128xf32, #tpu.memory_space<vmem>>
      %dma_start3A_327 = arith.constant 0 : i32
      %dma_start3A_328 = tpu.memref_slice %arg10[%add3A_321, %dma_start3A_327] : memref<40x125xi32, #tpu.memory_space<vmem>> -> memref<1x125xi32, #tpu.memory_space<vmem>>
      %dma_start3A_329 = tpu.memref_squeeze %dma_start3A_328 : memref<1x125xi32, #tpu.memory_space<vmem>> -> memref<125xi32, #tpu.memory_space<vmem>>
      %dma_start3A_330 = arith.constant 0 : i32
      %dma_start3A_331 = arith.constant 0 : i32
      %dma_start3A_332 = tpu.memref_slice %arg8[%dma_start3A_330, %dma_start3A_331] : memref<10000x128xf32, #tpu.memory_space<vmem_shared>> -> memref<10000x128xf32, #tpu.memory_space<vmem_shared>>
      tpu.enqueue_indirect_dma source(%dma_start3A_326 : memref<125x128xf32, #tpu.memory_space<vmem>>) target(%dma_start3A_332 : memref<10000x128xf32, #tpu.memory_space<vmem_shared>>) offsets(%dma_start3A_329 : memref<125xi32, #tpu.memory_space<vmem>>) semaphore(%arg15 : memref<!tpu.dma_semaphore, #tpu.memory_space<semaphore_mem>>) {add = true}
      %dma_wait3A_333 = arith.constant 1 : i32
      %dma_wait3A_334 = arith.constant 0 : i32
      %dma_wait3A_335 = arith.constant 0 : i32
      %dma_wait3A_336 = tpu.memref_slice %arg11[%dma_wait3A_333, %dma_wait3A_334, %dma_wait3A_335] : memref<2x125x128xf32, #tpu.memory_space<vmem>> -> memref<1x125x128xf32, #tpu.memory_space<vmem>>
      %dma_wait3A_337 = tpu.memref_squeeze %dma_wait3A_336 : memref<1x125x128xf32, #tpu.memory_space<vmem>> -> memref<125x128xf32, #tpu.memory_space<vmem>>
      %dma_wait3A_338 = arith.constant 0 : i32
      %dma_wait3A_339 = tpu.memref_slice %arg10[%add3A_321, %dma_wait3A_338] : memref<40x125xi32, #tpu.memory_space<vmem>> -> memref<1x125xi32, #tpu.memory_space<vmem>>
      %dma_wait3A_340 = tpu.memref_squeeze %dma_wait3A_339 : memref<1x125xi32, #tpu.memory_space<vmem>> -> memref<125xi32, #tpu.memory_space<vmem>>
      %dma_wait3A_341 = arith.constant 0 : i32
      %dma_wait3A_342 = arith.constant 0 : i32
      %dma_wait3A_343 = tpu.memref_slice %arg8[%dma_wait3A_341, %dma_wait3A_342] : memref<10000x128xf32, #tpu.memory_space<vmem_shared>> -> memref<10000x128xf32, #tpu.memory_space<vmem_shared>>
      tpu.wait_indirect_dma semaphore(%arg15 : memref<!tpu.dma_semaphore, #tpu.memory_space<semaphore_mem>>) src(%dma_wait3A_337 : memref<125x128xf32, #tpu.memory_space<vmem>>) dst(%dma_wait3A_343 : memref<10000x128xf32, #tpu.memory_space<vmem_shared>>)
      %add3A_344 = arith.constant 6 : i32
      %add3A_345 = arith.addi %mul3A_34, %add3A_344 : i32
      %add3A_346 = arith.constant 1 : i32
      %add3A_347 = arith.addi %add3A_345, %add3A_346 : i32
      %dma_start3A_348 = arith.constant 1 : i32
      %dma_start3A_349 = arith.constant 0 : i32
      %dma_start3A_350 = arith.constant 0 : i32
      %dma_start3A_351 = tpu.memref_slice %arg11[%dma_start3A_348, %dma_start3A_349, %dma_start3A_350] : memref<2x125x128xf32, #tpu.memory_space<vmem>> -> memref<1x125x128xf32, #tpu.memory_space<vmem>>
      %dma_start3A_352 = tpu.memref_squeeze %dma_start3A_351 : memref<1x125x128xf32, #tpu.memory_space<vmem>> -> memref<125x128xf32, #tpu.memory_space<vmem>>
      %dma_start3A_353 = arith.constant 0 : i32
      %dma_start3A_354 = tpu.memref_slice %arg9[%add3A_347, %dma_start3A_353] : memref<40x125xi32, #tpu.memory_space<vmem>> -> memref<1x125xi32, #tpu.memory_space<vmem>>
      %dma_start3A_355 = tpu.memref_squeeze %dma_start3A_354 : memref<1x125xi32, #tpu.memory_space<vmem>> -> memref<125xi32, #tpu.memory_space<vmem>>
      %dma_start3A_356 = arith.constant 0 : i32
      %dma_start3A_357 = arith.constant 0 : i32
      %dma_start3A_358 = tpu.memref_slice %arg2[%dma_start3A_356, %dma_start3A_357] : memref<10000x128xf32, #tpu.memory_space<hbm>> -> memref<10000x128xf32, #tpu.memory_space<hbm>>
      tpu.enqueue_indirect_dma source(%dma_start3A_358 : memref<10000x128xf32, #tpu.memory_space<hbm>>) target(%dma_start3A_352 : memref<125x128xf32, #tpu.memory_space<vmem>>) offsets(%dma_start3A_355 : memref<125xi32, #tpu.memory_space<vmem>>) semaphore(%arg13 : memref<!tpu.dma_semaphore, #tpu.memory_space<semaphore_mem>>)
      %dma_wait3A_359 = arith.constant 0 : i32
      %dma_wait3A_360 = arith.constant 0 : i32
      %dma_wait3A_361 = arith.constant 0 : i32
      %dma_wait3A_362 = tpu.memref_slice %arg11[%dma_wait3A_359, %dma_wait3A_360, %dma_wait3A_361] : memref<2x125x128xf32, #tpu.memory_space<vmem>> -> memref<1x125x128xf32, #tpu.memory_space<vmem>>
      %dma_wait3A_363 = tpu.memref_squeeze %dma_wait3A_362 : memref<1x125x128xf32, #tpu.memory_space<vmem>> -> memref<125x128xf32, #tpu.memory_space<vmem>>
      %dma_wait3A_364 = arith.constant 0 : i32
      %dma_wait3A_365 = tpu.memref_slice %arg9[%add3A_297, %dma_wait3A_364] : memref<40x125xi32, #tpu.memory_space<vmem>> -> memref<1x125xi32, #tpu.memory_space<vmem>>
      %dma_wait3A_366 = tpu.memref_squeeze %dma_wait3A_365 : memref<1x125xi32, #tpu.memory_space<vmem>> -> memref<125xi32, #tpu.memory_space<vmem>>
      %dma_wait3A_367 = arith.constant 0 : i32
      %dma_wait3A_368 = arith.constant 0 : i32
      %dma_wait3A_369 = tpu.memref_slice %arg2[%dma_wait3A_367, %dma_wait3A_368] : memref<10000x128xf32, #tpu.memory_space<hbm>> -> memref<10000x128xf32, #tpu.memory_space<hbm>>
      tpu.wait_indirect_dma semaphore(%arg12 : memref<!tpu.dma_semaphore, #tpu.memory_space<semaphore_mem>>) src(%dma_wait3A_369 : memref<10000x128xf32, #tpu.memory_space<hbm>>) dst(%dma_wait3A_363 : memref<125x128xf32, #tpu.memory_space<vmem>>)
      %add3A_370 = arith.constant 6 : i32
      %add3A_371 = arith.addi %mul3A_34, %add3A_370 : i32
      %dma_start3A_372 = arith.constant 0 : i32
      %dma_start3A_373 = arith.constant 0 : i32
      %dma_start3A_374 = arith.constant 0 : i32
      %dma_start3A_375 = tpu.memref_slice %arg11[%dma_start3A_372, %dma_start3A_373, %dma_start3A_374] : memref<2x125x128xf32, #tpu.memory_space<vmem>> -> memref<1x125x128xf32, #tpu.memory_space<vmem>>
      %dma_start3A_376 = tpu.memref_squeeze %dma_start3A_375 : memref<1x125x128xf32, #tpu.memory_space<vmem>> -> memref<125x128xf32, #tpu.memory_space<vmem>>
      %dma_start3A_377 = arith.constant 0 : i32
      %dma_start3A_378 = tpu.memref_slice %arg10[%add3A_371, %dma_start3A_377] : memref<40x125xi32, #tpu.memory_space<vmem>> -> memref<1x125xi32, #tpu.memory_space<vmem>>
      %dma_start3A_379 = tpu.memref_squeeze %dma_start3A_378 : memref<1x125xi32, #tpu.memory_space<vmem>> -> memref<125xi32, #tpu.memory_space<vmem>>
      %dma_start3A_380 = arith.constant 0 : i32
      %dma_start3A_381 = arith.constant 0 : i32
      %dma_start3A_382 = tpu.memref_slice %arg8[%dma_start3A_380, %dma_start3A_381] : memref<10000x128xf32, #tpu.memory_space<vmem_shared>> -> memref<10000x128xf32, #tpu.memory_space<vmem_shared>>
      tpu.enqueue_indirect_dma source(%dma_start3A_376 : memref<125x128xf32, #tpu.memory_space<vmem>>) target(%dma_start3A_382 : memref<10000x128xf32, #tpu.memory_space<vmem_shared>>) offsets(%dma_start3A_379 : memref<125xi32, #tpu.memory_space<vmem>>) semaphore(%arg14 : memref<!tpu.dma_semaphore, #tpu.memory_space<semaphore_mem>>) {add = true}
      %dma_wait3A_383 = arith.constant 0 : i32
      %dma_wait3A_384 = arith.constant 0 : i32
      %dma_wait3A_385 = arith.constant 0 : i32
      %dma_wait3A_386 = tpu.memref_slice %arg11[%dma_wait3A_383, %dma_wait3A_384, %dma_wait3A_385] : memref<2x125x128xf32, #tpu.memory_space<vmem>> -> memref<1x125x128xf32, #tpu.memory_space<vmem>>
      %dma_wait3A_387 = tpu.memref_squeeze %dma_wait3A_386 : memref<1x125x128xf32, #tpu.memory_space<vmem>> -> memref<125x128xf32, #tpu.memory_space<vmem>>
      %dma_wait3A_388 = arith.constant 0 : i32
      %dma_wait3A_389 = tpu.memref_slice %arg10[%add3A_371, %dma_wait3A_388] : memref<40x125xi32, #tpu.memory_space<vmem>> -> memref<1x125xi32, #tpu.memory_space<vmem>>
      %dma_wait3A_390 = tpu.memref_squeeze %dma_wait3A_389 : memref<1x125xi32, #tpu.memory_space<vmem>> -> memref<125xi32, #tpu.memory_space<vmem>>
      %dma_wait3A_391 = arith.constant 0 : i32
      %dma_wait3A_392 = arith.constant 0 : i32
      %dma_wait3A_393 = tpu.memref_slice %arg8[%dma_wait3A_391, %dma_wait3A_392] : memref<10000x128xf32, #tpu.memory_space<vmem_shared>> -> memref<10000x128xf32, #tpu.memory_space<vmem_shared>>
      tpu.wait_indirect_dma semaphore(%arg14 : memref<!tpu.dma_semaphore, #tpu.memory_space<semaphore_mem>>) src(%dma_wait3A_387 : memref<125x128xf32, #tpu.memory_space<vmem>>) dst(%dma_wait3A_393 : memref<10000x128xf32, #tpu.memory_space<vmem_shared>>)
      %add3A_394 = arith.constant 7 : i32
      %add3A_395 = arith.addi %mul3A_34, %add3A_394 : i32
      %add3A_396 = arith.constant 1 : i32
      %add3A_397 = arith.addi %add3A_395, %add3A_396 : i32
      %dma_start3A_398 = arith.constant 0 : i32
      %dma_start3A_399 = arith.constant 0 : i32
      %dma_start3A_400 = arith.constant 0 : i32
      %dma_start3A_401 = tpu.memref_slice %arg11[%dma_start3A_398, %dma_start3A_399, %dma_start3A_400] : memref<2x125x128xf32, #tpu.memory_space<vmem>> -> memref<1x125x128xf32, #tpu.memory_space<vmem>>
      %dma_start3A_402 = tpu.memref_squeeze %dma_start3A_401 : memref<1x125x128xf32, #tpu.memory_space<vmem>> -> memref<125x128xf32, #tpu.memory_space<vmem>>
      %dma_start3A_403 = arith.constant 0 : i32
      %dma_start3A_404 = tpu.memref_slice %arg9[%add3A_397, %dma_start3A_403] : memref<40x125xi32, #tpu.memory_space<vmem>> -> memref<1x125xi32, #tpu.memory_space<vmem>>
      %dma_start3A_405 = tpu.memref_squeeze %dma_start3A_404 : memref<1x125xi32, #tpu.memory_space<vmem>> -> memref<125xi32, #tpu.memory_space<vmem>>
      %dma_start3A_406 = arith.constant 0 : i32
      %dma_start3A_407 = arith.constant 0 : i32
      %dma_start3A_408 = tpu.memref_slice %arg2[%dma_start3A_406, %dma_start3A_407] : memref<10000x128xf32, #tpu.memory_space<hbm>> -> memref<10000x128xf32, #tpu.memory_space<hbm>>
      tpu.enqueue_indirect_dma source(%dma_start3A_408 : memref<10000x128xf32, #tpu.memory_space<hbm>>) target(%dma_start3A_402 : memref<125x128xf32, #tpu.memory_space<vmem>>) offsets(%dma_start3A_405 : memref<125xi32, #tpu.memory_space<vmem>>) semaphore(%arg12 : memref<!tpu.dma_semaphore, #tpu.memory_space<semaphore_mem>>)
      %dma_wait3A_409 = arith.constant 1 : i32
      %dma_wait3A_410 = arith.constant 0 : i32
      %dma_wait3A_411 = arith.constant 0 : i32
      %dma_wait3A_412 = tpu.memref_slice %arg11[%dma_wait3A_409, %dma_wait3A_410, %dma_wait3A_411] : memref<2x125x128xf32, #tpu.memory_space<vmem>> -> memref<1x125x128xf32, #tpu.memory_space<vmem>>
      %dma_wait3A_413 = tpu.memref_squeeze %dma_wait3A_412 : memref<1x125x128xf32, #tpu.memory_space<vmem>> -> memref<125x128xf32, #tpu.memory_space<vmem>>
      %dma_wait3A_414 = arith.constant 0 : i32
      %dma_wait3A_415 = tpu.memref_slice %arg9[%add3A_347, %dma_wait3A_414] : memref<40x125xi32, #tpu.memory_space<vmem>> -> memref<1x125xi32, #tpu.memory_space<vmem>>
      %dma_wait3A_416 = tpu.memref_squeeze %dma_wait3A_415 : memref<1x125xi32, #tpu.memory_space<vmem>> -> memref<125xi32, #tpu.memory_space<vmem>>
      %dma_wait3A_417 = arith.constant 0 : i32
      %dma_wait3A_418 = arith.constant 0 : i32
      %dma_wait3A_419 = tpu.memref_slice %arg2[%dma_wait3A_417, %dma_wait3A_418] : memref<10000x128xf32, #tpu.memory_space<hbm>> -> memref<10000x128xf32, #tpu.memory_space<hbm>>
      tpu.wait_indirect_dma semaphore(%arg13 : memref<!tpu.dma_semaphore, #tpu.memory_space<semaphore_mem>>) src(%dma_wait3A_419 : memref<10000x128xf32, #tpu.memory_space<hbm>>) dst(%dma_wait3A_413 : memref<125x128xf32, #tpu.memory_space<vmem>>)
      %add3A_420 = arith.constant 7 : i32
      %add3A_421 = arith.addi %mul3A_34, %add3A_420 : i32
      %dma_start3A_422 = arith.constant 1 : i32
      %dma_start3A_423 = arith.constant 0 : i32
      %dma_start3A_424 = arith.constant 0 : i32
      %dma_start3A_425 = tpu.memref_slice %arg11[%dma_start3A_422, %dma_start3A_423, %dma_start3A_424] : memref<2x125x128xf32, #tpu.memory_space<vmem>> -> memref<1x125x128xf32, #tpu.memory_space<vmem>>
      %dma_start3A_426 = tpu.memref_squeeze %dma_start3A_425 : memref<1x125x128xf32, #tpu.memory_space<vmem>> -> memref<125x128xf32, #tpu.memory_space<vmem>>
      %dma_start3A_427 = arith.constant 0 : i32
      %dma_start3A_428 = tpu.memref_slice %arg10[%add3A_421, %dma_start3A_427] : memref<40x125xi32, #tpu.memory_space<vmem>> -> memref<1x125xi32, #tpu.memory_space<vmem>>
      %dma_start3A_429 = tpu.memref_squeeze %dma_start3A_428 : memref<1x125xi32, #tpu.memory_space<vmem>> -> memref<125xi32, #tpu.memory_space<vmem>>
      %dma_start3A_430 = arith.constant 0 : i32
      %dma_start3A_431 = arith.constant 0 : i32
      %dma_start3A_432 = tpu.memref_slice %arg8[%dma_start3A_430, %dma_start3A_431] : memref<10000x128xf32, #tpu.memory_space<vmem_shared>> -> memref<10000x128xf32, #tpu.memory_space<vmem_shared>>
      tpu.enqueue_indirect_dma source(%dma_start3A_426 : memref<125x128xf32, #tpu.memory_space<vmem>>) target(%dma_start3A_432 : memref<10000x128xf32, #tpu.memory_space<vmem_shared>>) offsets(%dma_start3A_429 : memref<125xi32, #tpu.memory_space<vmem>>) semaphore(%arg15 : memref<!tpu.dma_semaphore, #tpu.memory_space<semaphore_mem>>) {add = true}
      %dma_wait3A_433 = arith.constant 1 : i32
      %dma_wait3A_434 = arith.constant 0 : i32
      %dma_wait3A_435 = arith.constant 0 : i32
      %dma_wait3A_436 = tpu.memref_slice %arg11[%dma_wait3A_433, %dma_wait3A_434, %dma_wait3A_435] : memref<2x125x128xf32, #tpu.memory_space<vmem>> -> memref<1x125x128xf32, #tpu.memory_space<vmem>>
      %dma_wait3A_437 = tpu.memref_squeeze %dma_wait3A_436 : memref<1x125x128xf32, #tpu.memory_space<vmem>> -> memref<125x128xf32, #tpu.memory_space<vmem>>
      %dma_wait3A_438 = arith.constant 0 : i32
      %dma_wait3A_439 = tpu.memref_slice %arg10[%add3A_421, %dma_wait3A_438] : memref<40x125xi32, #tpu.memory_space<vmem>> -> memref<1x125xi32, #tpu.memory_space<vmem>>
      %dma_wait3A_440 = tpu.memref_squeeze %dma_wait3A_439 : memref<1x125xi32, #tpu.memory_space<vmem>> -> memref<125xi32, #tpu.memory_space<vmem>>
      %dma_wait3A_441 = arith.constant 0 : i32
      %dma_wait3A_442 = arith.constant 0 : i32
      %dma_wait3A_443 = tpu.memref_slice %arg8[%dma_wait3A_441, %dma_wait3A_442] : memref<10000x128xf32, #tpu.memory_space<vmem_shared>> -> memref<10000x128xf32, #tpu.memory_space<vmem_shared>>
      tpu.wait_indirect_dma semaphore(%arg15 : memref<!tpu.dma_semaphore, #tpu.memory_space<semaphore_mem>>) src(%dma_wait3A_437 : memref<125x128xf32, #tpu.memory_space<vmem>>) dst(%dma_wait3A_443 : memref<10000x128xf32, #tpu.memory_space<vmem_shared>>)
      %add3A_444 = arith.constant 8 : i32
      %add3A_445 = arith.addi %mul3A_34, %add3A_444 : i32
      %add3A_446 = arith.constant 1 : i32
      %add3A_447 = arith.addi %add3A_445, %add3A_446 : i32
      %dma_start3A_448 = arith.constant 1 : i32
      %dma_start3A_449 = arith.constant 0 : i32
      %dma_start3A_450 = arith.constant 0 : i32
      %dma_start3A_451 = tpu.memref_slice %arg11[%dma_start3A_448, %dma_start3A_449, %dma_start3A_450] : memref<2x125x128xf32, #tpu.memory_space<vmem>> -> memref<1x125x128xf32, #tpu.memory_space<vmem>>
      %dma_start3A_452 = tpu.memref_squeeze %dma_start3A_451 : memref<1x125x128xf32, #tpu.memory_space<vmem>> -> memref<125x128xf32, #tpu.memory_space<vmem>>
      %dma_start3A_453 = arith.constant 0 : i32
      %dma_start3A_454 = tpu.memref_slice %arg9[%add3A_447, %dma_start3A_453] : memref<40x125xi32, #tpu.memory_space<vmem>> -> memref<1x125xi32, #tpu.memory_space<vmem>>
      %dma_start3A_455 = tpu.memref_squeeze %dma_start3A_454 : memref<1x125xi32, #tpu.memory_space<vmem>> -> memref<125xi32, #tpu.memory_space<vmem>>
      %dma_start3A_456 = arith.constant 0 : i32
      %dma_start3A_457 = arith.constant 0 : i32
      %dma_start3A_458 = tpu.memref_slice %arg2[%dma_start3A_456, %dma_start3A_457] : memref<10000x128xf32, #tpu.memory_space<hbm>> -> memref<10000x128xf32, #tpu.memory_space<hbm>>
      tpu.enqueue_indirect_dma source(%dma_start3A_458 : memref<10000x128xf32, #tpu.memory_space<hbm>>) target(%dma_start3A_452 : memref<125x128xf32, #tpu.memory_space<vmem>>) offsets(%dma_start3A_455 : memref<125xi32, #tpu.memory_space<vmem>>) semaphore(%arg13 : memref<!tpu.dma_semaphore, #tpu.memory_space<semaphore_mem>>)
      %dma_wait3A_459 = arith.constant 0 : i32
      %dma_wait3A_460 = arith.constant 0 : i32
      %dma_wait3A_461 = arith.constant 0 : i32
      %dma_wait3A_462 = tpu.memref_slice %arg11[%dma_wait3A_459, %dma_wait3A_460, %dma_wait3A_461] : memref<2x125x128xf32, #tpu.memory_space<vmem>> -> memref<1x125x128xf32, #tpu.memory_space<vmem>>
      %dma_wait3A_463 = tpu.memref_squeeze %dma_wait3A_462 : memref<1x125x128xf32, #tpu.memory_space<vmem>> -> memref<125x128xf32, #tpu.memory_space<vmem>>
      %dma_wait3A_464 = arith.constant 0 : i32
      %dma_wait3A_465 = tpu.memref_slice %arg9[%add3A_397, %dma_wait3A_464] : memref<40x125xi32, #tpu.memory_space<vmem>> -> memref<1x125xi32, #tpu.memory_space<vmem>>
      %dma_wait3A_466 = tpu.memref_squeeze %dma_wait3A_465 : memref<1x125xi32, #tpu.memory_space<vmem>> -> memref<125xi32, #tpu.memory_space<vmem>>
      %dma_wait3A_467 = arith.constant 0 : i32
      %dma_wait3A_468 = arith.constant 0 : i32
      %dma_wait3A_469 = tpu.memref_slice %arg2[%dma_wait3A_467, %dma_wait3A_468] : memref<10000x128xf32, #tpu.memory_space<hbm>> -> memref<10000x128xf32, #tpu.memory_space<hbm>>
      tpu.wait_indirect_dma semaphore(%arg12 : memref<!tpu.dma_semaphore, #tpu.memory_space<semaphore_mem>>) src(%dma_wait3A_469 : memref<10000x128xf32, #tpu.memory_space<hbm>>) dst(%dma_wait3A_463 : memref<125x128xf32, #tpu.memory_space<vmem>>)
      %add3A_470 = arith.constant 8 : i32
      %add3A_471 = arith.addi %mul3A_34, %add3A_470 : i32
      %dma_start3A_472 = arith.constant 0 : i32
      %dma_start3A_473 = arith.constant 0 : i32
      %dma_start3A_474 = arith.constant 0 : i32
      %dma_start3A_475 = tpu.memref_slice %arg11[%dma_start3A_472, %dma_start3A_473, %dma_start3A_474] : memref<2x125x128xf32, #tpu.memory_space<vmem>> -> memref<1x125x128xf32, #tpu.memory_space<vmem>>
      %dma_start3A_476 = tpu.memref_squeeze %dma_start3A_475 : memref<1x125x128xf32, #tpu.memory_space<vmem>> -> memref<125x128xf32, #tpu.memory_space<vmem>>
      %dma_start3A_477 = arith.constant 0 : i32
      %dma_start3A_478 = tpu.memref_slice %arg10[%add3A_471, %dma_start3A_477] : memref<40x125xi32, #tpu.memory_space<vmem>> -> memref<1x125xi32, #tpu.memory_space<vmem>>
      %dma_start3A_479 = tpu.memref_squeeze %dma_start3A_478 : memref<1x125xi32, #tpu.memory_space<vmem>> -> memref<125xi32, #tpu.memory_space<vmem>>
      %dma_start3A_480 = arith.constant 0 : i32
      %dma_start3A_481 = arith.constant 0 : i32
      %dma_start3A_482 = tpu.memref_slice %arg8[%dma_start3A_480, %dma_start3A_481] : memref<10000x128xf32, #tpu.memory_space<vmem_shared>> -> memref<10000x128xf32, #tpu.memory_space<vmem_shared>>
      tpu.enqueue_indirect_dma source(%dma_start3A_476 : memref<125x128xf32, #tpu.memory_space<vmem>>) target(%dma_start3A_482 : memref<10000x128xf32, #tpu.memory_space<vmem_shared>>) offsets(%dma_start3A_479 : memref<125xi32, #tpu.memory_space<vmem>>) semaphore(%arg14 : memref<!tpu.dma_semaphore, #tpu.memory_space<semaphore_mem>>) {add = true}
      %dma_wait3A_483 = arith.constant 1 : i32
      %dma_wait3A_484 = arith.constant 0 : i32
      %dma_wait3A_485 = arith.constant 0 : i32
      %dma_wait3A_486 = tpu.memref_slice %arg11[%dma_wait3A_483, %dma_wait3A_484, %dma_wait3A_485] : memref<2x125x128xf32, #tpu.memory_space<vmem>> -> memref<1x125x128xf32, #tpu.memory_space<vmem>>
      %dma_wait3A_487 = tpu.memref_squeeze %dma_wait3A_486 : memref<1x125x128xf32, #tpu.memory_space<vmem>> -> memref<125x128xf32, #tpu.memory_space<vmem>>
      %dma_wait3A_488 = arith.constant 0 : i32
      %dma_wait3A_489 = tpu.memref_slice %arg9[%add3A_447, %dma_wait3A_488] : memref<40x125xi32, #tpu.memory_space<vmem>> -> memref<1x125xi32, #tpu.memory_space<vmem>>
      %dma_wait3A_490 = tpu.memref_squeeze %dma_wait3A_489 : memref<1x125xi32, #tpu.memory_space<vmem>> -> memref<125xi32, #tpu.memory_space<vmem>>
      %dma_wait3A_491 = arith.constant 0 : i32
      %dma_wait3A_492 = arith.constant 0 : i32
      %dma_wait3A_493 = tpu.memref_slice %arg2[%dma_wait3A_491, %dma_wait3A_492] : memref<10000x128xf32, #tpu.memory_space<hbm>> -> memref<10000x128xf32, #tpu.memory_space<hbm>>
      tpu.wait_indirect_dma semaphore(%arg13 : memref<!tpu.dma_semaphore, #tpu.memory_space<semaphore_mem>>) src(%dma_wait3A_493 : memref<10000x128xf32, #tpu.memory_space<hbm>>) dst(%dma_wait3A_487 : memref<125x128xf32, #tpu.memory_space<vmem>>)
      %add3A_494 = arith.constant 9 : i32
      %add3A_495 = arith.addi %mul3A_34, %add3A_494 : i32
      %dma_start3A_496 = arith.constant 1 : i32
      %dma_start3A_497 = arith.constant 0 : i32
      %dma_start3A_498 = arith.constant 0 : i32
      %dma_start3A_499 = tpu.memref_slice %arg11[%dma_start3A_496, %dma_start3A_497, %dma_start3A_498] : memref<2x125x128xf32, #tpu.memory_space<vmem>> -> memref<1x125x128xf32, #tpu.memory_space<vmem>>
      %dma_start3A_500 = tpu.memref_squeeze %dma_start3A_499 : memref<1x125x128xf32, #tpu.memory_space<vmem>> -> memref<125x128xf32, #tpu.memory_space<vmem>>
      %dma_start3A_501 = arith.constant 0 : i32
      %dma_start3A_502 = tpu.memref_slice %arg10[%add3A_495, %dma_start3A_501] : memref<40x125xi32, #tpu.memory_space<vmem>> -> memref<1x125xi32, #tpu.memory_space<vmem>>
      %dma_start3A_503 = tpu.memref_squeeze %dma_start3A_502 : memref<1x125xi32, #tpu.memory_space<vmem>> -> memref<125xi32, #tpu.memory_space<vmem>>
      %dma_start3A_504 = arith.constant 0 : i32
      %dma_start3A_505 = arith.constant 0 : i32
      %dma_start3A_506 = tpu.memref_slice %arg8[%dma_start3A_504, %dma_start3A_505] : memref<10000x128xf32, #tpu.memory_space<vmem_shared>> -> memref<10000x128xf32, #tpu.memory_space<vmem_shared>>
      tpu.enqueue_indirect_dma source(%dma_start3A_500 : memref<125x128xf32, #tpu.memory_space<vmem>>) target(%dma_start3A_506 : memref<10000x128xf32, #tpu.memory_space<vmem_shared>>) offsets(%dma_start3A_503 : memref<125xi32, #tpu.memory_space<vmem>>) semaphore(%arg15 : memref<!tpu.dma_semaphore, #tpu.memory_space<semaphore_mem>>) {add = true}
      %dma_wait3A_507 = arith.constant 0 : i32
      %dma_wait3A_508 = arith.constant 0 : i32
      %dma_wait3A_509 = arith.constant 0 : i32
      %dma_wait3A_510 = tpu.memref_slice %arg11[%dma_wait3A_507, %dma_wait3A_508, %dma_wait3A_509] : memref<2x125x128xf32, #tpu.memory_space<vmem>> -> memref<1x125x128xf32, #tpu.memory_space<vmem>>
      %dma_wait3A_511 = tpu.memref_squeeze %dma_wait3A_510 : memref<1x125x128xf32, #tpu.memory_space<vmem>> -> memref<125x128xf32, #tpu.memory_space<vmem>>
      %dma_wait3A_512 = arith.constant 0 : i32
      %dma_wait3A_513 = tpu.memref_slice %arg10[%add3A_471, %dma_wait3A_512] : memref<40x125xi32, #tpu.memory_space<vmem>> -> memref<1x125xi32, #tpu.memory_space<vmem>>
      %dma_wait3A_514 = tpu.memref_squeeze %dma_wait3A_513 : memref<1x125xi32, #tpu.memory_space<vmem>> -> memref<125xi32, #tpu.memory_space<vmem>>
      %dma_wait3A_515 = arith.constant 0 : i32
      %dma_wait3A_516 = arith.constant 0 : i32
      %dma_wait3A_517 = tpu.memref_slice %arg8[%dma_wait3A_515, %dma_wait3A_516] : memref<10000x128xf32, #tpu.memory_space<vmem_shared>> -> memref<10000x128xf32, #tpu.memory_space<vmem_shared>>
      tpu.wait_indirect_dma semaphore(%arg14 : memref<!tpu.dma_semaphore, #tpu.memory_space<semaphore_mem>>) src(%dma_wait3A_511 : memref<125x128xf32, #tpu.memory_space<vmem>>) dst(%dma_wait3A_517 : memref<10000x128xf32, #tpu.memory_space<vmem_shared>>)
      %dma_wait3A_518 = arith.constant 1 : i32
      %dma_wait3A_519 = arith.constant 0 : i32
      %dma_wait3A_520 = arith.constant 0 : i32
      %dma_wait3A_521 = tpu.memref_slice %arg11[%dma_wait3A_518, %dma_wait3A_519, %dma_wait3A_520] : memref<2x125x128xf32, #tpu.memory_space<vmem>> -> memref<1x125x128xf32, #tpu.memory_space<vmem>>
      %dma_wait3A_522 = tpu.memref_squeeze %dma_wait3A_521 : memref<1x125x128xf32, #tpu.memory_space<vmem>> -> memref<125x128xf32, #tpu.memory_space<vmem>>
      %dma_wait3A_523 = arith.constant 0 : i32
      %dma_wait3A_524 = tpu.memref_slice %arg10[%add3A_495, %dma_wait3A_523] : memref<40x125xi32, #tpu.memory_space<vmem>> -> memref<1x125xi32, #tpu.memory_space<vmem>>
      %dma_wait3A_525 = tpu.memref_squeeze %dma_wait3A_524 : memref<1x125xi32, #tpu.memory_space<vmem>> -> memref<125xi32, #tpu.memory_space<vmem>>
      %dma_wait3A_526 = arith.constant 0 : i32
      %dma_wait3A_527 = arith.constant 0 : i32
      %dma_wait3A_528 = tpu.memref_slice %arg8[%dma_wait3A_526, %dma_wait3A_527] : memref<10000x128xf32, #tpu.memory_space<vmem_shared>> -> memref<10000x128xf32, #tpu.memory_space<vmem_shared>>
      tpu.wait_indirect_dma semaphore(%arg15 : memref<!tpu.dma_semaphore, #tpu.memory_space<semaphore_mem>>) src(%dma_wait3A_522 : memref<125x128xf32, #tpu.memory_space<vmem>>) dst(%dma_wait3A_528 : memref<10000x128xf32, #tpu.memory_space<vmem_shared>>)
    }
    %scan3A_12 = arith.constant 4 : i32
    %run_scoped3A_13 = arith.constant 1 : i32
    "tpu.region"() ({
      %run_scoped3A_32 = tpu.sem_alloc : memref<!tpu.dma_semaphore, #tpu.memory_space<semaphore_mem>>
      %dma_start3A = arith.constant 0 : i32
      %dma_start3A_33 = arith.constant 0 : i32
      %dma_start3A_34 = tpu.memref_slice %arg3[%add3A, %run_scoped3A_13, %dma_start3A, %dma_start3A_33] : memref<32x2x40x125xi32, #tpu.memory_space<hbm>> -> memref<1x1x40x125xi32, #tpu.memory_space<hbm>>
      %dma_start3A_35 = tpu.memref_squeeze %dma_start3A_34 : memref<1x1x40x125xi32, #tpu.memory_space<hbm>> -> memref<40x125xi32, #tpu.memory_space<hbm>>
      %dma_start3A_36 = arith.constant 0 : i32
      %dma_start3A_37 = arith.constant 0 : i32
      %dma_start3A_38 = tpu.memref_slice %arg3[%add3A, %run_scoped3A_13, %dma_start3A_36, %dma_start3A_37] : memref<32x2x40x125xi32, #tpu.memory_space<hbm>> -> memref<1x1x40x125xi32, #tpu.memory_space<hbm>>
      %dma_start3A_39 = tpu.memref_squeeze %dma_start3A_38 : memref<1x1x40x125xi32, #tpu.memory_space<hbm>> -> memref<40x125xi32, #tpu.memory_space<hbm>>
      tpu.enqueue_dma source(%dma_start3A_39 : memref<40x125xi32, #tpu.memory_space<hbm>>) target(%arg9 : memref<40x125xi32, #tpu.memory_space<vmem>>) target_semaphore(%run_scoped3A_32 : memref<!tpu.dma_semaphore, #tpu.memory_space<semaphore_mem>>)
      %dma_wait3A = arith.constant 0 : i32
      %dma_wait3A_40 = arith.constant 0 : i32
      %dma_wait3A_41 = tpu.memref_slice %arg3[%add3A, %run_scoped3A_13, %dma_wait3A, %dma_wait3A_40] : memref<32x2x40x125xi32, #tpu.memory_space<hbm>> -> memref<1x1x40x125xi32, #tpu.memory_space<hbm>>
      %dma_wait3A_42 = tpu.memref_squeeze %dma_wait3A_41 : memref<1x1x40x125xi32, #tpu.memory_space<hbm>> -> memref<40x125xi32, #tpu.memory_space<hbm>>
      %dma_wait3A_43 = arith.constant 0 : i32
      %dma_wait3A_44 = arith.constant 0 : i32
      %dma_wait3A_45 = tpu.memref_slice %arg3[%add3A, %run_scoped3A_13, %dma_wait3A_43, %dma_wait3A_44] : memref<32x2x40x125xi32, #tpu.memory_space<hbm>> -> memref<1x1x40x125xi32, #tpu.memory_space<hbm>>
      %dma_wait3A_46 = tpu.memref_squeeze %dma_wait3A_45 : memref<1x1x40x125xi32, #tpu.memory_space<hbm>> -> memref<40x125xi32, #tpu.memory_space<hbm>>
      tpu.wait_dma2 semaphore(%run_scoped3A_32 : memref<!tpu.dma_semaphore, #tpu.memory_space<semaphore_mem>>) src(%dma_wait3A_46 : memref<40x125xi32, #tpu.memory_space<hbm>>) dst(%arg9 : memref<40x125xi32, #tpu.memory_space<vmem>>)
      tpu.yield
    }) : () -> ()
    %run_scoped3A_14 = arith.constant 1 : i32
    "tpu.region"() ({
      %run_scoped3A_32 = tpu.sem_alloc : memref<!tpu.dma_semaphore, #tpu.memory_space<semaphore_mem>>
      %dma_start3A = arith.constant 0 : i32
      %dma_start3A_33 = arith.constant 0 : i32
      %dma_start3A_34 = tpu.memref_slice %arg4[%add3A, %run_scoped3A_14, %dma_start3A, %dma_start3A_33] : memref<32x2x40x125xi32, #tpu.memory_space<hbm>> -> memref<1x1x40x125xi32, #tpu.memory_space<hbm>>
      %dma_start3A_35 = tpu.memref_squeeze %dma_start3A_34 : memref<1x1x40x125xi32, #tpu.memory_space<hbm>> -> memref<40x125xi32, #tpu.memory_space<hbm>>
      %dma_start3A_36 = arith.constant 0 : i32
      %dma_start3A_37 = arith.constant 0 : i32
      %dma_start3A_38 = tpu.memref_slice %arg4[%add3A, %run_scoped3A_14, %dma_start3A_36, %dma_start3A_37] : memref<32x2x40x125xi32, #tpu.memory_space<hbm>> -> memref<1x1x40x125xi32, #tpu.memory_space<hbm>>
      %dma_start3A_39 = tpu.memref_squeeze %dma_start3A_38 : memref<1x1x40x125xi32, #tpu.memory_space<hbm>> -> memref<40x125xi32, #tpu.memory_space<hbm>>
      tpu.enqueue_dma source(%dma_start3A_39 : memref<40x125xi32, #tpu.memory_space<hbm>>) target(%arg10 : memref<40x125xi32, #tpu.memory_space<vmem>>) target_semaphore(%run_scoped3A_32 : memref<!tpu.dma_semaphore, #tpu.memory_space<semaphore_mem>>)
      %dma_wait3A = arith.constant 0 : i32
      %dma_wait3A_40 = arith.constant 0 : i32
      %dma_wait3A_41 = tpu.memref_slice %arg4[%add3A, %run_scoped3A_14, %dma_wait3A, %dma_wait3A_40] : memref<32x2x40x125xi32, #tpu.memory_space<hbm>> -> memref<1x1x40x125xi32, #tpu.memory_space<hbm>>
      %dma_wait3A_42 = tpu.memref_squeeze %dma_wait3A_41 : memref<1x1x40x125xi32, #tpu.memory_space<hbm>> -> memref<40x125xi32, #tpu.memory_space<hbm>>
      %dma_wait3A_43 = arith.constant 0 : i32
      %dma_wait3A_44 = arith.constant 0 : i32
      %dma_wait3A_45 = tpu.memref_slice %arg4[%add3A, %run_scoped3A_14, %dma_wait3A_43, %dma_wait3A_44] : memref<32x2x40x125xi32, #tpu.memory_space<hbm>> -> memref<1x1x40x125xi32, #tpu.memory_space<hbm>>
      %dma_wait3A_46 = tpu.memref_squeeze %dma_wait3A_45 : memref<1x1x40x125xi32, #tpu.memory_space<hbm>> -> memref<40x125xi32, #tpu.memory_space<hbm>>
      tpu.wait_dma2 semaphore(%run_scoped3A_32 : memref<!tpu.dma_semaphore, #tpu.memory_space<semaphore_mem>>) src(%dma_wait3A_46 : memref<40x125xi32, #tpu.memory_space<hbm>>) dst(%arg10 : memref<40x125xi32, #tpu.memory_space<vmem>>)
      tpu.yield
    }) : () -> ()
    %scan3A_15 = arith.constant 0 : i32
    %scan3A_16 = arith.constant 0 : i32
    %scan3A_17 = arith.constant 4 : i32
    %scan3A_18 = arith.addi %scan3A_16, %scan3A_17 : i32
    %scan3A_19 = arith.constant 1 : i32
    scf.for %scan3A_32 = %scan3A_16 to %scan3A_18 step %scan3A_19  : i32 {
      %mul3A_33 = arith.constant 10 : i32
      %mul3A_34 = arith.muli %scan3A_32, %mul3A_33 : i32
      %dma_start3A = arith.constant 0 : i32
      %dma_start3A_35 = arith.constant 0 : i32
      %dma_start3A_36 = arith.constant 0 : i32
      %dma_start3A_37 = tpu.memref_slice %arg11[%dma_start3A, %dma_start3A_35, %dma_start3A_36] : memref<2x125x128xf32, #tpu.memory_space<vmem>> -> memref<1x125x128xf32, #tpu.memory_space<vmem>>
      %dma_start3A_38 = tpu.memref_squeeze %dma_start3A_37 : memref<1x125x128xf32, #tpu.memory_space<vmem>> -> memref<125x128xf32, #tpu.memory_space<vmem>>
      %dma_start3A_39 = arith.constant 0 : i32
      %dma_start3A_40 = tpu.memref_slice %arg9[%mul3A_34, %dma_start3A_39] : memref<40x125xi32, #tpu.memory_space<vmem>> -> memref<1x125xi32, #tpu.memory_space<vmem>>
      %dma_start3A_41 = tpu.memref_squeeze %dma_start3A_40 : memref<1x125xi32, #tpu.memory_space<vmem>> -> memref<125xi32, #tpu.memory_space<vmem>>
      %dma_start3A_42 = arith.constant 0 : i32
      %dma_start3A_43 = arith.constant 0 : i32
      %dma_start3A_44 = tpu.memref_slice %arg2[%dma_start3A_42, %dma_start3A_43] : memref<10000x128xf32, #tpu.memory_space<hbm>> -> memref<10000x128xf32, #tpu.memory_space<hbm>>
      tpu.enqueue_indirect_dma source(%dma_start3A_44 : memref<10000x128xf32, #tpu.memory_space<hbm>>) target(%dma_start3A_38 : memref<125x128xf32, #tpu.memory_space<vmem>>) offsets(%dma_start3A_41 : memref<125xi32, #tpu.memory_space<vmem>>) semaphore(%arg12 : memref<!tpu.dma_semaphore, #tpu.memory_space<semaphore_mem>>)
      %add3A_45 = arith.constant 0 : i32
      %add3A_46 = arith.addi %mul3A_34, %add3A_45 : i32
      %add3A_47 = arith.constant 1 : i32
      %add3A_48 = arith.addi %add3A_46, %add3A_47 : i32
      %dma_start3A_49 = arith.constant 1 : i32
      %dma_start3A_50 = arith.constant 0 : i32
      %dma_start3A_51 = arith.constant 0 : i32
      %dma_start3A_52 = tpu.memref_slice %arg11[%dma_start3A_49, %dma_start3A_50, %dma_start3A_51] : memref<2x125x128xf32, #tpu.memory_space<vmem>> -> memref<1x125x128xf32, #tpu.memory_space<vmem>>
      %dma_start3A_53 = tpu.memref_squeeze %dma_start3A_52 : memref<1x125x128xf32, #tpu.memory_space<vmem>> -> memref<125x128xf32, #tpu.memory_space<vmem>>
      %dma_start3A_54 = arith.constant 0 : i32
      %dma_start3A_55 = tpu.memref_slice %arg9[%add3A_48, %dma_start3A_54] : memref<40x125xi32, #tpu.memory_space<vmem>> -> memref<1x125xi32, #tpu.memory_space<vmem>>
      %dma_start3A_56 = tpu.memref_squeeze %dma_start3A_55 : memref<1x125xi32, #tpu.memory_space<vmem>> -> memref<125xi32, #tpu.memory_space<vmem>>
      %dma_start3A_57 = arith.constant 0 : i32
      %dma_start3A_58 = arith.constant 0 : i32
      %dma_start3A_59 = tpu.memref_slice %arg2[%dma_start3A_57, %dma_start3A_58] : memref<10000x128xf32, #tpu.memory_space<hbm>> -> memref<10000x128xf32, #tpu.memory_space<hbm>>
      tpu.enqueue_indirect_dma source(%dma_start3A_59 : memref<10000x128xf32, #tpu.memory_space<hbm>>) target(%dma_start3A_53 : memref<125x128xf32, #tpu.memory_space<vmem>>) offsets(%dma_start3A_56 : memref<125xi32, #tpu.memory_space<vmem>>) semaphore(%arg13 : memref<!tpu.dma_semaphore, #tpu.memory_space<semaphore_mem>>)
      %dma_wait3A = arith.constant 0 : i32
      %dma_wait3A_60 = arith.constant 0 : i32
      %dma_wait3A_61 = arith.constant 0 : i32
      %dma_wait3A_62 = tpu.memref_slice %arg11[%dma_wait3A, %dma_wait3A_60, %dma_wait3A_61] : memref<2x125x128xf32, #tpu.memory_space<vmem>> -> memref<1x125x128xf32, #tpu.memory_space<vmem>>
      %dma_wait3A_63 = tpu.memref_squeeze %dma_wait3A_62 : memref<1x125x128xf32, #tpu.memory_space<vmem>> -> memref<125x128xf32, #tpu.memory_space<vmem>>
      %dma_wait3A_64 = arith.constant 0 : i32
      %dma_wait3A_65 = tpu.memref_slice %arg9[%mul3A_34, %dma_wait3A_64] : memref<40x125xi32, #tpu.memory_space<vmem>> -> memref<1x125xi32, #tpu.memory_space<vmem>>
      %dma_wait3A_66 = tpu.memref_squeeze %dma_wait3A_65 : memref<1x125xi32, #tpu.memory_space<vmem>> -> memref<125xi32, #tpu.memory_space<vmem>>
      %dma_wait3A_67 = arith.constant 0 : i32
      %dma_wait3A_68 = arith.constant 0 : i32
      %dma_wait3A_69 = tpu.memref_slice %arg2[%dma_wait3A_67, %dma_wait3A_68] : memref<10000x128xf32, #tpu.memory_space<hbm>> -> memref<10000x128xf32, #tpu.memory_space<hbm>>
      tpu.wait_indirect_dma semaphore(%arg12 : memref<!tpu.dma_semaphore, #tpu.memory_space<semaphore_mem>>) src(%dma_wait3A_69 : memref<10000x128xf32, #tpu.memory_space<hbm>>) dst(%dma_wait3A_63 : memref<125x128xf32, #tpu.memory_space<vmem>>)
      %add3A_70 = arith.constant 0 : i32
      %add3A_71 = arith.addi %mul3A_34, %add3A_70 : i32
      %dma_start3A_72 = arith.constant 0 : i32
      %dma_start3A_73 = arith.constant 0 : i32
      %dma_start3A_74 = arith.constant 0 : i32
      %dma_start3A_75 = tpu.memref_slice %arg11[%dma_start3A_72, %dma_start3A_73, %dma_start3A_74] : memref<2x125x128xf32, #tpu.memory_space<vmem>> -> memref<1x125x128xf32, #tpu.memory_space<vmem>>
      %dma_start3A_76 = tpu.memref_squeeze %dma_start3A_75 : memref<1x125x128xf32, #tpu.memory_space<vmem>> -> memref<125x128xf32, #tpu.memory_space<vmem>>
      %dma_start3A_77 = arith.constant 0 : i32
      %dma_start3A_78 = tpu.memref_slice %arg10[%add3A_71, %dma_start3A_77] : memref<40x125xi32, #tpu.memory_space<vmem>> -> memref<1x125xi32, #tpu.memory_space<vmem>>
      %dma_start3A_79 = tpu.memref_squeeze %dma_start3A_78 : memref<1x125xi32, #tpu.memory_space<vmem>> -> memref<125xi32, #tpu.memory_space<vmem>>
      %dma_start3A_80 = arith.constant 0 : i32
      %dma_start3A_81 = arith.constant 0 : i32
      %dma_start3A_82 = tpu.memref_slice %arg8[%dma_start3A_80, %dma_start3A_81] : memref<10000x128xf32, #tpu.memory_space<vmem_shared>> -> memref<10000x128xf32, #tpu.memory_space<vmem_shared>>
      tpu.enqueue_indirect_dma source(%dma_start3A_76 : memref<125x128xf32, #tpu.memory_space<vmem>>) target(%dma_start3A_82 : memref<10000x128xf32, #tpu.memory_space<vmem_shared>>) offsets(%dma_start3A_79 : memref<125xi32, #tpu.memory_space<vmem>>) semaphore(%arg14 : memref<!tpu.dma_semaphore, #tpu.memory_space<semaphore_mem>>) {add = true}
      %dma_wait3A_83 = arith.constant 0 : i32
      %dma_wait3A_84 = arith.constant 0 : i32
      %dma_wait3A_85 = arith.constant 0 : i32
      %dma_wait3A_86 = tpu.memref_slice %arg11[%dma_wait3A_83, %dma_wait3A_84, %dma_wait3A_85] : memref<2x125x128xf32, #tpu.memory_space<vmem>> -> memref<1x125x128xf32, #tpu.memory_space<vmem>>
      %dma_wait3A_87 = tpu.memref_squeeze %dma_wait3A_86 : memref<1x125x128xf32, #tpu.memory_space<vmem>> -> memref<125x128xf32, #tpu.memory_space<vmem>>
      %dma_wait3A_88 = arith.constant 0 : i32
      %dma_wait3A_89 = tpu.memref_slice %arg10[%add3A_71, %dma_wait3A_88] : memref<40x125xi32, #tpu.memory_space<vmem>> -> memref<1x125xi32, #tpu.memory_space<vmem>>
      %dma_wait3A_90 = tpu.memref_squeeze %dma_wait3A_89 : memref<1x125xi32, #tpu.memory_space<vmem>> -> memref<125xi32, #tpu.memory_space<vmem>>
      %dma_wait3A_91 = arith.constant 0 : i32
      %dma_wait3A_92 = arith.constant 0 : i32
      %dma_wait3A_93 = tpu.memref_slice %arg8[%dma_wait3A_91, %dma_wait3A_92] : memref<10000x128xf32, #tpu.memory_space<vmem_shared>> -> memref<10000x128xf32, #tpu.memory_space<vmem_shared>>
      tpu.wait_indirect_dma semaphore(%arg14 : memref<!tpu.dma_semaphore, #tpu.memory_space<semaphore_mem>>) src(%dma_wait3A_87 : memref<125x128xf32, #tpu.memory_space<vmem>>) dst(%dma_wait3A_93 : memref<10000x128xf32, #tpu.memory_space<vmem_shared>>)
      %add3A_94 = arith.constant 1 : i32
      %add3A_95 = arith.addi %mul3A_34, %add3A_94 : i32
      %add3A_96 = arith.constant 1 : i32
      %add3A_97 = arith.addi %add3A_95, %add3A_96 : i32
      %dma_start3A_98 = arith.constant 0 : i32
      %dma_start3A_99 = arith.constant 0 : i32
      %dma_start3A_100 = arith.constant 0 : i32
      %dma_start3A_101 = tpu.memref_slice %arg11[%dma_start3A_98, %dma_start3A_99, %dma_start3A_100] : memref<2x125x128xf32, #tpu.memory_space<vmem>> -> memref<1x125x128xf32, #tpu.memory_space<vmem>>
      %dma_start3A_102 = tpu.memref_squeeze %dma_start3A_101 : memref<1x125x128xf32, #tpu.memory_space<vmem>> -> memref<125x128xf32, #tpu.memory_space<vmem>>
      %dma_start3A_103 = arith.constant 0 : i32
      %dma_start3A_104 = tpu.memref_slice %arg9[%add3A_97, %dma_start3A_103] : memref<40x125xi32, #tpu.memory_space<vmem>> -> memref<1x125xi32, #tpu.memory_space<vmem>>
      %dma_start3A_105 = tpu.memref_squeeze %dma_start3A_104 : memref<1x125xi32, #tpu.memory_space<vmem>> -> memref<125xi32, #tpu.memory_space<vmem>>
      %dma_start3A_106 = arith.constant 0 : i32
      %dma_start3A_107 = arith.constant 0 : i32
      %dma_start3A_108 = tpu.memref_slice %arg2[%dma_start3A_106, %dma_start3A_107] : memref<10000x128xf32, #tpu.memory_space<hbm>> -> memref<10000x128xf32, #tpu.memory_space<hbm>>
      tpu.enqueue_indirect_dma source(%dma_start3A_108 : memref<10000x128xf32, #tpu.memory_space<hbm>>) target(%dma_start3A_102 : memref<125x128xf32, #tpu.memory_space<vmem>>) offsets(%dma_start3A_105 : memref<125xi32, #tpu.memory_space<vmem>>) semaphore(%arg12 : memref<!tpu.dma_semaphore, #tpu.memory_space<semaphore_mem>>)
      %dma_wait3A_109 = arith.constant 1 : i32
      %dma_wait3A_110 = arith.constant 0 : i32
      %dma_wait3A_111 = arith.constant 0 : i32
      %dma_wait3A_112 = tpu.memref_slice %arg11[%dma_wait3A_109, %dma_wait3A_110, %dma_wait3A_111] : memref<2x125x128xf32, #tpu.memory_space<vmem>> -> memref<1x125x128xf32, #tpu.memory_space<vmem>>
      %dma_wait3A_113 = tpu.memref_squeeze %dma_wait3A_112 : memref<1x125x128xf32, #tpu.memory_space<vmem>> -> memref<125x128xf32, #tpu.memory_space<vmem>>
      %dma_wait3A_114 = arith.constant 0 : i32
      %dma_wait3A_115 = tpu.memref_slice %arg9[%add3A_48, %dma_wait3A_114] : memref<40x125xi32, #tpu.memory_space<vmem>> -> memref<1x125xi32, #tpu.memory_space<vmem>>
      %dma_wait3A_116 = tpu.memref_squeeze %dma_wait3A_115 : memref<1x125xi32, #tpu.memory_space<vmem>> -> memref<125xi32, #tpu.memory_space<vmem>>
      %dma_wait3A_117 = arith.constant 0 : i32
      %dma_wait3A_118 = arith.constant 0 : i32
      %dma_wait3A_119 = tpu.memref_slice %arg2[%dma_wait3A_117, %dma_wait3A_118] : memref<10000x128xf32, #tpu.memory_space<hbm>> -> memref<10000x128xf32, #tpu.memory_space<hbm>>
      tpu.wait_indirect_dma semaphore(%arg13 : memref<!tpu.dma_semaphore, #tpu.memory_space<semaphore_mem>>) src(%dma_wait3A_119 : memref<10000x128xf32, #tpu.memory_space<hbm>>) dst(%dma_wait3A_113 : memref<125x128xf32, #tpu.memory_space<vmem>>)
      %add3A_120 = arith.constant 1 : i32
      %add3A_121 = arith.addi %mul3A_34, %add3A_120 : i32
      %dma_start3A_122 = arith.constant 1 : i32
      %dma_start3A_123 = arith.constant 0 : i32
      %dma_start3A_124 = arith.constant 0 : i32
      %dma_start3A_125 = tpu.memref_slice %arg11[%dma_start3A_122, %dma_start3A_123, %dma_start3A_124] : memref<2x125x128xf32, #tpu.memory_space<vmem>> -> memref<1x125x128xf32, #tpu.memory_space<vmem>>
      %dma_start3A_126 = tpu.memref_squeeze %dma_start3A_125 : memref<1x125x128xf32, #tpu.memory_space<vmem>> -> memref<125x128xf32, #tpu.memory_space<vmem>>
      %dma_start3A_127 = arith.constant 0 : i32
      %dma_start3A_128 = tpu.memref_slice %arg10[%add3A_121, %dma_start3A_127] : memref<40x125xi32, #tpu.memory_space<vmem>> -> memref<1x125xi32, #tpu.memory_space<vmem>>
      %dma_start3A_129 = tpu.memref_squeeze %dma_start3A_128 : memref<1x125xi32, #tpu.memory_space<vmem>> -> memref<125xi32, #tpu.memory_space<vmem>>
      %dma_start3A_130 = arith.constant 0 : i32
      %dma_start3A_131 = arith.constant 0 : i32
      %dma_start3A_132 = tpu.memref_slice %arg8[%dma_start3A_130, %dma_start3A_131] : memref<10000x128xf32, #tpu.memory_space<vmem_shared>> -> memref<10000x128xf32, #tpu.memory_space<vmem_shared>>
      tpu.enqueue_indirect_dma source(%dma_start3A_126 : memref<125x128xf32, #tpu.memory_space<vmem>>) target(%dma_start3A_132 : memref<10000x128xf32, #tpu.memory_space<vmem_shared>>) offsets(%dma_start3A_129 : memref<125xi32, #tpu.memory_space<vmem>>) semaphore(%arg15 : memref<!tpu.dma_semaphore, #tpu.memory_space<semaphore_mem>>) {add = true}
      %dma_wait3A_133 = arith.constant 1 : i32
      %dma_wait3A_134 = arith.constant 0 : i32
      %dma_wait3A_135 = arith.constant 0 : i32
      %dma_wait3A_136 = tpu.memref_slice %arg11[%dma_wait3A_133, %dma_wait3A_134, %dma_wait3A_135] : memref<2x125x128xf32, #tpu.memory_space<vmem>> -> memref<1x125x128xf32, #tpu.memory_space<vmem>>
      %dma_wait3A_137 = tpu.memref_squeeze %dma_wait3A_136 : memref<1x125x128xf32, #tpu.memory_space<vmem>> -> memref<125x128xf32, #tpu.memory_space<vmem>>
      %dma_wait3A_138 = arith.constant 0 : i32
      %dma_wait3A_139 = tpu.memref_slice %arg10[%add3A_121, %dma_wait3A_138] : memref<40x125xi32, #tpu.memory_space<vmem>> -> memref<1x125xi32, #tpu.memory_space<vmem>>
      %dma_wait3A_140 = tpu.memref_squeeze %dma_wait3A_139 : memref<1x125xi32, #tpu.memory_space<vmem>> -> memref<125xi32, #tpu.memory_space<vmem>>
      %dma_wait3A_141 = arith.constant 0 : i32
      %dma_wait3A_142 = arith.constant 0 : i32
      %dma_wait3A_143 = tpu.memref_slice %arg8[%dma_wait3A_141, %dma_wait3A_142] : memref<10000x128xf32, #tpu.memory_space<vmem_shared>> -> memref<10000x128xf32, #tpu.memory_space<vmem_shared>>
      tpu.wait_indirect_dma semaphore(%arg15 : memref<!tpu.dma_semaphore, #tpu.memory_space<semaphore_mem>>) src(%dma_wait3A_137 : memref<125x128xf32, #tpu.memory_space<vmem>>) dst(%dma_wait3A_143 : memref<10000x128xf32, #tpu.memory_space<vmem_shared>>)
      %add3A_144 = arith.constant 2 : i32
      %add3A_145 = arith.addi %mul3A_34, %add3A_144 : i32
      %add3A_146 = arith.constant 1 : i32
      %add3A_147 = arith.addi %add3A_145, %add3A_146 : i32
      %dma_start3A_148 = arith.constant 1 : i32
      %dma_start3A_149 = arith.constant 0 : i32
      %dma_start3A_150 = arith.constant 0 : i32
      %dma_start3A_151 = tpu.memref_slice %arg11[%dma_start3A_148, %dma_start3A_149, %dma_start3A_150] : memref<2x125x128xf32, #tpu.memory_space<vmem>> -> memref<1x125x128xf32, #tpu.memory_space<vmem>>
      %dma_start3A_152 = tpu.memref_squeeze %dma_start3A_151 : memref<1x125x128xf32, #tpu.memory_space<vmem>> -> memref<125x128xf32, #tpu.memory_space<vmem>>
      %dma_start3A_153 = arith.constant 0 : i32
      %dma_start3A_154 = tpu.memref_slice %arg9[%add3A_147, %dma_start3A_153] : memref<40x125xi32, #tpu.memory_space<vmem>> -> memref<1x125xi32, #tpu.memory_space<vmem>>
      %dma_start3A_155 = tpu.memref_squeeze %dma_start3A_154 : memref<1x125xi32, #tpu.memory_space<vmem>> -> memref<125xi32, #tpu.memory_space<vmem>>
      %dma_start3A_156 = arith.constant 0 : i32
      %dma_start3A_157 = arith.constant 0 : i32
      %dma_start3A_158 = tpu.memref_slice %arg2[%dma_start3A_156, %dma_start3A_157] : memref<10000x128xf32, #tpu.memory_space<hbm>> -> memref<10000x128xf32, #tpu.memory_space<hbm>>
      tpu.enqueue_indirect_dma source(%dma_start3A_158 : memref<10000x128xf32, #tpu.memory_space<hbm>>) target(%dma_start3A_152 : memref<125x128xf32, #tpu.memory_space<vmem>>) offsets(%dma_start3A_155 : memref<125xi32, #tpu.memory_space<vmem>>) semaphore(%arg13 : memref<!tpu.dma_semaphore, #tpu.memory_space<semaphore_mem>>)
      %dma_wait3A_159 = arith.constant 0 : i32
      %dma_wait3A_160 = arith.constant 0 : i32
      %dma_wait3A_161 = arith.constant 0 : i32
      %dma_wait3A_162 = tpu.memref_slice %arg11[%dma_wait3A_159, %dma_wait3A_160, %dma_wait3A_161] : memref<2x125x128xf32, #tpu.memory_space<vmem>> -> memref<1x125x128xf32, #tpu.memory_space<vmem>>
      %dma_wait3A_163 = tpu.memref_squeeze %dma_wait3A_162 : memref<1x125x128xf32, #tpu.memory_space<vmem>> -> memref<125x128xf32, #tpu.memory_space<vmem>>
      %dma_wait3A_164 = arith.constant 0 : i32
      %dma_wait3A_165 = tpu.memref_slice %arg9[%add3A_97, %dma_wait3A_164] : memref<40x125xi32, #tpu.memory_space<vmem>> -> memref<1x125xi32, #tpu.memory_space<vmem>>
      %dma_wait3A_166 = tpu.memref_squeeze %dma_wait3A_165 : memref<1x125xi32, #tpu.memory_space<vmem>> -> memref<125xi32, #tpu.memory_space<vmem>>
      %dma_wait3A_167 = arith.constant 0 : i32
      %dma_wait3A_168 = arith.constant 0 : i32
      %dma_wait3A_169 = tpu.memref_slice %arg2[%dma_wait3A_167, %dma_wait3A_168] : memref<10000x128xf32, #tpu.memory_space<hbm>> -> memref<10000x128xf32, #tpu.memory_space<hbm>>
      tpu.wait_indirect_dma semaphore(%arg12 : memref<!tpu.dma_semaphore, #tpu.memory_space<semaphore_mem>>) src(%dma_wait3A_169 : memref<10000x128xf32, #tpu.memory_space<hbm>>) dst(%dma_wait3A_163 : memref<125x128xf32, #tpu.memory_space<vmem>>)
      %add3A_170 = arith.constant 2 : i32
      %add3A_171 = arith.addi %mul3A_34, %add3A_170 : i32
      %dma_start3A_172 = arith.constant 0 : i32
      %dma_start3A_173 = arith.constant 0 : i32
      %dma_start3A_174 = arith.constant 0 : i32
      %dma_start3A_175 = tpu.memref_slice %arg11[%dma_start3A_172, %dma_start3A_173, %dma_start3A_174] : memref<2x125x128xf32, #tpu.memory_space<vmem>> -> memref<1x125x128xf32, #tpu.memory_space<vmem>>
      %dma_start3A_176 = tpu.memref_squeeze %dma_start3A_175 : memref<1x125x128xf32, #tpu.memory_space<vmem>> -> memref<125x128xf32, #tpu.memory_space<vmem>>
      %dma_start3A_177 = arith.constant 0 : i32
      %dma_start3A_178 = tpu.memref_slice %arg10[%add3A_171, %dma_start3A_177] : memref<40x125xi32, #tpu.memory_space<vmem>> -> memref<1x125xi32, #tpu.memory_space<vmem>>
      %dma_start3A_179 = tpu.memref_squeeze %dma_start3A_178 : memref<1x125xi32, #tpu.memory_space<vmem>> -> memref<125xi32, #tpu.memory_space<vmem>>
      %dma_start3A_180 = arith.constant 0 : i32
      %dma_start3A_181 = arith.constant 0 : i32
      %dma_start3A_182 = tpu.memref_slice %arg8[%dma_start3A_180, %dma_start3A_181] : memref<10000x128xf32, #tpu.memory_space<vmem_shared>> -> memref<10000x128xf32, #tpu.memory_space<vmem_shared>>
      tpu.enqueue_indirect_dma source(%dma_start3A_176 : memref<125x128xf32, #tpu.memory_space<vmem>>) target(%dma_start3A_182 : memref<10000x128xf32, #tpu.memory_space<vmem_shared>>) offsets(%dma_start3A_179 : memref<125xi32, #tpu.memory_space<vmem>>) semaphore(%arg14 : memref<!tpu.dma_semaphore, #tpu.memory_space<semaphore_mem>>) {add = true}
      %dma_wait3A_183 = arith.constant 0 : i32
      %dma_wait3A_184 = arith.constant 0 : i32
      %dma_wait3A_185 = arith.constant 0 : i32
      %dma_wait3A_186 = tpu.memref_slice %arg11[%dma_wait3A_183, %dma_wait3A_184, %dma_wait3A_185] : memref<2x125x128xf32, #tpu.memory_space<vmem>> -> memref<1x125x128xf32, #tpu.memory_space<vmem>>
      %dma_wait3A_187 = tpu.memref_squeeze %dma_wait3A_186 : memref<1x125x128xf32, #tpu.memory_space<vmem>> -> memref<125x128xf32, #tpu.memory_space<vmem>>
      %dma_wait3A_188 = arith.constant 0 : i32
      %dma_wait3A_189 = tpu.memref_slice %arg10[%add3A_171, %dma_wait3A_188] : memref<40x125xi32, #tpu.memory_space<vmem>> -> memref<1x125xi32, #tpu.memory_space<vmem>>
      %dma_wait3A_190 = tpu.memref_squeeze %dma_wait3A_189 : memref<1x125xi32, #tpu.memory_space<vmem>> -> memref<125xi32, #tpu.memory_space<vmem>>
      %dma_wait3A_191 = arith.constant 0 : i32
      %dma_wait3A_192 = arith.constant 0 : i32
      %dma_wait3A_193 = tpu.memref_slice %arg8[%dma_wait3A_191, %dma_wait3A_192] : memref<10000x128xf32, #tpu.memory_space<vmem_shared>> -> memref<10000x128xf32, #tpu.memory_space<vmem_shared>>
      tpu.wait_indirect_dma semaphore(%arg14 : memref<!tpu.dma_semaphore, #tpu.memory_space<semaphore_mem>>) src(%dma_wait3A_187 : memref<125x128xf32, #tpu.memory_space<vmem>>) dst(%dma_wait3A_193 : memref<10000x128xf32, #tpu.memory_space<vmem_shared>>)
      %add3A_194 = arith.constant 3 : i32
      %add3A_195 = arith.addi %mul3A_34, %add3A_194 : i32
      %add3A_196 = arith.constant 1 : i32
      %add3A_197 = arith.addi %add3A_195, %add3A_196 : i32
      %dma_start3A_198 = arith.constant 0 : i32
      %dma_start3A_199 = arith.constant 0 : i32
      %dma_start3A_200 = arith.constant 0 : i32
      %dma_start3A_201 = tpu.memref_slice %arg11[%dma_start3A_198, %dma_start3A_199, %dma_start3A_200] : memref<2x125x128xf32, #tpu.memory_space<vmem>> -> memref<1x125x128xf32, #tpu.memory_space<vmem>>
      %dma_start3A_202 = tpu.memref_squeeze %dma_start3A_201 : memref<1x125x128xf32, #tpu.memory_space<vmem>> -> memref<125x128xf32, #tpu.memory_space<vmem>>
      %dma_start3A_203 = arith.constant 0 : i32
      %dma_start3A_204 = tpu.memref_slice %arg9[%add3A_197, %dma_start3A_203] : memref<40x125xi32, #tpu.memory_space<vmem>> -> memref<1x125xi32, #tpu.memory_space<vmem>>
      %dma_start3A_205 = tpu.memref_squeeze %dma_start3A_204 : memref<1x125xi32, #tpu.memory_space<vmem>> -> memref<125xi32, #tpu.memory_space<vmem>>
      %dma_start3A_206 = arith.constant 0 : i32
      %dma_start3A_207 = arith.constant 0 : i32
      %dma_start3A_208 = tpu.memref_slice %arg2[%dma_start3A_206, %dma_start3A_207] : memref<10000x128xf32, #tpu.memory_space<hbm>> -> memref<10000x128xf32, #tpu.memory_space<hbm>>
      tpu.enqueue_indirect_dma source(%dma_start3A_208 : memref<10000x128xf32, #tpu.memory_space<hbm>>) target(%dma_start3A_202 : memref<125x128xf32, #tpu.memory_space<vmem>>) offsets(%dma_start3A_205 : memref<125xi32, #tpu.memory_space<vmem>>) semaphore(%arg12 : memref<!tpu.dma_semaphore, #tpu.memory_space<semaphore_mem>>)
      %dma_wait3A_209 = arith.constant 1 : i32
      %dma_wait3A_210 = arith.constant 0 : i32
      %dma_wait3A_211 = arith.constant 0 : i32
      %dma_wait3A_212 = tpu.memref_slice %arg11[%dma_wait3A_209, %dma_wait3A_210, %dma_wait3A_211] : memref<2x125x128xf32, #tpu.memory_space<vmem>> -> memref<1x125x128xf32, #tpu.memory_space<vmem>>
      %dma_wait3A_213 = tpu.memref_squeeze %dma_wait3A_212 : memref<1x125x128xf32, #tpu.memory_space<vmem>> -> memref<125x128xf32, #tpu.memory_space<vmem>>
      %dma_wait3A_214 = arith.constant 0 : i32
      %dma_wait3A_215 = tpu.memref_slice %arg9[%add3A_147, %dma_wait3A_214] : memref<40x125xi32, #tpu.memory_space<vmem>> -> memref<1x125xi32, #tpu.memory_space<vmem>>
      %dma_wait3A_216 = tpu.memref_squeeze %dma_wait3A_215 : memref<1x125xi32, #tpu.memory_space<vmem>> -> memref<125xi32, #tpu.memory_space<vmem>>
      %dma_wait3A_217 = arith.constant 0 : i32
      %dma_wait3A_218 = arith.constant 0 : i32
      %dma_wait3A_219 = tpu.memref_slice %arg2[%dma_wait3A_217, %dma_wait3A_218] : memref<10000x128xf32, #tpu.memory_space<hbm>> -> memref<10000x128xf32, #tpu.memory_space<hbm>>
      tpu.wait_indirect_dma semaphore(%arg13 : memref<!tpu.dma_semaphore, #tpu.memory_space<semaphore_mem>>) src(%dma_wait3A_219 : memref<10000x128xf32, #tpu.memory_space<hbm>>) dst(%dma_wait3A_213 : memref<125x128xf32, #tpu.memory_space<vmem>>)
      %add3A_220 = arith.constant 3 : i32
      %add3A_221 = arith.addi %mul3A_34, %add3A_220 : i32
      %dma_start3A_222 = arith.constant 1 : i32
      %dma_start3A_223 = arith.constant 0 : i32
      %dma_start3A_224 = arith.constant 0 : i32
      %dma_start3A_225 = tpu.memref_slice %arg11[%dma_start3A_222, %dma_start3A_223, %dma_start3A_224] : memref<2x125x128xf32, #tpu.memory_space<vmem>> -> memref<1x125x128xf32, #tpu.memory_space<vmem>>
      %dma_start3A_226 = tpu.memref_squeeze %dma_start3A_225 : memref<1x125x128xf32, #tpu.memory_space<vmem>> -> memref<125x128xf32, #tpu.memory_space<vmem>>
      %dma_start3A_227 = arith.constant 0 : i32
      %dma_start3A_228 = tpu.memref_slice %arg10[%add3A_221, %dma_start3A_227] : memref<40x125xi32, #tpu.memory_space<vmem>> -> memref<1x125xi32, #tpu.memory_space<vmem>>
      %dma_start3A_229 = tpu.memref_squeeze %dma_start3A_228 : memref<1x125xi32, #tpu.memory_space<vmem>> -> memref<125xi32, #tpu.memory_space<vmem>>
      %dma_start3A_230 = arith.constant 0 : i32
      %dma_start3A_231 = arith.constant 0 : i32
      %dma_start3A_232 = tpu.memref_slice %arg8[%dma_start3A_230, %dma_start3A_231] : memref<10000x128xf32, #tpu.memory_space<vmem_shared>> -> memref<10000x128xf32, #tpu.memory_space<vmem_shared>>
      tpu.enqueue_indirect_dma source(%dma_start3A_226 : memref<125x128xf32, #tpu.memory_space<vmem>>) target(%dma_start3A_232 : memref<10000x128xf32, #tpu.memory_space<vmem_shared>>) offsets(%dma_start3A_229 : memref<125xi32, #tpu.memory_space<vmem>>) semaphore(%arg15 : memref<!tpu.dma_semaphore, #tpu.memory_space<semaphore_mem>>) {add = true}
      %dma_wait3A_233 = arith.constant 1 : i32
      %dma_wait3A_234 = arith.constant 0 : i32
      %dma_wait3A_235 = arith.constant 0 : i32
      %dma_wait3A_236 = tpu.memref_slice %arg11[%dma_wait3A_233, %dma_wait3A_234, %dma_wait3A_235] : memref<2x125x128xf32, #tpu.memory_space<vmem>> -> memref<1x125x128xf32, #tpu.memory_space<vmem>>
      %dma_wait3A_237 = tpu.memref_squeeze %dma_wait3A_236 : memref<1x125x128xf32, #tpu.memory_space<vmem>> -> memref<125x128xf32, #tpu.memory_space<vmem>>
      %dma_wait3A_238 = arith.constant 0 : i32
      %dma_wait3A_239 = tpu.memref_slice %arg10[%add3A_221, %dma_wait3A_238] : memref<40x125xi32, #tpu.memory_space<vmem>> -> memref<1x125xi32, #tpu.memory_space<vmem>>
      %dma_wait3A_240 = tpu.memref_squeeze %dma_wait3A_239 : memref<1x125xi32, #tpu.memory_space<vmem>> -> memref<125xi32, #tpu.memory_space<vmem>>
      %dma_wait3A_241 = arith.constant 0 : i32
      %dma_wait3A_242 = arith.constant 0 : i32
      %dma_wait3A_243 = tpu.memref_slice %arg8[%dma_wait3A_241, %dma_wait3A_242] : memref<10000x128xf32, #tpu.memory_space<vmem_shared>> -> memref<10000x128xf32, #tpu.memory_space<vmem_shared>>
      tpu.wait_indirect_dma semaphore(%arg15 : memref<!tpu.dma_semaphore, #tpu.memory_space<semaphore_mem>>) src(%dma_wait3A_237 : memref<125x128xf32, #tpu.memory_space<vmem>>) dst(%dma_wait3A_243 : memref<10000x128xf32, #tpu.memory_space<vmem_shared>>)
      %add3A_244 = arith.constant 4 : i32
      %add3A_245 = arith.addi %mul3A_34, %add3A_244 : i32
      %add3A_246 = arith.constant 1 : i32
      %add3A_247 = arith.addi %add3A_245, %add3A_246 : i32
      %dma_start3A_248 = arith.constant 1 : i32
      %dma_start3A_249 = arith.constant 0 : i32
      %dma_start3A_250 = arith.constant 0 : i32
      %dma_start3A_251 = tpu.memref_slice %arg11[%dma_start3A_248, %dma_start3A_249, %dma_start3A_250] : memref<2x125x128xf32, #tpu.memory_space<vmem>> -> memref<1x125x128xf32, #tpu.memory_space<vmem>>
      %dma_start3A_252 = tpu.memref_squeeze %dma_start3A_251 : memref<1x125x128xf32, #tpu.memory_space<vmem>> -> memref<125x128xf32, #tpu.memory_space<vmem>>
      %dma_start3A_253 = arith.constant 0 : i32
      %dma_start3A_254 = tpu.memref_slice %arg9[%add3A_247, %dma_start3A_253] : memref<40x125xi32, #tpu.memory_space<vmem>> -> memref<1x125xi32, #tpu.memory_space<vmem>>
      %dma_start3A_255 = tpu.memref_squeeze %dma_start3A_254 : memref<1x125xi32, #tpu.memory_space<vmem>> -> memref<125xi32, #tpu.memory_space<vmem>>
      %dma_start3A_256 = arith.constant 0 : i32
      %dma_start3A_257 = arith.constant 0 : i32
      %dma_start3A_258 = tpu.memref_slice %arg2[%dma_start3A_256, %dma_start3A_257] : memref<10000x128xf32, #tpu.memory_space<hbm>> -> memref<10000x128xf32, #tpu.memory_space<hbm>>
      tpu.enqueue_indirect_dma source(%dma_start3A_258 : memref<10000x128xf32, #tpu.memory_space<hbm>>) target(%dma_start3A_252 : memref<125x128xf32, #tpu.memory_space<vmem>>) offsets(%dma_start3A_255 : memref<125xi32, #tpu.memory_space<vmem>>) semaphore(%arg13 : memref<!tpu.dma_semaphore, #tpu.memory_space<semaphore_mem>>)
      %dma_wait3A_259 = arith.constant 0 : i32
      %dma_wait3A_260 = arith.constant 0 : i32
      %dma_wait3A_261 = arith.constant 0 : i32
      %dma_wait3A_262 = tpu.memref_slice %arg11[%dma_wait3A_259, %dma_wait3A_260, %dma_wait3A_261] : memref<2x125x128xf32, #tpu.memory_space<vmem>> -> memref<1x125x128xf32, #tpu.memory_space<vmem>>
      %dma_wait3A_263 = tpu.memref_squeeze %dma_wait3A_262 : memref<1x125x128xf32, #tpu.memory_space<vmem>> -> memref<125x128xf32, #tpu.memory_space<vmem>>
      %dma_wait3A_264 = arith.constant 0 : i32
      %dma_wait3A_265 = tpu.memref_slice %arg9[%add3A_197, %dma_wait3A_264] : memref<40x125xi32, #tpu.memory_space<vmem>> -> memref<1x125xi32, #tpu.memory_space<vmem>>
      %dma_wait3A_266 = tpu.memref_squeeze %dma_wait3A_265 : memref<1x125xi32, #tpu.memory_space<vmem>> -> memref<125xi32, #tpu.memory_space<vmem>>
      %dma_wait3A_267 = arith.constant 0 : i32
      %dma_wait3A_268 = arith.constant 0 : i32
      %dma_wait3A_269 = tpu.memref_slice %arg2[%dma_wait3A_267, %dma_wait3A_268] : memref<10000x128xf32, #tpu.memory_space<hbm>> -> memref<10000x128xf32, #tpu.memory_space<hbm>>
      tpu.wait_indirect_dma semaphore(%arg12 : memref<!tpu.dma_semaphore, #tpu.memory_space<semaphore_mem>>) src(%dma_wait3A_269 : memref<10000x128xf32, #tpu.memory_space<hbm>>) dst(%dma_wait3A_263 : memref<125x128xf32, #tpu.memory_space<vmem>>)
      %add3A_270 = arith.constant 4 : i32
      %add3A_271 = arith.addi %mul3A_34, %add3A_270 : i32
      %dma_start3A_272 = arith.constant 0 : i32
      %dma_start3A_273 = arith.constant 0 : i32
      %dma_start3A_274 = arith.constant 0 : i32
      %dma_start3A_275 = tpu.memref_slice %arg11[%dma_start3A_272, %dma_start3A_273, %dma_start3A_274] : memref<2x125x128xf32, #tpu.memory_space<vmem>> -> memref<1x125x128xf32, #tpu.memory_space<vmem>>
      %dma_start3A_276 = tpu.memref_squeeze %dma_start3A_275 : memref<1x125x128xf32, #tpu.memory_space<vmem>> -> memref<125x128xf32, #tpu.memory_space<vmem>>
      %dma_start3A_277 = arith.constant 0 : i32
      %dma_start3A_278 = tpu.memref_slice %arg10[%add3A_271, %dma_start3A_277] : memref<40x125xi32, #tpu.memory_space<vmem>> -> memref<1x125xi32, #tpu.memory_space<vmem>>
      %dma_start3A_279 = tpu.memref_squeeze %dma_start3A_278 : memref<1x125xi32, #tpu.memory_space<vmem>> -> memref<125xi32, #tpu.memory_space<vmem>>
      %dma_start3A_280 = arith.constant 0 : i32
      %dma_start3A_281 = arith.constant 0 : i32
      %dma_start3A_282 = tpu.memref_slice %arg8[%dma_start3A_280, %dma_start3A_281] : memref<10000x128xf32, #tpu.memory_space<vmem_shared>> -> memref<10000x128xf32, #tpu.memory_space<vmem_shared>>
      tpu.enqueue_indirect_dma source(%dma_start3A_276 : memref<125x128xf32, #tpu.memory_space<vmem>>) target(%dma_start3A_282 : memref<10000x128xf32, #tpu.memory_space<vmem_shared>>) offsets(%dma_start3A_279 : memref<125xi32, #tpu.memory_space<vmem>>) semaphore(%arg14 : memref<!tpu.dma_semaphore, #tpu.memory_space<semaphore_mem>>) {add = true}
      %dma_wait3A_283 = arith.constant 0 : i32
      %dma_wait3A_284 = arith.constant 0 : i32
      %dma_wait3A_285 = arith.constant 0 : i32
      %dma_wait3A_286 = tpu.memref_slice %arg11[%dma_wait3A_283, %dma_wait3A_284, %dma_wait3A_285] : memref<2x125x128xf32, #tpu.memory_space<vmem>> -> memref<1x125x128xf32, #tpu.memory_space<vmem>>
      %dma_wait3A_287 = tpu.memref_squeeze %dma_wait3A_286 : memref<1x125x128xf32, #tpu.memory_space<vmem>> -> memref<125x128xf32, #tpu.memory_space<vmem>>
      %dma_wait3A_288 = arith.constant 0 : i32
      %dma_wait3A_289 = tpu.memref_slice %arg10[%add3A_271, %dma_wait3A_288] : memref<40x125xi32, #tpu.memory_space<vmem>> -> memref<1x125xi32, #tpu.memory_space<vmem>>
      %dma_wait3A_290 = tpu.memref_squeeze %dma_wait3A_289 : memref<1x125xi32, #tpu.memory_space<vmem>> -> memref<125xi32, #tpu.memory_space<vmem>>
      %dma_wait3A_291 = arith.constant 0 : i32
      %dma_wait3A_292 = arith.constant 0 : i32
      %dma_wait3A_293 = tpu.memref_slice %arg8[%dma_wait3A_291, %dma_wait3A_292] : memref<10000x128xf32, #tpu.memory_space<vmem_shared>> -> memref<10000x128xf32, #tpu.memory_space<vmem_shared>>
      tpu.wait_indirect_dma semaphore(%arg14 : memref<!tpu.dma_semaphore, #tpu.memory_space<semaphore_mem>>) src(%dma_wait3A_287 : memref<125x128xf32, #tpu.memory_space<vmem>>) dst(%dma_wait3A_293 : memref<10000x128xf32, #tpu.memory_space<vmem_shared>>)
      %add3A_294 = arith.constant 5 : i32
      %add3A_295 = arith.addi %mul3A_34, %add3A_294 : i32
      %add3A_296 = arith.constant 1 : i32
      %add3A_297 = arith.addi %add3A_295, %add3A_296 : i32
      %dma_start3A_298 = arith.constant 0 : i32
      %dma_start3A_299 = arith.constant 0 : i32
      %dma_start3A_300 = arith.constant 0 : i32
      %dma_start3A_301 = tpu.memref_slice %arg11[%dma_start3A_298, %dma_start3A_299, %dma_start3A_300] : memref<2x125x128xf32, #tpu.memory_space<vmem>> -> memref<1x125x128xf32, #tpu.memory_space<vmem>>
      %dma_start3A_302 = tpu.memref_squeeze %dma_start3A_301 : memref<1x125x128xf32, #tpu.memory_space<vmem>> -> memref<125x128xf32, #tpu.memory_space<vmem>>
      %dma_start3A_303 = arith.constant 0 : i32
      %dma_start3A_304 = tpu.memref_slice %arg9[%add3A_297, %dma_start3A_303] : memref<40x125xi32, #tpu.memory_space<vmem>> -> memref<1x125xi32, #tpu.memory_space<vmem>>
      %dma_start3A_305 = tpu.memref_squeeze %dma_start3A_304 : memref<1x125xi32, #tpu.memory_space<vmem>> -> memref<125xi32, #tpu.memory_space<vmem>>
      %dma_start3A_306 = arith.constant 0 : i32
      %dma_start3A_307 = arith.constant 0 : i32
      %dma_start3A_308 = tpu.memref_slice %arg2[%dma_start3A_306, %dma_start3A_307] : memref<10000x128xf32, #tpu.memory_space<hbm>> -> memref<10000x128xf32, #tpu.memory_space<hbm>>
      tpu.enqueue_indirect_dma source(%dma_start3A_308 : memref<10000x128xf32, #tpu.memory_space<hbm>>) target(%dma_start3A_302 : memref<125x128xf32, #tpu.memory_space<vmem>>) offsets(%dma_start3A_305 : memref<125xi32, #tpu.memory_space<vmem>>) semaphore(%arg12 : memref<!tpu.dma_semaphore, #tpu.memory_space<semaphore_mem>>)
      %dma_wait3A_309 = arith.constant 1 : i32
      %dma_wait3A_310 = arith.constant 0 : i32
      %dma_wait3A_311 = arith.constant 0 : i32
      %dma_wait3A_312 = tpu.memref_slice %arg11[%dma_wait3A_309, %dma_wait3A_310, %dma_wait3A_311] : memref<2x125x128xf32, #tpu.memory_space<vmem>> -> memref<1x125x128xf32, #tpu.memory_space<vmem>>
      %dma_wait3A_313 = tpu.memref_squeeze %dma_wait3A_312 : memref<1x125x128xf32, #tpu.memory_space<vmem>> -> memref<125x128xf32, #tpu.memory_space<vmem>>
      %dma_wait3A_314 = arith.constant 0 : i32
      %dma_wait3A_315 = tpu.memref_slice %arg9[%add3A_247, %dma_wait3A_314] : memref<40x125xi32, #tpu.memory_space<vmem>> -> memref<1x125xi32, #tpu.memory_space<vmem>>
      %dma_wait3A_316 = tpu.memref_squeeze %dma_wait3A_315 : memref<1x125xi32, #tpu.memory_space<vmem>> -> memref<125xi32, #tpu.memory_space<vmem>>
      %dma_wait3A_317 = arith.constant 0 : i32
      %dma_wait3A_318 = arith.constant 0 : i32
      %dma_wait3A_319 = tpu.memref_slice %arg2[%dma_wait3A_317, %dma_wait3A_318] : memref<10000x128xf32, #tpu.memory_space<hbm>> -> memref<10000x128xf32, #tpu.memory_space<hbm>>
      tpu.wait_indirect_dma semaphore(%arg13 : memref<!tpu.dma_semaphore, #tpu.memory_space<semaphore_mem>>) src(%dma_wait3A_319 : memref<10000x128xf32, #tpu.memory_space<hbm>>) dst(%dma_wait3A_313 : memref<125x128xf32, #tpu.memory_space<vmem>>)
      %add3A_320 = arith.constant 5 : i32
      %add3A_321 = arith.addi %mul3A_34, %add3A_320 : i32
      %dma_start3A_322 = arith.constant 1 : i32
      %dma_start3A_323 = arith.constant 0 : i32
      %dma_start3A_324 = arith.constant 0 : i32
      %dma_start3A_325 = tpu.memref_slice %arg11[%dma_start3A_322, %dma_start3A_323, %dma_start3A_324] : memref<2x125x128xf32, #tpu.memory_space<vmem>> -> memref<1x125x128xf32, #tpu.memory_space<vmem>>
      %dma_start3A_326 = tpu.memref_squeeze %dma_start3A_325 : memref<1x125x128xf32, #tpu.memory_space<vmem>> -> memref<125x128xf32, #tpu.memory_space<vmem>>
      %dma_start3A_327 = arith.constant 0 : i32
      %dma_start3A_328 = tpu.memref_slice %arg10[%add3A_321, %dma_start3A_327] : memref<40x125xi32, #tpu.memory_space<vmem>> -> memref<1x125xi32, #tpu.memory_space<vmem>>
      %dma_start3A_329 = tpu.memref_squeeze %dma_start3A_328 : memref<1x125xi32, #tpu.memory_space<vmem>> -> memref<125xi32, #tpu.memory_space<vmem>>
      %dma_start3A_330 = arith.constant 0 : i32
      %dma_start3A_331 = arith.constant 0 : i32
      %dma_start3A_332 = tpu.memref_slice %arg8[%dma_start3A_330, %dma_start3A_331] : memref<10000x128xf32, #tpu.memory_space<vmem_shared>> -> memref<10000x128xf32, #tpu.memory_space<vmem_shared>>
      tpu.enqueue_indirect_dma source(%dma_start3A_326 : memref<125x128xf32, #tpu.memory_space<vmem>>) target(%dma_start3A_332 : memref<10000x128xf32, #tpu.memory_space<vmem_shared>>) offsets(%dma_start3A_329 : memref<125xi32, #tpu.memory_space<vmem>>) semaphore(%arg15 : memref<!tpu.dma_semaphore, #tpu.memory_space<semaphore_mem>>) {add = true}
      %dma_wait3A_333 = arith.constant 1 : i32
      %dma_wait3A_334 = arith.constant 0 : i32
      %dma_wait3A_335 = arith.constant 0 : i32
      %dma_wait3A_336 = tpu.memref_slice %arg11[%dma_wait3A_333, %dma_wait3A_334, %dma_wait3A_335] : memref<2x125x128xf32, #tpu.memory_space<vmem>> -> memref<1x125x128xf32, #tpu.memory_space<vmem>>
      %dma_wait3A_337 = tpu.memref_squeeze %dma_wait3A_336 : memref<1x125x128xf32, #tpu.memory_space<vmem>> -> memref<125x128xf32, #tpu.memory_space<vmem>>
      %dma_wait3A_338 = arith.constant 0 : i32
      %dma_wait3A_339 = tpu.memref_slice %arg10[%add3A_321, %dma_wait3A_338] : memref<40x125xi32, #tpu.memory_space<vmem>> -> memref<1x125xi32, #tpu.memory_space<vmem>>
      %dma_wait3A_340 = tpu.memref_squeeze %dma_wait3A_339 : memref<1x125xi32, #tpu.memory_space<vmem>> -> memref<125xi32, #tpu.memory_space<vmem>>
      %dma_wait3A_341 = arith.constant 0 : i32
      %dma_wait3A_342 = arith.constant 0 : i32
      %dma_wait3A_343 = tpu.memref_slice %arg8[%dma_wait3A_341, %dma_wait3A_342] : memref<10000x128xf32, #tpu.memory_space<vmem_shared>> -> memref<10000x128xf32, #tpu.memory_space<vmem_shared>>
      tpu.wait_indirect_dma semaphore(%arg15 : memref<!tpu.dma_semaphore, #tpu.memory_space<semaphore_mem>>) src(%dma_wait3A_337 : memref<125x128xf32, #tpu.memory_space<vmem>>) dst(%dma_wait3A_343 : memref<10000x128xf32, #tpu.memory_space<vmem_shared>>)
      %add3A_344 = arith.constant 6 : i32
      %add3A_345 = arith.addi %mul3A_34, %add3A_344 : i32
      %add3A_346 = arith.constant 1 : i32
      %add3A_347 = arith.addi %add3A_345, %add3A_346 : i32
      %dma_start3A_348 = arith.constant 1 : i32
      %dma_start3A_349 = arith.constant 0 : i32
      %dma_start3A_350 = arith.constant 0 : i32
      %dma_start3A_351 = tpu.memref_slice %arg11[%dma_start3A_348, %dma_start3A_349, %dma_start3A_350] : memref<2x125x128xf32, #tpu.memory_space<vmem>> -> memref<1x125x128xf32, #tpu.memory_space<vmem>>
      %dma_start3A_352 = tpu.memref_squeeze %dma_start3A_351 : memref<1x125x128xf32, #tpu.memory_space<vmem>> -> memref<125x128xf32, #tpu.memory_space<vmem>>
      %dma_start3A_353 = arith.constant 0 : i32
      %dma_start3A_354 = tpu.memref_slice %arg9[%add3A_347, %dma_start3A_353] : memref<40x125xi32, #tpu.memory_space<vmem>> -> memref<1x125xi32, #tpu.memory_space<vmem>>
      %dma_start3A_355 = tpu.memref_squeeze %dma_start3A_354 : memref<1x125xi32, #tpu.memory_space<vmem>> -> memref<125xi32, #tpu.memory_space<vmem>>
      %dma_start3A_356 = arith.constant 0 : i32
      %dma_start3A_357 = arith.constant 0 : i32
      %dma_start3A_358 = tpu.memref_slice %arg2[%dma_start3A_356, %dma_start3A_357] : memref<10000x128xf32, #tpu.memory_space<hbm>> -> memref<10000x128xf32, #tpu.memory_space<hbm>>
      tpu.enqueue_indirect_dma source(%dma_start3A_358 : memref<10000x128xf32, #tpu.memory_space<hbm>>) target(%dma_start3A_352 : memref<125x128xf32, #tpu.memory_space<vmem>>) offsets(%dma_start3A_355 : memref<125xi32, #tpu.memory_space<vmem>>) semaphore(%arg13 : memref<!tpu.dma_semaphore, #tpu.memory_space<semaphore_mem>>)
      %dma_wait3A_359 = arith.constant 0 : i32
      %dma_wait3A_360 = arith.constant 0 : i32
      %dma_wait3A_361 = arith.constant 0 : i32
      %dma_wait3A_362 = tpu.memref_slice %arg11[%dma_wait3A_359, %dma_wait3A_360, %dma_wait3A_361] : memref<2x125x128xf32, #tpu.memory_space<vmem>> -> memref<1x125x128xf32, #tpu.memory_space<vmem>>
      %dma_wait3A_363 = tpu.memref_squeeze %dma_wait3A_362 : memref<1x125x128xf32, #tpu.memory_space<vmem>> -> memref<125x128xf32, #tpu.memory_space<vmem>>
      %dma_wait3A_364 = arith.constant 0 : i32
      %dma_wait3A_365 = tpu.memref_slice %arg9[%add3A_297, %dma_wait3A_364] : memref<40x125xi32, #tpu.memory_space<vmem>> -> memref<1x125xi32, #tpu.memory_space<vmem>>
      %dma_wait3A_366 = tpu.memref_squeeze %dma_wait3A_365 : memref<1x125xi32, #tpu.memory_space<vmem>> -> memref<125xi32, #tpu.memory_space<vmem>>
      %dma_wait3A_367 = arith.constant 0 : i32
      %dma_wait3A_368 = arith.constant 0 : i32
      %dma_wait3A_369 = tpu.memref_slice %arg2[%dma_wait3A_367, %dma_wait3A_368] : memref<10000x128xf32, #tpu.memory_space<hbm>> -> memref<10000x128xf32, #tpu.memory_space<hbm>>
      tpu.wait_indirect_dma semaphore(%arg12 : memref<!tpu.dma_semaphore, #tpu.memory_space<semaphore_mem>>) src(%dma_wait3A_369 : memref<10000x128xf32, #tpu.memory_space<hbm>>) dst(%dma_wait3A_363 : memref<125x128xf32, #tpu.memory_space<vmem>>)
      %add3A_370 = arith.constant 6 : i32
      %add3A_371 = arith.addi %mul3A_34, %add3A_370 : i32
      %dma_start3A_372 = arith.constant 0 : i32
      %dma_start3A_373 = arith.constant 0 : i32
      %dma_start3A_374 = arith.constant 0 : i32
      %dma_start3A_375 = tpu.memref_slice %arg11[%dma_start3A_372, %dma_start3A_373, %dma_start3A_374] : memref<2x125x128xf32, #tpu.memory_space<vmem>> -> memref<1x125x128xf32, #tpu.memory_space<vmem>>
      %dma_start3A_376 = tpu.memref_squeeze %dma_start3A_375 : memref<1x125x128xf32, #tpu.memory_space<vmem>> -> memref<125x128xf32, #tpu.memory_space<vmem>>
      %dma_start3A_377 = arith.constant 0 : i32
      %dma_start3A_378 = tpu.memref_slice %arg10[%add3A_371, %dma_start3A_377] : memref<40x125xi32, #tpu.memory_space<vmem>> -> memref<1x125xi32, #tpu.memory_space<vmem>>
      %dma_start3A_379 = tpu.memref_squeeze %dma_start3A_378 : memref<1x125xi32, #tpu.memory_space<vmem>> -> memref<125xi32, #tpu.memory_space<vmem>>
      %dma_start3A_380 = arith.constant 0 : i32
      %dma_start3A_381 = arith.constant 0 : i32
      %dma_start3A_382 = tpu.memref_slice %arg8[%dma_start3A_380, %dma_start3A_381] : memref<10000x128xf32, #tpu.memory_space<vmem_shared>> -> memref<10000x128xf32, #tpu.memory_space<vmem_shared>>
      tpu.enqueue_indirect_dma source(%dma_start3A_376 : memref<125x128xf32, #tpu.memory_space<vmem>>) target(%dma_start3A_382 : memref<10000x128xf32, #tpu.memory_space<vmem_shared>>) offsets(%dma_start3A_379 : memref<125xi32, #tpu.memory_space<vmem>>) semaphore(%arg14 : memref<!tpu.dma_semaphore, #tpu.memory_space<semaphore_mem>>) {add = true}
      %dma_wait3A_383 = arith.constant 0 : i32
      %dma_wait3A_384 = arith.constant 0 : i32
      %dma_wait3A_385 = arith.constant 0 : i32
      %dma_wait3A_386 = tpu.memref_slice %arg11[%dma_wait3A_383, %dma_wait3A_384, %dma_wait3A_385] : memref<2x125x128xf32, #tpu.memory_space<vmem>> -> memref<1x125x128xf32, #tpu.memory_space<vmem>>
      %dma_wait3A_387 = tpu.memref_squeeze %dma_wait3A_386 : memref<1x125x128xf32, #tpu.memory_space<vmem>> -> memref<125x128xf32, #tpu.memory_space<vmem>>
      %dma_wait3A_388 = arith.constant 0 : i32
      %dma_wait3A_389 = tpu.memref_slice %arg10[%add3A_371, %dma_wait3A_388] : memref<40x125xi32, #tpu.memory_space<vmem>> -> memref<1x125xi32, #tpu.memory_space<vmem>>
      %dma_wait3A_390 = tpu.memref_squeeze %dma_wait3A_389 : memref<1x125xi32, #tpu.memory_space<vmem>> -> memref<125xi32, #tpu.memory_space<vmem>>
      %dma_wait3A_391 = arith.constant 0 : i32
      %dma_wait3A_392 = arith.constant 0 : i32
      %dma_wait3A_393 = tpu.memref_slice %arg8[%dma_wait3A_391, %dma_wait3A_392] : memref<10000x128xf32, #tpu.memory_space<vmem_shared>> -> memref<10000x128xf32, #tpu.memory_space<vmem_shared>>
      tpu.wait_indirect_dma semaphore(%arg14 : memref<!tpu.dma_semaphore, #tpu.memory_space<semaphore_mem>>) src(%dma_wait3A_387 : memref<125x128xf32, #tpu.memory_space<vmem>>) dst(%dma_wait3A_393 : memref<10000x128xf32, #tpu.memory_space<vmem_shared>>)
      %add3A_394 = arith.constant 7 : i32
      %add3A_395 = arith.addi %mul3A_34, %add3A_394 : i32
      %add3A_396 = arith.constant 1 : i32
      %add3A_397 = arith.addi %add3A_395, %add3A_396 : i32
      %dma_start3A_398 = arith.constant 0 : i32
      %dma_start3A_399 = arith.constant 0 : i32
      %dma_start3A_400 = arith.constant 0 : i32
      %dma_start3A_401 = tpu.memref_slice %arg11[%dma_start3A_398, %dma_start3A_399, %dma_start3A_400] : memref<2x125x128xf32, #tpu.memory_space<vmem>> -> memref<1x125x128xf32, #tpu.memory_space<vmem>>
      %dma_start3A_402 = tpu.memref_squeeze %dma_start3A_401 : memref<1x125x128xf32, #tpu.memory_space<vmem>> -> memref<125x128xf32, #tpu.memory_space<vmem>>
      %dma_start3A_403 = arith.constant 0 : i32
      %dma_start3A_404 = tpu.memref_slice %arg9[%add3A_397, %dma_start3A_403] : memref<40x125xi32, #tpu.memory_space<vmem>> -> memref<1x125xi32, #tpu.memory_space<vmem>>
      %dma_start3A_405 = tpu.memref_squeeze %dma_start3A_404 : memref<1x125xi32, #tpu.memory_space<vmem>> -> memref<125xi32, #tpu.memory_space<vmem>>
      %dma_start3A_406 = arith.constant 0 : i32
      %dma_start3A_407 = arith.constant 0 : i32
      %dma_start3A_408 = tpu.memref_slice %arg2[%dma_start3A_406, %dma_start3A_407] : memref<10000x128xf32, #tpu.memory_space<hbm>> -> memref<10000x128xf32, #tpu.memory_space<hbm>>
      tpu.enqueue_indirect_dma source(%dma_start3A_408 : memref<10000x128xf32, #tpu.memory_space<hbm>>) target(%dma_start3A_402 : memref<125x128xf32, #tpu.memory_space<vmem>>) offsets(%dma_start3A_405 : memref<125xi32, #tpu.memory_space<vmem>>) semaphore(%arg12 : memref<!tpu.dma_semaphore, #tpu.memory_space<semaphore_mem>>)
      %dma_wait3A_409 = arith.constant 1 : i32
      %dma_wait3A_410 = arith.constant 0 : i32
      %dma_wait3A_411 = arith.constant 0 : i32
      %dma_wait3A_412 = tpu.memref_slice %arg11[%dma_wait3A_409, %dma_wait3A_410, %dma_wait3A_411] : memref<2x125x128xf32, #tpu.memory_space<vmem>> -> memref<1x125x128xf32, #tpu.memory_space<vmem>>
      %dma_wait3A_413 = tpu.memref_squeeze %dma_wait3A_412 : memref<1x125x128xf32, #tpu.memory_space<vmem>> -> memref<125x128xf32, #tpu.memory_space<vmem>>
      %dma_wait3A_414 = arith.constant 0 : i32
      %dma_wait3A_415 = tpu.memref_slice %arg9[%add3A_347, %dma_wait3A_414] : memref<40x125xi32, #tpu.memory_space<vmem>> -> memref<1x125xi32, #tpu.memory_space<vmem>>
      %dma_wait3A_416 = tpu.memref_squeeze %dma_wait3A_415 : memref<1x125xi32, #tpu.memory_space<vmem>> -> memref<125xi32, #tpu.memory_space<vmem>>
      %dma_wait3A_417 = arith.constant 0 : i32
      %dma_wait3A_418 = arith.constant 0 : i32
      %dma_wait3A_419 = tpu.memref_slice %arg2[%dma_wait3A_417, %dma_wait3A_418] : memref<10000x128xf32, #tpu.memory_space<hbm>> -> memref<10000x128xf32, #tpu.memory_space<hbm>>
      tpu.wait_indirect_dma semaphore(%arg13 : memref<!tpu.dma_semaphore, #tpu.memory_space<semaphore_mem>>) src(%dma_wait3A_419 : memref<10000x128xf32, #tpu.memory_space<hbm>>) dst(%dma_wait3A_413 : memref<125x128xf32, #tpu.memory_space<vmem>>)
      %add3A_420 = arith.constant 7 : i32
      %add3A_421 = arith.addi %mul3A_34, %add3A_420 : i32
      %dma_start3A_422 = arith.constant 1 : i32
      %dma_start3A_423 = arith.constant 0 : i32
      %dma_start3A_424 = arith.constant 0 : i32
      %dma_start3A_425 = tpu.memref_slice %arg11[%dma_start3A_422, %dma_start3A_423, %dma_start3A_424] : memref<2x125x128xf32, #tpu.memory_space<vmem>> -> memref<1x125x128xf32, #tpu.memory_space<vmem>>
      %dma_start3A_426 = tpu.memref_squeeze %dma_start3A_425 : memref<1x125x128xf32, #tpu.memory_space<vmem>> -> memref<125x128xf32, #tpu.memory_space<vmem>>
      %dma_start3A_427 = arith.constant 0 : i32
      %dma_start3A_428 = tpu.memref_slice %arg10[%add3A_421, %dma_start3A_427] : memref<40x125xi32, #tpu.memory_space<vmem>> -> memref<1x125xi32, #tpu.memory_space<vmem>>
      %dma_start3A_429 = tpu.memref_squeeze %dma_start3A_428 : memref<1x125xi32, #tpu.memory_space<vmem>> -> memref<125xi32, #tpu.memory_space<vmem>>
      %dma_start3A_430 = arith.constant 0 : i32
      %dma_start3A_431 = arith.constant 0 : i32
      %dma_start3A_432 = tpu.memref_slice %arg8[%dma_start3A_430, %dma_start3A_431] : memref<10000x128xf32, #tpu.memory_space<vmem_shared>> -> memref<10000x128xf32, #tpu.memory_space<vmem_shared>>
      tpu.enqueue_indirect_dma source(%dma_start3A_426 : memref<125x128xf32, #tpu.memory_space<vmem>>) target(%dma_start3A_432 : memref<10000x128xf32, #tpu.memory_space<vmem_shared>>) offsets(%dma_start3A_429 : memref<125xi32, #tpu.memory_space<vmem>>) semaphore(%arg15 : memref<!tpu.dma_semaphore, #tpu.memory_space<semaphore_mem>>) {add = true}
      %dma_wait3A_433 = arith.constant 1 : i32
      %dma_wait3A_434 = arith.constant 0 : i32
      %dma_wait3A_435 = arith.constant 0 : i32
      %dma_wait3A_436 = tpu.memref_slice %arg11[%dma_wait3A_433, %dma_wait3A_434, %dma_wait3A_435] : memref<2x125x128xf32, #tpu.memory_space<vmem>> -> memref<1x125x128xf32, #tpu.memory_space<vmem>>
      %dma_wait3A_437 = tpu.memref_squeeze %dma_wait3A_436 : memref<1x125x128xf32, #tpu.memory_space<vmem>> -> memref<125x128xf32, #tpu.memory_space<vmem>>
      %dma_wait3A_438 = arith.constant 0 : i32
      %dma_wait3A_439 = tpu.memref_slice %arg10[%add3A_421, %dma_wait3A_438] : memref<40x125xi32, #tpu.memory_space<vmem>> -> memref<1x125xi32, #tpu.memory_space<vmem>>
      %dma_wait3A_440 = tpu.memref_squeeze %dma_wait3A_439 : memref<1x125xi32, #tpu.memory_space<vmem>> -> memref<125xi32, #tpu.memory_space<vmem>>
      %dma_wait3A_441 = arith.constant 0 : i32
      %dma_wait3A_442 = arith.constant 0 : i32
      %dma_wait3A_443 = tpu.memref_slice %arg8[%dma_wait3A_441, %dma_wait3A_442] : memref<10000x128xf32, #tpu.memory_space<vmem_shared>> -> memref<10000x128xf32, #tpu.memory_space<vmem_shared>>
      tpu.wait_indirect_dma semaphore(%arg15 : memref<!tpu.dma_semaphore, #tpu.memory_space<semaphore_mem>>) src(%dma_wait3A_437 : memref<125x128xf32, #tpu.memory_space<vmem>>) dst(%dma_wait3A_443 : memref<10000x128xf32, #tpu.memory_space<vmem_shared>>)
      %add3A_444 = arith.constant 8 : i32
      %add3A_445 = arith.addi %mul3A_34, %add3A_444 : i32
      %add3A_446 = arith.constant 1 : i32
      %add3A_447 = arith.addi %add3A_445, %add3A_446 : i32
      %dma_start3A_448 = arith.constant 1 : i32
      %dma_start3A_449 = arith.constant 0 : i32
      %dma_start3A_450 = arith.constant 0 : i32
      %dma_start3A_451 = tpu.memref_slice %arg11[%dma_start3A_448, %dma_start3A_449, %dma_start3A_450] : memref<2x125x128xf32, #tpu.memory_space<vmem>> -> memref<1x125x128xf32, #tpu.memory_space<vmem>>
      %dma_start3A_452 = tpu.memref_squeeze %dma_start3A_451 : memref<1x125x128xf32, #tpu.memory_space<vmem>> -> memref<125x128xf32, #tpu.memory_space<vmem>>
      %dma_start3A_453 = arith.constant 0 : i32
      %dma_start3A_454 = tpu.memref_slice %arg9[%add3A_447, %dma_start3A_453] : memref<40x125xi32, #tpu.memory_space<vmem>> -> memref<1x125xi32, #tpu.memory_space<vmem>>
      %dma_start3A_455 = tpu.memref_squeeze %dma_start3A_454 : memref<1x125xi32, #tpu.memory_space<vmem>> -> memref<125xi32, #tpu.memory_space<vmem>>
      %dma_start3A_456 = arith.constant 0 : i32
      %dma_start3A_457 = arith.constant 0 : i32
      %dma_start3A_458 = tpu.memref_slice %arg2[%dma_start3A_456, %dma_start3A_457] : memref<10000x128xf32, #tpu.memory_space<hbm>> -> memref<10000x128xf32, #tpu.memory_space<hbm>>
      tpu.enqueue_indirect_dma source(%dma_start3A_458 : memref<10000x128xf32, #tpu.memory_space<hbm>>) target(%dma_start3A_452 : memref<125x128xf32, #tpu.memory_space<vmem>>) offsets(%dma_start3A_455 : memref<125xi32, #tpu.memory_space<vmem>>) semaphore(%arg13 : memref<!tpu.dma_semaphore, #tpu.memory_space<semaphore_mem>>)
      %dma_wait3A_459 = arith.constant 0 : i32
      %dma_wait3A_460 = arith.constant 0 : i32
      %dma_wait3A_461 = arith.constant 0 : i32
      %dma_wait3A_462 = tpu.memref_slice %arg11[%dma_wait3A_459, %dma_wait3A_460, %dma_wait3A_461] : memref<2x125x128xf32, #tpu.memory_space<vmem>> -> memref<1x125x128xf32, #tpu.memory_space<vmem>>
      %dma_wait3A_463 = tpu.memref_squeeze %dma_wait3A_462 : memref<1x125x128xf32, #tpu.memory_space<vmem>> -> memref<125x128xf32, #tpu.memory_space<vmem>>
      %dma_wait3A_464 = arith.constant 0 : i32
      %dma_wait3A_465 = tpu.memref_slice %arg9[%add3A_397, %dma_wait3A_464] : memref<40x125xi32, #tpu.memory_space<vmem>> -> memref<1x125xi32, #tpu.memory_space<vmem>>
      %dma_wait3A_466 = tpu.memref_squeeze %dma_wait3A_465 : memref<1x125xi32, #tpu.memory_space<vmem>> -> memref<125xi32, #tpu.memory_space<vmem>>
      %dma_wait3A_467 = arith.constant 0 : i32
      %dma_wait3A_468 = arith.constant 0 : i32
      %dma_wait3A_469 = tpu.memref_slice %arg2[%dma_wait3A_467, %dma_wait3A_468] : memref<10000x128xf32, #tpu.memory_space<hbm>> -> memref<10000x128xf32, #tpu.memory_space<hbm>>
      tpu.wait_indirect_dma semaphore(%arg12 : memref<!tpu.dma_semaphore, #tpu.memory_space<semaphore_mem>>) src(%dma_wait3A_469 : memref<10000x128xf32, #tpu.memory_space<hbm>>) dst(%dma_wait3A_463 : memref<125x128xf32, #tpu.memory_space<vmem>>)
      %add3A_470 = arith.constant 8 : i32
      %add3A_471 = arith.addi %mul3A_34, %add3A_470 : i32
      %dma_start3A_472 = arith.constant 0 : i32
      %dma_start3A_473 = arith.constant 0 : i32
      %dma_start3A_474 = arith.constant 0 : i32
      %dma_start3A_475 = tpu.memref_slice %arg11[%dma_start3A_472, %dma_start3A_473, %dma_start3A_474] : memref<2x125x128xf32, #tpu.memory_space<vmem>> -> memref<1x125x128xf32, #tpu.memory_space<vmem>>
      %dma_start3A_476 = tpu.memref_squeeze %dma_start3A_475 : memref<1x125x128xf32, #tpu.memory_space<vmem>> -> memref<125x128xf32, #tpu.memory_space<vmem>>
      %dma_start3A_477 = arith.constant 0 : i32
      %dma_start3A_478 = tpu.memref_slice %arg10[%add3A_471, %dma_start3A_477] : memref<40x125xi32, #tpu.memory_space<vmem>> -> memref<1x125xi32, #tpu.memory_space<vmem>>
      %dma_start3A_479 = tpu.memref_squeeze %dma_start3A_478 : memref<1x125xi32, #tpu.memory_space<vmem>> -> memref<125xi32, #tpu.memory_space<vmem>>
      %dma_start3A_480 = arith.constant 0 : i32
      %dma_start3A_481 = arith.constant 0 : i32
      %dma_start3A_482 = tpu.memref_slice %arg8[%dma_start3A_480, %dma_start3A_481] : memref<10000x128xf32, #tpu.memory_space<vmem_shared>> -> memref<10000x128xf32, #tpu.memory_space<vmem_shared>>
      tpu.enqueue_indirect_dma source(%dma_start3A_476 : memref<125x128xf32, #tpu.memory_space<vmem>>) target(%dma_start3A_482 : memref<10000x128xf32, #tpu.memory_space<vmem_shared>>) offsets(%dma_start3A_479 : memref<125xi32, #tpu.memory_space<vmem>>) semaphore(%arg14 : memref<!tpu.dma_semaphore, #tpu.memory_space<semaphore_mem>>) {add = true}
      %dma_wait3A_483 = arith.constant 1 : i32
      %dma_wait3A_484 = arith.constant 0 : i32
      %dma_wait3A_485 = arith.constant 0 : i32
      %dma_wait3A_486 = tpu.memref_slice %arg11[%dma_wait3A_483, %dma_wait3A_484, %dma_wait3A_485] : memref<2x125x128xf32, #tpu.memory_space<vmem>> -> memref<1x125x128xf32, #tpu.memory_space<vmem>>
      %dma_wait3A_487 = tpu.memref_squeeze %dma_wait3A_486 : memref<1x125x128xf32, #tpu.memory_space<vmem>> -> memref<125x128xf32, #tpu.memory_space<vmem>>
      %dma_wait3A_488 = arith.constant 0 : i32
      %dma_wait3A_489 = tpu.memref_slice %arg9[%add3A_447, %dma_wait3A_488] : memref<40x125xi32, #tpu.memory_space<vmem>> -> memref<1x125xi32, #tpu.memory_space<vmem>>
      %dma_wait3A_490 = tpu.memref_squeeze %dma_wait3A_489 : memref<1x125xi32, #tpu.memory_space<vmem>> -> memref<125xi32, #tpu.memory_space<vmem>>
      %dma_wait3A_491 = arith.constant 0 : i32
      %dma_wait3A_492 = arith.constant 0 : i32
      %dma_wait3A_493 = tpu.memref_slice %arg2[%dma_wait3A_491, %dma_wait3A_492] : memref<10000x128xf32, #tpu.memory_space<hbm>> -> memref<10000x128xf32, #tpu.memory_space<hbm>>
      tpu.wait_indirect_dma semaphore(%arg13 : memref<!tpu.dma_semaphore, #tpu.memory_space<semaphore_mem>>) src(%dma_wait3A_493 : memref<10000x128xf32, #tpu.memory_space<hbm>>) dst(%dma_wait3A_487 : memref<125x128xf32, #tpu.memory_space<vmem>>)
      %add3A_494 = arith.constant 9 : i32
      %add3A_495 = arith.addi %mul3A_34, %add3A_494 : i32
      %dma_start3A_496 = arith.constant 1 : i32
      %dma_start3A_497 = arith.constant 0 : i32
      %dma_start3A_498 = arith.constant 0 : i32
      %dma_start3A_499 = tpu.memref_slice %arg11[%dma_start3A_496, %dma_start3A_497, %dma_start3A_498] : memref<2x125x128xf32, #tpu.memory_space<vmem>> -> memref<1x125x128xf32, #tpu.memory_space<vmem>>
      %dma_start3A_500 = tpu.memref_squeeze %dma_start3A_499 : memref<1x125x128xf32, #tpu.memory_space<vmem>> -> memref<125x128xf32, #tpu.memory_space<vmem>>
      %dma_start3A_501 = arith.constant 0 : i32
      %dma_start3A_502 = tpu.memref_slice %arg10[%add3A_495, %dma_start3A_501] : memref<40x125xi32, #tpu.memory_space<vmem>> -> memref<1x125xi32, #tpu.memory_space<vmem>>
      %dma_start3A_503 = tpu.memref_squeeze %dma_start3A_502 : memref<1x125xi32, #tpu.memory_space<vmem>> -> memref<125xi32, #tpu.memory_space<vmem>>
      %dma_start3A_504 = arith.constant 0 : i32
      %dma_start3A_505 = arith.constant 0 : i32
      %dma_start3A_506 = tpu.memref_slice %arg8[%dma_start3A_504, %dma_start3A_505] : memref<10000x128xf32, #tpu.memory_space<vmem_shared>> -> memref<10000x128xf32, #tpu.memory_space<vmem_shared>>
      tpu.enqueue_indirect_dma source(%dma_start3A_500 : memref<125x128xf32, #tpu.memory_space<vmem>>) target(%dma_start3A_506 : memref<10000x128xf32, #tpu.memory_space<vmem_shared>>) offsets(%dma_start3A_503 : memref<125xi32, #tpu.memory_space<vmem>>) semaphore(%arg15 : memref<!tpu.dma_semaphore, #tpu.memory_space<semaphore_mem>>) {add = true}
      %dma_wait3A_507 = arith.constant 0 : i32
      %dma_wait3A_508 = arith.constant 0 : i32
      %dma_wait3A_509 = arith.constant 0 : i32
      %dma_wait3A_510 = tpu.memref_slice %arg11[%dma_wait3A_507, %dma_wait3A_508, %dma_wait3A_509] : memref<2x125x128xf32, #tpu.memory_space<vmem>> -> memref<1x125x128xf32, #tpu.memory_space<vmem>>
      %dma_wait3A_511 = tpu.memref_squeeze %dma_wait3A_510 : memref<1x125x128xf32, #tpu.memory_space<vmem>> -> memref<125x128xf32, #tpu.memory_space<vmem>>
      %dma_wait3A_512 = arith.constant 0 : i32
      %dma_wait3A_513 = tpu.memref_slice %arg10[%add3A_471, %dma_wait3A_512] : memref<40x125xi32, #tpu.memory_space<vmem>> -> memref<1x125xi32, #tpu.memory_space<vmem>>
      %dma_wait3A_514 = tpu.memref_squeeze %dma_wait3A_513 : memref<1x125xi32, #tpu.memory_space<vmem>> -> memref<125xi32, #tpu.memory_space<vmem>>
      %dma_wait3A_515 = arith.constant 0 : i32
      %dma_wait3A_516 = arith.constant 0 : i32
      %dma_wait3A_517 = tpu.memref_slice %arg8[%dma_wait3A_515, %dma_wait3A_516] : memref<10000x128xf32, #tpu.memory_space<vmem_shared>> -> memref<10000x128xf32, #tpu.memory_space<vmem_shared>>
      tpu.wait_indirect_dma semaphore(%arg14 : memref<!tpu.dma_semaphore, #tpu.memory_space<semaphore_mem>>) src(%dma_wait3A_511 : memref<125x128xf32, #tpu.memory_space<vmem>>) dst(%dma_wait3A_517 : memref<10000x128xf32, #tpu.memory_space<vmem_shared>>)
      %dma_wait3A_518 = arith.constant 1 : i32
      %dma_wait3A_519 = arith.constant 0 : i32
      %dma_wait3A_520 = arith.constant 0 : i32
      %dma_wait3A_521 = tpu.memref_slice %arg11[%dma_wait3A_518, %dma_wait3A_519, %dma_wait3A_520] : memref<2x125x128xf32, #tpu.memory_space<vmem>> -> memref<1x125x128xf32, #tpu.memory_space<vmem>>
      %dma_wait3A_522 = tpu.memref_squeeze %dma_wait3A_521 : memref<1x125x128xf32, #tpu.memory_space<vmem>> -> memref<125x128xf32, #tpu.memory_space<vmem>>
      %dma_wait3A_523 = arith.constant 0 : i32
      %dma_wait3A_524 = tpu.memref_slice %arg10[%add3A_495, %dma_wait3A_523] : memref<40x125xi32, #tpu.memory_space<vmem>> -> memref<1x125xi32, #tpu.memory_space<vmem>>
      %dma_wait3A_525 = tpu.memref_squeeze %dma_wait3A_524 : memref<1x125xi32, #tpu.memory_space<vmem>> -> memref<125xi32, #tpu.memory_space<vmem>>
      %dma_wait3A_526 = arith.constant 0 : i32
      %dma_wait3A_527 = arith.constant 0 : i32
      %dma_wait3A_528 = tpu.memref_slice %arg8[%dma_wait3A_526, %dma_wait3A_527] : memref<10000x128xf32, #tpu.memory_space<vmem_shared>> -> memref<10000x128xf32, #tpu.memory_space<vmem_shared>>
      tpu.wait_indirect_dma semaphore(%arg15 : memref<!tpu.dma_semaphore, #tpu.memory_space<semaphore_mem>>) src(%dma_wait3A_522 : memref<125x128xf32, #tpu.memory_space<vmem>>) dst(%dma_wait3A_528 : memref<10000x128xf32, #tpu.memory_space<vmem_shared>>)
    }
    %scan3A_20 = arith.constant 4 : i32
    %barrier3A_21 = arith.constant 0 : index
    tpu.barrier barrier_id(%barrier3A_21)
    %eq3A_22 = arith.constant 0 : i32
    %eq3A_23 = arith.cmpi eq, %arg0, %eq3A_22 : i32
    %convert_element_type3A_24 = arith.extui %eq3A_23 : i1 to i32
    %cond3A_25 = arith.constant 0 : i32
    %cond3A_26 = arith.cmpi ne, %convert_element_type3A_24, %cond3A_25 : i32
    scf.if %cond3A_26 {
      %lt3A_32 = arith.constant 15 : i32
      %lt3A_33 = arith.cmpi slt, %arg1, %lt3A_32 : i32
      %convert_element_type3A_34 = arith.extui %lt3A_33 : i1 to i32
      %cond3A_35 = arith.constant 0 : i32
      %cond3A_36 = arith.cmpi ne, %convert_element_type3A_34, %cond3A_35 : i32
      scf.if %cond3A_36 {
        %mul3A_42 = arith.constant 640 : i32
        %mul3A_43 = arith.muli %arg1, %mul3A_42 : i32
        %mul3A_44 = arith.constant 640 : i32
        %mul3A_45 = arith.muli %arg1, %mul3A_44 : i32
        "tpu.region"() ({
          %run_scoped3A_46 = tpu.sem_alloc : memref<!tpu.dma_semaphore, #tpu.memory_space<semaphore_mem>>
          %dma_start3A = arith.constant 0 : i32
          %dma_start3A_47 = tpu.memref_slice %arg6[%mul3A_45, %dma_start3A] : memref<10000x128xf32, #tpu.memory_space<hbm>> -> memref<640x128xf32, #tpu.memory_space<hbm>>
          %dma_start3A_48 = arith.constant 0 : i32
          %dma_start3A_49 = tpu.memref_slice %arg8[%mul3A_43, %dma_start3A_48] : memref<10000x128xf32, #tpu.memory_space<vmem_shared>> -> memref<640x128xf32, #tpu.memory_space<vmem_shared>>
          tpu.enqueue_dma source(%dma_start3A_49 : memref<640x128xf32, #tpu.memory_space<vmem_shared>>) target(%dma_start3A_47 : memref<640x128xf32, #tpu.memory_space<hbm>>) target_semaphore(%run_scoped3A_46 : memref<!tpu.dma_semaphore, #tpu.memory_space<semaphore_mem>>)
          %dma_wait3A = arith.constant 0 : i32
          %dma_wait3A_50 = tpu.memref_slice %arg6[%mul3A_45, %dma_wait3A] : memref<10000x128xf32, #tpu.memory_space<hbm>> -> memref<640x128xf32, #tpu.memory_space<hbm>>
          %dma_wait3A_51 = arith.constant 0 : i32
          %dma_wait3A_52 = tpu.memref_slice %arg8[%mul3A_43, %dma_wait3A_51] : memref<10000x128xf32, #tpu.memory_space<vmem_shared>> -> memref<640x128xf32, #tpu.memory_space<vmem_shared>>
          tpu.wait_dma2 semaphore(%run_scoped3A_46 : memref<!tpu.dma_semaphore, #tpu.memory_space<semaphore_mem>>) src(%dma_wait3A_52 : memref<640x128xf32, #tpu.memory_space<vmem_shared>>) dst(%dma_wait3A_50 : memref<640x128xf32, #tpu.memory_space<hbm>>)
          tpu.yield
        }) : () -> ()
      } else {
      }
      %eq3A_37 = arith.constant 15 : i32
      %eq3A_38 = arith.cmpi eq, %arg1, %eq3A_37 : i32
      %convert_element_type3A_39 = arith.extui %eq3A_38 : i1 to i32
      %cond3A_40 = arith.constant 0 : i32
      %cond3A_41 = arith.cmpi ne, %convert_element_type3A_39, %cond3A_40 : i32
      scf.if %cond3A_41 {
        "tpu.region"() ({
          %run_scoped3A_42 = tpu.sem_alloc : memref<!tpu.dma_semaphore, #tpu.memory_space<semaphore_mem>>
          %dma_start3A = arith.constant 9600 : i32
          %dma_start3A_43 = arith.constant 0 : i32
          %dma_start3A_44 = tpu.memref_slice %arg6[%dma_start3A, %dma_start3A_43] : memref<10000x128xf32, #tpu.memory_space<hbm>> -> memref<400x128xf32, #tpu.memory_space<hbm>>
          %dma_start3A_45 = arith.constant 9600 : i32
          %dma_start3A_46 = arith.constant 0 : i32
          %dma_start3A_47 = tpu.memref_slice %arg8[%dma_start3A_45, %dma_start3A_46] : memref<10000x128xf32, #tpu.memory_space<vmem_shared>> -> memref<400x128xf32, #tpu.memory_space<vmem_shared>>
          tpu.enqueue_dma source(%dma_start3A_47 : memref<400x128xf32, #tpu.memory_space<vmem_shared>>) target(%dma_start3A_44 : memref<400x128xf32, #tpu.memory_space<hbm>>) target_semaphore(%run_scoped3A_42 : memref<!tpu.dma_semaphore, #tpu.memory_space<semaphore_mem>>)
          %dma_wait3A = arith.constant 9600 : i32
          %dma_wait3A_48 = arith.constant 0 : i32
          %dma_wait3A_49 = tpu.memref_slice %arg6[%dma_wait3A, %dma_wait3A_48] : memref<10000x128xf32, #tpu.memory_space<hbm>> -> memref<400x128xf32, #tpu.memory_space<hbm>>
          %dma_wait3A_50 = arith.constant 9600 : i32
          %dma_wait3A_51 = arith.constant 0 : i32
          %dma_wait3A_52 = tpu.memref_slice %arg8[%dma_wait3A_50, %dma_wait3A_51] : memref<10000x128xf32, #tpu.memory_space<vmem_shared>> -> memref<400x128xf32, #tpu.memory_space<vmem_shared>>
          tpu.wait_dma2 semaphore(%run_scoped3A_42 : memref<!tpu.dma_semaphore, #tpu.memory_space<semaphore_mem>>) src(%dma_wait3A_52 : memref<400x128xf32, #tpu.memory_space<vmem_shared>>) dst(%dma_wait3A_49 : memref<400x128xf32, #tpu.memory_space<hbm>>)
          tpu.yield
        }) : () -> ()
      } else {
      }
    } else {
    }
    %eq3A_27 = arith.constant 1 : i32
    %eq3A_28 = arith.cmpi eq, %arg0, %eq3A_27 : i32
    %convert_element_type3A_29 = arith.extui %eq3A_28 : i1 to i32
    %cond3A_30 = arith.constant 0 : i32
    %cond3A_31 = arith.cmpi ne, %convert_element_type3A_29, %cond3A_30 : i32
    scf.if %cond3A_31 {
      %lt3A_32 = arith.constant 15 : i32
      %lt3A_33 = arith.cmpi slt, %arg1, %lt3A_32 : i32
      %convert_element_type3A_34 = arith.extui %lt3A_33 : i1 to i32
      %cond3A_35 = arith.constant 0 : i32
      %cond3A_36 = arith.cmpi ne, %convert_element_type3A_34, %cond3A_35 : i32
      scf.if %cond3A_36 {
        %mul3A_42 = arith.constant 640 : i32
        %mul3A_43 = arith.muli %arg1, %mul3A_42 : i32
        %mul3A_44 = arith.constant 640 : i32
        %mul3A_45 = arith.muli %arg1, %mul3A_44 : i32
        "tpu.region"() ({
          %run_scoped3A_46 = tpu.sem_alloc : memref<!tpu.dma_semaphore, #tpu.memory_space<semaphore_mem>>
          %dma_start3A = arith.constant 0 : i32
          %dma_start3A_47 = tpu.memref_slice %arg7[%mul3A_45, %dma_start3A] : memref<10000x128xf32, #tpu.memory_space<hbm>> -> memref<640x128xf32, #tpu.memory_space<hbm>>
          %dma_start3A_48 = arith.constant 0 : i32
          %dma_start3A_49 = tpu.memref_slice %arg8[%mul3A_43, %dma_start3A_48] : memref<10000x128xf32, #tpu.memory_space<vmem_shared>> -> memref<640x128xf32, #tpu.memory_space<vmem_shared>>
          tpu.enqueue_dma source(%dma_start3A_49 : memref<640x128xf32, #tpu.memory_space<vmem_shared>>) target(%dma_start3A_47 : memref<640x128xf32, #tpu.memory_space<hbm>>) target_semaphore(%run_scoped3A_46 : memref<!tpu.dma_semaphore, #tpu.memory_space<semaphore_mem>>)
          %dma_wait3A = arith.constant 0 : i32
          %dma_wait3A_50 = tpu.memref_slice %arg7[%mul3A_45, %dma_wait3A] : memref<10000x128xf32, #tpu.memory_space<hbm>> -> memref<640x128xf32, #tpu.memory_space<hbm>>
          %dma_wait3A_51 = arith.constant 0 : i32
          %dma_wait3A_52 = tpu.memref_slice %arg8[%mul3A_43, %dma_wait3A_51] : memref<10000x128xf32, #tpu.memory_space<vmem_shared>> -> memref<640x128xf32, #tpu.memory_space<vmem_shared>>
          tpu.wait_dma2 semaphore(%run_scoped3A_46 : memref<!tpu.dma_semaphore, #tpu.memory_space<semaphore_mem>>) src(%dma_wait3A_52 : memref<640x128xf32, #tpu.memory_space<vmem_shared>>) dst(%dma_wait3A_50 : memref<640x128xf32, #tpu.memory_space<hbm>>)
          tpu.yield
        }) : () -> ()
      } else {
      }
      %eq3A_37 = arith.constant 15 : i32
      %eq3A_38 = arith.cmpi eq, %arg1, %eq3A_37 : i32
      %convert_element_type3A_39 = arith.extui %eq3A_38 : i1 to i32
      %cond3A_40 = arith.constant 0 : i32
      %cond3A_41 = arith.cmpi ne, %convert_element_type3A_39, %cond3A_40 : i32
      scf.if %cond3A_41 {
        "tpu.region"() ({
          %run_scoped3A_42 = tpu.sem_alloc : memref<!tpu.dma_semaphore, #tpu.memory_space<semaphore_mem>>
          %dma_start3A = arith.constant 9600 : i32
          %dma_start3A_43 = arith.constant 0 : i32
          %dma_start3A_44 = tpu.memref_slice %arg7[%dma_start3A, %dma_start3A_43] : memref<10000x128xf32, #tpu.memory_space<hbm>> -> memref<400x128xf32, #tpu.memory_space<hbm>>
          %dma_start3A_45 = arith.constant 9600 : i32
          %dma_start3A_46 = arith.constant 0 : i32
          %dma_start3A_47 = tpu.memref_slice %arg8[%dma_start3A_45, %dma_start3A_46] : memref<10000x128xf32, #tpu.memory_space<vmem_shared>> -> memref<400x128xf32, #tpu.memory_space<vmem_shared>>
          tpu.enqueue_dma source(%dma_start3A_47 : memref<400x128xf32, #tpu.memory_space<vmem_shared>>) target(%dma_start3A_44 : memref<400x128xf32, #tpu.memory_space<hbm>>) target_semaphore(%run_scoped3A_42 : memref<!tpu.dma_semaphore, #tpu.memory_space<semaphore_mem>>)
          %dma_wait3A = arith.constant 9600 : i32
          %dma_wait3A_48 = arith.constant 0 : i32
          %dma_wait3A_49 = tpu.memref_slice %arg7[%dma_wait3A, %dma_wait3A_48] : memref<10000x128xf32, #tpu.memory_space<hbm>> -> memref<400x128xf32, #tpu.memory_space<hbm>>
          %dma_wait3A_50 = arith.constant 9600 : i32
          %dma_wait3A_51 = arith.constant 0 : i32
          %dma_wait3A_52 = tpu.memref_slice %arg8[%dma_wait3A_50, %dma_wait3A_51] : memref<10000x128xf32, #tpu.memory_space<vmem_shared>> -> memref<400x128xf32, #tpu.memory_space<vmem_shared>>
          tpu.wait_dma2 semaphore(%run_scoped3A_42 : memref<!tpu.dma_semaphore, #tpu.memory_space<semaphore_mem>>) src(%dma_wait3A_52 : memref<400x128xf32, #tpu.memory_space<vmem_shared>>) dst(%dma_wait3A_49 : memref<400x128xf32, #tpu.memory_space<hbm>>)
          tpu.yield
        }) : () -> ()
      } else {
      }
    } else {
    }
    return
  }
}

module attributes {stable_mosaic.version = 14 : i64} {
  func.func @_g_body(%arg0: i32, %arg1: memref<2000x128xf32, #tpu.memory_space<vmem>>, %arg2: memref<128x128xf32, #tpu.memory_space<vmem>>, %arg3: memref<2000x1xf32, #tpu.memory_space<vmem>>, %arg4: memref<2000x1xf32, #tpu.memory_space<vmem>>, %arg5: memref<2000x128xf32, #tpu.memory_space<vmem>>, %arg6: memref<2000x1xf32, #tpu.memory_space<vmem>>) attributes {dimension_semantics = [#tpu.dimension_semantics<arbitrary>], iteration_bounds = array<i64: 5>, scalar_prefetch = 0 : i64, scratch_operands = 0 : i64, tpu.core_type = #tpu.core_type<tc>, window_params = [{transform_indices = @transform_0, window_bounds = array<i64: 2000, 128>}, {pipeline_mode = #tpu.pipeline_mode<synchronous>, transform_indices = @transform_1, window_bounds = array<i64: 128, 128>}, {transform_indices = @transform_2, window_bounds = array<i64: 2000, 1>}, {transform_indices = @transform_3, window_bounds = array<i64: 2000, 1>}, {transform_indices = @transform_4, window_bounds = array<i64: 2000, 128>}, {transform_indices = @transform_5, window_bounds = array<i64: 2000, 1>}]} {
    %get3A = arith.constant 0 : index
    %get3A_0 = arith.constant 0 : index
    %get3A_1 = vector.load %arg3[%get3A, %get3A_0] : memref<2000x1xf32, #tpu.memory_space<vmem>>, vector<2000x1xf32>
    %get3A_2 = arith.constant 0 : index
    %get3A_3 = arith.constant 0 : index
    %get3A_4 = vector.load %arg4[%get3A_2, %get3A_3] : memref<2000x1xf32, #tpu.memory_space<vmem>>, vector<2000x1xf32>
    %add3A = arith.addf %get3A_1, %get3A_4 : vector<2000x1xf32>
    %rsqrt3A = math.rsqrt %add3A : vector<2000x1xf32>
    %swap3A = arith.constant 0 : index
    %swap3A_5 = arith.constant 0 : index
    %swap3A_6 = vector.load %arg6[%swap3A, %swap3A_5] : memref<2000x1xf32, #tpu.memory_space<vmem>>, vector<2000x1xf32>
    tpu.vector_store %arg6[%swap3A, %swap3A_5], %rsqrt3A {strides = array<i32>} : memref<2000x1xf32, #tpu.memory_space<vmem>>, vector<2000x1xf32>,
    %get3A_7 = arith.constant 0 : index
    %get3A_8 = arith.constant 0 : index
    %get3A_9 = vector.load %arg1[%get3A_7, %get3A_8] : memref<2000x128xf32, #tpu.memory_space<vmem>>, vector<2000x128xf32>
    %get3A_10 = arith.constant 0 : index
    %get3A_11 = arith.constant 0 : index
    %get3A_12 = vector.load %arg2[%get3A_10, %get3A_11] : memref<128x128xf32, #tpu.memory_space<vmem>>, vector<128x128xf32>
    %dot_general3A = arith.constant dense<0.000000e+00> : vector<2000x128xf32>
    %dot_general3A_13 = tpu.matmul %get3A_9, %get3A_12, %dot_general3A {dimension_numbers = #tpu.dot_dimension_numbers<[1], [0], [0], [1], [0, 0, 1, 1], [], []>, transpose_lhs_hint = false} : vector<2000x128xf32>, vector<128x128xf32>, vector<2000x128xf32> -> vector<2000x128xf32>
    %mul3A = vector.broadcast %rsqrt3A : vector<2000x1xf32> to vector<2000x128xf32>
    %mul3A_14 = arith.mulf %mul3A, %dot_general3A_13 : vector<2000x128xf32>
    %swap3A_15 = arith.constant 0 : index
    %swap3A_16 = arith.constant 0 : index
    %swap3A_17 = vector.load %arg5[%swap3A_15, %swap3A_16] : memref<2000x128xf32, #tpu.memory_space<vmem>>, vector<2000x128xf32>
    tpu.vector_store %arg5[%swap3A_15, %swap3A_16], %mul3A_14 {strides = array<i32>} : memref<2000x128xf32, #tpu.memory_space<vmem>>, vector<2000x128xf32>,
    return
  }
  func.func @transform_0(%arg0: i32) -> (i32, i32) {
    %c0_i32 = arith.constant 0 : i32
    %c0_i32_0 = arith.constant 0 : i32
    return %arg0, %c0_i32 : i32, i32
  }
  func.func @transform_1(%arg0: i32) -> (i32, i32) {
    %c0_i32 = arith.constant 0 : i32
    %c0_i32_0 = arith.constant 0 : i32
    %c0_i32_1 = arith.constant 0 : i32
    return %c0_i32, %c0_i32_0 : i32, i32
  }
  func.func @transform_2(%arg0: i32) -> (i32, i32) {
    %c0_i32 = arith.constant 0 : i32
    %c0_i32_0 = arith.constant 0 : i32
    return %arg0, %c0_i32 : i32, i32
  }
  func.func @transform_3(%arg0: i32) -> (i32, i32) {
    %c0_i32 = arith.constant 0 : i32
    %c0_i32_0 = arith.constant 0 : i32
    return %arg0, %c0_i32 : i32, i32
  }
  func.func @transform_4(%arg0: i32) -> (i32, i32) {
    %c0_i32 = arith.constant 0 : i32
    %c0_i32_0 = arith.constant 0 : i32
    return %arg0, %c0_i32 : i32, i32
  }
  func.func @transform_5(%arg0: i32) -> (i32, i32) {
    %c0_i32 = arith.constant 0 : i32
    %c0_i32_0 = arith.constant 0 : i32
    return %arg0, %c0_i32 : i32, i32
  }
}

module attributes {stable_mosaic.version = 14 : i64} {
  func.func @_final_body(%arg0: i32, %arg1: i32, %arg2: memref<2000x128xf32, #tpu.memory_space<vmem>>, %arg3: memref<2000x128xf32, #tpu.memory_space<vmem>>, %arg4: memref<2000x128xf32, #tpu.memory_space<vmem>>, %arg5: memref<2000x1xf32, #tpu.memory_space<vmem>>, %arg6: memref<1x128xf32, #tpu.memory_space<vmem>>, %arg7: memref<1x128xf32, #tpu.memory_space<vmem>>, %arg8: memref<1x128xf32, #tpu.memory_space<vmem>>, %arg9: memref<1x1xf32, #tpu.memory_space<vmem>>, %arg10: memref<2000x128xf32, #tpu.memory_space<vmem>>, %arg11: memref<128x384xf32, #tpu.memory_space<vmem>>, %arg12: memref<128x256xf32, #tpu.memory_space<vmem>>, %arg13: memref<128x128xf32, #tpu.memory_space<vmem>>, %arg14: memref<1x384xf32, #tpu.memory_space<vmem>>, %arg15: memref<2000x128xf32, #tpu.memory_space<vmem>>, %arg16: memref<1x128xf32, #tpu.memory_space<vmem>>, %arg17: memref<1x128xf32, #tpu.memory_space<vmem>>) attributes {dimension_semantics = [#tpu.dimension_semantics<arbitrary>, #tpu.dimension_semantics<arbitrary>], iteration_bounds = array<i64: 2, 5>, scalar_prefetch = 0 : i64, scratch_operands = 2 : i64, tpu.core_type = #tpu.core_type<tc>, window_params = [{transform_indices = @transform_0, window_bounds = array<i64: 2000, 128>}, {transform_indices = @transform_1, window_bounds = array<i64: 2000, 128>}, {transform_indices = @transform_2, window_bounds = array<i64: 2000, 128>}, {transform_indices = @transform_3, window_bounds = array<i64: 2000, 1>}, {pipeline_mode = #tpu.pipeline_mode<synchronous>, transform_indices = @transform_4, window_bounds = array<i64: 1, 128>}, {pipeline_mode = #tpu.pipeline_mode<synchronous>, transform_indices = @transform_5, window_bounds = array<i64: 1, 128>}, {pipeline_mode = #tpu.pipeline_mode<synchronous>, transform_indices = @transform_6, window_bounds = array<i64: 1, 128>}, {pipeline_mode = #tpu.pipeline_mode<synchronous>, transform_indices = @transform_7, window_bounds = array<i64: 1, 1>}, {transform_indices = @transform_8, window_bounds = array<i64: 2000, 128>}, {pipeline_mode = #tpu.pipeline_mode<synchronous>, transform_indices = @transform_9, window_bounds = array<i64: 128, 384>}, {pipeline_mode = #tpu.pipeline_mode<synchronous>, transform_indices = @transform_10, window_bounds = array<i64: 128, 256>}, {pipeline_mode = #tpu.pipeline_mode<synchronous>, transform_indices = @transform_11, window_bounds = array<i64: 128, 128>}, {pipeline_mode = #tpu.pipeline_mode<synchronous>, transform_indices = @transform_12, window_bounds = array<i64: 1, 384>}, {transform_indices = @transform_13, window_bounds = array<i64: 2000, 128>}]} {
    %get3A = arith.constant 0 : index
    %get3A_0 = arith.constant 0 : index
    %get3A_1 = vector.load %arg5[%get3A, %get3A_0] : memref<2000x1xf32, #tpu.memory_space<vmem>>, vector<2000x1xf32>
    %get3A_2 = arith.constant 0 : index
    %get3A_3 = arith.constant 0 : index
    %get3A_4 = vector.load %arg2[%get3A_2, %get3A_3] : memref<2000x128xf32, #tpu.memory_space<vmem>>, vector<2000x128xf32>
    %get3A_5 = arith.constant 0 : index
    %get3A_6 = arith.constant 0 : index
    %get3A_7 = vector.load %arg3[%get3A_5, %get3A_6] : memref<2000x128xf32, #tpu.memory_space<vmem>>, vector<2000x128xf32>
    %add3A = arith.addf %get3A_4, %get3A_7 : vector<2000x128xf32>
    %get3A_8 = arith.constant 0 : index
    %get3A_9 = arith.constant 0 : index
    %get3A_10 = vector.load %arg4[%get3A_8, %get3A_9] : memref<2000x128xf32, #tpu.memory_space<vmem>>, vector<2000x128xf32>
    %add3A_11 = arith.addf %add3A, %get3A_10 : vector<2000x128xf32>
    %mul3A = vector.broadcast %get3A_1 : vector<2000x1xf32> to vector<2000x128xf32>
    %mul3A_12 = arith.mulf %mul3A, %add3A_11 : vector<2000x128xf32>
    %get3A_13 = arith.constant 0 : index
    %get3A_14 = arith.constant 0 : index
    %get3A_15 = vector.load %arg6[%get3A_13, %get3A_14] : memref<1x128xf32, #tpu.memory_space<vmem>>, vector<1x128xf32>
    %add3A_16 = vector.broadcast %get3A_15 : vector<1x128xf32> to vector<2000x128xf32>
    %add3A_17 = arith.addf %mul3A_12, %add3A_16 : vector<2000x128xf32>
    %eq3A = arith.constant 0 : i32
    %eq3A_18 = arith.cmpi eq, %arg0, %eq3A : i32
    %eq3A_19 = arith.constant 0 : i32
    %eq3A_20 = arith.cmpi eq, %arg1, %eq3A_19 : i32
    %and3A = arith.andi %eq3A_18, %eq3A_20 : i1
    %convert_element_type3A = arith.extui %and3A : i1 to i32
    %cond3A = arith.constant 0 : i32
    %cond3A_21 = arith.cmpi ne, %convert_element_type3A, %cond3A : i32
    scf.if %cond3A_21 {
      %broadcast_in_dim3A = arith.constant 0.000000e+00 : f32
      %broadcast_in_dim3A_32 = vector.broadcast %broadcast_in_dim3A : f32 to vector<1x128xf32>
      %swap3A = arith.constant 0 : index
      %swap3A_33 = arith.constant 0 : index
      %swap3A_34 = vector.load %arg16[%swap3A, %swap3A_33] : memref<1x128xf32, #tpu.memory_space<vmem>>, vector<1x128xf32>
      tpu.vector_store %arg16[%swap3A, %swap3A_33], %broadcast_in_dim3A_32 {strides = array<i32>} : memref<1x128xf32, #tpu.memory_space<vmem>>, vector<1x128xf32>,
      %broadcast_in_dim3A_35 = arith.constant 0.000000e+00 : f32
      %broadcast_in_dim3A_36 = vector.broadcast %broadcast_in_dim3A_35 : f32 to vector<1x128xf32>
      %swap3A_37 = arith.constant 0 : index
      %swap3A_38 = arith.constant 0 : index
      %swap3A_39 = vector.load %arg17[%swap3A_37, %swap3A_38] : memref<1x128xf32, #tpu.memory_space<vmem>>, vector<1x128xf32>
      tpu.vector_store %arg17[%swap3A_37, %swap3A_38], %broadcast_in_dim3A_36 {strides = array<i32>} : memref<1x128xf32, #tpu.memory_space<vmem>>, vector<1x128xf32>,
    } else {
    }
    %eq3A_22 = arith.constant 0 : i32
    %eq3A_23 = arith.cmpi eq, %arg0, %eq3A_22 : i32
    %convert_element_type3A_24 = arith.extui %eq3A_23 : i1 to i32
    %cond3A_25 = arith.constant 0 : i32
    %cond3A_26 = arith.cmpi ne, %convert_element_type3A_24, %cond3A_25 : i32
    scf.if %cond3A_26 {
      %get3A_32 = arith.constant 0 : index
      %get3A_33 = arith.constant 0 : index
      %get3A_34 = vector.load %arg16[%get3A_32, %get3A_33] : memref<1x128xf32, #tpu.memory_space<vmem>>, vector<1x128xf32>
      %reduce_sum3A = arith.constant dense<0.000000e+00> : vector<128xf32>
      %reduce_sum3A_35 = vector.multi_reduction <add>, %add3A_17, %reduce_sum3A [0] : vector<2000x128xf32> to vector<128xf32>
      %broadcast_in_dim3A = vector.shape_cast %reduce_sum3A_35 : vector<128xf32> to vector<1x128xf32>
      %add3A_36 = arith.addf %get3A_34, %broadcast_in_dim3A : vector<1x128xf32>
      %swap3A = arith.constant 0 : index
      %swap3A_37 = arith.constant 0 : index
      %swap3A_38 = vector.load %arg16[%swap3A, %swap3A_37] : memref<1x128xf32, #tpu.memory_space<vmem>>, vector<1x128xf32>
      tpu.vector_store %arg16[%swap3A, %swap3A_37], %add3A_36 {strides = array<i32>} : memref<1x128xf32, #tpu.memory_space<vmem>>, vector<1x128xf32>,
      %get3A_39 = arith.constant 0 : index
      %get3A_40 = arith.constant 0 : index
      %get3A_41 = vector.load %arg17[%get3A_39, %get3A_40] : memref<1x128xf32, #tpu.memory_space<vmem>>, vector<1x128xf32>
      %mul3A_42 = arith.mulf %add3A_17, %add3A_17 : vector<2000x128xf32>
      %reduce_sum3A_43 = arith.constant dense<0.000000e+00> : vector<128xf32>
      %reduce_sum3A_44 = vector.multi_reduction <add>, %mul3A_42, %reduce_sum3A_43 [0] : vector<2000x128xf32> to vector<128xf32>
      %broadcast_in_dim3A_45 = vector.shape_cast %reduce_sum3A_44 : vector<128xf32> to vector<1x128xf32>
      %add3A_46 = arith.addf %get3A_41, %broadcast_in_dim3A_45 : vector<1x128xf32>
      %swap3A_47 = arith.constant 0 : index
      %swap3A_48 = arith.constant 0 : index
      %swap3A_49 = vector.load %arg17[%swap3A_47, %swap3A_48] : memref<1x128xf32, #tpu.memory_space<vmem>>, vector<1x128xf32>
      tpu.vector_store %arg17[%swap3A_47, %swap3A_48], %add3A_46 {strides = array<i32>} : memref<1x128xf32, #tpu.memory_space<vmem>>, vector<1x128xf32>,
    } else {
    }
    %eq3A_27 = arith.constant 1 : i32
    %eq3A_28 = arith.cmpi eq, %arg0, %eq3A_27 : i32
    %convert_element_type3A_29 = arith.extui %eq3A_28 : i1 to i32
    %cond3A_30 = arith.constant 0 : i32
    %cond3A_31 = arith.cmpi ne, %convert_element_type3A_29, %cond3A_30 : i32
    scf.if %cond3A_31 {
      %get3A_32 = arith.constant 0 : index
      %get3A_33 = arith.constant 0 : index
      %get3A_34 = vector.load %arg16[%get3A_32, %get3A_33] : memref<1x128xf32, #tpu.memory_space<vmem>>, vector<1x128xf32>
      %mul3A_35 = arith.constant 9.99999974E-5 : f32
      %mul3A_36 = vector.broadcast %mul3A_35 : f32 to vector<1x128xf32>
      %mul3A_37 = arith.mulf %get3A_34, %mul3A_36 : vector<1x128xf32>
      %get3A_38 = arith.constant 0 : index
      %get3A_39 = arith.constant 0 : index
      %get3A_40 = vector.load %arg17[%get3A_38, %get3A_39] : memref<1x128xf32, #tpu.memory_space<vmem>>, vector<1x128xf32>
      %mul3A_41 = arith.constant 9.99999974E-5 : f32
      %mul3A_42 = vector.broadcast %mul3A_41 : f32 to vector<1x128xf32>
      %mul3A_43 = arith.mulf %get3A_40, %mul3A_42 : vector<1x128xf32>
      %mul3A_44 = arith.mulf %mul3A_37, %mul3A_37 : vector<1x128xf32>
      %sub3A = arith.subf %mul3A_43, %mul3A_44 : vector<1x128xf32>
      %get3A_45 = arith.constant 0 : index
      %get3A_46 = arith.constant 0 : index
      %get3A_47 = vector.load %arg7[%get3A_45, %get3A_46] : memref<1x128xf32, #tpu.memory_space<vmem>>, vector<1x128xf32>
      %sub3A_48 = vector.broadcast %mul3A_37 : vector<1x128xf32> to vector<2000x128xf32>
      %sub3A_49 = arith.subf %add3A_17, %sub3A_48 : vector<2000x128xf32>
      %mul3A_50 = vector.broadcast %get3A_47 : vector<1x128xf32> to vector<2000x128xf32>
      %mul3A_51 = arith.mulf %mul3A_50, %sub3A_49 : vector<2000x128xf32>
      %add3A_52 = arith.constant 9.99999974E-6 : f32
      %add3A_53 = vector.broadcast %add3A_52 : f32 to vector<1x128xf32>
      %add3A_54 = arith.addf %sub3A, %add3A_53 : vector<1x128xf32>
      %rsqrt3A = math.rsqrt %add3A_54 : vector<1x128xf32>
      %mul3A_55 = vector.broadcast %rsqrt3A : vector<1x128xf32> to vector<2000x128xf32>
      %mul3A_56 = arith.mulf %mul3A_51, %mul3A_55 : vector<2000x128xf32>
      %get3A_57 = arith.constant 0 : index
      %get3A_58 = arith.constant 0 : index
      %get3A_59 = vector.load %arg8[%get3A_57, %get3A_58] : memref<1x128xf32, #tpu.memory_space<vmem>>, vector<1x128xf32>
      %add3A_60 = vector.broadcast %get3A_59 : vector<1x128xf32> to vector<2000x128xf32>
      %add3A_61 = arith.addf %mul3A_56, %add3A_60 : vector<2000x128xf32>
      %ge3A = arith.constant 0.000000e+00 : f32
      %ge3A_62 = vector.broadcast %ge3A : f32 to vector<2000x128xf32>
      %ge3A_63 = arith.cmpf oge, %add3A_61, %ge3A_62 : vector<2000x128xf32>
      %get3A_64 = arith.constant 0 : index
      %get3A_65 = arith.constant 0 : index
      %get3A_66 = vector.load %arg9[%get3A_64, %get3A_65] : memref<1x1xf32, #tpu.memory_space<vmem>>, vector<1x1xf32>
      %mul3A_67 = vector.broadcast %get3A_66 : vector<1x1xf32> to vector<2000x128xf32>
      %mul3A_68 = arith.mulf %mul3A_67, %add3A_61 : vector<2000x128xf32>
      %select_n3A = arith.select %ge3A_63, %add3A_61, %mul3A_68 : vector<2000x128xi1>, vector<2000x128xf32>
      %get3A_69 = arith.constant 0 : index
      %get3A_70 = arith.constant 0 : index
      %get3A_71 = vector.load %arg10[%get3A_69, %get3A_70] : memref<2000x128xf32, #tpu.memory_space<vmem>>, vector<2000x128xf32>
      %get3A_72 = arith.constant 0 : index
      %get3A_73 = arith.constant 0 : index
      %get3A_74 = vector.load %arg11[%get3A_72, %get3A_73] : memref<128x384xf32, #tpu.memory_space<vmem>>, vector<128x384xf32>
      %dot_general3A = arith.constant dense<0.000000e+00> : vector<2000x384xf32>
      %dot_general3A_75 = tpu.matmul %select_n3A, %get3A_74, %dot_general3A {dimension_numbers = #tpu.dot_dimension_numbers<[1], [0], [0], [1], [0, 0, 1, 1], [], []>, transpose_lhs_hint = false} : vector<2000x128xf32>, vector<128x384xf32>, vector<2000x384xf32> -> vector<2000x384xf32>
      %get3A_76 = arith.constant 0 : index
      %get3A_77 = arith.constant 0 : index
      %get3A_78 = vector.load %arg14[%get3A_76, %get3A_77] : memref<1x384xf32, #tpu.memory_space<vmem>>, vector<1x384xf32>
      %add3A_79 = vector.broadcast %get3A_78 : vector<1x384xf32> to vector<2000x384xf32>
      %add3A_80 = arith.addf %dot_general3A_75, %add3A_79 : vector<2000x384xf32>
      %get3A_81 = arith.constant 0 : index
      %get3A_82 = arith.constant 0 : index
      %get3A_83 = vector.load %arg12[%get3A_81, %get3A_82] : memref<128x256xf32, #tpu.memory_space<vmem>>, vector<128x256xf32>
      %dot_general3A_84 = arith.constant dense<0.000000e+00> : vector<2000x256xf32>
      %dot_general3A_85 = tpu.matmul %get3A_71, %get3A_83, %dot_general3A_84 {dimension_numbers = #tpu.dot_dimension_numbers<[1], [0], [0], [1], [0, 0, 1, 1], [], []>, transpose_lhs_hint = false} : vector<2000x128xf32>, vector<128x256xf32>, vector<2000x256xf32> -> vector<2000x256xf32>
      %slice3A = vector.extract_strided_slice %add3A_80 {offsets = [0, 0], sizes = [2000, 128], strides = [1, 1]} : vector<2000x384xf32> to vector<2000x128xf32>
      %slice3A_86 = vector.extract_strided_slice %dot_general3A_85 {offsets = [0, 0], sizes = [2000, 128], strides = [1, 1]} : vector<2000x256xf32> to vector<2000x128xf32>
      %add3A_87 = arith.addf %slice3A, %slice3A_86 : vector<2000x128xf32>
      %logistic3A = arith.negf %add3A_87 : vector<2000x128xf32>
      %logistic3A_88 = math.exp %logistic3A : vector<2000x128xf32>
      %logistic3A_89 = arith.constant 1.000000e+00 : f32
      %logistic3A_90 = vector.broadcast %logistic3A_89 : f32 to vector<2000x128xf32>
      %logistic3A_91 = arith.addf %logistic3A_90, %logistic3A_88 : vector<2000x128xf32>
      %logistic3A_92 = arith.divf %logistic3A_90, %logistic3A_91 : vector<2000x128xf32>
      %slice3A_93 = vector.extract_strided_slice %add3A_80 {offsets = [0, 128], sizes = [2000, 128], strides = [1, 1]} : vector<2000x384xf32> to vector<2000x128xf32>
      %slice3A_94 = vector.extract_strided_slice %dot_general3A_85 {offsets = [0, 128], sizes = [2000, 128], strides = [1, 1]} : vector<2000x256xf32> to vector<2000x128xf32>
      %add3A_95 = arith.addf %slice3A_93, %slice3A_94 : vector<2000x128xf32>
      %logistic3A_96 = arith.negf %add3A_95 : vector<2000x128xf32>
      %logistic3A_97 = math.exp %logistic3A_96 : vector<2000x128xf32>
      %logistic3A_98 = arith.constant 1.000000e+00 : f32
      %logistic3A_99 = vector.broadcast %logistic3A_98 : f32 to vector<2000x128xf32>
      %logistic3A_100 = arith.addf %logistic3A_99, %logistic3A_97 : vector<2000x128xf32>
      %logistic3A_101 = arith.divf %logistic3A_99, %logistic3A_100 : vector<2000x128xf32>
      %slice3A_102 = vector.extract_strided_slice %add3A_80 {offsets = [0, 256], sizes = [2000, 128], strides = [1, 1]} : vector<2000x384xf32> to vector<2000x128xf32>
      %mul3A_103 = arith.mulf %logistic3A_101, %get3A_71 : vector<2000x128xf32>
      %get3A_104 = arith.constant 0 : index
      %get3A_105 = arith.constant 0 : index
      %get3A_106 = vector.load %arg13[%get3A_104, %get3A_105] : memref<128x128xf32, #tpu.memory_space<vmem>>, vector<128x128xf32>
      %dot_general3A_107 = arith.constant dense<0.000000e+00> : vector<2000x128xf32>
      %dot_general3A_108 = tpu.matmul %mul3A_103, %get3A_106, %dot_general3A_107 {dimension_numbers = #tpu.dot_dimension_numbers<[1], [0], [0], [1], [0, 0, 1, 1], [], []>, transpose_lhs_hint = false} : vector<2000x128xf32>, vector<128x128xf32>, vector<2000x128xf32> -> vector<2000x128xf32>
      %add3A_109 = arith.addf %slice3A_102, %dot_general3A_108 : vector<2000x128xf32>
      %tanh3A = math.tanh %add3A_109 : vector<2000x128xf32>
      %mul3A_110 = arith.mulf %logistic3A_92, %get3A_71 : vector<2000x128xf32>
      %sub3A_111 = arith.constant 1.000000e+00 : f32
      %sub3A_112 = vector.broadcast %sub3A_111 : f32 to vector<2000x128xf32>
      %sub3A_113 = arith.subf %sub3A_112, %logistic3A_92 : vector<2000x128xf32>
      %mul3A_114 = arith.mulf %sub3A_113, %tanh3A : vector<2000x128xf32>
      %add3A_115 = arith.addf %mul3A_110, %mul3A_114 : vector<2000x128xf32>
      %swap3A = arith.constant 0 : index
      %swap3A_116 = arith.constant 0 : index
      %swap3A_117 = vector.load %arg15[%swap3A, %swap3A_116] : memref<2000x128xf32, #tpu.memory_space<vmem>>, vector<2000x128xf32>
      tpu.vector_store %arg15[%swap3A, %swap3A_116], %add3A_115 {strides = array<i32>} : memref<2000x128xf32, #tpu.memory_space<vmem>>, vector<2000x128xf32>,
    } else {
    }
    return
  }
  func.func @transform_0(%arg0: i32, %arg1: i32) -> (i32, i32) {
    %c0_i32 = arith.constant 0 : i32
    %c0_i32_0 = arith.constant 0 : i32
    return %arg1, %c0_i32 : i32, i32
  }
  func.func @transform_1(%arg0: i32, %arg1: i32) -> (i32, i32) {
    %c0_i32 = arith.constant 0 : i32
    %c0_i32_0 = arith.constant 0 : i32
    return %arg1, %c0_i32 : i32, i32
  }
  func.func @transform_2(%arg0: i32, %arg1: i32) -> (i32, i32) {
    %c0_i32 = arith.constant 0 : i32
    %c0_i32_0 = arith.constant 0 : i32
    return %arg1, %c0_i32 : i32, i32
  }
  func.func @transform_3(%arg0: i32, %arg1: i32) -> (i32, i32) {
    %c0_i32 = arith.constant 0 : i32
    %c0_i32_0 = arith.constant 0 : i32
    return %arg1, %c0_i32 : i32, i32
  }
  func.func @transform_4(%arg0: i32, %arg1: i32) -> (i32, i32) {
    %c0_i32 = arith.constant 0 : i32
    %c0_i32_0 = arith.constant 0 : i32
    %c0_i32_1 = arith.constant 0 : i32
    return %c0_i32, %c0_i32_0 : i32, i32
  }
  func.func @transform_5(%arg0: i32, %arg1: i32) -> (i32, i32) {
    %c0_i32 = arith.constant 0 : i32
    %c0_i32_0 = arith.constant 0 : i32
    %c0_i32_1 = arith.constant 0 : i32
    return %c0_i32, %c0_i32_0 : i32, i32
  }
  func.func @transform_6(%arg0: i32, %arg1: i32) -> (i32, i32) {
    %c0_i32 = arith.constant 0 : i32
    %c0_i32_0 = arith.constant 0 : i32
    %c0_i32_1 = arith.constant 0 : i32
    return %c0_i32, %c0_i32_0 : i32, i32
  }
  func.func @transform_7(%arg0: i32, %arg1: i32) -> (i32, i32) {
    %c0_i32 = arith.constant 0 : i32
    %c0_i32_0 = arith.constant 0 : i32
    %c0_i32_1 = arith.constant 0 : i32
    return %c0_i32, %c0_i32_0 : i32, i32
  }
  func.func @transform_8(%arg0: i32, %arg1: i32) -> (i32, i32) {
    %mul3A = arith.muli %arg1, %arg0 : i32
    %c0_i32 = arith.constant 0 : i32
    %c0_i32_0 = arith.constant 0 : i32
    return %mul3A, %c0_i32 : i32, i32
  }
  func.func @transform_9(%arg0: i32, %arg1: i32) -> (i32, i32) {
    %c0_i32 = arith.constant 0 : i32
    %c0_i32_0 = arith.constant 0 : i32
    %c0_i32_1 = arith.constant 0 : i32
    return %c0_i32, %c0_i32_0 : i32, i32
  }
  func.func @transform_10(%arg0: i32, %arg1: i32) -> (i32, i32) {
    %c0_i32 = arith.constant 0 : i32
    %c0_i32_0 = arith.constant 0 : i32
    %c0_i32_1 = arith.constant 0 : i32
    return %c0_i32, %c0_i32_0 : i32, i32
  }
  func.func @transform_11(%arg0: i32, %arg1: i32) -> (i32, i32) {
    %c0_i32 = arith.constant 0 : i32
    %c0_i32_0 = arith.constant 0 : i32
    %c0_i32_1 = arith.constant 0 : i32
    return %c0_i32, %c0_i32_0 : i32, i32
  }
  func.func @transform_12(%arg0: i32, %arg1: i32) -> (i32, i32) {
    %c0_i32 = arith.constant 0 : i32
    %c0_i32_0 = arith.constant 0 : i32
    %c0_i32_1 = arith.constant 0 : i32
    return %c0_i32, %c0_i32_0 : i32, i32
  }
  func.func @transform_13(%arg0: i32, %arg1: i32) -> (i32, i32) {
    %c0_i32 = arith.constant 0 : i32
    %c0_i32_0 = arith.constant 0 : i32
    return %arg1, %c0_i32 : i32, i32
  }
}

</mosaic_0001>

<sc_bundles>
// kernel: kernel.6.cloned.1.call-start
scs
__scs_entry_jumppad:
0x0: {  	(pc) =	sbr.rel $0x88, $3  }
0x1: {  	(tag) =	ssettag $0x0;
	lr =	simm.s32 $0x1  }
0x2: {  	[smem:$0x3F93] =	sst lr;
	_ =	strace $0xD0000000  }
0x3: {  	_ = 	snop  }
0x4: {  	_ = 	snop  }
0x5: {  	_ = 	snop  }
0x6: {  	_ = 	snop  }
0x7: {  	_ = 	snop  }
__scs_overlays_trampoline_lowered:
0x8: {  	[smem:$0x3FA2] =	sst s0  }
0x9: {  	[smem:$0x3FA3] =	sst s1  }
0xa: {  	[smem:$0x3FA4] =	sst s2  }
0xb: {  	[smem:$0x3FA5] =	sst s3  }
0xc: {  	[smem:$0x3FA6] =	sst s4  }
0xd: {  	[smem:$0x3FA7] =	sst s5  }
0xe: {  	[smem:$0x3FA8] =	sst s6  }
0xf: {  	[smem:$0x3FA9] =	sst s7  }
0x10: {  	[smem:$0x3FAA] =	sst s8  }
0x11: {  	[smem:$0x3FAB] =	sst s9;
	s0 =	simm.s32 @!p0 $0x0  }
0x12: {  	s1 =	sld [smem:$0x3F91];
	s0 =	simm.s32 @p0 $0x1  }
0x13: {  	[smem:$0x3FAC] =	sst s0;
	s0 =	simm.s32 @!p1 $0x0  }
0x14: {  	s2 =	sld [smem:$0x3F90];
	s0 =	simm.s32 @p1 $0x1  }
0x15: {  	[smem:$0x3FAD] =	sst s0;
	s0 =	simm.s32 @!p2 $0x0  }
0x16: {  	s3 =	sld [smem:$0x3FDB];
	s0 =	simm.s32 @p2 $0x1  }
0x17: {  	s4 =	simm.s32 $0x1BF5;
	[smem:$0x3FAF] =	sst s0  }
0x18: {  	s0 =	sld [smem:$0x3F92];
	_ =	swait.ge [sflag:s4], $0x0  }
0x19: {  	s7 =	sld [smem:$0x3F93]  }
0x1a: {  	s8 =	sadd.s32 $0xFFFFE003, lr  }
0x1b: {  	s9 =	sadd.s32 $0xFFFFFEF7, lr;
	s5 =	simm.s32 $0xFFFFFFFF;
	p2 =	slt.u32 s8, $0xFFFFF086  }
0x1c: {  	p1 =	slt.u32 s9, $0xF7A;
	s5 =	simm.s32 @!p2 $0x0  }
0x1d: {  	s5 =	simm.s32 @p1 $0x1;
	p0 =	seq.s32 s7, s2  }
0x1e: {  	s7 =	smul.u32 @!p0 $0xF7A, s2;
	p2 =	seq.s32 @!p0 s5, $0x0  }
0x1f: {  	s9 =	smul.u32 $0xF7A, s1;
	s8 =	simm.s32 @!p0 $0x1BF5;
	p2 =	por !p2, p0  }
0x20: {  	[sflag:s8] =	ssyncset.s32 @!p0 $0xFFFFF086;
	s6 =	sadd.s32 @!p0 s3, s7;
	s7 =	simm.s32 @!p0 $0x108  }
0x21: {  	s3 =	sadd.s32 s3, s9;
	s6 =	sadd.s32 @!p0 $0x88, s6;
	s7 =	simm.s32 @p2 $0x1082  }
0x22: {  	[simem:s7], [sflag:s8] =	dma.local @!p0 [hbm:s6], $0xF7A  }
0x23: {  	s9 =	sor.u32 $0xD0000000, s2;
	s6 =	simm.s32 $0x108;
	_ =	swait.ge @!p0 [sflag:s8], $0x0  }
0x24: {  	s3 =	sadd.s32 $0x88, s3;
	s6 =	simm.s32 @!p1 $0x1082;
	[sflag:s4] =	ssyncset.s32 $0xFFFFF086  }
0x25: {  	[simem:s6], [sflag:s4] =	dma.local [hbm:s3], $0xF7A  }
0x26: {  	[smem:$0x3F93] =	sst s1;
	(tag) =	ssettag s2;
	_ =	strace s9  }
0x27: {  	s1 =	sld [smem:$0x3FA3]  }
0x28: {  	s2 =	sld [smem:$0x3FA4]  }
0x29: {  	s4 =	sld [smem:$0x3FA6]  }
0x2a: {  	p0 =	seq.s32 s5, $0x0;
	s5 =	sld [smem:$0x3FA7]  }
0x2b: {  	s6 =	sld [smem:$0x3FA8]  }
0x2c: {  	s7 =	sld [smem:$0x3FA9]  }
0x2d: {  	s3 =	simm.s32 $0x108;
	s8 =	sld [smem:$0x3FAA]  }
0x2e: {  	s3 =	simm.s32 @!p0 $0x1082;
	s9 =	sld [smem:$0x3FAB]  }
0x2f: {  	lr =	sadd.s32 s0, s3;
	s0 =	sld [smem:$0x3FA2]  }
0x30: {  	s3 =	sld [smem:$0x3FA5]  }
0x31: {  	[smem:$0x3FAE] =	sst s10  }
0x32: {  	s10 =	sld [smem:$0x3FAC];
	_ =	sdelay $0x3  }
0x33: {  	p0 =	seq.s32 s10, $0x1;
	s10 =	sld [smem:$0x3FAE];
	_ =	sdelay $0x3  }
0x34: {  	[smem:$0x3FAE] =	sst s10  }
0x35: {  	s10 =	sld [smem:$0x3FAD];
	_ =	sdelay $0x3  }
0x36: {  	p1 =	seq.s32 s10, $0x1;
	s10 =	sld [smem:$0x3FAE];
	_ =	sdelay $0x3  }
0x37: {  	[smem:$0x3FAE] =	sst s10  }
0x38: {  	s10 =	sld [smem:$0x3FAF]  }
0x39: {  	_ = 	snop;
	(pc) =	sbr.ind lr, $3  }
0x3a: {  	_ = 	snop  }
0x3b: {  	_ = 	snop  }
0x3c: {  	p2 =	seq.s32 s10, $0x1;
	s10 =	sld [smem:$0x3FAE]  }
0x3d: {  	_ =	shalt  }
0x3e: {  	_ =	shalt  }
0x3f: {  	_ =	shalt  }
0x40: {  	_ =	shalt  }
0x41: {  	_ =	shalt  }
0x42: {  	_ =	shalt  }
0x43: {  	_ =	shalt  }
0x44: {  	_ =	shalt  }
0x45: {  	_ =	shalt  }
0x46: {  	_ =	shalt  }
0x47: {  	_ =	shalt  }
0x48: {  	_ =	shalt  }
0x49: {  	_ =	shalt  }
0x4a: {  	_ =	shalt  }
0x4b: {  	_ =	shalt  }
0x4c: {  	_ =	shalt  }
0x4d: {  	_ =	shalt  }
0x4e: {  	_ =	shalt  }
0x4f: {  	_ =	shalt  }
0x50: {  	_ =	shalt  }
0x51: {  	_ =	shalt  }
0x52: {  	_ =	shalt  }
0x53: {  	_ =	shalt  }
0x54: {  	_ =	shalt  }
0x55: {  	_ =	shalt  }
0x56: {  	_ =	shalt  }
0x57: {  	_ =	shalt  }
0x58: {  	_ =	shalt  }
0x59: {  	_ =	shalt  }
0x5a: {  	_ =	shalt  }
0x5b: {  	_ =	shalt  }
0x5c: {  	_ =	shalt  }
0x5d: {  	_ =	shalt  }
0x5e: {  	_ =	shalt  }
0x5f: {  	_ =	shalt  }
0x60: {  	_ =	shalt  }
0x61: {  	_ =	shalt  }
0x62: {  	_ =	shalt  }
0x63: {  	_ =	shalt  }
0x64: {  	_ =	shalt  }
0x65: {  	_ =	shalt  }
0x66: {  	_ =	shalt  }
0x67: {  	_ =	shalt  }
0x68: {  	_ =	shalt  }
0x69: {  	_ =	shalt  }
0x6a: {  	_ =	shalt  }
0x6b: {  	_ =	shalt  }
0x6c: {  	_ =	shalt  }
0x6d: {  	_ =	shalt  }
0x6e: {  	_ =	shalt  }
0x6f: {  	_ =	shalt  }
0x70: {  	_ =	shalt  }
0x71: {  	_ =	shalt  }
0x72: {  	_ =	shalt  }
0x73: {  	_ =	shalt  }
0x74: {  	_ =	shalt  }
0x75: {  	_ =	shalt  }
0x76: {  	_ =	shalt  }
0x77: {  	_ =	shalt  }
0x78: {  	_ =	shalt  }
0x79: {  	_ =	shalt  }
0x7a: {  	_ =	shalt  }
0x7b: {  	_ =	shalt  }
0x7c: {  	_ =	shalt  }
0x7d: {  	_ =	shalt  }
0x7e: {  	_ =	shalt  }
0x7f: {  	_ =	shalt  }
0x80: {  	_ =	shalt  }
0x81: {  	_ =	shalt  }
0x82: {  	_ =	shalt  }
0x83: {  	_ =	shalt  }
0x84: {  	_ =	shalt  }
0x85: {  	_ =	shalt  }
0x86: {  	_ =	shalt  }
0x87: {  	_ =	shalt  }
.Lfunc_end0:
.L_simem_size_0:
called_computation_lowered:
.L_overlay_start_0:
0x88: {  	s2 =	sld [smem:$0x3FD9]  }
0x89: {  	s3 =	sld [smem:$0x3FFE];
	_ =	sdelay $0x1  }
0x8a: {  	s1 =	srdreg.scid  }
0x8b: {  	s0 =	sand.u32 $0x1, s1  }
0x8c: {  	s17 =	sshll.u32 s0, $0xA;
	s2 =	sadd.s32 s3, s2  }
0x8d: {  	s2 =	sadd.s32 s2, s17  }
0x8e: {  	[smem:$0x3FBA] =	sst s2  }
0x8f: {  	_ = 	snop  }
0x90: {  	s2 =	sld [smem:$0x3FD0];
	(tm) =	ssettm $0x1  }
0x91: {  	s18 =	sld [smem:$0x3FFB];
	_ =	sdelay $0x3  }
0x92: {  	_ =	strace s18  }
0x93: {  	s3 =	sld [smem:$0x3FFC];
	_ =	sdelay $0x3  }
0x94: {  	_ =	strace s3  }
0x95: {  	s3 =	sld [smem:$0x3FFD];
	_ =	sdelay $0x3  }
0x96: {  	_ =	strace s3  }
0x97: {  	_ =	strace $0x8FFFFFFF  }
0x98: {  	s19 =	sld [smem:$0x3FDB];
	_ =	sdelay $0x1  }
0x99: {  	s4 =	simm.s32 $_scs_section_size  }
0x9a: {  	s5 =	simm.s32 $_size__tile_overlayer_lowered;
	s6 =	simm.s32 $_tile_overlayer_lowered  }
0x9b: {  	s22 =	simm.s32 $0x1BFF;
	s21 =	sshll.u32 s6, $0x1;
	s3 =	sadd.s32 s4, s19  }
0x9c: {  	s7 =	simm.s32 $0x0;
	s20 =	sshll.u32 s5, $0x1;
	s5 =	sadd.s32 s21, s3  }
0x9d: {  	[timem:s7], [sflag:s22] =	dma.local [hbm:s5], s20  }
0x9e: {  	_ =	swait.ge [sflag:s22], s20  }
0x9f: {  	s4 =	ssub.s32 $0x0, s20;
	[sflag:s22] =	ssyncset.done $0x0  }
0xa0: {  	[sflag:s22] =	ssyncadd.s32 s4;
	_ =	sdelay $0x1  }
0xa1: {  	s23 =	simm.s32 $0x1B8B  }
0xa2: {  	_ =	swait.ge [sflag:s23], $0x1  }
0xa3: {  	[sflag:s23] =	ssyncset.done $0x0  }
0xa4: {  	s25 =	simm.s32 $0x1B8E;
	s24 =	sld [smem:$0x3FFE];
	[sflag:s23] =	ssyncadd.s32 $0xFFFFFFFF  }
0xa5: {  	s26 =	simm.s32 $execute0_lowered;
	[smem:$0x3FD2] =	sst s25  }
0xa6: {  	s5 =	sshll.u32 s26, $0x1;
	_ =	strace $0x80000046;
	[dreg:$0x1] =	wrdreg $0xFFFFFFFF  }
0xa7: {  	s28 =	simm.s32 $_size_execute0_lowered;
	s3 =	sadd.s32 s3, s5;
	[dreg:$0x0] =	wrdreg $0x0  }
0xa8: {  	s5 =	sshll.u32 s28, $0x1;
	[dreg:$0x2] =	wrdreg s3  }
0xa9: {  	[dreg:$0x3] =	wrdreg s5  }
0xaa: {  	[dreg:$0x4] =	wrdreg $0xC0  }
0xab: {  	_ =	task [dreg:s7], $0x5FFFF  }
0xac: {  	[dreg:$0x1] =	wrdreg $0xFFFFFFFF  }
0xad: {  	[dreg:$0x0] =	wrdreg $0x60  }
0xae: {  	[dreg:$0x2] =	wrdreg s2  }
0xaf: {  	[dreg:$0x3] =	wrdreg s24  }
0xb0: {  	[dreg:$0x4] =	wrdreg $0x0  }
0xb1: {  	[dreg:$0x5] =	wrdreg $0x9  }
0xb2: {  	_ =	task.clear_ibuf [dreg:s7], $0x6FFFF;
	_ =	strace $0x90000046  }
0xb3: {  	s29 =	simm.s32 $0x9;
	_ =	strace $0x80000048  }
0xb4: {  	_ =	swait.ge [sflag:s29], $0x1  }
0xb5: {  	[sflag:s29] =	ssyncadd.s32 $0xFFFFFFFF  }
0xb6: {  	_ =	strace $0x90000048  }
0xb7: {  	_ =	sfence  }
0xb8: {  	s30 =	sld [smem:$0x0];
	_ =	sdelay $0x2  }
0xb9: {  	s31 =	sshll.u32 s1, $0xD;
	s1 =	sshrl.u32 s1, $0x2  }
0xba: {  	s3 =	sand.u32 $0x4000, s31;
	s1 =	sadd.s32 s1, s30  }
0xbb: {  	s0 =	sor.u32 s3, s0;
	s1 =	sshll.u32 s1, $0x11  }
0xbc: {  	s0 =	sor.u32 s1, s0  }
0xbd: {  	s0 =	sadd.s32 $0x8F2B, s0  }
0xbe: {  	[sflag:s0] =	ssyncadd.remote.s32 $0x1  }
0xbf: {  	_ =	sfence.sel $0xFFFF  }
0xc0: {  	[dreg:$0x0] =	wrdreg $0xFFFFFFFF;
	(pc) =	sbr.abs _section_cstart, $3  }
0xc1: {  	[dreg:$0x1] =	wrdreg $0xFFFFFFFF  }
0xc2: {  	_ =	task.clear_ibuf [dreg:s7], $0x2FFFF;
	_ =	strace $0x9FFFFFFF  }
0xc3: {  	(tm) =	ssettm $0x7FFFFFFF  }
tec
execute0_lowered:
.L_overlay_start_1:
0x0: {  	(tag) =	ssettag $0x1  }
0x1: {  	s5 =	rddreg [dreg:$0x0]  }
0x2: {  	s6 =	rddreg [dreg:$0x1]  }
0x3: {  	s1 =	rddreg [dreg:$0x2]  }
0x4: {  	s0 =	rddreg [dreg:$0x3];
	s2 =	simm.s32 $0x0  }
0x5: {  	s3 =	srdreg.scid;
	s16 =	simm.s32 $0x0;
	[smem:$0x7FF] =	sst s2  }
0x6: {  	s4 =	sadd.s32 $0x4000, s6;
	s7 =	sadd.s32 $0x3A00, s6;
	s8 =	sand.u32 $0x1, s3  }
0x7: {  	s9 =	sadd.s32 $0x3400, s6;
	s3 =	stileid.u32;
	s10 =	smul.u32 $0x28000, s8  }
0x8: {  	s11 =	sadd.s32 $0x4200, s6;
	s14 =	sadd.s32 $0x4800, s6;
	s13 =	smul.u32 $0x2800, s3  }
0x9: {  	_ =	strace $0x80000047;
	s12 =	ssub.s32 $0x2, s8;
	s15 =	smul.u32 $0x280, s3  }
0xa: {  	p0 =	seq.s32 s8, $0x0;
	s31 =	sshll.u32 s3, $0x6;
	s26 =	sshrl.u32 s12, $0x1  }
0xb: {  	s9 =	smov.u32 @p0 s7;
	s14 =	smov.u32 @p0 s11;
	s11 =	simm.s32 $0x2  }
0xc: {  	s6 =	ssub.s32 s12, s26;
	s28 =	sadd.s32 s13, s10;
	s29 =	sadd.s32 s15, s1  }
0xd: {  	s30 =	sshrl.u32 s15, $0x3;
	s12 =	simm.s32 $0x2A80;
	s13 =	simm.s32 $0x280  }
0xe: {  	s15 =	simm.s32 $0x1;
	s8 =	sshrl.u32 s28, $0x3;
	s6 =	smax.u32 s6, $0x1  }
0xf: {  	s7 =	sadd.s32 s9, s30;
	s9 =	sadd.s32 s14, s30;
	s10 =	sshrl.u32 s29, $0x3  }
0x10: {  	s14 =	simm.s32 $0x7D;
	s5 =	sadd.s32 s5, s8;
	s8 =	sor.u32 $0x1C02, s31  }
.LBB2_1:
0x11: {  	[spmem:s10], [sflag:s8] =	dma.local [hbm:s7], $0x50  }
0x12: {  	_ =	swait.ge [sflag:s11], $0x50  }
0x13: {  	[sflag:s11] =	ssyncset.done $0x0  }
0x14: {  	[sflag:s11] =	ssyncadd.s32 $0xFFFFFFB0  }
0x15: {  	[tilespmem:s12], [sflag:$0x2] =	stream.linear.gather [hbm4b:s4+s2], $0x400, $0x38;
	[tilespmem:$0x2E80] =	vst v63  }
0x16: {  	_ =	swait.ge [sflag:s11], $0x400  }
0x17: {  	[sflag:s11] =	ssyncset.done $0x0  }
0x18: {  	[sflag:s11] =	ssyncadd.s32 $0xFFFFFC00  }
0x19: {  	[tilespmem:s13], [sflag:$0x2] =	stream.linear.gather [hbm4b:s5+s2], $0x2800, $0x38;
	[tilespmem:$0x2E80] =	vst v63  }
0x1a: {  	_ =	swait.ge [sflag:s11], $0x2800  }
0x1b: {  	[sflag:s11] =	ssyncset.done $0x0  }
0x1c: {  	[sflag:s11] =	ssyncadd.s32 $0xFFFFD800  }
0x1d: {  	s17 =	simm.s32 $0x280;
	[bflag:$0x0] =	sbarrier.arrive $0xFFFF  }
0x1e: {  	[spmem:s1] =	stream.indirect.scatter.add.f32 [tilespmem:s12], [sflag:$0x1], $0x1, s17, s14, $0xb8;
	[tilespmem:$0x2E80] =	vst v63  }
0x1f: {  	s30 =	simm.s32 $0x300  }
0x20: {  	[spmem:s1] =	stream.indirect.scatter.add.f32 [tilespmem:s12], [sflag:$0x1], $0x1, s30, s14, $0xb8;
	[tilespmem:$0x2E80] =	vst v63  }
0x21: {  	s31 =	simm.s32 $0x380  }
0x22: {  	[spmem:s1] =	stream.indirect.scatter.add.f32 [tilespmem:s12], [sflag:$0x1], $0x1, s31, s14, $0xb8;
	[tilespmem:$0x2E80] =	vst v63  }
0x23: {  	s18 =	simm.s32 $0x400  }
0x24: {  	[spmem:s1] =	stream.indirect.scatter.add.f32 [tilespmem:s12], [sflag:$0x1], $0x1, s18, s14, $0xb8;
	[tilespmem:$0x2E80] =	vst v63  }
0x25: {  	s19 =	simm.s32 $0x480  }
0x26: {  	[spmem:s1] =	stream.indirect.scatter.add.f32 [tilespmem:s12], [sflag:$0x1], $0x1, s19, s14, $0xb8;
	[tilespmem:$0x2E80] =	vst v63  }
0x27: {  	s20 =	simm.s32 $0x500  }
0x28: {  	[spmem:s1] =	stream.indirect.scatter.add.f32 [tilespmem:s12], [sflag:$0x1], $0x1, s20, s14, $0xb8;
	[tilespmem:$0x2E80] =	vst v63  }
0x29: {  	s21 =	simm.s32 $0x580  }
0x2a: {  	[spmem:s1] =	stream.indirect.scatter.add.f32 [tilespmem:s12], [sflag:$0x1], $0x1, s21, s14, $0xb8;
	[tilespmem:$0x2E80] =	vst v63  }
0x2b: {  	s22 =	simm.s32 $0x600  }
0x2c: {  	[spmem:s1] =	stream.indirect.scatter.add.f32 [tilespmem:s12], [sflag:$0x1], $0x1, s22, s14, $0xb8;
	[tilespmem:$0x2E80] =	vst v63  }
0x2d: {  	s23 =	simm.s32 $0x680  }
0x2e: {  	[spmem:s1] =	stream.indirect.scatter.add.f32 [tilespmem:s12], [sflag:$0x1], $0x1, s23, s14, $0xb8;
	[tilespmem:$0x2E80] =	vst v63  }
0x2f: {  	s24 =	simm.s32 $0x700  }
0x30: {  	[spmem:s1] =	stream.indirect.scatter.add.f32 [tilespmem:s12], [sflag:$0x1], $0x1, s24, s14, $0xb8;
	[tilespmem:$0x2E80] =	vst v63  }
0x31: {  	s25 =	simm.s32 $0x780  }
0x32: {  	[spmem:s1] =	stream.indirect.scatter.add.f32 [tilespmem:s12], [sflag:$0x1], $0x1, s25, s14, $0xb8;
	[tilespmem:$0x2E80] =	vst v63  }
0x33: {  	s26 =	simm.s32 $0x800  }
0x34: {  	[spmem:s1] =	stream.indirect.scatter.add.f32 [tilespmem:s12], [sflag:$0x1], $0x1, s26, s14, $0xb8;
	[tilespmem:$0x2E80] =	vst v63  }
0x35: {  	s28 =	simm.s32 $0x880  }
0x36: {  	[spmem:s1] =	stream.indirect.scatter.add.f32 [tilespmem:s12], [sflag:$0x1], $0x1, s28, s14, $0xb8;
	[tilespmem:$0x2E80] =	vst v63  }
0x37: {  	s29 =	simm.s32 $0x900  }
0x38: {  	[spmem:s1] =	stream.indirect.scatter.add.f32 [tilespmem:s12], [sflag:$0x1], $0x1, s29, s14, $0xb8;
	[tilespmem:$0x2E80] =	vst v63  }
0x39: {  	s30 =	simm.s32 $0x980  }
0x3a: {  	[spmem:s1] =	stream.indirect.scatter.add.f32 [tilespmem:s12], [sflag:$0x1], $0x1, s30, s14, $0xb8;
	[tilespmem:$0x2E80] =	vst v63  }
0x3b: {  	s31 =	simm.s32 $0xA00  }
0x3c: {  	[spmem:s1] =	stream.indirect.scatter.add.f32 [tilespmem:s12], [sflag:$0x1], $0x1, s31, s14, $0xb8;
	[tilespmem:$0x2E80] =	vst v63  }
0x3d: {  	_ =	swait.ge [sflag:s15], $0x7D  }
0x3e: {  	[sflag:s15] =	ssyncset.done $0x0  }
0x3f: {  	[sflag:s15] =	ssyncadd.s32 $0xFFFFFF83  }
0x40: {  	_ =	swait.ge [sflag:s15], $0x7D  }
0x41: {  	[sflag:s15] =	ssyncset.done $0x0  }
0x42: {  	[sflag:s15] =	ssyncadd.s32 $0xFFFFFF83  }
0x43: {  	_ =	swait.ge [sflag:s15], $0x7D  }
0x44: {  	[sflag:s15] =	ssyncset.done $0x0  }
0x45: {  	[sflag:s15] =	ssyncadd.s32 $0xFFFFFF83  }
0x46: {  	_ =	swait.ge [sflag:s15], $0x7D  }
0x47: {  	[sflag:s15] =	ssyncset.done $0x0  }
0x48: {  	[sflag:s15] =	ssyncadd.s32 $0xFFFFFF83  }
0x49: {  	_ =	swait.ge [sflag:s15], $0x7D  }
0x4a: {  	[sflag:s15] =	ssyncset.done $0x0  }
0x4b: {  	[sflag:s15] =	ssyncadd.s32 $0xFFFFFF83  }
0x4c: {  	_ =	swait.ge [sflag:s15], $0x7D  }
0x4d: {  	[sflag:s15] =	ssyncset.done $0x0  }
0x4e: {  	[sflag:s15] =	ssyncadd.s32 $0xFFFFFF83  }
0x4f: {  	_ =	swait.ge [sflag:s15], $0x7D  }
0x50: {  	[sflag:s15] =	ssyncset.done $0x0  }
0x51: {  	[sflag:s15] =	ssyncadd.s32 $0xFFFFFF83  }
0x52: {  	_ =	swait.ge [sflag:s15], $0x7D  }
0x53: {  	[sflag:s15] =	ssyncset.done $0x0  }
0x54: {  	[sflag:s15] =	ssyncadd.s32 $0xFFFFFF83  }
0x55: {  	_ =	swait.ge [sflag:s15], $0x7D  }
0x56: {  	[sflag:s15] =	ssyncset.done $0x0  }
0x57: {  	[sflag:s15] =	ssyncadd.s32 $0xFFFFFF83  }
0x58: {  	_ =	swait.ge [sflag:s15], $0x7D  }
0x59: {  	[sflag:s15] =	ssyncset.done $0x0  }
0x5a: {  	[sflag:s15] =	ssyncadd.s32 $0xFFFFFF83  }
0x5b: {  	_ =	swait.ge [sflag:s15], $0x7D  }
0x5c: {  	[sflag:s15] =	ssyncset.done $0x0  }
0x5d: {  	[sflag:s15] =	ssyncadd.s32 $0xFFFFFF83  }
0x5e: {  	_ =	swait.ge [sflag:s15], $0x7D  }
0x5f: {  	[sflag:s15] =	ssyncset.done $0x0  }
0x60: {  	[sflag:s15] =	ssyncadd.s32 $0xFFFFFF83  }
0x61: {  	_ =	swait.ge [sflag:s15], $0x7D  }
0x62: {  	[sflag:s15] =	ssyncset.done $0x0  }
0x63: {  	[sflag:s15] =	ssyncadd.s32 $0xFFFFFF83  }
0x64: {  	_ =	swait.ge [sflag:s15], $0x7D  }
0x65: {  	[sflag:s15] =	ssyncset.done $0x0  }
0x66: {  	[sflag:s15] =	ssyncadd.s32 $0xFFFFFF83  }
0x67: {  	_ =	swait.ge [sflag:s15], $0x7D  }
0x68: {  	[sflag:s15] =	ssyncset.done $0x0  }
0x69: {  	[sflag:s15] =	ssyncadd.s32 $0xFFFFFF83  }
0x6a: {  	_ =	swait.ge [sflag:s15], $0x7D  }
0x6b: {  	s19 =	simm.s32 $0x800;
	s20 =	simm.s32 $0x4000;
	[sflag:s15] =	ssyncset.done $0x0  }
.LBB2_2:
0x6c: {  	s21 =	sadd.s32 $0x280, s19  }
0x6d: {  	[sflag:s15] =	ssyncadd.s32 $0xFFFFFF83;
	s18 =	smov.u32 s20;
	s17 =	sadd.s32 $0x2000, s20  }
0x6e: {  	[spmem:s1] =	stream.indirect.scatter.add.f32 [tilespmem:s12], [sflag:$0x1], $0x1, s21, s14, $0xb8;
	[tilespmem:$0x2E80] =	vst v63  }
0x6f: {  	p0 =	sne.s32 s20, $0x8000;
	s20 =	sadd.s32 $0x300, s19  }
0x70: {  	[spmem:s1] =	stream.indirect.scatter.add.f32 [tilespmem:s12], [sflag:$0x1], $0x1, s20, s14, $0xb8;
	[tilespmem:$0x2E80] =	vst v63  }
0x71: {  	s20 =	sadd.s32 $0x380, s19  }
0x72: {  	[spmem:s1] =	stream.indirect.scatter.add.f32 [tilespmem:s12], [sflag:$0x1], $0x1, s20, s14, $0xb8;
	[tilespmem:$0x2E80] =	vst v63  }
0x73: {  	s20 =	sadd.s32 $0x400, s19  }
0x74: {  	[spmem:s1] =	stream.indirect.scatter.add.f32 [tilespmem:s12], [sflag:$0x1], $0x1, s20, s14, $0xb8;
	[tilespmem:$0x2E80] =	vst v63  }
0x75: {  	s20 =	sadd.s32 $0x480, s19  }
0x76: {  	[spmem:s1] =	stream.indirect.scatter.add.f32 [tilespmem:s12], [sflag:$0x1], $0x1, s20, s14, $0xb8;
	[tilespmem:$0x2E80] =	vst v63  }
0x77: {  	s20 =	sadd.s32 $0x500, s19  }
0x78: {  	[spmem:s1] =	stream.indirect.scatter.add.f32 [tilespmem:s12], [sflag:$0x1], $0x1, s20, s14, $0xb8;
	[tilespmem:$0x2E80] =	vst v63  }
0x79: {  	s20 =	sadd.s32 $0x580, s19  }
0x7a: {  	[spmem:s1] =	stream.indirect.scatter.add.f32 [tilespmem:s12], [sflag:$0x1], $0x1, s20, s14, $0xb8;
	[tilespmem:$0x2E80] =	vst v63  }
0x7b: {  	s20 =	sadd.s32 $0x600, s19  }
0x7c: {  	[spmem:s1] =	stream.indirect.scatter.add.f32 [tilespmem:s12], [sflag:$0x1], $0x1, s20, s14, $0xb8;
	[tilespmem:$0x2E80] =	vst v63  }
0x7d: {  	s20 =	sadd.s32 $0x680, s19  }
0x7e: {  	[spmem:s1] =	stream.indirect.scatter.add.f32 [tilespmem:s12], [sflag:$0x1], $0x1, s20, s14, $0xb8;
	[tilespmem:$0x2E80] =	vst v63  }
0x7f: {  	s20 =	sadd.s32 $0x700, s19  }
0x80: {  	[spmem:s1] =	stream.indirect.scatter.add.f32 [tilespmem:s12], [sflag:$0x1], $0x1, s20, s14, $0xb8;
	[tilespmem:$0x2E80] =	vst v63  }
0x81: {  	s20 =	sadd.s32 $0x780, s19  }
0x82: {  	[spmem:s1] =	stream.indirect.scatter.add.f32 [tilespmem:s12], [sflag:$0x1], $0x1, s20, s14, $0xb8;
	[tilespmem:$0x2E80] =	vst v63  }
0x83: {  	s20 =	sadd.s32 $0x800, s19  }
0x84: {  	[spmem:s1] =	stream.indirect.scatter.add.f32 [tilespmem:s12], [sflag:$0x1], $0x1, s20, s14, $0xb8;
	[tilespmem:$0x2E80] =	vst v63  }
0x85: {  	s20 =	sadd.s32 $0x880, s19  }
0x86: {  	[spmem:s1] =	stream.indirect.scatter.add.f32 [tilespmem:s12], [sflag:$0x1], $0x1, s20, s14, $0xb8;
	[tilespmem:$0x2E80] =	vst v63  }
0x87: {  	s20 =	sadd.s32 $0x900, s19  }
0x88: {  	[spmem:s1] =	stream.indirect.scatter.add.f32 [tilespmem:s12], [sflag:$0x1], $0x1, s20, s14, $0xb8;
	[tilespmem:$0x2E80] =	vst v63  }
0x89: {  	s20 =	sadd.s32 $0x980, s19  }
0x8a: {  	[spmem:s1] =	stream.indirect.scatter.add.f32 [tilespmem:s12], [sflag:$0x1], $0x1, s20, s14, $0xb8;
	[tilespmem:$0x2E80] =	vst v63  }
0x8b: {  	s19 =	sadd.s32 $0xA00, s19  }
0x8c: {  	[spmem:s1] =	stream.indirect.scatter.add.f32 [tilespmem:s12], [sflag:$0x1], $0x1, s19, s14, $0xb8;
	[tilespmem:$0x2E80] =	vst v63  }
0x8d: {  	_ =	swait.ge [sflag:s15], $0x7D  }
0x8e: {  	[sflag:s15] =	ssyncset.done $0x0  }
0x8f: {  	[sflag:s15] =	ssyncadd.s32 $0xFFFFFF83  }
0x90: {  	_ =	swait.ge [sflag:s15], $0x7D  }
0x91: {  	[sflag:s15] =	ssyncset.done $0x0  }
0x92: {  	[sflag:s15] =	ssyncadd.s32 $0xFFFFFF83  }
0x93: {  	_ =	swait.ge [sflag:s15], $0x7D  }
0x94: {  	[sflag:s15] =	ssyncset.done $0x0  }
0x95: {  	[sflag:s15] =	ssyncadd.s32 $0xFFFFFF83  }
0x96: {  	_ =	swait.ge [sflag:s15], $0x7D  }
0x97: {  	[sflag:s15] =	ssyncset.done $0x0  }
0x98: {  	[sflag:s15] =	ssyncadd.s32 $0xFFFFFF83  }
0x99: {  	_ =	swait.ge [sflag:s15], $0x7D  }
0x9a: {  	[sflag:s15] =	ssyncset.done $0x0  }
0x9b: {  	[sflag:s15] =	ssyncadd.s32 $0xFFFFFF83  }
0x9c: {  	_ =	swait.ge [sflag:s15], $0x7D  }
0x9d: {  	[sflag:s15] =	ssyncset.done $0x0  }
0x9e: {  	[sflag:s15] =	ssyncadd.s32 $0xFFFFFF83  }
0x9f: {  	_ =	swait.ge [sflag:s15], $0x7D  }
0xa0: {  	[sflag:s15] =	ssyncset.done $0x0  }
0xa1: {  	[sflag:s15] =	ssyncadd.s32 $0xFFFFFF83  }
0xa2: {  	_ =	swait.ge [sflag:s15], $0x7D  }
0xa3: {  	[sflag:s15] =	ssyncset.done $0x0  }
0xa4: {  	[sflag:s15] =	ssyncadd.s32 $0xFFFFFF83  }
0xa5: {  	_ =	swait.ge [sflag:s15], $0x7D  }
0xa6: {  	[sflag:s15] =	ssyncset.done $0x0  }
0xa7: {  	[sflag:s15] =	ssyncadd.s32 $0xFFFFFF83  }
0xa8: {  	_ =	swait.ge [sflag:s15], $0x7D  }
0xa9: {  	[sflag:s15] =	ssyncset.done $0x0  }
0xaa: {  	[sflag:s15] =	ssyncadd.s32 $0xFFFFFF83  }
0xab: {  	_ =	swait.ge [sflag:s15], $0x7D  }
0xac: {  	[sflag:s15] =	ssyncset.done $0x0  }
0xad: {  	[sflag:s15] =	ssyncadd.s32 $0xFFFFFF83  }
0xae: {  	_ =	swait.ge [sflag:s15], $0x7D  }
0xaf: {  	[sflag:s15] =	ssyncset.done $0x0  }
0xb0: {  	[sflag:s15] =	ssyncadd.s32 $0xFFFFFF83  }
0xb1: {  	_ =	swait.ge [sflag:s15], $0x7D  }
0xb2: {  	[sflag:s15] =	ssyncset.done $0x0  }
0xb3: {  	[sflag:s15] =	ssyncadd.s32 $0xFFFFFF83  }
0xb4: {  	_ =	swait.ge [sflag:s15], $0x7D  }
0xb5: {  	[sflag:s15] =	ssyncset.done $0x0  }
0xb6: {  	[sflag:s15] =	ssyncadd.s32 $0xFFFFFF83  }
.Ltmp0:
0xb7: {  	_ =	swait.ge [sflag:s15], $0x7D;
	(pc) =	sbr.rel @p0 .LBB2_2-.Ltmp0, $4  }
0xb8: {  	[sflag:s15] =	ssyncset.done $0x0  }
0xb9: {  	[sflag:s15] =	ssyncadd.s32 $0xFFFFFF83  }
0xba: {  	_ =	swait.ge [sflag:s15], $0x7D  }
0xbb: {  	s20 =	smov.u32 s17;
	s19 =	sshra.s32 s18, $0x2;
	[sflag:s15] =	ssyncset.done $0x0  }
0xbc: {  	s17 =	sadd.s32 $0x280, s19;
	[sflag:s15] =	ssyncadd.s32 $0xFFFFFF83  }
0xbd: {  	[spmem:s1] =	stream.indirect.scatter.add.f32 [tilespmem:s12], [sflag:$0x1], $0x1, s17, s14, $0xb8;
	[tilespmem:$0x2E80] =	vst v63  }
0xbe: {  	s29 =	sadd.s32 $0x300, s19  }
0xbf: {  	[spmem:s1] =	stream.indirect.scatter.add.f32 [tilespmem:s12], [sflag:$0x1], $0x1, s29, s14, $0xb8;
	[tilespmem:$0x2E80] =	vst v63  }
0xc0: {  	s30 =	sadd.s32 $0x380, s19  }
0xc1: {  	[spmem:s1] =	stream.indirect.scatter.add.f32 [tilespmem:s12], [sflag:$0x1], $0x1, s30, s14, $0xb8;
	[tilespmem:$0x2E80] =	vst v63  }
0xc2: {  	s31 =	sadd.s32 $0x400, s19  }
0xc3: {  	[spmem:s1] =	stream.indirect.scatter.add.f32 [tilespmem:s12], [sflag:$0x1], $0x1, s31, s14, $0xb8;
	[tilespmem:$0x2E80] =	vst v63  }
0xc4: {  	s18 =	sadd.s32 $0x480, s19  }
0xc5: {  	[spmem:s1] =	stream.indirect.scatter.add.f32 [tilespmem:s12], [sflag:$0x1], $0x1, s18, s14, $0xb8;
	[tilespmem:$0x2E80] =	vst v63  }
0xc6: {  	s20 =	sadd.s32 $0x500, s19  }
0xc7: {  	[spmem:s1] =	stream.indirect.scatter.add.f32 [tilespmem:s12], [sflag:$0x1], $0x1, s20, s14, $0xb8;
	[tilespmem:$0x2E80] =	vst v63  }
0xc8: {  	s21 =	sadd.s32 $0x580, s19  }
0xc9: {  	[spmem:s1] =	stream.indirect.scatter.add.f32 [tilespmem:s12], [sflag:$0x1], $0x1, s21, s14, $0xb8;
	[tilespmem:$0x2E80] =	vst v63  }
0xca: {  	s22 =	sadd.s32 $0x600, s19  }
0xcb: {  	[spmem:s1] =	stream.indirect.scatter.add.f32 [tilespmem:s12], [sflag:$0x1], $0x1, s22, s14, $0xb8;
	[tilespmem:$0x2E80] =	vst v63  }
0xcc: {  	s23 =	sadd.s32 $0x680, s19  }
0xcd: {  	[spmem:s1] =	stream.indirect.scatter.add.f32 [tilespmem:s12], [sflag:$0x1], $0x1, s23, s14, $0xb8;
	[tilespmem:$0x2E80] =	vst v63  }
0xce: {  	s24 =	sadd.s32 $0x700, s19  }
0xcf: {  	[spmem:s1] =	stream.indirect.scatter.add.f32 [tilespmem:s12], [sflag:$0x1], $0x1, s24, s14, $0xb8;
	[tilespmem:$0x2E80] =	vst v63  }
0xd0: {  	s25 =	sadd.s32 $0x780, s19  }
0xd1: {  	[spmem:s1] =	stream.indirect.scatter.add.f32 [tilespmem:s12], [sflag:$0x1], $0x1, s25, s14, $0xb8;
	[tilespmem:$0x2E80] =	vst v63  }
0xd2: {  	s26 =	sadd.s32 $0x800, s19  }
0xd3: {  	[spmem:s1] =	stream.indirect.scatter.add.f32 [tilespmem:s12], [sflag:$0x1], $0x1, s26, s14, $0xb8;
	[tilespmem:$0x2E80] =	vst v63  }
0xd4: {  	s28 =	sadd.s32 $0x880, s19  }
0xd5: {  	[spmem:s1] =	stream.indirect.scatter.add.f32 [tilespmem:s12], [sflag:$0x1], $0x1, s28, s14, $0xb8;
	[tilespmem:$0x2E80] =	vst v63  }
0xd6: {  	s29 =	sadd.s32 $0x900, s19  }
0xd7: {  	[spmem:s1] =	stream.indirect.scatter.add.f32 [tilespmem:s12], [sflag:$0x1], $0x1, s29, s14, $0xb8;
	[tilespmem:$0x2E80] =	vst v63  }
0xd8: {  	s30 =	sadd.s32 $0x980, s19  }
0xd9: {  	[spmem:s1] =	stream.indirect.scatter.add.f32 [tilespmem:s12], [sflag:$0x1], $0x1, s30, s14, $0xb8;
	[tilespmem:$0x2E80] =	vst v63  }
0xda: {  	s31 =	sadd.s32 $0xA00, s19  }
0xdb: {  	[spmem:s1] =	stream.indirect.scatter.add.f32 [tilespmem:s12], [sflag:$0x1], $0x1, s31, s14, $0xb8;
	[tilespmem:$0x2E80] =	vst v63  }
0xdc: {  	_ =	swait.ge [sflag:s15], $0x7D  }
0xdd: {  	[sflag:s15] =	ssyncset.done $0x0  }
0xde: {  	[sflag:s15] =	ssyncadd.s32 $0xFFFFFF83  }
0xdf: {  	_ =	swait.ge [sflag:s15], $0x7D  }
0xe0: {  	[sflag:s15] =	ssyncset.done $0x0  }
0xe1: {  	[sflag:s15] =	ssyncadd.s32 $0xFFFFFF83  }
0xe2: {  	_ =	swait.ge [sflag:s15], $0x7D  }
0xe3: {  	[sflag:s15] =	ssyncset.done $0x0  }
0xe4: {  	[sflag:s15] =	ssyncadd.s32 $0xFFFFFF83  }
0xe5: {  	_ =	swait.ge [sflag:s15], $0x7D  }
0xe6: {  	[sflag:s15] =	ssyncset.done $0x0  }
0xe7: {  	[sflag:s15] =	ssyncadd.s32 $0xFFFFFF83  }
0xe8: {  	_ =	swait.ge [sflag:s15], $0x7D  }
0xe9: {  	[sflag:s15] =	ssyncset.done $0x0  }
0xea: {  	[sflag:s15] =	ssyncadd.s32 $0xFFFFFF83  }
0xeb: {  	_ =	swait.ge [sflag:s15], $0x7D  }
0xec: {  	[sflag:s15] =	ssyncset.done $0x0  }
0xed: {  	[sflag:s15] =	ssyncadd.s32 $0xFFFFFF83  }
0xee: {  	_ =	swait.ge [sflag:s15], $0x7D  }
0xef: {  	[sflag:s15] =	ssyncset.done $0x0  }
0xf0: {  	[sflag:s15] =	ssyncadd.s32 $0xFFFFFF83  }
0xf1: {  	_ =	swait.ge [sflag:s15], $0x7D  }
0xf2: {  	[sflag:s15] =	ssyncset.done $0x0  }
0xf3: {  	[sflag:s15] =	ssyncadd.s32 $0xFFFFFF83  }
0xf4: {  	_ =	swait.ge [sflag:s15], $0x7D  }
0xf5: {  	[sflag:s15] =	ssyncset.done $0x0  }
0xf6: {  	[sflag:s15] =	ssyncadd.s32 $0xFFFFFF83  }
0xf7: {  	_ =	swait.ge [sflag:s15], $0x7D  }
0xf8: {  	[sflag:s15] =	ssyncset.done $0x0  }
0xf9: {  	[sflag:s15] =	ssyncadd.s32 $0xFFFFFF83  }
0xfa: {  	_ =	swait.ge [sflag:s15], $0x7D  }
0xfb: {  	[sflag:s15] =	ssyncset.done $0x0  }
0xfc: {  	[sflag:s15] =	ssyncadd.s32 $0xFFFFFF83  }
0xfd: {  	_ =	swait.ge [sflag:s15], $0x7D  }
0xfe: {  	[sflag:s15] =	ssyncset.done $0x0  }
0xff: {  	[sflag:s15] =	ssyncadd.s32 $0xFFFFFF83  }
0x100: {  	_ =	swait.ge [sflag:s15], $0x7D  }
0x101: {  	[sflag:s15] =	ssyncset.done $0x0  }
0x102: {  	[sflag:s15] =	ssyncadd.s32 $0xFFFFFF83  }
0x103: {  	_ =	swait.ge [sflag:s15], $0x7D  }
0x104: {  	[sflag:s15] =	ssyncset.done $0x0  }
0x105: {  	[sflag:s15] =	ssyncadd.s32 $0xFFFFFF83  }
0x106: {  	_ =	swait.ge [sflag:s15], $0x7D  }
0x107: {  	[sflag:s15] =	ssyncset.done $0x0  }
0x108: {  	[sflag:s15] =	ssyncadd.s32 $0xFFFFFF83  }
0x109: {  	_ =	swait.ge [sflag:s15], $0x7D  }
0x10a: {  	s16 =	sadd.s32 $0x1, s16;
	[sflag:s15] =	ssyncset.done $0x0  }
0x10b: {  	p0 =	sne.s32 s16, s6;
	[sflag:s15] =	ssyncadd.s32 $0xFFFFFF83  }
.Ltmp1:
0x10c: {  	[bflag:$0x0] =	sbarrier.arrive $0xFFFF;
	(pc) =	sbr.rel @p0 .LBB2_1-.Ltmp1, $4  }
0x10d: {  	[hbm:s9], [sflag:s8] =	dma.local [spmem:s10], $0x50  }
0x10e: {  	_ =	swait.ge [sflag:s11], $0x50  }
0x10f: {  	[sflag:s11] =	ssyncset.done $0x0  }
0x110: {  	[sflag:s11] =	ssyncadd.s32 $0xFFFFFFB0  }
0x111: {  	_ =	sfence.sel $0x180000  }
0x112: {  	[bflag:$0x0] =	sbarrier.arrive $0xFFFF  }
0x113: {  	p0 =	sne.s32 s3, $0x0;
	_ =	strace $0x90000047  }
0x114: {  	s0 =	sadd.s32 @!p0 $0x100000, s0;
	[bflag:$0x2] =	sbarrier.arrive $0xFFFF  }
0x115: {  	[sflag:s0] =	ssyncadd.tile.s32 @!p0 $0x1;
	_ =	shalt  }
.Lfunc_end2:
_tile_overlayer_lowered:
.L_overlay_start_2:
0x116: {  	(tag) =	ssettag $0x2  }
0x117: {  	s0 =	rddreg [dreg:$0x0];
	s2 =	stileid.u32  }
0x118: {  	s1 =	rddreg [dreg:$0x1];
	p0 =	sne.s32 s2, $0x0  }
0x119: {  	s3 =	rddreg [dreg:$0x2];
	[bflag:$0x3] =	sbarrier.arrive $0xFFFF;
	s2 =	simm.s32 @!p0 $0x1C02  }
0x11a: {  	[timem:s3], [sflag:s2] =	dma.local @!p0 [hbm:s0], s1  }
0x11b: {  	s0 =	simm.s32 @!p0 $0x2  }
0x11c: {  	_ =	swait.ge @!p0 [sflag:s0], s1  }
0x11d: {  	s1 =	ssub.s32 @!p0 $0x0, s1;
	[sflag:s0] =	ssyncset.done @!p0 $0x0  }
0x11e: {  	[sflag:s0] =	ssyncadd.s32 @!p0 s1  }
0x11f: {  	[bflag:$0x3] =	sbarrier.arrive $0xFFFF  }
0x120: {  	_ =	shalt  }

// kernel: kernel.9.cloned.1.call-start
scs
__scs_entry_jumppad:
0x0: {  	(pc) =	sbr.rel $0x88, $3  }
0x1: {  	(tag) =	ssettag $0x0;
	lr =	simm.s32 $0x1  }
0x2: {  	[smem:$0x3F93] =	sst lr;
	_ =	strace $0xD0000000  }
0x3: {  	_ = 	snop  }
0x4: {  	_ = 	snop  }
0x5: {  	_ = 	snop  }
0x6: {  	_ = 	snop  }
0x7: {  	_ = 	snop  }
__scs_overlays_trampoline_lowered:
0x8: {  	[smem:$0x3FA2] =	sst s0  }
0x9: {  	[smem:$0x3FA3] =	sst s1  }
0xa: {  	[smem:$0x3FA4] =	sst s2  }
0xb: {  	[smem:$0x3FA5] =	sst s3  }
0xc: {  	[smem:$0x3FA6] =	sst s4  }
0xd: {  	[smem:$0x3FA7] =	sst s5  }
0xe: {  	[smem:$0x3FA8] =	sst s6  }
0xf: {  	[smem:$0x3FA9] =	sst s7  }
0x10: {  	[smem:$0x3FAA] =	sst s8  }
0x11: {  	[smem:$0x3FAB] =	sst s9;
	s0 =	simm.s32 @!p0 $0x0  }
0x12: {  	s1 =	sld [smem:$0x3F91];
	s0 =	simm.s32 @p0 $0x1  }
0x13: {  	[smem:$0x3FAC] =	sst s0;
	s0 =	simm.s32 @!p1 $0x0  }
0x14: {  	s2 =	sld [smem:$0x3F90];
	s0 =	simm.s32 @p1 $0x1  }
0x15: {  	[smem:$0x3FAD] =	sst s0;
	s0 =	simm.s32 @!p2 $0x0  }
0x16: {  	s3 =	sld [smem:$0x3FDB];
	s0 =	simm.s32 @p2 $0x1  }
0x17: {  	s4 =	simm.s32 $0x1BF5;
	[smem:$0x3FAF] =	sst s0  }
0x18: {  	s0 =	sld [smem:$0x3F92];
	_ =	swait.ge [sflag:s4], $0x0  }
0x19: {  	s7 =	sld [smem:$0x3F93]  }
0x1a: {  	s8 =	sadd.s32 $0xFFFFE003, lr  }
0x1b: {  	s9 =	sadd.s32 $0xFFFFFEF7, lr;
	s5 =	simm.s32 $0xFFFFFFFF;
	p2 =	slt.u32 s8, $0xFFFFF086  }
0x1c: {  	p1 =	slt.u32 s9, $0xF7A;
	s5 =	simm.s32 @!p2 $0x0  }
0x1d: {  	s5 =	simm.s32 @p1 $0x1;
	p0 =	seq.s32 s7, s2  }
0x1e: {  	s7 =	smul.u32 @!p0 $0xF7A, s2;
	p2 =	seq.s32 @!p0 s5, $0x0  }
0x1f: {  	s9 =	smul.u32 $0xF7A, s1;
	s8 =	simm.s32 @!p0 $0x1BF5;
	p2 =	por !p2, p0  }
0x20: {  	[sflag:s8] =	ssyncset.s32 @!p0 $0xFFFFF086;
	s6 =	sadd.s32 @!p0 s3, s7;
	s7 =	simm.s32 @!p0 $0x108  }
0x21: {  	s3 =	sadd.s32 s3, s9;
	s6 =	sadd.s32 @!p0 $0x88, s6;
	s7 =	simm.s32 @p2 $0x1082  }
0x22: {  	[simem:s7], [sflag:s8] =	dma.local @!p0 [hbm:s6], $0xF7A  }
0x23: {  	s9 =	sor.u32 $0xD0000000, s2;
	s6 =	simm.s32 $0x108;
	_ =	swait.ge @!p0 [sflag:s8], $0x0  }
0x24: {  	s3 =	sadd.s32 $0x88, s3;
	s6 =	simm.s32 @!p1 $0x1082;
	[sflag:s4] =	ssyncset.s32 $0xFFFFF086  }
0x25: {  	[simem:s6], [sflag:s4] =	dma.local [hbm:s3], $0xF7A  }
0x26: {  	[smem:$0x3F93] =	sst s1;
	(tag) =	ssettag s2;
	_ =	strace s9  }
0x27: {  	s1 =	sld [smem:$0x3FA3]  }
0x28: {  	s2 =	sld [smem:$0x3FA4]  }
0x29: {  	s4 =	sld [smem:$0x3FA6]  }
0x2a: {  	p0 =	seq.s32 s5, $0x0;
	s5 =	sld [smem:$0x3FA7]  }
0x2b: {  	s6 =	sld [smem:$0x3FA8]  }
0x2c: {  	s7 =	sld [smem:$0x3FA9]  }
0x2d: {  	s3 =	simm.s32 $0x108;
	s8 =	sld [smem:$0x3FAA]  }
0x2e: {  	s3 =	simm.s32 @!p0 $0x1082;
	s9 =	sld [smem:$0x3FAB]  }
0x2f: {  	lr =	sadd.s32 s0, s3;
	s0 =	sld [smem:$0x3FA2]  }
0x30: {  	s3 =	sld [smem:$0x3FA5]  }
0x31: {  	[smem:$0x3FAE] =	sst s10  }
0x32: {  	s10 =	sld [smem:$0x3FAC];
	_ =	sdelay $0x3  }
0x33: {  	p0 =	seq.s32 s10, $0x1;
	s10 =	sld [smem:$0x3FAE];
	_ =	sdelay $0x3  }
0x34: {  	[smem:$0x3FAE] =	sst s10  }
0x35: {  	s10 =	sld [smem:$0x3FAD];
	_ =	sdelay $0x3  }
0x36: {  	p1 =	seq.s32 s10, $0x1;
	s10 =	sld [smem:$0x3FAE];
	_ =	sdelay $0x3  }
0x37: {  	[smem:$0x3FAE] =	sst s10  }
0x38: {  	s10 =	sld [smem:$0x3FAF]  }
0x39: {  	_ = 	snop;
	(pc) =	sbr.ind lr, $3  }
0x3a: {  	_ = 	snop  }
0x3b: {  	_ = 	snop  }
0x3c: {  	p2 =	seq.s32 s10, $0x1;
	s10 =	sld [smem:$0x3FAE]  }
0x3d: {  	_ =	shalt  }
0x3e: {  	_ =	shalt  }
0x3f: {  	_ =	shalt  }
0x40: {  	_ =	shalt  }
0x41: {  	_ =	shalt  }
0x42: {  	_ =	shalt  }
0x43: {  	_ =	shalt  }
0x44: {  	_ =	shalt  }
0x45: {  	_ =	shalt  }
0x46: {  	_ =	shalt  }
0x47: {  	_ =	shalt  }
0x48: {  	_ =	shalt  }
0x49: {  	_ =	shalt  }
0x4a: {  	_ =	shalt  }
0x4b: {  	_ =	shalt  }
0x4c: {  	_ =	shalt  }
0x4d: {  	_ =	shalt  }
0x4e: {  	_ =	shalt  }
0x4f: {  	_ =	shalt  }
0x50: {  	_ =	shalt  }
0x51: {  	_ =	shalt  }
0x52: {  	_ =	shalt  }
0x53: {  	_ =	shalt  }
0x54: {  	_ =	shalt  }
0x55: {  	_ =	shalt  }
0x56: {  	_ =	shalt  }
0x57: {  	_ =	shalt  }
0x58: {  	_ =	shalt  }
0x59: {  	_ =	shalt  }
0x5a: {  	_ =	shalt  }
0x5b: {  	_ =	shalt  }
0x5c: {  	_ =	shalt  }
0x5d: {  	_ =	shalt  }
0x5e: {  	_ =	shalt  }
0x5f: {  	_ =	shalt  }
0x60: {  	_ =	shalt  }
0x61: {  	_ =	shalt  }
0x62: {  	_ =	shalt  }
0x63: {  	_ =	shalt  }
0x64: {  	_ =	shalt  }
0x65: {  	_ =	shalt  }
0x66: {  	_ =	shalt  }
0x67: {  	_ =	shalt  }
0x68: {  	_ =	shalt  }
0x69: {  	_ =	shalt  }
0x6a: {  	_ =	shalt  }
0x6b: {  	_ =	shalt  }
0x6c: {  	_ =	shalt  }
0x6d: {  	_ =	shalt  }
0x6e: {  	_ =	shalt  }
0x6f: {  	_ =	shalt  }
0x70: {  	_ =	shalt  }
0x71: {  	_ =	shalt  }
0x72: {  	_ =	shalt  }
0x73: {  	_ =	shalt  }
0x74: {  	_ =	shalt  }
0x75: {  	_ =	shalt  }
0x76: {  	_ =	shalt  }
0x77: {  	_ =	shalt  }
0x78: {  	_ =	shalt  }
0x79: {  	_ =	shalt  }
0x7a: {  	_ =	shalt  }
0x7b: {  	_ =	shalt  }
0x7c: {  	_ =	shalt  }
0x7d: {  	_ =	shalt  }
0x7e: {  	_ =	shalt  }
0x7f: {  	_ =	shalt  }
0x80: {  	_ =	shalt  }
0x81: {  	_ =	shalt  }
0x82: {  	_ =	shalt  }
0x83: {  	_ =	shalt  }
0x84: {  	_ =	shalt  }
0x85: {  	_ =	shalt  }
0x86: {  	_ =	shalt  }
0x87: {  	_ =	shalt  }
.Lfunc_end0:
.L_simem_size_0:
called_computation.1_lowered:
.L_overlay_start_0:
0x88: {  	s2 =	sld [smem:$0x3FD9]  }
0x89: {  	s3 =	sld [smem:$0x3FFE];
	_ =	sdelay $0x1  }
0x8a: {  	s1 =	srdreg.scid  }
0x8b: {  	s0 =	sand.u32 $0x1, s1  }
0x8c: {  	s17 =	sshll.u32 s0, $0xA;
	s2 =	sadd.s32 s3, s2  }
0x8d: {  	s2 =	sadd.s32 s2, s17  }
0x8e: {  	[smem:$0x3FBA] =	sst s2  }
0x8f: {  	_ = 	snop  }
0x90: {  	s2 =	sld [smem:$0x3FD0];
	(tm) =	ssettm $0x1  }
0x91: {  	s18 =	sld [smem:$0x3FFB];
	_ =	sdelay $0x3  }
0x92: {  	_ =	strace s18  }
0x93: {  	s3 =	sld [smem:$0x3FFC];
	_ =	sdelay $0x3  }
0x94: {  	_ =	strace s3  }
0x95: {  	s3 =	sld [smem:$0x3FFD];
	_ =	sdelay $0x3  }
0x96: {  	_ =	strace s3  }
0x97: {  	_ =	strace $0x8FFFFFFF  }
0x98: {  	s19 =	sld [smem:$0x3FDB];
	_ =	sdelay $0x1  }
0x99: {  	s4 =	simm.s32 $_scs_section_size  }
0x9a: {  	s5 =	simm.s32 $_size__tile_overlayer_lowered;
	s6 =	simm.s32 $_tile_overlayer_lowered  }
0x9b: {  	s22 =	simm.s32 $0x1BFF;
	s21 =	sshll.u32 s6, $0x1;
	s3 =	sadd.s32 s4, s19  }
0x9c: {  	s7 =	simm.s32 $0x0;
	s20 =	sshll.u32 s5, $0x1;
	s5 =	sadd.s32 s21, s3  }
0x9d: {  	[timem:s7], [sflag:s22] =	dma.local [hbm:s5], s20  }
0x9e: {  	_ =	swait.ge [sflag:s22], s20  }
0x9f: {  	s4 =	ssub.s32 $0x0, s20;
	[sflag:s22] =	ssyncset.done $0x0  }
0xa0: {  	[sflag:s22] =	ssyncadd.s32 s4;
	_ =	sdelay $0x1  }
0xa1: {  	s23 =	simm.s32 $0x1B8B  }
0xa2: {  	_ =	swait.ge [sflag:s23], $0x1  }
0xa3: {  	[sflag:s23] =	ssyncset.done $0x0  }
0xa4: {  	s25 =	simm.s32 $0x1B8E;
	s24 =	sld [smem:$0x3FFE];
	[sflag:s23] =	ssyncadd.s32 $0xFFFFFFFF  }
0xa5: {  	s26 =	simm.s32 $execute0_lowered;
	[smem:$0x3FD2] =	sst s25  }
0xa6: {  	s5 =	sshll.u32 s26, $0x1;
	_ =	strace $0x80000049;
	[dreg:$0x1] =	wrdreg $0xFFFFFFFF  }
0xa7: {  	s28 =	simm.s32 $_size_execute0_lowered;
	s3 =	sadd.s32 s3, s5;
	[dreg:$0x0] =	wrdreg $0x0  }
0xa8: {  	s5 =	sshll.u32 s28, $0x1;
	[dreg:$0x2] =	wrdreg s3  }
0xa9: {  	[dreg:$0x3] =	wrdreg s5  }
0xaa: {  	[dreg:$0x4] =	wrdreg $0xC0  }
0xab: {  	_ =	task [dreg:s7], $0x5FFFF  }
0xac: {  	[dreg:$0x1] =	wrdreg $0xFFFFFFFF  }
0xad: {  	[dreg:$0x0] =	wrdreg $0x60  }
0xae: {  	[dreg:$0x2] =	wrdreg s2  }
0xaf: {  	[dreg:$0x3] =	wrdreg s24  }
0xb0: {  	[dreg:$0x4] =	wrdreg $0x0  }
0xb1: {  	[dreg:$0x5] =	wrdreg $0x9  }
0xb2: {  	_ =	task.clear_ibuf [dreg:s7], $0x6FFFF;
	_ =	strace $0x90000049  }
0xb3: {  	s29 =	simm.s32 $0x9;
	_ =	strace $0x8000004B  }
0xb4: {  	_ =	swait.ge [sflag:s29], $0x1  }
0xb5: {  	[sflag:s29] =	ssyncadd.s32 $0xFFFFFFFF  }
0xb6: {  	_ =	strace $0x9000004B  }
0xb7: {  	_ =	sfence  }
0xb8: {  	s30 =	sld [smem:$0x0];
	_ =	sdelay $0x2  }
0xb9: {  	s31 =	sshll.u32 s1, $0xD;
	s1 =	sshrl.u32 s1, $0x2  }
0xba: {  	s3 =	sand.u32 $0x4000, s31;
	s1 =	sadd.s32 s1, s30  }
0xbb: {  	s0 =	sor.u32 s3, s0;
	s1 =	sshll.u32 s1, $0x11  }
0xbc: {  	s0 =	sor.u32 s1, s0  }
0xbd: {  	s0 =	sadd.s32 $0x8F2B, s0  }
0xbe: {  	[sflag:s0] =	ssyncadd.remote.s32 $0x1  }
0xbf: {  	_ =	sfence.sel $0xFFFF  }
0xc0: {  	[dreg:$0x0] =	wrdreg $0xFFFFFFFF;
	(pc) =	sbr.abs _section_cstart, $3  }
0xc1: {  	[dreg:$0x1] =	wrdreg $0xFFFFFFFF  }
0xc2: {  	_ =	task.clear_ibuf [dreg:s7], $0x2FFFF;
	_ =	strace $0x9FFFFFFF  }
0xc3: {  	(tm) =	ssettm $0x7FFFFFFF  }
tec
execute0_lowered:
.L_overlay_start_1:
0x0: {  	(tag) =	ssettag $0x1  }
0x1: {  	s1 =	rddreg [dreg:$0x0]  }
0x2: {  	s0 =	rddreg [dreg:$0x1]  }
0x3: {  	s2 =	rddreg [dreg:$0x2]  }
0x4: {  	s3 =	simm.s32 $0x0;
	s4 =	srdreg.scid;
	s28 =	simm.s32 $0x1  }
0x5: {  	s29 =	simm.s32 $0x3;
	s30 =	simm.s32 $0x2;
	s31 =	simm.s32 $0x4  }
0x6: {  	[smem:$0x7FF] =	sst s3;
	s3 =	stileid.u32;
	s6 =	sadd.s32 $0xEE00, s0  }
0x7: {  	s4 =	sand.u32 $0x1, s4;
	s8 =	sadd.s32 $0x4E00, s0;
	s23 =	sadd.s32 $0x3E600, s0  }
0x8: {  	s14 =	sadd.s32 $0x65800, s0;
	s16 =	sadd.s32 $0x8CA00, s0;
	s5 =	smul.u32 $0x2800, s3  }
0x9: {  	_ =	strace $0x8000004A;
	s7 =	sshll.u32 s4, $0x4;
	s9 =	smul.u32 $0x50000, s3  }
0xa: {  	s21 =	ssub.s32 $0x2, s4;
	[dreg:$0x5] =	wrdreg s23;
	p4 =	seq.s32 s4, $0x1  }
0xb: {  	p0 =	seq.s32 s3, $0xF;
	s23 =	simm.s32 $0x14C80;
	s7 =	sor.u32 s3, s7  }
0xc: {  	s10 =	sshrl.u32 s21, $0x1;
	p2 =	seq.s32 @p4 s3, $0xF;
	p5 =	seq.s32 @!p4 s3, $0xF  }
0xd: {  	s15 =	sadd.s32 s5, s0;
	s9 =	sshrl.u32 s9, $0x2;
	s11 =	smul.u32 $0x2800, s7  }
0xe: {  	s17 =	ssub.s32 s21, s10;
	s7 =	sadd.s32 $0x12C000, s2;
	s0 =	sshll.u32 @!p0 s3, $0x6  }
0xf: {  	s21 =	simm.s32 $0x13880;
	p1 =	por !p2, !p4;
	p2 =	por p2, !p4  }
0x10: {  	p3 =	por !p5, p4;
	p4 =	por p5, p4;
	s5 =	sadd.s32 s9, s2  }
0x11: {  	s22 =	sadd.s32 $0x18E00, s15;
	s13 =	sadd.s32 $0x40000, s15;
	s15 =	sadd.s32 $0x67200, s15  }
0x12: {  	s17 =	smax.u32 s17, $0x1;
	s18 =	sshrl.u32 @p0 s7, $0x3;
	s19 =	sor.u32 @!p0 $0x1C05, s0  }
0x13: {  	s0 =	simm.s32 $0x0;
	[dreg:$0x4] =	wrdreg s22;
	s24 =	sshrl.u32 s11, $0x3  }
0x14: {  	s20 =	sshrl.u32 @!p0 s5, $0x3;
	s22 =	simm.s32 $0x5;
	s25 =	sadd.s32 s6, s24  }
0x15: {  	s26 =	sadd.s32 s8, s24;
	s9 =	sadd.s32 $0x280, s24;
	[dreg:$0x6] =	wrdreg s25  }
0x16: {  	s24 =	simm.s32 $0x7D;
	[dreg:$0x7] =	wrdreg s26;
	s11 =	sadd.s32 s6, s9  }
0x17: {  	s12 =	sadd.s32 s8, s9;
	s25 =	simm.s32 $0x16080;
	s26 =	simm.s32 $0x1A080  }
.LBB2_1:
0x18: {  	s4 =	simm.s32 @p0 $0x1FC5;
	s6 =	rddreg [dreg:$0x5]  }
0x19: {  	[spmem:s18], [sflag:s4] =	dma.local @p0 [hbm:s6], $0x1900  }
0x1a: {  	s4 =	simm.s32 @p0 $0x5  }
0x1b: {  	_ =	swait.ge @p0 [sflag:s4], $0x1900  }
0x1c: {  	[sflag:s4] =	ssyncset.done @p0 $0x0  }
0x1d: {  	[sflag:s4] =	ssyncadd.s32 @p0 $0xFFFFE700;
	s4 =	rddreg [dreg:$0x4]  }
0x1e: {  	[spmem:s20], [sflag:s19] =	dma.local @!p0 [hbm:s4], $0x2800  }
0x1f: {  	s4 =	simm.s32 @!p0 $0x5  }
0x20: {  	_ =	swait.ge @!p0 [sflag:s4], $0x2800  }
0x21: {  	[sflag:s4] =	ssyncset.done @!p0 $0x0  }
0x22: {  	[sflag:s4] =	ssyncadd.s32 @!p0 $0xFFFFD800  }
0x23: {  	[bflag:$0x0] =	sbarrier.arrive $0xFFFF  }
0x24: {  	s8 =	simm.s32 $0x0;
	s9 =	rddreg [dreg:$0x6]  }
0x25: {  	[tilespmem:s21], [sflag:$0x5] =	stream.linear.gather [hbm4b:s9+s8], $0x1400, $0x38;
	[tilespmem:$0x1E080] =	vst v63  }
0x26: {  	_ =	swait.ge [sflag:s22], $0x1400  }
0x27: {  	[sflag:s22] =	ssyncset.done $0x0  }
0x28: {  	s10 =	rddreg [dreg:$0x7];
	[sflag:s22] =	ssyncadd.s32 $0xFFFFEC00  }
0x29: {  	[tilespmem:s23], [sflag:$0x5] =	stream.linear.gather [hbm4b:s10+s8], $0x1400, $0x38;
	[tilespmem:$0x1E080] =	vst v63  }
0x2a: {  	_ =	swait.ge [sflag:s22], $0x1400  }
0x2b: {  	[sflag:s22] =	ssyncset.done $0x0  }
0x2c: {  	s6 =	simm.s32 $0x13880;
	[sflag:s22] =	ssyncadd.s32 $0xFFFFEC00  }
0x2d: {  	[tilespmem:s25], [sflag:$0x1] =	stream.indirect.gather [hbm4b:s1+s24], $0x80, s6, s24, $0xb8;
	[tilespmem:$0x1E080] =	vst v63  }
0x2e: {  	s8 =	simm.s32 $0x13900  }
0x2f: {  	[tilespmem:s26], [sflag:$0x2] =	stream.indirect.gather [hbm4b:s1+s24], $0x80, s8, s24, $0xb8;
	[tilespmem:$0x1E080] =	vst v63  }
0x30: {  	_ =	swait.ge [sflag:s28], $0x3E80  }
0x31: {  	[sflag:s28] =	ssyncset.done $0x0  }
0x32: {  	s9 =	simm.s32 $0x14C80;
	[sflag:s28] =	ssyncadd.s32 $0xFFFFC180  }
0x33: {  	[spmem:s2] =	stream.indirect.scatter.add.f32 [tilespmem:s25], [sflag:$0x3], $0x80, s9, s24, $0xb8;
	[tilespmem:$0x1E080] =	vst v63  }
0x34: {  	_ =	swait.ge [sflag:s29], $0x3E80  }
0x35: {  	[sflag:s29] =	ssyncset.done $0x0  }
0x36: {  	s10 =	simm.s32 $0x13980;
	[sflag:s29] =	ssyncadd.s32 $0xFFFFC180  }
0x37: {  	[tilespmem:s25], [sflag:$0x1] =	stream.indirect.gather [hbm4b:s1+s24], $0x80, s10, s24, $0xb8;
	[tilespmem:$0x1E080] =	vst v63  }
0x38: {  	_ =	swait.ge [sflag:s30], $0x3E80  }
0x39: {  	[sflag:s30] =	ssyncset.done $0x0  }
0x3a: {  	s6 =	simm.s32 $0x14D00;
	[sflag:s30] =	ssyncadd.s32 $0xFFFFC180  }
0x3b: {  	[spmem:s2] =	stream.indirect.scatter.add.f32 [tilespmem:s26], [sflag:$0x4], $0x80, s6, s24, $0xb8;
	[tilespmem:$0x1E080] =	vst v63  }
0x3c: {  	_ =	swait.ge [sflag:s31], $0x3E80  }
0x3d: {  	[sflag:s31] =	ssyncset.done $0x0  }
0x3e: {  	s8 =	simm.s32 $0x13A00;
	[sflag:s31] =	ssyncadd.s32 $0xFFFFC180  }
0x3f: {  	[tilespmem:s26], [sflag:$0x2] =	stream.indirect.gather [hbm4b:s1+s24], $0x80, s8, s24, $0xb8;
	[tilespmem:$0x1E080] =	vst v63  }
0x40: {  	_ =	swait.ge [sflag:s28], $0x3E80  }
0x41: {  	[sflag:s28] =	ssyncset.done $0x0  }
0x42: {  	s9 =	simm.s32 $0x14D80;
	[sflag:s28] =	ssyncadd.s32 $0xFFFFC180  }
0x43: {  	[spmem:s2] =	stream.indirect.scatter.add.f32 [tilespmem:s25], [sflag:$0x3], $0x80, s9, s24, $0xb8;
	[tilespmem:$0x1E080] =	vst v63  }
0x44: {  	_ =	swait.ge [sflag:s29], $0x3E80  }
0x45: {  	[sflag:s29] =	ssyncset.done $0x0  }
0x46: {  	s10 =	simm.s32 $0x13A80;
	[sflag:s29] =	ssyncadd.s32 $0xFFFFC180  }
0x47: {  	[tilespmem:s25], [sflag:$0x1] =	stream.indirect.gather [hbm4b:s1+s24], $0x80, s10, s24, $0xb8;
	[tilespmem:$0x1E080] =	vst v63  }
0x48: {  	_ =	swait.ge [sflag:s30], $0x3E80  }
0x49: {  	[sflag:s30] =	ssyncset.done $0x0  }
0x4a: {  	s6 =	simm.s32 $0x14E00;
	[sflag:s30] =	ssyncadd.s32 $0xFFFFC180  }
0x4b: {  	[spmem:s2] =	stream.indirect.scatter.add.f32 [tilespmem:s26], [sflag:$0x4], $0x80, s6, s24, $0xb8;
	[tilespmem:$0x1E080] =	vst v63  }
0x4c: {  	_ =	swait.ge [sflag:s31], $0x3E80  }
0x4d: {  	[sflag:s31] =	ssyncset.done $0x0  }
0x4e: {  	s8 =	simm.s32 $0x13B00;
	[sflag:s31] =	ssyncadd.s32 $0xFFFFC180  }
0x4f: {  	[tilespmem:s26], [sflag:$0x2] =	stream.indirect.gather [hbm4b:s1+s24], $0x80, s8, s24, $0xb8;
	[tilespmem:$0x1E080] =	vst v63  }
0x50: {  	_ =	swait.ge [sflag:s28], $0x3E80  }
0x51: {  	[sflag:s28] =	ssyncset.done $0x0  }
0x52: {  	s9 =	simm.s32 $0x14E80;
	[sflag:s28] =	ssyncadd.s32 $0xFFFFC180  }
0x53: {  	[spmem:s2] =	stream.indirect.scatter.add.f32 [tilespmem:s25], [sflag:$0x3], $0x80, s9, s24, $0xb8;
	[tilespmem:$0x1E080] =	vst v63  }
0x54: {  	_ =	swait.ge [sflag:s29], $0x3E80  }
0x55: {  	[sflag:s29] =	ssyncset.done $0x0  }
0x56: {  	s10 =	simm.s32 $0x13B80;
	[sflag:s29] =	ssyncadd.s32 $0xFFFFC180  }
0x57: {  	[tilespmem:s25], [sflag:$0x1] =	stream.indirect.gather [hbm4b:s1+s24], $0x80, s10, s24, $0xb8;
	[tilespmem:$0x1E080] =	vst v63  }
0x58: {  	_ =	swait.ge [sflag:s30], $0x3E80  }
0x59: {  	[sflag:s30] =	ssyncset.done $0x0  }
0x5a: {  	s6 =	simm.s32 $0x14F00;
	[sflag:s30] =	ssyncadd.s32 $0xFFFFC180  }
0x5b: {  	[spmem:s2] =	stream.indirect.scatter.add.f32 [tilespmem:s26], [sflag:$0x4], $0x80, s6, s24, $0xb8;
	[tilespmem:$0x1E080] =	vst v63  }
0x5c: {  	_ =	swait.ge [sflag:s31], $0x3E80  }
0x5d: {  	[sflag:s31] =	ssyncset.done $0x0  }
0x5e: {  	s8 =	simm.s32 $0x13C00;
	[sflag:s31] =	ssyncadd.s32 $0xFFFFC180  }
0x5f: {  	[tilespmem:s26], [sflag:$0x2] =	stream.indirect.gather [hbm4b:s1+s24], $0x80, s8, s24, $0xb8;
	[tilespmem:$0x1E080] =	vst v63  }
0x60: {  	_ =	swait.ge [sflag:s28], $0x3E80  }
0x61: {  	[sflag:s28] =	ssyncset.done $0x0  }
0x62: {  	s9 =	simm.s32 $0x14F80;
	[sflag:s28] =	ssyncadd.s32 $0xFFFFC180  }
0x63: {  	[spmem:s2] =	stream.indirect.scatter.add.f32 [tilespmem:s25], [sflag:$0x3], $0x80, s9, s24, $0xb8;
	[tilespmem:$0x1E080] =	vst v63  }
0x64: {  	_ =	swait.ge [sflag:s29], $0x3E80  }
0x65: {  	[sflag:s29] =	ssyncset.done $0x0  }
0x66: {  	s10 =	simm.s32 $0x13C80;
	[sflag:s29] =	ssyncadd.s32 $0xFFFFC180  }
0x67: {  	[tilespmem:s25], [sflag:$0x1] =	stream.indirect.gather [hbm4b:s1+s24], $0x80, s10, s24, $0xb8;
	[tilespmem:$0x1E080] =	vst v63  }
0x68: {  	_ =	swait.ge [sflag:s30], $0x3E80  }
0x69: {  	[sflag:s30] =	ssyncset.done $0x0  }
0x6a: {  	s6 =	simm.s32 $0x15000;
	[sflag:s30] =	ssyncadd.s32 $0xFFFFC180  }
0x6b: {  	[spmem:s2] =	stream.indirect.scatter.add.f32 [tilespmem:s26], [sflag:$0x4], $0x80, s6, s24, $0xb8;
	[tilespmem:$0x1E080] =	vst v63  }
0x6c: {  	_ =	swait.ge [sflag:s31], $0x3E80  }
0x6d: {  	[sflag:s31] =	ssyncset.done $0x0  }
0x6e: {  	s8 =	simm.s32 $0x13D00;
	[sflag:s31] =	ssyncadd.s32 $0xFFFFC180  }
0x6f: {  	[tilespmem:s26], [sflag:$0x2] =	stream.indirect.gather [hbm4b:s1+s24], $0x80, s8, s24, $0xb8;
	[tilespmem:$0x1E080] =	vst v63  }
0x70: {  	_ =	swait.ge [sflag:s28], $0x3E80  }
0x71: {  	[sflag:s28] =	ssyncset.done $0x0  }
0x72: {  	s9 =	simm.s32 $0x15080;
	[sflag:s28] =	ssyncadd.s32 $0xFFFFC180  }
0x73: {  	[spmem:s2] =	stream.indirect.scatter.add.f32 [tilespmem:s25], [sflag:$0x3], $0x80, s9, s24, $0xb8;
	[tilespmem:$0x1E080] =	vst v63  }
0x74: {  	_ =	swait.ge [sflag:s30], $0x3E80  }
0x75: {  	[sflag:s30] =	ssyncset.done $0x0  }
0x76: {  	s10 =	simm.s32 $0x15100;
	[sflag:s30] =	ssyncadd.s32 $0xFFFFC180  }
0x77: {  	[spmem:s2] =	stream.indirect.scatter.add.f32 [tilespmem:s26], [sflag:$0x4], $0x80, s10, s24, $0xb8;
	[tilespmem:$0x1E080] =	vst v63  }
0x78: {  	_ =	swait.ge [sflag:s29], $0x3E80  }
0x79: {  	[sflag:s29] =	ssyncset.done $0x0  }
0x7a: {  	[sflag:s29] =	ssyncadd.s32 $0xFFFFC180  }
0x7b: {  	_ =	swait.ge [sflag:s31], $0x3E80  }
0x7c: {  	s4 =	simm.s32 $0x500;
	s6 =	simm.s32 $0x2800;
	[sflag:s31] =	ssyncset.done $0x0  }
.LBB2_2:
0x7d: {  	s10 =	sadd.s32 $0x13880, s4  }
0x7e: {  	[sflag:s31] =	ssyncadd.s32 $0xFFFFC180;
	s8 =	smov.u32 s6;
	s9 =	sadd.s32 $0x1400, s6  }
0x7f: {  	[tilespmem:s25], [sflag:$0x1] =	stream.indirect.gather [hbm4b:s1+s24], $0x80, s10, s24, $0xb8;
	[tilespmem:$0x1E080] =	vst v63  }
0x80: {  	p5 =	sne.s32 s6, $0x3C00;
	s6 =	sadd.s32 $0x13900, s4  }
0x81: {  	[tilespmem:s26], [sflag:$0x2] =	stream.indirect.gather [hbm4b:s1+s24], $0x80, s6, s24, $0xb8;
	[tilespmem:$0x1E080] =	vst v63  }
0x82: {  	_ =	swait.ge [sflag:s28], $0x3E80  }
0x83: {  	[sflag:s28] =	ssyncset.done $0x0  }
0x84: {  	s6 =	sadd.s32 $0x14C80, s4;
	[sflag:s28] =	ssyncadd.s32 $0xFFFFC180  }
0x85: {  	[spmem:s2] =	stream.indirect.scatter.add.f32 [tilespmem:s25], [sflag:$0x3], $0x80, s6, s24, $0xb8;
	[tilespmem:$0x1E080] =	vst v63  }
0x86: {  	_ =	swait.ge [sflag:s29], $0x3E80  }
0x87: {  	[sflag:s29] =	ssyncset.done $0x0  }
0x88: {  	s6 =	sadd.s32 $0x13980, s4;
	[sflag:s29] =	ssyncadd.s32 $0xFFFFC180  }
0x89: {  	[tilespmem:s25], [sflag:$0x1] =	stream.indirect.gather [hbm4b:s1+s24], $0x80, s6, s24, $0xb8;
	[tilespmem:$0x1E080] =	vst v63  }
0x8a: {  	_ =	swait.ge [sflag:s30], $0x3E80  }
0x8b: {  	[sflag:s30] =	ssyncset.done $0x0  }
0x8c: {  	s6 =	sadd.s32 $0x14D00, s4;
	[sflag:s30] =	ssyncadd.s32 $0xFFFFC180  }
0x8d: {  	[spmem:s2] =	stream.indirect.scatter.add.f32 [tilespmem:s26], [sflag:$0x4], $0x80, s6, s24, $0xb8;
	[tilespmem:$0x1E080] =	vst v63  }
0x8e: {  	_ =	swait.ge [sflag:s31], $0x3E80  }
0x8f: {  	[sflag:s31] =	ssyncset.done $0x0  }
0x90: {  	s6 =	sadd.s32 $0x13A00, s4;
	[sflag:s31] =	ssyncadd.s32 $0xFFFFC180  }
0x91: {  	[tilespmem:s26], [sflag:$0x2] =	stream.indirect.gather [hbm4b:s1+s24], $0x80, s6, s24, $0xb8;
	[tilespmem:$0x1E080] =	vst v63  }
0x92: {  	_ =	swait.ge [sflag:s28], $0x3E80  }
0x93: {  	[sflag:s28] =	ssyncset.done $0x0  }
0x94: {  	s6 =	sadd.s32 $0x14D80, s4;
	[sflag:s28] =	ssyncadd.s32 $0xFFFFC180  }
0x95: {  	[spmem:s2] =	stream.indirect.scatter.add.f32 [tilespmem:s25], [sflag:$0x3], $0x80, s6, s24, $0xb8;
	[tilespmem:$0x1E080] =	vst v63  }
0x96: {  	_ =	swait.ge [sflag:s29], $0x3E80  }
0x97: {  	[sflag:s29] =	ssyncset.done $0x0  }
0x98: {  	s6 =	sadd.s32 $0x13A80, s4;
	[sflag:s29] =	ssyncadd.s32 $0xFFFFC180  }
0x99: {  	[tilespmem:s25], [sflag:$0x1] =	stream.indirect.gather [hbm4b:s1+s24], $0x80, s6, s24, $0xb8;
	[tilespmem:$0x1E080] =	vst v63  }
0x9a: {  	_ =	swait.ge [sflag:s30], $0x3E80  }
0x9b: {  	[sflag:s30] =	ssyncset.done $0x0  }
0x9c: {  	s6 =	sadd.s32 $0x14E00, s4;
	[sflag:s30] =	ssyncadd.s32 $0xFFFFC180  }
0x9d: {  	[spmem:s2] =	stream.indirect.scatter.add.f32 [tilespmem:s26], [sflag:$0x4], $0x80, s6, s24, $0xb8;
	[tilespmem:$0x1E080] =	vst v63  }
0x9e: {  	_ =	swait.ge [sflag:s31], $0x3E80  }
0x9f: {  	[sflag:s31] =	ssyncset.done $0x0  }
0xa0: {  	s6 =	sadd.s32 $0x13B00, s4;
	[sflag:s31] =	ssyncadd.s32 $0xFFFFC180  }
0xa1: {  	[tilespmem:s26], [sflag:$0x2] =	stream.indirect.gather [hbm4b:s1+s24], $0x80, s6, s24, $0xb8;
	[tilespmem:$0x1E080] =	vst v63  }
0xa2: {  	_ =	swait.ge [sflag:s28], $0x3E80  }
0xa3: {  	[sflag:s28] =	ssyncset.done $0x0  }
0xa4: {  	s6 =	sadd.s32 $0x14E80, s4;
	[sflag:s28] =	ssyncadd.s32 $0xFFFFC180  }
0xa5: {  	[spmem:s2] =	stream.indirect.scatter.add.f32 [tilespmem:s25], [sflag:$0x3], $0x80, s6, s24, $0xb8;
	[tilespmem:$0x1E080] =	vst v63  }
0xa6: {  	_ =	swait.ge [sflag:s29], $0x3E80  }
0xa7: {  	[sflag:s29] =	ssyncset.done $0x0  }
0xa8: {  	s6 =	sadd.s32 $0x13B80, s4;
	[sflag:s29] =	ssyncadd.s32 $0xFFFFC180  }
0xa9: {  	[tilespmem:s25], [sflag:$0x1] =	stream.indirect.gather [hbm4b:s1+s24], $0x80, s6, s24, $0xb8;
	[tilespmem:$0x1E080] =	vst v63  }
0xaa: {  	_ =	swait.ge [sflag:s30], $0x3E80  }
0xab: {  	[sflag:s30] =	ssyncset.done $0x0  }
0xac: {  	s6 =	sadd.s32 $0x14F00, s4;
	[sflag:s30] =	ssyncadd.s32 $0xFFFFC180  }
0xad: {  	[spmem:s2] =	stream.indirect.scatter.add.f32 [tilespmem:s26], [sflag:$0x4], $0x80, s6, s24, $0xb8;
	[tilespmem:$0x1E080] =	vst v63  }
0xae: {  	_ =	swait.ge [sflag:s31], $0x3E80  }
0xaf: {  	[sflag:s31] =	ssyncset.done $0x0  }
0xb0: {  	s6 =	sadd.s32 $0x13C00, s4;
	[sflag:s31] =	ssyncadd.s32 $0xFFFFC180  }
0xb1: {  	[tilespmem:s26], [sflag:$0x2] =	stream.indirect.gather [hbm4b:s1+s24], $0x80, s6, s24, $0xb8;
	[tilespmem:$0x1E080] =	vst v63  }
0xb2: {  	_ =	swait.ge [sflag:s28], $0x3E80  }
0xb3: {  	[sflag:s28] =	ssyncset.done $0x0  }
0xb4: {  	s6 =	sadd.s32 $0x14F80, s4;
	[sflag:s28] =	ssyncadd.s32 $0xFFFFC180  }
0xb5: {  	[spmem:s2] =	stream.indirect.scatter.add.f32 [tilespmem:s25], [sflag:$0x3], $0x80, s6, s24, $0xb8;
	[tilespmem:$0x1E080] =	vst v63  }
0xb6: {  	_ =	swait.ge [sflag:s29], $0x3E80  }
0xb7: {  	[sflag:s29] =	ssyncset.done $0x0  }
0xb8: {  	s6 =	sadd.s32 $0x13C80, s4;
	[sflag:s29] =	ssyncadd.s32 $0xFFFFC180  }
0xb9: {  	[tilespmem:s25], [sflag:$0x1] =	stream.indirect.gather [hbm4b:s1+s24], $0x80, s6, s24, $0xb8;
	[tilespmem:$0x1E080] =	vst v63  }
0xba: {  	_ =	swait.ge [sflag:s30], $0x3E80  }
0xbb: {  	[sflag:s30] =	ssyncset.done $0x0  }
0xbc: {  	s6 =	sadd.s32 $0x15000, s4;
	[sflag:s30] =	ssyncadd.s32 $0xFFFFC180  }
0xbd: {  	[spmem:s2] =	stream.indirect.scatter.add.f32 [tilespmem:s26], [sflag:$0x4], $0x80, s6, s24, $0xb8;
	[tilespmem:$0x1E080] =	vst v63  }
0xbe: {  	_ =	swait.ge [sflag:s31], $0x3E80  }
0xbf: {  	[sflag:s31] =	ssyncset.done $0x0  }
0xc0: {  	s6 =	sadd.s32 $0x13D00, s4;
	[sflag:s31] =	ssyncadd.s32 $0xFFFFC180  }
0xc1: {  	[tilespmem:s26], [sflag:$0x2] =	stream.indirect.gather [hbm4b:s1+s24], $0x80, s6, s24, $0xb8;
	[tilespmem:$0x1E080] =	vst v63  }
0xc2: {  	_ =	swait.ge [sflag:s28], $0x3E80  }
0xc3: {  	[sflag:s28] =	ssyncset.done $0x0  }
0xc4: {  	s6 =	sadd.s32 $0x15080, s4;
	[sflag:s28] =	ssyncadd.s32 $0xFFFFC180  }
0xc5: {  	[spmem:s2] =	stream.indirect.scatter.add.f32 [tilespmem:s25], [sflag:$0x3], $0x80, s6, s24, $0xb8;
	[tilespmem:$0x1E080] =	vst v63  }
0xc6: {  	_ =	swait.ge [sflag:s30], $0x3E80  }
0xc7: {  	[sflag:s30] =	ssyncset.done $0x0  }
0xc8: {  	s4 =	sadd.s32 $0x15100, s4;
	[sflag:s30] =	ssyncadd.s32 $0xFFFFC180  }
0xc9: {  	[spmem:s2] =	stream.indirect.scatter.add.f32 [tilespmem:s26], [sflag:$0x4], $0x80, s4, s24, $0xb8;
	[tilespmem:$0x1E080] =	vst v63  }
.Ltmp0:
0xca: {  	_ =	swait.ge [sflag:s29], $0x3E80;
	(pc) =	sbr.rel @p5 .LBB2_2-.Ltmp0, $4  }
0xcb: {  	[sflag:s29] =	ssyncset.done $0x0  }
0xcc: {  	[sflag:s29] =	ssyncadd.s32 $0xFFFFC180  }
0xcd: {  	_ =	swait.ge [sflag:s31], $0x3E80  }
0xce: {  	s6 =	smov.u32 s9;
	s4 =	sshra.s32 s8, $0x2;
	[sflag:s31] =	ssyncset.done $0x0  }
0xcf: {  	s6 =	sadd.s32 $0x13880, s4;
	[sflag:s31] =	ssyncadd.s32 $0xFFFFC180  }
0xd0: {  	[tilespmem:s25], [sflag:$0x1] =	stream.indirect.gather [hbm4b:s1+s24], $0x80, s6, s24, $0xb8;
	[tilespmem:$0x1E080] =	vst v63  }
0xd1: {  	s9 =	sadd.s32 $0x13900, s4  }
0xd2: {  	[tilespmem:s26], [sflag:$0x2] =	stream.indirect.gather [hbm4b:s1+s24], $0x80, s9, s24, $0xb8;
	[tilespmem:$0x1E080] =	vst v63  }
0xd3: {  	_ =	swait.ge [sflag:s28], $0x3E80  }
0xd4: {  	[sflag:s28] =	ssyncset.done $0x0  }
0xd5: {  	s10 =	sadd.s32 $0x14C80, s4;
	[sflag:s28] =	ssyncadd.s32 $0xFFFFC180  }
0xd6: {  	[spmem:s2] =	stream.indirect.scatter.add.f32 [tilespmem:s25], [sflag:$0x3], $0x80, s10, s24, $0xb8;
	[tilespmem:$0x1E080] =	vst v63  }
0xd7: {  	_ =	swait.ge [sflag:s29], $0x3E80  }
0xd8: {  	[sflag:s29] =	ssyncset.done $0x0  }
0xd9: {  	s8 =	sadd.s32 $0x13980, s4;
	[sflag:s29] =	ssyncadd.s32 $0xFFFFC180  }
0xda: {  	[tilespmem:s25], [sflag:$0x1] =	stream.indirect.gather [hbm4b:s1+s24], $0x80, s8, s24, $0xb8;
	[tilespmem:$0x1E080] =	vst v63  }
0xdb: {  	_ =	swait.ge [sflag:s30], $0x3E80  }
0xdc: {  	[sflag:s30] =	ssyncset.done $0x0  }
0xdd: {  	s9 =	sadd.s32 $0x14D00, s4;
	[sflag:s30] =	ssyncadd.s32 $0xFFFFC180  }
0xde: {  	[spmem:s2] =	stream.indirect.scatter.add.f32 [tilespmem:s26], [sflag:$0x4], $0x80, s9, s24, $0xb8;
	[tilespmem:$0x1E080] =	vst v63  }
0xdf: {  	_ =	swait.ge [sflag:s31], $0x3E80  }
0xe0: {  	[sflag:s31] =	ssyncset.done $0x0  }
0xe1: {  	s10 =	sadd.s32 $0x13A00, s4;
	[sflag:s31] =	ssyncadd.s32 $0xFFFFC180  }
0xe2: {  	[tilespmem:s26], [sflag:$0x2] =	stream.indirect.gather [hbm4b:s1+s24], $0x80, s10, s24, $0xb8;
	[tilespmem:$0x1E080] =	vst v63  }
0xe3: {  	_ =	swait.ge [sflag:s28], $0x3E80  }
0xe4: {  	[sflag:s28] =	ssyncset.done $0x0  }
0xe5: {  	s8 =	sadd.s32 $0x14D80, s4;
	[sflag:s28] =	ssyncadd.s32 $0xFFFFC180  }
0xe6: {  	[spmem:s2] =	stream.indirect.scatter.add.f32 [tilespmem:s25], [sflag:$0x3], $0x80, s8, s24, $0xb8;
	[tilespmem:$0x1E080] =	vst v63  }
0xe7: {  	_ =	swait.ge [sflag:s29], $0x3E80  }
0xe8: {  	[sflag:s29] =	ssyncset.done $0x0  }
0xe9: {  	s9 =	sadd.s32 $0x13A80, s4;
	[sflag:s29] =	ssyncadd.s32 $0xFFFFC180  }
0xea: {  	[tilespmem:s25], [sflag:$0x1] =	stream.indirect.gather [hbm4b:s1+s24], $0x80, s9, s24, $0xb8;
	[tilespmem:$0x1E080] =	vst v63  }
0xeb: {  	_ =	swait.ge [sflag:s30], $0x3E80  }
0xec: {  	[sflag:s30] =	ssyncset.done $0x0  }
0xed: {  	s10 =	sadd.s32 $0x14E00, s4;
	[sflag:s30] =	ssyncadd.s32 $0xFFFFC180  }
0xee: {  	[spmem:s2] =	stream.indirect.scatter.add.f32 [tilespmem:s26], [sflag:$0x4], $0x80, s10, s24, $0xb8;
	[tilespmem:$0x1E080] =	vst v63  }
0xef: {  	_ =	swait.ge [sflag:s31], $0x3E80  }
0xf0: {  	[sflag:s31] =	ssyncset.done $0x0  }
0xf1: {  	s8 =	sadd.s32 $0x13B00, s4;
	[sflag:s31] =	ssyncadd.s32 $0xFFFFC180  }
0xf2: {  	[tilespmem:s26], [sflag:$0x2] =	stream.indirect.gather [hbm4b:s1+s24], $0x80, s8, s24, $0xb8;
	[tilespmem:$0x1E080] =	vst v63  }
0xf3: {  	_ =	swait.ge [sflag:s28], $0x3E80  }
0xf4: {  	[sflag:s28] =	ssyncset.done $0x0  }
0xf5: {  	s9 =	sadd.s32 $0x14E80, s4;
	[sflag:s28] =	ssyncadd.s32 $0xFFFFC180  }
0xf6: {  	[spmem:s2] =	stream.indirect.scatter.add.f32 [tilespmem:s25], [sflag:$0x3], $0x80, s9, s24, $0xb8;
	[tilespmem:$0x1E080] =	vst v63  }
0xf7: {  	_ =	swait.ge [sflag:s29], $0x3E80  }
0xf8: {  	[sflag:s29] =	ssyncset.done $0x0  }
0xf9: {  	s10 =	sadd.s32 $0x13B80, s4;
	[sflag:s29] =	ssyncadd.s32 $0xFFFFC180  }
0xfa: {  	[tilespmem:s25], [sflag:$0x1] =	stream.indirect.gather [hbm4b:s1+s24], $0x80, s10, s24, $0xb8;
	[tilespmem:$0x1E080] =	vst v63  }
0xfb: {  	_ =	swait.ge [sflag:s30], $0x3E80  }
0xfc: {  	[sflag:s30] =	ssyncset.done $0x0  }
0xfd: {  	s8 =	sadd.s32 $0x14F00, s4;
	[sflag:s30] =	ssyncadd.s32 $0xFFFFC180  }
0xfe: {  	[spmem:s2] =	stream.indirect.scatter.add.f32 [tilespmem:s26], [sflag:$0x4], $0x80, s8, s24, $0xb8;
	[tilespmem:$0x1E080] =	vst v63  }
0xff: {  	_ =	swait.ge [sflag:s31], $0x3E80  }
0x100: {  	[sflag:s31] =	ssyncset.done $0x0  }
0x101: {  	s9 =	sadd.s32 $0x13C00, s4;
	[sflag:s31] =	ssyncadd.s32 $0xFFFFC180  }
0x102: {  	[tilespmem:s26], [sflag:$0x2] =	stream.indirect.gather [hbm4b:s1+s24], $0x80, s9, s24, $0xb8;
	[tilespmem:$0x1E080] =	vst v63  }
0x103: {  	_ =	swait.ge [sflag:s28], $0x3E80  }
0x104: {  	[sflag:s28] =	ssyncset.done $0x0  }
0x105: {  	s10 =	sadd.s32 $0x14F80, s4;
	[sflag:s28] =	ssyncadd.s32 $0xFFFFC180  }
0x106: {  	[spmem:s2] =	stream.indirect.scatter.add.f32 [tilespmem:s25], [sflag:$0x3], $0x80, s10, s24, $0xb8;
	[tilespmem:$0x1E080] =	vst v63  }
0x107: {  	_ =	swait.ge [sflag:s29], $0x3E80  }
0x108: {  	[sflag:s29] =	ssyncset.done $0x0  }
0x109: {  	s8 =	sadd.s32 $0x13C80, s4;
	[sflag:s29] =	ssyncadd.s32 $0xFFFFC180  }
0x10a: {  	[tilespmem:s25], [sflag:$0x1] =	stream.indirect.gather [hbm4b:s1+s24], $0x80, s8, s24, $0xb8;
	[tilespmem:$0x1E080] =	vst v63  }
0x10b: {  	_ =	swait.ge [sflag:s30], $0x3E80  }
0x10c: {  	[sflag:s30] =	ssyncset.done $0x0  }
0x10d: {  	s9 =	sadd.s32 $0x15000, s4;
	[sflag:s30] =	ssyncadd.s32 $0xFFFFC180  }
0x10e: {  	[spmem:s2] =	stream.indirect.scatter.add.f32 [tilespmem:s26], [sflag:$0x4], $0x80, s9, s24, $0xb8;
	[tilespmem:$0x1E080] =	vst v63  }
0x10f: {  	_ =	swait.ge [sflag:s31], $0x3E80  }
0x110: {  	[sflag:s31] =	ssyncset.done $0x0  }
0x111: {  	s10 =	sadd.s32 $0x13D00, s4;
	[sflag:s31] =	ssyncadd.s32 $0xFFFFC180  }
0x112: {  	[tilespmem:s26], [sflag:$0x2] =	stream.indirect.gather [hbm4b:s1+s24], $0x80, s10, s24, $0xb8;
	[tilespmem:$0x1E080] =	vst v63  }
0x113: {  	_ =	swait.ge [sflag:s28], $0x3E80  }
0x114: {  	[sflag:s28] =	ssyncset.done $0x0  }
0x115: {  	s8 =	sadd.s32 $0x15080, s4;
	[sflag:s28] =	ssyncadd.s32 $0xFFFFC180  }
0x116: {  	[spmem:s2] =	stream.indirect.scatter.add.f32 [tilespmem:s25], [sflag:$0x3], $0x80, s8, s24, $0xb8;
	[tilespmem:$0x1E080] =	vst v63  }
0x117: {  	_ =	swait.ge [sflag:s30], $0x3E80  }
0x118: {  	[sflag:s30] =	ssyncset.done $0x0  }
0x119: {  	s9 =	sadd.s32 $0x15100, s4;
	[sflag:s30] =	ssyncadd.s32 $0xFFFFC180  }
0x11a: {  	[spmem:s2] =	stream.indirect.scatter.add.f32 [tilespmem:s26], [sflag:$0x4], $0x80, s9, s24, $0xb8;
	[tilespmem:$0x1E080] =	vst v63  }
0x11b: {  	_ =	swait.ge [sflag:s29], $0x3E80  }
0x11c: {  	[sflag:s29] =	ssyncset.done $0x0  }
0x11d: {  	[sflag:s29] =	ssyncadd.s32 $0xFFFFC180  }
0x11e: {  	_ =	swait.ge [sflag:s31], $0x3E80  }
0x11f: {  	[sflag:s31] =	ssyncset.done $0x0  }
0x120: {  	s10 =	simm.s32 $0x0;
	[sflag:s31] =	ssyncadd.s32 $0xFFFFC180  }
0x121: {  	[tilespmem:s21], [sflag:$0x5] =	stream.linear.gather [hbm4b:s11+s10], $0x1400, $0x38;
	[tilespmem:$0x1E080] =	vst v63  }
0x122: {  	_ =	swait.ge [sflag:s22], $0x1400  }
0x123: {  	[sflag:s22] =	ssyncset.done $0x0  }
0x124: {  	[sflag:s22] =	ssyncadd.s32 $0xFFFFEC00  }
0x125: {  	[tilespmem:s23], [sflag:$0x5] =	stream.linear.gather [hbm4b:s12+s10], $0x1400, $0x38;
	[tilespmem:$0x1E080] =	vst v63  }
0x126: {  	_ =	swait.ge [sflag:s22], $0x1400  }
0x127: {  	[sflag:s22] =	ssyncset.done $0x0  }
0x128: {  	s6 =	simm.s32 $0x13880;
	[sflag:s22] =	ssyncadd.s32 $0xFFFFEC00  }
0x129: {  	[tilespmem:s25], [sflag:$0x1] =	stream.indirect.gather [hbm4b:s1+s24], $0x80, s6, s24, $0xb8;
	[tilespmem:$0x1E080] =	vst v63  }
0x12a: {  	s8 =	simm.s32 $0x13900  }
0x12b: {  	[tilespmem:s26], [sflag:$0x2] =	stream.indirect.gather [hbm4b:s1+s24], $0x80, s8, s24, $0xb8;
	[tilespmem:$0x1E080] =	vst v63  }
0x12c: {  	_ =	swait.ge [sflag:s28], $0x3E80  }
0x12d: {  	[sflag:s28] =	ssyncset.done $0x0  }
0x12e: {  	s9 =	simm.s32 $0x14C80;
	[sflag:s28] =	ssyncadd.s32 $0xFFFFC180  }
0x12f: {  	[spmem:s2] =	stream.indirect.scatter.add.f32 [tilespmem:s25], [sflag:$0x3], $0x80, s9, s24, $0xb8;
	[tilespmem:$0x1E080] =	vst v63  }
0x130: {  	_ =	swait.ge [sflag:s29], $0x3E80  }
0x131: {  	[sflag:s29] =	ssyncset.done $0x0  }
0x132: {  	s10 =	simm.s32 $0x13980;
	[sflag:s29] =	ssyncadd.s32 $0xFFFFC180  }
0x133: {  	[tilespmem:s25], [sflag:$0x1] =	stream.indirect.gather [hbm4b:s1+s24], $0x80, s10, s24, $0xb8;
	[tilespmem:$0x1E080] =	vst v63  }
0x134: {  	_ =	swait.ge [sflag:s30], $0x3E80  }
0x135: {  	[sflag:s30] =	ssyncset.done $0x0  }
0x136: {  	s6 =	simm.s32 $0x14D00;
	[sflag:s30] =	ssyncadd.s32 $0xFFFFC180  }
0x137: {  	[spmem:s2] =	stream.indirect.scatter.add.f32 [tilespmem:s26], [sflag:$0x4], $0x80, s6, s24, $0xb8;
	[tilespmem:$0x1E080] =	vst v63  }
0x138: {  	_ =	swait.ge [sflag:s31], $0x3E80  }
0x139: {  	[sflag:s31] =	ssyncset.done $0x0  }
0x13a: {  	s8 =	simm.s32 $0x13A00;
	[sflag:s31] =	ssyncadd.s32 $0xFFFFC180  }
0x13b: {  	[tilespmem:s26], [sflag:$0x2] =	stream.indirect.gather [hbm4b:s1+s24], $0x80, s8, s24, $0xb8;
	[tilespmem:$0x1E080] =	vst v63  }
0x13c: {  	_ =	swait.ge [sflag:s28], $0x3E80  }
0x13d: {  	[sflag:s28] =	ssyncset.done $0x0  }
0x13e: {  	s9 =	simm.s32 $0x14D80;
	[sflag:s28] =	ssyncadd.s32 $0xFFFFC180  }
0x13f: {  	[spmem:s2] =	stream.indirect.scatter.add.f32 [tilespmem:s25], [sflag:$0x3], $0x80, s9, s24, $0xb8;
	[tilespmem:$0x1E080] =	vst v63  }
0x140: {  	_ =	swait.ge [sflag:s29], $0x3E80  }
0x141: {  	[sflag:s29] =	ssyncset.done $0x0  }
0x142: {  	s10 =	simm.s32 $0x13A80;
	[sflag:s29] =	ssyncadd.s32 $0xFFFFC180  }
0x143: {  	[tilespmem:s25], [sflag:$0x1] =	stream.indirect.gather [hbm4b:s1+s24], $0x80, s10, s24, $0xb8;
	[tilespmem:$0x1E080] =	vst v63  }
0x144: {  	_ =	swait.ge [sflag:s30], $0x3E80  }
0x145: {  	[sflag:s30] =	ssyncset.done $0x0  }
0x146: {  	s6 =	simm.s32 $0x14E00;
	[sflag:s30] =	ssyncadd.s32 $0xFFFFC180  }
0x147: {  	[spmem:s2] =	stream.indirect.scatter.add.f32 [tilespmem:s26], [sflag:$0x4], $0x80, s6, s24, $0xb8;
	[tilespmem:$0x1E080] =	vst v63  }
0x148: {  	_ =	swait.ge [sflag:s31], $0x3E80  }
0x149: {  	[sflag:s31] =	ssyncset.done $0x0  }
0x14a: {  	s8 =	simm.s32 $0x13B00;
	[sflag:s31] =	ssyncadd.s32 $0xFFFFC180  }
0x14b: {  	[tilespmem:s26], [sflag:$0x2] =	stream.indirect.gather [hbm4b:s1+s24], $0x80, s8, s24, $0xb8;
	[tilespmem:$0x1E080] =	vst v63  }
0x14c: {  	_ =	swait.ge [sflag:s28], $0x3E80  }
0x14d: {  	[sflag:s28] =	ssyncset.done $0x0  }
0x14e: {  	s9 =	simm.s32 $0x14E80;
	[sflag:s28] =	ssyncadd.s32 $0xFFFFC180  }
0x14f: {  	[spmem:s2] =	stream.indirect.scatter.add.f32 [tilespmem:s25], [sflag:$0x3], $0x80, s9, s24, $0xb8;
	[tilespmem:$0x1E080] =	vst v63  }
0x150: {  	_ =	swait.ge [sflag:s29], $0x3E80  }
0x151: {  	[sflag:s29] =	ssyncset.done $0x0  }
0x152: {  	s10 =	simm.s32 $0x13B80;
	[sflag:s29] =	ssyncadd.s32 $0xFFFFC180  }
0x153: {  	[tilespmem:s25], [sflag:$0x1] =	stream.indirect.gather [hbm4b:s1+s24], $0x80, s10, s24, $0xb8;
	[tilespmem:$0x1E080] =	vst v63  }
0x154: {  	_ =	swait.ge [sflag:s30], $0x3E80  }
0x155: {  	[sflag:s30] =	ssyncset.done $0x0  }
0x156: {  	s6 =	simm.s32 $0x14F00;
	[sflag:s30] =	ssyncadd.s32 $0xFFFFC180  }
0x157: {  	[spmem:s2] =	stream.indirect.scatter.add.f32 [tilespmem:s26], [sflag:$0x4], $0x80, s6, s24, $0xb8;
	[tilespmem:$0x1E080] =	vst v63  }
0x158: {  	_ =	swait.ge [sflag:s31], $0x3E80  }
0x159: {  	[sflag:s31] =	ssyncset.done $0x0  }
0x15a: {  	s8 =	simm.s32 $0x13C00;
	[sflag:s31] =	ssyncadd.s32 $0xFFFFC180  }
0x15b: {  	[tilespmem:s26], [sflag:$0x2] =	stream.indirect.gather [hbm4b:s1+s24], $0x80, s8, s24, $0xb8;
	[tilespmem:$0x1E080] =	vst v63  }
0x15c: {  	_ =	swait.ge [sflag:s28], $0x3E80  }
0x15d: {  	[sflag:s28] =	ssyncset.done $0x0  }
0x15e: {  	s9 =	simm.s32 $0x14F80;
	[sflag:s28] =	ssyncadd.s32 $0xFFFFC180  }
0x15f: {  	[spmem:s2] =	stream.indirect.scatter.add.f32 [tilespmem:s25], [sflag:$0x3], $0x80, s9, s24, $0xb8;
	[tilespmem:$0x1E080] =	vst v63  }
0x160: {  	_ =	swait.ge [sflag:s29], $0x3E80  }
0x161: {  	[sflag:s29] =	ssyncset.done $0x0  }
0x162: {  	s10 =	simm.s32 $0x13C80;
	[sflag:s29] =	ssyncadd.s32 $0xFFFFC180  }
0x163: {  	[tilespmem:s25], [sflag:$0x1] =	stream.indirect.gather [hbm4b:s1+s24], $0x80, s10, s24, $0xb8;
	[tilespmem:$0x1E080] =	vst v63  }
0x164: {  	_ =	swait.ge [sflag:s30], $0x3E80  }
0x165: {  	[sflag:s30] =	ssyncset.done $0x0  }
0x166: {  	s6 =	simm.s32 $0x15000;
	[sflag:s30] =	ssyncadd.s32 $0xFFFFC180  }
0x167: {  	[spmem:s2] =	stream.indirect.scatter.add.f32 [tilespmem:s26], [sflag:$0x4], $0x80, s6, s24, $0xb8;
	[tilespmem:$0x1E080] =	vst v63  }
0x168: {  	_ =	swait.ge [sflag:s31], $0x3E80  }
0x169: {  	[sflag:s31] =	ssyncset.done $0x0  }
0x16a: {  	s8 =	simm.s32 $0x13D00;
	[sflag:s31] =	ssyncadd.s32 $0xFFFFC180  }
0x16b: {  	[tilespmem:s26], [sflag:$0x2] =	stream.indirect.gather [hbm4b:s1+s24], $0x80, s8, s24, $0xb8;
	[tilespmem:$0x1E080] =	vst v63  }
0x16c: {  	_ =	swait.ge [sflag:s28], $0x3E80  }
0x16d: {  	[sflag:s28] =	ssyncset.done $0x0  }
0x16e: {  	s9 =	simm.s32 $0x15080;
	[sflag:s28] =	ssyncadd.s32 $0xFFFFC180  }
0x16f: {  	[spmem:s2] =	stream.indirect.scatter.add.f32 [tilespmem:s25], [sflag:$0x3], $0x80, s9, s24, $0xb8;
	[tilespmem:$0x1E080] =	vst v63  }
0x170: {  	_ =	swait.ge [sflag:s30], $0x3E80  }
0x171: {  	[sflag:s30] =	ssyncset.done $0x0  }
0x172: {  	s10 =	simm.s32 $0x15100;
	[sflag:s30] =	ssyncadd.s32 $0xFFFFC180  }
0x173: {  	[spmem:s2] =	stream.indirect.scatter.add.f32 [tilespmem:s26], [sflag:$0x4], $0x80, s10, s24, $0xb8;
	[tilespmem:$0x1E080] =	vst v63  }
0x174: {  	_ =	swait.ge [sflag:s29], $0x3E80  }
0x175: {  	[sflag:s29] =	ssyncset.done $0x0  }
0x176: {  	[sflag:s29] =	ssyncadd.s32 $0xFFFFC180  }
0x177: {  	_ =	swait.ge [sflag:s31], $0x3E80  }
0x178: {  	s4 =	simm.s32 $0x500;
	s9 =	simm.s32 $0x2800;
	[sflag:s31] =	ssyncset.done $0x0  }
.LBB2_4:
0x179: {  	s10 =	sadd.s32 $0x13880, s4  }
0x17a: {  	[sflag:s31] =	ssyncadd.s32 $0xFFFFC180;
	s8 =	smov.u32 s9;
	s6 =	sadd.s32 $0x1400, s9  }
0x17b: {  	[tilespmem:s25], [sflag:$0x1] =	stream.indirect.gather [hbm4b:s1+s24], $0x80, s10, s24, $0xb8;
	[tilespmem:$0x1E080] =	vst v63  }
0x17c: {  	p5 =	sne.s32 s9, $0x3C00;
	s9 =	sadd.s32 $0x13900, s4  }
0x17d: {  	[tilespmem:s26], [sflag:$0x2] =	stream.indirect.gather [hbm4b:s1+s24], $0x80, s9, s24, $0xb8;
	[tilespmem:$0x1E080] =	vst v63  }
0x17e: {  	_ =	swait.ge [sflag:s28], $0x3E80  }
0x17f: {  	[sflag:s28] =	ssyncset.done $0x0  }
0x180: {  	s9 =	sadd.s32 $0x14C80, s4;
	[sflag:s28] =	ssyncadd.s32 $0xFFFFC180  }
0x181: {  	[spmem:s2] =	stream.indirect.scatter.add.f32 [tilespmem:s25], [sflag:$0x3], $0x80, s9, s24, $0xb8;
	[tilespmem:$0x1E080] =	vst v63  }
0x182: {  	_ =	swait.ge [sflag:s29], $0x3E80  }
0x183: {  	[sflag:s29] =	ssyncset.done $0x0  }
0x184: {  	s9 =	sadd.s32 $0x13980, s4;
	[sflag:s29] =	ssyncadd.s32 $0xFFFFC180  }
0x185: {  	[tilespmem:s25], [sflag:$0x1] =	stream.indirect.gather [hbm4b:s1+s24], $0x80, s9, s24, $0xb8;
	[tilespmem:$0x1E080] =	vst v63  }
0x186: {  	_ =	swait.ge [sflag:s30], $0x3E80  }
0x187: {  	[sflag:s30] =	ssyncset.done $0x0  }
0x188: {  	s9 =	sadd.s32 $0x14D00, s4;
	[sflag:s30] =	ssyncadd.s32 $0xFFFFC180  }
0x189: {  	[spmem:s2] =	stream.indirect.scatter.add.f32 [tilespmem:s26], [sflag:$0x4], $0x80, s9, s24, $0xb8;
	[tilespmem:$0x1E080] =	vst v63  }
0x18a: {  	_ =	swait.ge [sflag:s31], $0x3E80  }
0x18b: {  	[sflag:s31] =	ssyncset.done $0x0  }
0x18c: {  	s9 =	sadd.s32 $0x13A00, s4;
	[sflag:s31] =	ssyncadd.s32 $0xFFFFC180  }
0x18d: {  	[tilespmem:s26], [sflag:$0x2] =	stream.indirect.gather [hbm4b:s1+s24], $0x80, s9, s24, $0xb8;
	[tilespmem:$0x1E080] =	vst v63  }
0x18e: {  	_ =	swait.ge [sflag:s28], $0x3E80  }
0x18f: {  	[sflag:s28] =	ssyncset.done $0x0  }
0x190: {  	s9 =	sadd.s32 $0x14D80, s4;
	[sflag:s28] =	ssyncadd.s32 $0xFFFFC180  }
0x191: {  	[spmem:s2] =	stream.indirect.scatter.add.f32 [tilespmem:s25], [sflag:$0x3], $0x80, s9, s24, $0xb8;
	[tilespmem:$0x1E080] =	vst v63  }
0x192: {  	_ =	swait.ge [sflag:s29], $0x3E80  }
0x193: {  	[sflag:s29] =	ssyncset.done $0x0  }
0x194: {  	s9 =	sadd.s32 $0x13A80, s4;
	[sflag:s29] =	ssyncadd.s32 $0xFFFFC180  }
0x195: {  	[tilespmem:s25], [sflag:$0x1] =	stream.indirect.gather [hbm4b:s1+s24], $0x80, s9, s24, $0xb8;
	[tilespmem:$0x1E080] =	vst v63  }
0x196: {  	_ =	swait.ge [sflag:s30], $0x3E80  }
0x197: {  	[sflag:s30] =	ssyncset.done $0x0  }
0x198: {  	s9 =	sadd.s32 $0x14E00, s4;
	[sflag:s30] =	ssyncadd.s32 $0xFFFFC180  }
0x199: {  	[spmem:s2] =	stream.indirect.scatter.add.f32 [tilespmem:s26], [sflag:$0x4], $0x80, s9, s24, $0xb8;
	[tilespmem:$0x1E080] =	vst v63  }
0x19a: {  	_ =	swait.ge [sflag:s31], $0x3E80  }
0x19b: {  	[sflag:s31] =	ssyncset.done $0x0  }
0x19c: {  	s9 =	sadd.s32 $0x13B00, s4;
	[sflag:s31] =	ssyncadd.s32 $0xFFFFC180  }
0x19d: {  	[tilespmem:s26], [sflag:$0x2] =	stream.indirect.gather [hbm4b:s1+s24], $0x80, s9, s24, $0xb8;
	[tilespmem:$0x1E080] =	vst v63  }
0x19e: {  	_ =	swait.ge [sflag:s28], $0x3E80  }
0x19f: {  	[sflag:s28] =	ssyncset.done $0x0  }
0x1a0: {  	s9 =	sadd.s32 $0x14E80, s4;
	[sflag:s28] =	ssyncadd.s32 $0xFFFFC180  }
0x1a1: {  	[spmem:s2] =	stream.indirect.scatter.add.f32 [tilespmem:s25], [sflag:$0x3], $0x80, s9, s24, $0xb8;
	[tilespmem:$0x1E080] =	vst v63  }
0x1a2: {  	_ =	swait.ge [sflag:s29], $0x3E80  }
0x1a3: {  	[sflag:s29] =	ssyncset.done $0x0  }
0x1a4: {  	s9 =	sadd.s32 $0x13B80, s4;
	[sflag:s29] =	ssyncadd.s32 $0xFFFFC180  }
0x1a5: {  	[tilespmem:s25], [sflag:$0x1] =	stream.indirect.gather [hbm4b:s1+s24], $0x80, s9, s24, $0xb8;
	[tilespmem:$0x1E080] =	vst v63  }
0x1a6: {  	_ =	swait.ge [sflag:s30], $0x3E80  }
0x1a7: {  	[sflag:s30] =	ssyncset.done $0x0  }
0x1a8: {  	s9 =	sadd.s32 $0x14F00, s4;
	[sflag:s30] =	ssyncadd.s32 $0xFFFFC180  }
0x1a9: {  	[spmem:s2] =	stream.indirect.scatter.add.f32 [tilespmem:s26], [sflag:$0x4], $0x80, s9, s24, $0xb8;
	[tilespmem:$0x1E080] =	vst v63  }
0x1aa: {  	_ =	swait.ge [sflag:s31], $0x3E80  }
0x1ab: {  	[sflag:s31] =	ssyncset.done $0x0  }
0x1ac: {  	s9 =	sadd.s32 $0x13C00, s4;
	[sflag:s31] =	ssyncadd.s32 $0xFFFFC180  }
0x1ad: {  	[tilespmem:s26], [sflag:$0x2] =	stream.indirect.gather [hbm4b:s1+s24], $0x80, s9, s24, $0xb8;
	[tilespmem:$0x1E080] =	vst v63  }
0x1ae: {  	_ =	swait.ge [sflag:s28], $0x3E80  }
0x1af: {  	[sflag:s28] =	ssyncset.done $0x0  }
0x1b0: {  	s9 =	sadd.s32 $0x14F80, s4;
	[sflag:s28] =	ssyncadd.s32 $0xFFFFC180  }
0x1b1: {  	[spmem:s2] =	stream.indirect.scatter.add.f32 [tilespmem:s25], [sflag:$0x3], $0x80, s9, s24, $0xb8;
	[tilespmem:$0x1E080] =	vst v63  }
0x1b2: {  	_ =	swait.ge [sflag:s29], $0x3E80  }
0x1b3: {  	[sflag:s29] =	ssyncset.done $0x0  }
0x1b4: {  	s9 =	sadd.s32 $0x13C80, s4;
	[sflag:s29] =	ssyncadd.s32 $0xFFFFC180  }
0x1b5: {  	[tilespmem:s25], [sflag:$0x1] =	stream.indirect.gather [hbm4b:s1+s24], $0x80, s9, s24, $0xb8;
	[tilespmem:$0x1E080] =	vst v63  }
0x1b6: {  	_ =	swait.ge [sflag:s30], $0x3E80  }
0x1b7: {  	[sflag:s30] =	ssyncset.done $0x0  }
0x1b8: {  	s9 =	sadd.s32 $0x15000, s4;
	[sflag:s30] =	ssyncadd.s32 $0xFFFFC180  }
0x1b9: {  	[spmem:s2] =	stream.indirect.scatter.add.f32 [tilespmem:s26], [sflag:$0x4], $0x80, s9, s24, $0xb8;
	[tilespmem:$0x1E080] =	vst v63  }
0x1ba: {  	_ =	swait.ge [sflag:s31], $0x3E80  }
0x1bb: {  	[sflag:s31] =	ssyncset.done $0x0  }
0x1bc: {  	s9 =	sadd.s32 $0x13D00, s4;
	[sflag:s31] =	ssyncadd.s32 $0xFFFFC180  }
0x1bd: {  	[tilespmem:s26], [sflag:$0x2] =	stream.indirect.gather [hbm4b:s1+s24], $0x80, s9, s24, $0xb8;
	[tilespmem:$0x1E080] =	vst v63  }
0x1be: {  	_ =	swait.ge [sflag:s28], $0x3E80  }
0x1bf: {  	[sflag:s28] =	ssyncset.done $0x0  }
0x1c0: {  	s9 =	sadd.s32 $0x15080, s4;
	[sflag:s28] =	ssyncadd.s32 $0xFFFFC180  }
0x1c1: {  	[spmem:s2] =	stream.indirect.scatter.add.f32 [tilespmem:s25], [sflag:$0x3], $0x80, s9, s24, $0xb8;
	[tilespmem:$0x1E080] =	vst v63  }
0x1c2: {  	_ =	swait.ge [sflag:s30], $0x3E80  }
0x1c3: {  	[sflag:s30] =	ssyncset.done $0x0  }
0x1c4: {  	s4 =	sadd.s32 $0x15100, s4;
	[sflag:s30] =	ssyncadd.s32 $0xFFFFC180  }
0x1c5: {  	[spmem:s2] =	stream.indirect.scatter.add.f32 [tilespmem:s26], [sflag:$0x4], $0x80, s4, s24, $0xb8;
	[tilespmem:$0x1E080] =	vst v63  }
.Ltmp1:
0x1c6: {  	_ =	swait.ge [sflag:s29], $0x3E80;
	(pc) =	sbr.rel @p5 .LBB2_4-.Ltmp1, $4  }
0x1c7: {  	[sflag:s29] =	ssyncset.done $0x0  }
0x1c8: {  	[sflag:s29] =	ssyncadd.s32 $0xFFFFC180  }
0x1c9: {  	_ =	swait.ge [sflag:s31], $0x3E80  }
0x1ca: {  	s9 =	smov.u32 s6;
	s4 =	sshra.s32 s8, $0x2;
	[sflag:s31] =	ssyncset.done $0x0  }
0x1cb: {  	s6 =	sadd.s32 $0x13880, s4;
	[sflag:s31] =	ssyncadd.s32 $0xFFFFC180  }
0x1cc: {  	[tilespmem:s25], [sflag:$0x1] =	stream.indirect.gather [hbm4b:s1+s24], $0x80, s6, s24, $0xb8;
	[tilespmem:$0x1E080] =	vst v63  }
0x1cd: {  	s10 =	sadd.s32 $0x13900, s4  }
0x1ce: {  	[tilespmem:s26], [sflag:$0x2] =	stream.indirect.gather [hbm4b:s1+s24], $0x80, s10, s24, $0xb8;
	[tilespmem:$0x1E080] =	vst v63  }
0x1cf: {  	_ =	swait.ge [sflag:s28], $0x3E80  }
0x1d0: {  	[sflag:s28] =	ssyncset.done $0x0  }
0x1d1: {  	s8 =	sadd.s32 $0x14C80, s4;
	[sflag:s28] =	ssyncadd.s32 $0xFFFFC180  }
0x1d2: {  	[spmem:s2] =	stream.indirect.scatter.add.f32 [tilespmem:s25], [sflag:$0x3], $0x80, s8, s24, $0xb8;
	[tilespmem:$0x1E080] =	vst v63  }
0x1d3: {  	_ =	swait.ge [sflag:s29], $0x3E80  }
0x1d4: {  	[sflag:s29] =	ssyncset.done $0x0  }
0x1d5: {  	s9 =	sadd.s32 $0x13980, s4;
	[sflag:s29] =	ssyncadd.s32 $0xFFFFC180  }
0x1d6: {  	[tilespmem:s25], [sflag:$0x1] =	stream.indirect.gather [hbm4b:s1+s24], $0x80, s9, s24, $0xb8;
	[tilespmem:$0x1E080] =	vst v63  }
0x1d7: {  	_ =	swait.ge [sflag:s30], $0x3E80  }
0x1d8: {  	[sflag:s30] =	ssyncset.done $0x0  }
0x1d9: {  	s10 =	sadd.s32 $0x14D00, s4;
	[sflag:s30] =	ssyncadd.s32 $0xFFFFC180  }
0x1da: {  	[spmem:s2] =	stream.indirect.scatter.add.f32 [tilespmem:s26], [sflag:$0x4], $0x80, s10, s24, $0xb8;
	[tilespmem:$0x1E080] =	vst v63  }
0x1db: {  	_ =	swait.ge [sflag:s31], $0x3E80  }
0x1dc: {  	[sflag:s31] =	ssyncset.done $0x0  }
0x1dd: {  	s8 =	sadd.s32 $0x13A00, s4;
	[sflag:s31] =	ssyncadd.s32 $0xFFFFC180  }
0x1de: {  	[tilespmem:s26], [sflag:$0x2] =	stream.indirect.gather [hbm4b:s1+s24], $0x80, s8, s24, $0xb8;
	[tilespmem:$0x1E080] =	vst v63  }
0x1df: {  	_ =	swait.ge [sflag:s28], $0x3E80  }
0x1e0: {  	[sflag:s28] =	ssyncset.done $0x0  }
0x1e1: {  	s9 =	sadd.s32 $0x14D80, s4;
	[sflag:s28] =	ssyncadd.s32 $0xFFFFC180  }
0x1e2: {  	[spmem:s2] =	stream.indirect.scatter.add.f32 [tilespmem:s25], [sflag:$0x3], $0x80, s9, s24, $0xb8;
	[tilespmem:$0x1E080] =	vst v63  }
0x1e3: {  	_ =	swait.ge [sflag:s29], $0x3E80  }
0x1e4: {  	[sflag:s29] =	ssyncset.done $0x0  }
0x1e5: {  	s10 =	sadd.s32 $0x13A80, s4;
	[sflag:s29] =	ssyncadd.s32 $0xFFFFC180  }
0x1e6: {  	[tilespmem:s25], [sflag:$0x1] =	stream.indirect.gather [hbm4b:s1+s24], $0x80, s10, s24, $0xb8;
	[tilespmem:$0x1E080] =	vst v63  }
0x1e7: {  	_ =	swait.ge [sflag:s30], $0x3E80  }
0x1e8: {  	[sflag:s30] =	ssyncset.done $0x0  }
0x1e9: {  	s8 =	sadd.s32 $0x14E00, s4;
	[sflag:s30] =	ssyncadd.s32 $0xFFFFC180  }
0x1ea: {  	[spmem:s2] =	stream.indirect.scatter.add.f32 [tilespmem:s26], [sflag:$0x4], $0x80, s8, s24, $0xb8;
	[tilespmem:$0x1E080] =	vst v63  }
0x1eb: {  	_ =	swait.ge [sflag:s31], $0x3E80  }
0x1ec: {  	[sflag:s31] =	ssyncset.done $0x0  }
0x1ed: {  	s9 =	sadd.s32 $0x13B00, s4;
	[sflag:s31] =	ssyncadd.s32 $0xFFFFC180  }
0x1ee: {  	[tilespmem:s26], [sflag:$0x2] =	stream.indirect.gather [hbm4b:s1+s24], $0x80, s9, s24, $0xb8;
	[tilespmem:$0x1E080] =	vst v63  }
0x1ef: {  	_ =	swait.ge [sflag:s28], $0x3E80  }
0x1f0: {  	[sflag:s28] =	ssyncset.done $0x0  }
0x1f1: {  	s10 =	sadd.s32 $0x14E80, s4;
	[sflag:s28] =	ssyncadd.s32 $0xFFFFC180  }
0x1f2: {  	[spmem:s2] =	stream.indirect.scatter.add.f32 [tilespmem:s25], [sflag:$0x3], $0x80, s10, s24, $0xb8;
	[tilespmem:$0x1E080] =	vst v63  }
0x1f3: {  	_ =	swait.ge [sflag:s29], $0x3E80  }
0x1f4: {  	[sflag:s29] =	ssyncset.done $0x0  }
0x1f5: {  	s8 =	sadd.s32 $0x13B80, s4;
	[sflag:s29] =	ssyncadd.s32 $0xFFFFC180  }
0x1f6: {  	[tilespmem:s25], [sflag:$0x1] =	stream.indirect.gather [hbm4b:s1+s24], $0x80, s8, s24, $0xb8;
	[tilespmem:$0x1E080] =	vst v63  }
0x1f7: {  	_ =	swait.ge [sflag:s30], $0x3E80  }
0x1f8: {  	[sflag:s30] =	ssyncset.done $0x0  }
0x1f9: {  	s9 =	sadd.s32 $0x14F00, s4;
	[sflag:s30] =	ssyncadd.s32 $0xFFFFC180  }
0x1fa: {  	[spmem:s2] =	stream.indirect.scatter.add.f32 [tilespmem:s26], [sflag:$0x4], $0x80, s9, s24, $0xb8;
	[tilespmem:$0x1E080] =	vst v63  }
0x1fb: {  	_ =	swait.ge [sflag:s31], $0x3E80  }
0x1fc: {  	[sflag:s31] =	ssyncset.done $0x0  }
0x1fd: {  	s10 =	sadd.s32 $0x13C00, s4;
	[sflag:s31] =	ssyncadd.s32 $0xFFFFC180  }
0x1fe: {  	[tilespmem:s26], [sflag:$0x2] =	stream.indirect.gather [hbm4b:s1+s24], $0x80, s10, s24, $0xb8;
	[tilespmem:$0x1E080] =	vst v63  }
0x1ff: {  	_ =	swait.ge [sflag:s28], $0x3E80  }
0x200: {  	[sflag:s28] =	ssyncset.done $0x0  }
0x201: {  	s8 =	sadd.s32 $0x14F80, s4;
	[sflag:s28] =	ssyncadd.s32 $0xFFFFC180  }
0x202: {  	[spmem:s2] =	stream.indirect.scatter.add.f32 [tilespmem:s25], [sflag:$0x3], $0x80, s8, s24, $0xb8;
	[tilespmem:$0x1E080] =	vst v63  }
0x203: {  	_ =	swait.ge [sflag:s29], $0x3E80  }
0x204: {  	[sflag:s29] =	ssyncset.done $0x0  }
0x205: {  	s9 =	sadd.s32 $0x13C80, s4;
	[sflag:s29] =	ssyncadd.s32 $0xFFFFC180  }
0x206: {  	[tilespmem:s25], [sflag:$0x1] =	stream.indirect.gather [hbm4b:s1+s24], $0x80, s9, s24, $0xb8;
	[tilespmem:$0x1E080] =	vst v63  }
0x207: {  	_ =	swait.ge [sflag:s30], $0x3E80  }
0x208: {  	[sflag:s30] =	ssyncset.done $0x0  }
0x209: {  	s10 =	sadd.s32 $0x15000, s4;
	[sflag:s30] =	ssyncadd.s32 $0xFFFFC180  }
0x20a: {  	[spmem:s2] =	stream.indirect.scatter.add.f32 [tilespmem:s26], [sflag:$0x4], $0x80, s10, s24, $0xb8;
	[tilespmem:$0x1E080] =	vst v63  }
0x20b: {  	_ =	swait.ge [sflag:s31], $0x3E80  }
0x20c: {  	[sflag:s31] =	ssyncset.done $0x0  }
0x20d: {  	s8 =	sadd.s32 $0x13D00, s4;
	[sflag:s31] =	ssyncadd.s32 $0xFFFFC180  }
0x20e: {  	[tilespmem:s26], [sflag:$0x2] =	stream.indirect.gather [hbm4b:s1+s24], $0x80, s8, s24, $0xb8;
	[tilespmem:$0x1E080] =	vst v63  }
0x20f: {  	_ =	swait.ge [sflag:s28], $0x3E80  }
0x210: {  	[sflag:s28] =	ssyncset.done $0x0  }
0x211: {  	s9 =	sadd.s32 $0x15080, s4;
	[sflag:s28] =	ssyncadd.s32 $0xFFFFC180  }
0x212: {  	[spmem:s2] =	stream.indirect.scatter.add.f32 [tilespmem:s25], [sflag:$0x3], $0x80, s9, s24, $0xb8;
	[tilespmem:$0x1E080] =	vst v63  }
0x213: {  	_ =	swait.ge [sflag:s30], $0x3E80  }
0x214: {  	[sflag:s30] =	ssyncset.done $0x0  }
0x215: {  	s10 =	sadd.s32 $0x15100, s4;
	[sflag:s30] =	ssyncadd.s32 $0xFFFFC180  }
0x216: {  	[spmem:s2] =	stream.indirect.scatter.add.f32 [tilespmem:s26], [sflag:$0x4], $0x80, s10, s24, $0xb8;
	[tilespmem:$0x1E080] =	vst v63  }
0x217: {  	_ =	swait.ge [sflag:s29], $0x3E80  }
0x218: {  	[sflag:s29] =	ssyncset.done $0x0  }
0x219: {  	[sflag:s29] =	ssyncadd.s32 $0xFFFFC180  }
0x21a: {  	_ =	swait.ge [sflag:s31], $0x3E80  }
0x21b: {  	[sflag:s31] =	ssyncset.done $0x0  }
0x21c: {  	[sflag:s31] =	ssyncadd.s32 $0xFFFFC180  }
0x21d: {  	s6 =	simm.s32 @!p1 $0x1FC5;
	s4 =	sshrl.u32 @!p1 s7, $0x3;
	[bflag:$0x0] =	sbarrier.arrive $0xFFFF  }
0x21e: {  	[hbm:s16], [sflag:s6] =	dma.local @!p1 [spmem:s4], $0x1900  }
0x21f: {  	s4 =	simm.s32 @!p1 $0x5  }
0x220: {  	_ =	swait.ge @!p1 [sflag:s4], $0x1900  }
0x221: {  	s6 =	sshll.u32 @!p2 s3, $0x6;
	[sflag:s4] =	ssyncset.done @!p1 $0x0  }
0x222: {  	[sflag:s4] =	ssyncadd.s32 @!p1 $0xFFFFE700;
	s4 =	sor.u32 @!p2 $0x1C05, s6;
	s6 =	sshrl.u32 @!p2 s5, $0x3  }
0x223: {  	[hbm:s15], [sflag:s4] =	dma.local @!p2 [spmem:s6], $0x2800  }
0x224: {  	s4 =	simm.s32 @!p2 $0x5  }
0x225: {  	_ =	swait.ge @!p2 [sflag:s4], $0x2800  }
0x226: {  	[sflag:s4] =	ssyncset.done @!p2 $0x0  }
0x227: {  	s6 =	simm.s32 @!p3 $0x1FC5;
	[sflag:s4] =	ssyncadd.s32 @!p2 $0xFFFFD800;
	s4 =	sshrl.u32 @!p3 s7, $0x3  }
0x228: {  	[hbm:s14], [sflag:s6] =	dma.local @!p3 [spmem:s4], $0x1900  }
0x229: {  	s4 =	simm.s32 @!p3 $0x5  }
0x22a: {  	s0 =	sadd.s32 $0x1, s0;
	_ =	swait.ge @!p3 [sflag:s4], $0x1900  }
0x22b: {  	p5 =	sne.s32 s0, s17;
	s6 =	sshll.u32 @!p4 s3, $0x6;
	[sflag:s4] =	ssyncset.done @!p3 $0x0  }
0x22c: {  	[sflag:s4] =	ssyncadd.s32 @!p3 $0xFFFFE700;
	s4 =	sor.u32 @!p4 $0x1C05, s6;
	s6 =	sshrl.u32 @!p4 s5, $0x3  }
0x22d: {  	[hbm:s13], [sflag:s4] =	dma.local @!p4 [spmem:s6], $0x2800  }
.Ltmp2:
0x22e: {  	_ = 	snop;
	(pc) =	sbr.rel @p5 .LBB2_1-.Ltmp2, $4  }
0x22f: {  	s4 =	simm.s32 @!p4 $0x5  }
0x230: {  	_ =	swait.ge @!p4 [sflag:s4], $0x2800  }
0x231: {  	[sflag:s4] =	ssyncset.done @!p4 $0x0  }
0x232: {  	[sflag:s4] =	ssyncadd.s32 @!p4 $0xFFFFD800  }
0x233: {  	_ =	sfence.sel $0x180000  }
0x234: {  	[bflag:$0x0] =	sbarrier.arrive $0xFFFF  }
0x235: {  	_ =	strace $0x9000004A  }
0x236: {  	[bflag:$0x2] =	sbarrier.arrive $0xFFFF  }
0x237: {  	p0 =	sne.s32 s3, $0x0;
	s0 =	rddreg [dreg:$0x3]  }
0x238: {  	s0 =	sadd.s32 @!p0 $0x100000, s0  }
0x239: {  	[sflag:s0] =	ssyncadd.tile.s32 @!p0 $0x1;
	_ =	shalt  }
.Lfunc_end2:
_tile_overlayer_lowered:
.L_overlay_start_2:
0x23a: {  	(tag) =	ssettag $0x2  }
0x23b: {  	s0 =	rddreg [dreg:$0x0];
	s2 =	stileid.u32  }
0x23c: {  	s1 =	rddreg [dreg:$0x1];
	p0 =	sne.s32 s2, $0x0  }
0x23d: {  	s3 =	rddreg [dreg:$0x2];
	[bflag:$0x3] =	sbarrier.arrive $0xFFFF;
	s2 =	simm.s32 @!p0 $0x1C05  }
0x23e: {  	[timem:s3], [sflag:s2] =	dma.local @!p0 [hbm:s0], s1  }
0x23f: {  	s0 =	simm.s32 @!p0 $0x5  }
0x240: {  	_ =	swait.ge @!p0 [sflag:s0], s1  }
0x241: {  	s1 =	ssub.s32 @!p0 $0x0, s1;
	[sflag:s0] =	ssyncset.done @!p0 $0x0  }
0x242: {  	[sflag:s0] =	ssyncadd.s32 @!p0 s1  }
0x243: {  	[bflag:$0x3] =	sbarrier.arrive $0xFFFF  }
0x244: {  	_ =	shalt  }

</sc_bundles>
